<compile_context>
chip_gen: v7x
topology: tpu7x:2x2x1
jax: 0.10.2.dev20260603
libtpu: 0.0.44.dev20260713+nightly
codegen_flags: <defaults>
</compile_context>

<pallas_src>
import jax
import jax.numpy as jnp
from jax import lax
from jax.experimental import pallas as pl
from jax.experimental.pallas import tpu as pltpu
from jax.experimental.pallas import tpu_sc as plsc

H = 128
NCLS = 128
BLK = 80
NW = 32
NITER = 125
NBUF = 5
WIN = 256


def _t12_body(emb_ref, w_ref, b_ref, out_ref):
    emb = emb_ref[...]
    t1 = jnp.dot(emb, w_ref[:H, :], preferred_element_type=jnp.float32)
    t2 = jnp.dot(emb, w_ref[H:, :], preferred_element_type=jnp.float32)
    t1 = t1 + b_ref[...]
    out_ref[...] = t1[:, None, :] + t2[None, :, :]


def _build_t12(emb_table, W, b):
    out = pl.pallas_call(
        _t12_body,
        out_shape=jax.ShapeDtypeStruct((NCLS, NCLS, H), jnp.float32),
    )(emb_table, W, b.reshape(1, H))
    return out.reshape(NCLS * NCLS, H)


def _edge_body(z_hbm, ei_hbm, t12_hbm, out_hbm, *scr):
    z_v = scr[0]
    sd_v = scr[1:1 + NBUF]
    cc_v = scr[1 + NBUF:1 + 2 * NBUF]
    rows_v = scr[1 + 2 * NBUF:1 + 3 * NBUF]
    isem = scr[1 + 3 * NBUF:1 + 4 * NBUF]
    gsem = scr[1 + 4 * NBUF:1 + 5 * NBUF]
    ssem = scr[1 + 5 * NBUF:1 + 6 * NBUF]

    cid = lax.axis_index("c")
    sid = lax.axis_index("s")
    wid = sid * 2 + cid

    def blkno(i):
        return wid + i * NW

    pltpu.sync_copy(z_hbm, z_v)

    n_edges = NW * NITER * BLK

    def win_start(i):
        st = blkno(i) * BLK
        return jnp.minimum((st // 128) * 128, n_edges - WIN)

    def idx_start(i, b):
        pltpu.async_copy(ei_hbm.at[:, pl.ds(win_start(i), WIN)], sd_v[b],
                         isem[b])

    def gather_start(i, b, prefetch_idx=True, wait_store=True):
        pltpu.make_async_copy(ei_hbm.at[:, pl.ds(0, WIN)], sd_v[b],
                              isem[b]).wait()
        off = blkno(i) * BLK - win_start(i)
        for j in range(BLK // 16):
            s = plsc.load_gather(z_v, [sd_v[b][0, pl.ds(off + j * 16, 16)]])
            d = plsc.load_gather(z_v, [sd_v[b][1, pl.ds(off + j * 16, 16)]])
            cc_v[b][pl.ds(j * 16, 16)] = s * NCLS + d
        if prefetch_idx:
            idx_start(i + NBUF, b)
        if wait_store:
            pltpu.make_async_copy(out_hbm.at[pl.ds(0, BLK)], rows_v[b],
                                  ssem[b]).wait()
        pltpu.async_copy(t12_hbm.at[cc_v[b]], rows_v[b], gsem[b])

    def finish(i, b):
        pltpu.make_async_copy(t12_hbm.at[cc_v[b]], rows_v[b], gsem[b]).wait()
        pltpu.async_copy(rows_v[b], out_hbm.at[pl.ds(blkno(i) * BLK, BLK)],
                         ssem[b])

    for b in range(NBUF):
        idx_start(b, b)
    for b in range(NBUF):
        gather_start(b, b, wait_store=False)

    def group(g, carry):
        i0 = NBUF * g
        for b in range(NBUF):
            finish(i0 + b, b)
            gather_start(i0 + b + NBUF, b)
        return carry

    lax.fori_loop(0, NITER // NBUF - 2, group, 0)

    for b in range(NBUF):
        finish(NITER - 2 * NBUF + b, b)
        gather_start(NITER - NBUF + b, b, prefetch_idx=False)
    for b in range(NBUF):
        finish(NITER - NBUF + b, b)

    for b in range(NBUF):
        pltpu.make_async_copy(out_hbm.at[pl.ds(0, BLK)], rows_v[b],
                              ssem[b]).wait()


def _edge_call(z, ei, t12):
    mesh = plsc.VectorSubcoreMesh(core_axis_name="c", subcore_axis_name="s")
    n_nodes = z.shape[0]
    scratch = [pltpu.VMEM((n_nodes,), jnp.int32)]
    scratch += [pltpu.VMEM((2, WIN), jnp.int32) for _ in range(NBUF)]
    scratch += [pltpu.VMEM((BLK,), jnp.int32) for _ in range(NBUF)]
    scratch += [pltpu.VMEM((BLK, H), jnp.float32) for _ in range(NBUF)]
    scratch += [pltpu.SemaphoreType.DMA for _ in range(3 * NBUF)]
    fn = pl.kernel(
        _edge_body,
        out_type=jax.ShapeDtypeStruct((NW * NITER * BLK, H), jnp.float32),
        mesh=mesh,
        scratch_types=scratch,
        compiler_params=pltpu.CompilerParams(needs_layout_passes=False),
    )
    return fn(z, ei, t12)


def kernel(z, edge_index, emb_table, W, b):
    t12 = _build_t12(emb_table, W, b)
    out = _edge_call(z.astype(jnp.int32), edge_index.astype(jnp.int32), t12)
    return out[:, :, None, None]

# --- scband reference (transcript-rebuilt; emitter-appended) ---
"""Pipeline reference for scband-net-44890998178164 (READ-ONLY COPY).

The authoritative reference and input builder live on the scoring server;
editing this copy changes nothing except your own understanding.
"""

import jax, jax.numpy as jnp
import numpy as np

N_NODES = 10000
N_EDGES = 320000
HIDDEN = 128


def setup_inputs(seed: int = 0) -> dict:
    key = jax.random.key(seed)
    k1, k2, k3, k4 = jax.random.split(key, 4)
    z = jax.random.randint(k1, (N_NODES,), 0, 128)
    edge_index = jax.random.randint(k2, (2, N_EDGES), 0, N_NODES)
    emb_table = jax.random.normal(k3, (128, HIDDEN), dtype=jnp.float32)
    # torch Linear(256, 128): weight [128, 256]; we store transposed [256, 128] for x @ W
    W = jax.random.normal(k4, (2 * HIDDEN, HIDDEN), dtype=jnp.float32) * (1.0 / np.sqrt(2 * HIDDEN))
    b = jnp.zeros((HIDDEN,), dtype=jnp.float32)
    return {"z": z, "edge_index": edge_index, "emb_table": emb_table, "W": W, "b": b}


def reference(z, edge_index, emb_table, W, b):
    # Z = self.emb(z)
    Z = jnp.take(emb_table, z, axis=0)                      # [N, 128]
    # edge_index.t().reshape(-1)
    idx = edge_index.T.reshape(-1)                          # [2E]
    gathered = jnp.take(Z, idx, axis=0)                     # [2E, 128]
    pairs = gathered.reshape(-1, 2 * HIDDEN)                # [E, 256]
    Zij = pairs @ W + b                                     # [E, 128]
    return Zij[..., None, None]                             # [E, 128, 1, 1]

if __name__ == "__main__":
    import jax
    _d = setup_inputs()
    print(jax.jit(kernel)(*tuple(_d.values())))

</pallas_src>

<mosaic_0001>
#map = affine_map<(d0, d1) -> (0)>
#map1 = affine_map<(d0, d1) -> (0, 0)>
module attributes {stable_mosaic.version = 14 : i64} {
  func.func @_edge_body(%arg0: i32, %arg1: i32, %arg2: memref<10000xi32, #tpu.memory_space<hbm>>, %arg3: memref<2x320000xi32, #tpu.memory_space<hbm>>, %arg4: memref<16384x128xf32, #tpu.memory_space<hbm>>, %arg5: memref<320000x128xf32, #tpu.memory_space<hbm>>, %arg6: memref<10000xi32, #tpu.memory_space<vmem>>, %arg7: memref<2x256xi32, #tpu.memory_space<vmem>>, %arg8: memref<2x256xi32, #tpu.memory_space<vmem>>, %arg9: memref<2x256xi32, #tpu.memory_space<vmem>>, %arg10: memref<2x256xi32, #tpu.memory_space<vmem>>, %arg11: memref<2x256xi32, #tpu.memory_space<vmem>>, %arg12: memref<80xi32, #tpu.memory_space<vmem>>, %arg13: memref<80xi32, #tpu.memory_space<vmem>>, %arg14: memref<80xi32, #tpu.memory_space<vmem>>, %arg15: memref<80xi32, #tpu.memory_space<vmem>>, %arg16: memref<80xi32, #tpu.memory_space<vmem>>, %arg17: memref<80x128xf32, #tpu.memory_space<vmem>>, %arg18: memref<80x128xf32, #tpu.memory_space<vmem>>, %arg19: memref<80x128xf32, #tpu.memory_space<vmem>>, %arg20: memref<80x128xf32, #tpu.memory_space<vmem>>, %arg21: memref<80x128xf32, #tpu.memory_space<vmem>>, %arg22: memref<!tpu.dma_semaphore, #tpu.memory_space<semaphore_mem>>, %arg23: memref<!tpu.dma_semaphore, #tpu.memory_space<semaphore_mem>>, %arg24: memref<!tpu.dma_semaphore, #tpu.memory_space<semaphore_mem>>, %arg25: memref<!tpu.dma_semaphore, #tpu.memory_space<semaphore_mem>>, %arg26: memref<!tpu.dma_semaphore, #tpu.memory_space<semaphore_mem>>, %arg27: memref<!tpu.dma_semaphore, #tpu.memory_space<semaphore_mem>>, %arg28: memref<!tpu.dma_semaphore, #tpu.memory_space<semaphore_mem>>, %arg29: memref<!tpu.dma_semaphore, #tpu.memory_space<semaphore_mem>>, %arg30: memref<!tpu.dma_semaphore, #tpu.memory_space<semaphore_mem>>, %arg31: memref<!tpu.dma_semaphore, #tpu.memory_space<semaphore_mem>>, %arg32: memref<!tpu.dma_semaphore, #tpu.memory_space<semaphore_mem>>, %arg33: memref<!tpu.dma_semaphore, #tpu.memory_space<semaphore_mem>>, %arg34: memref<!tpu.dma_semaphore, #tpu.memory_space<semaphore_mem>>, %arg35: memref<!tpu.dma_semaphore, #tpu.memory_space<semaphore_mem>>, %arg36: memref<!tpu.dma_semaphore, #tpu.memory_space<semaphore_mem>>) attributes {dimension_semantics = [#tpu.dimension_semantics<core_parallel>, #tpu.dimension_semantics<subcore_parallel>], iteration_bounds = array<i64: 2, 16>, scalar_prefetch = 0 : i64, scratch_operands = 31 : i64, tpu.core_type = #tpu.core_type<sc_vector_subcore>, window_params = [{transform_indices = #map}, {transform_indices = #map1}, {transform_indices = #map1}, {transform_indices = #map1}]} {
    %mul3A = arith.constant 2 : i32
    %mul3A_0 = arith.muli %arg1, %mul3A : i32
    %add3A = arith.addi %mul3A_0, %arg0 : i32
    "tpu.region"() ({
      %run_scoped3A = tpu.sem_alloc : memref<!tpu.dma_semaphore, #tpu.memory_space<semaphore_mem>>
      tpu.enqueue_dma source(%arg2 : memref<10000xi32, #tpu.memory_space<hbm>>) target(%arg6 : memref<10000xi32, #tpu.memory_space<vmem>>) target_semaphore(%run_scoped3A : memref<!tpu.dma_semaphore, #tpu.memory_space<semaphore_mem>>)
      tpu.wait_dma2 semaphore(%run_scoped3A : memref<!tpu.dma_semaphore, #tpu.memory_space<semaphore_mem>>) src(%arg2 : memref<10000xi32, #tpu.memory_space<hbm>>) dst(%arg6 : memref<10000xi32, #tpu.memory_space<vmem>>)
      tpu.yield
    }) : () -> ()
    %add3A_1 = arith.constant 0 : i32
    %add3A_2 = arith.addi %add3A, %add3A_1 : i32
    %mul3A_3 = arith.constant 80 : i32
    %mul3A_4 = arith.muli %add3A_2, %mul3A_3 : i32
    %jit3A = arith.constant 128 : i32
    %div3A = arith.divsi %mul3A_4, %jit3A : i32
    %sign3A = arith.constant 0 : i32
    %sign3A_5 = arith.cmpi sgt, %mul3A_4, %sign3A : i32
    %sign3A_6 = arith.extui %sign3A_5 : i1 to i32
    %sign3A_7 = arith.constant 0 : i32
    %sign3A_8 = arith.cmpi slt, %mul3A_4, %sign3A_7 : i32
    %sign3A_9 = arith.extui %sign3A_8 : i1 to i32
    %sign3A_10 = arith.subi %sign3A_6, %sign3A_9 : i32
    %sign3A_11 = arith.constant 0 : i32
    %sign3A_12 = arith.cmpi sgt, %jit3A, %sign3A_11 : i32
    %sign3A_13 = arith.extui %sign3A_12 : i1 to i32
    %sign3A_14 = arith.constant 0 : i32
    %sign3A_15 = arith.cmpi slt, %jit3A, %sign3A_14 : i32
    %sign3A_16 = arith.extui %sign3A_15 : i1 to i32
    %sign3A_17 = arith.subi %sign3A_13, %sign3A_16 : i32
    %ne3A = arith.cmpi ne, %sign3A_10, %sign3A_17 : i32
    %rem3A = arith.remsi %mul3A_4, %jit3A : i32
    %ne3A_18 = arith.constant 0 : i32
    %ne3A_19 = arith.cmpi ne, %rem3A, %ne3A_18 : i32
    %and3A = arith.andi %ne3A, %ne3A_19 : i1
    %sub3A = arith.constant 1 : i32
    %sub3A_20 = arith.subi %div3A, %sub3A : i32
    %select_n3A = arith.select %and3A, %sub3A_20, %div3A : i32
    %mul3A_21 = arith.constant 128 : i32
    %mul3A_22 = arith.muli %select_n3A, %mul3A_21 : i32
    %min3A = arith.constant 319744 : i32
    %min3A_23 = arith.minsi %mul3A_22, %min3A : i32
    %dma_start3A = arith.constant 0 : i32
    %dma_start3A_24 = tpu.memref_slice %arg3[%dma_start3A, %min3A_23] : memref<2x320000xi32, #tpu.memory_space<hbm>> -> memref<2x256xi32, #tpu.memory_space<hbm>>
    %dma_start3A_25 = arith.constant 0 : i32
    %dma_start3A_26 = tpu.memref_slice %arg3[%dma_start3A_25, %min3A_23] : memref<2x320000xi32, #tpu.memory_space<hbm>> -> memref<2x256xi32, #tpu.memory_space<hbm>>
    tpu.enqueue_dma source(%dma_start3A_26 : memref<2x256xi32, #tpu.memory_space<hbm>>) target(%arg7 : memref<2x256xi32, #tpu.memory_space<vmem>>) target_semaphore(%arg22 : memref<!tpu.dma_semaphore, #tpu.memory_space<semaphore_mem>>)
    %add3A_27 = arith.constant 32 : i32
    %add3A_28 = arith.addi %add3A, %add3A_27 : i32
    %mul3A_29 = arith.constant 80 : i32
    %mul3A_30 = arith.muli %add3A_28, %mul3A_29 : i32
    %jit3A_31 = arith.constant 128 : i32
    %div3A_32 = arith.divsi %mul3A_30, %jit3A_31 : i32
    %sign3A_33 = arith.constant 0 : i32
    %sign3A_34 = arith.cmpi sgt, %mul3A_30, %sign3A_33 : i32
    %sign3A_35 = arith.extui %sign3A_34 : i1 to i32
    %sign3A_36 = arith.constant 0 : i32
    %sign3A_37 = arith.cmpi slt, %mul3A_30, %sign3A_36 : i32
    %sign3A_38 = arith.extui %sign3A_37 : i1 to i32
    %sign3A_39 = arith.subi %sign3A_35, %sign3A_38 : i32
    %sign3A_40 = arith.constant 0 : i32
    %sign3A_41 = arith.cmpi sgt, %jit3A_31, %sign3A_40 : i32
    %sign3A_42 = arith.extui %sign3A_41 : i1 to i32
    %sign3A_43 = arith.constant 0 : i32
    %sign3A_44 = arith.cmpi slt, %jit3A_31, %sign3A_43 : i32
    %sign3A_45 = arith.extui %sign3A_44 : i1 to i32
    %sign3A_46 = arith.subi %sign3A_42, %sign3A_45 : i32
    %ne3A_47 = arith.cmpi ne, %sign3A_39, %sign3A_46 : i32
    %rem3A_48 = arith.remsi %mul3A_30, %jit3A_31 : i32
    %ne3A_49 = arith.constant 0 : i32
    %ne3A_50 = arith.cmpi ne, %rem3A_48, %ne3A_49 : i32
    %and3A_51 = arith.andi %ne3A_47, %ne3A_50 : i1
    %sub3A_52 = arith.constant 1 : i32
    %sub3A_53 = arith.subi %div3A_32, %sub3A_52 : i32
    %select_n3A_54 = arith.select %and3A_51, %sub3A_53, %div3A_32 : i32
    %mul3A_55 = arith.constant 128 : i32
    %mul3A_56 = arith.muli %select_n3A_54, %mul3A_55 : i32
    %min3A_57 = arith.constant 319744 : i32
    %min3A_58 = arith.minsi %mul3A_56, %min3A_57 : i32
    %dma_start3A_59 = arith.constant 0 : i32
    %dma_start3A_60 = tpu.memref_slice %arg3[%dma_start3A_59, %min3A_58] : memref<2x320000xi32, #tpu.memory_space<hbm>> -> memref<2x256xi32, #tpu.memory_space<hbm>>
    %dma_start3A_61 = arith.constant 0 : i32
    %dma_start3A_62 = tpu.memref_slice %arg3[%dma_start3A_61, %min3A_58] : memref<2x320000xi32, #tpu.memory_space<hbm>> -> memref<2x256xi32, #tpu.memory_space<hbm>>
    tpu.enqueue_dma source(%dma_start3A_62 : memref<2x256xi32, #tpu.memory_space<hbm>>) target(%arg8 : memref<2x256xi32, #tpu.memory_space<vmem>>) target_semaphore(%arg23 : memref<!tpu.dma_semaphore, #tpu.memory_space<semaphore_mem>>)
    %add3A_63 = arith.constant 64 : i32
    %add3A_64 = arith.addi %add3A, %add3A_63 : i32
    %mul3A_65 = arith.constant 80 : i32
    %mul3A_66 = arith.muli %add3A_64, %mul3A_65 : i32
    %jit3A_67 = arith.constant 128 : i32
    %div3A_68 = arith.divsi %mul3A_66, %jit3A_67 : i32
    %sign3A_69 = arith.constant 0 : i32
    %sign3A_70 = arith.cmpi sgt, %mul3A_66, %sign3A_69 : i32
    %sign3A_71 = arith.extui %sign3A_70 : i1 to i32
    %sign3A_72 = arith.constant 0 : i32
    %sign3A_73 = arith.cmpi slt, %mul3A_66, %sign3A_72 : i32
    %sign3A_74 = arith.extui %sign3A_73 : i1 to i32
    %sign3A_75 = arith.subi %sign3A_71, %sign3A_74 : i32
    %sign3A_76 = arith.constant 0 : i32
    %sign3A_77 = arith.cmpi sgt, %jit3A_67, %sign3A_76 : i32
    %sign3A_78 = arith.extui %sign3A_77 : i1 to i32
    %sign3A_79 = arith.constant 0 : i32
    %sign3A_80 = arith.cmpi slt, %jit3A_67, %sign3A_79 : i32
    %sign3A_81 = arith.extui %sign3A_80 : i1 to i32
    %sign3A_82 = arith.subi %sign3A_78, %sign3A_81 : i32
    %ne3A_83 = arith.cmpi ne, %sign3A_75, %sign3A_82 : i32
    %rem3A_84 = arith.remsi %mul3A_66, %jit3A_67 : i32
    %ne3A_85 = arith.constant 0 : i32
    %ne3A_86 = arith.cmpi ne, %rem3A_84, %ne3A_85 : i32
    %and3A_87 = arith.andi %ne3A_83, %ne3A_86 : i1
    %sub3A_88 = arith.constant 1 : i32
    %sub3A_89 = arith.subi %div3A_68, %sub3A_88 : i32
    %select_n3A_90 = arith.select %and3A_87, %sub3A_89, %div3A_68 : i32
    %mul3A_91 = arith.constant 128 : i32
    %mul3A_92 = arith.muli %select_n3A_90, %mul3A_91 : i32
    %min3A_93 = arith.constant 319744 : i32
    %min3A_94 = arith.minsi %mul3A_92, %min3A_93 : i32
    %dma_start3A_95 = arith.constant 0 : i32
    %dma_start3A_96 = tpu.memref_slice %arg3[%dma_start3A_95, %min3A_94] : memref<2x320000xi32, #tpu.memory_space<hbm>> -> memref<2x256xi32, #tpu.memory_space<hbm>>
    %dma_start3A_97 = arith.constant 0 : i32
    %dma_start3A_98 = tpu.memref_slice %arg3[%dma_start3A_97, %min3A_94] : memref<2x320000xi32, #tpu.memory_space<hbm>> -> memref<2x256xi32, #tpu.memory_space<hbm>>
    tpu.enqueue_dma source(%dma_start3A_98 : memref<2x256xi32, #tpu.memory_space<hbm>>) target(%arg9 : memref<2x256xi32, #tpu.memory_space<vmem>>) target_semaphore(%arg24 : memref<!tpu.dma_semaphore, #tpu.memory_space<semaphore_mem>>)
    %add3A_99 = arith.constant 96 : i32
    %add3A_100 = arith.addi %add3A, %add3A_99 : i32
    %mul3A_101 = arith.constant 80 : i32
    %mul3A_102 = arith.muli %add3A_100, %mul3A_101 : i32
    %jit3A_103 = arith.constant 128 : i32
    %div3A_104 = arith.divsi %mul3A_102, %jit3A_103 : i32
    %sign3A_105 = arith.constant 0 : i32
    %sign3A_106 = arith.cmpi sgt, %mul3A_102, %sign3A_105 : i32
    %sign3A_107 = arith.extui %sign3A_106 : i1 to i32
    %sign3A_108 = arith.constant 0 : i32
    %sign3A_109 = arith.cmpi slt, %mul3A_102, %sign3A_108 : i32
    %sign3A_110 = arith.extui %sign3A_109 : i1 to i32
    %sign3A_111 = arith.subi %sign3A_107, %sign3A_110 : i32
    %sign3A_112 = arith.constant 0 : i32
    %sign3A_113 = arith.cmpi sgt, %jit3A_103, %sign3A_112 : i32
    %sign3A_114 = arith.extui %sign3A_113 : i1 to i32
    %sign3A_115 = arith.constant 0 : i32
    %sign3A_116 = arith.cmpi slt, %jit3A_103, %sign3A_115 : i32
    %sign3A_117 = arith.extui %sign3A_116 : i1 to i32
    %sign3A_118 = arith.subi %sign3A_114, %sign3A_117 : i32
    %ne3A_119 = arith.cmpi ne, %sign3A_111, %sign3A_118 : i32
    %rem3A_120 = arith.remsi %mul3A_102, %jit3A_103 : i32
    %ne3A_121 = arith.constant 0 : i32
    %ne3A_122 = arith.cmpi ne, %rem3A_120, %ne3A_121 : i32
    %and3A_123 = arith.andi %ne3A_119, %ne3A_122 : i1
    %sub3A_124 = arith.constant 1 : i32
    %sub3A_125 = arith.subi %div3A_104, %sub3A_124 : i32
    %select_n3A_126 = arith.select %and3A_123, %sub3A_125, %div3A_104 : i32
    %mul3A_127 = arith.constant 128 : i32
    %mul3A_128 = arith.muli %select_n3A_126, %mul3A_127 : i32
    %min3A_129 = arith.constant 319744 : i32
    %min3A_130 = arith.minsi %mul3A_128, %min3A_129 : i32
    %dma_start3A_131 = arith.constant 0 : i32
    %dma_start3A_132 = tpu.memref_slice %arg3[%dma_start3A_131, %min3A_130] : memref<2x320000xi32, #tpu.memory_space<hbm>> -> memref<2x256xi32, #tpu.memory_space<hbm>>
    %dma_start3A_133 = arith.constant 0 : i32
    %dma_start3A_134 = tpu.memref_slice %arg3[%dma_start3A_133, %min3A_130] : memref<2x320000xi32, #tpu.memory_space<hbm>> -> memref<2x256xi32, #tpu.memory_space<hbm>>
    tpu.enqueue_dma source(%dma_start3A_134 : memref<2x256xi32, #tpu.memory_space<hbm>>) target(%arg10 : memref<2x256xi32, #tpu.memory_space<vmem>>) target_semaphore(%arg25 : memref<!tpu.dma_semaphore, #tpu.memory_space<semaphore_mem>>)
    %add3A_135 = arith.constant 128 : i32
    %add3A_136 = arith.addi %add3A, %add3A_135 : i32
    %mul3A_137 = arith.constant 80 : i32
    %mul3A_138 = arith.muli %add3A_136, %mul3A_137 : i32
    %jit3A_139 = arith.constant 128 : i32
    %div3A_140 = arith.divsi %mul3A_138, %jit3A_139 : i32
    %sign3A_141 = arith.constant 0 : i32
    %sign3A_142 = arith.cmpi sgt, %mul3A_138, %sign3A_141 : i32
    %sign3A_143 = arith.extui %sign3A_142 : i1 to i32
    %sign3A_144 = arith.constant 0 : i32
    %sign3A_145 = arith.cmpi slt, %mul3A_138, %sign3A_144 : i32
    %sign3A_146 = arith.extui %sign3A_145 : i1 to i32
    %sign3A_147 = arith.subi %sign3A_143, %sign3A_146 : i32
    %sign3A_148 = arith.constant 0 : i32
    %sign3A_149 = arith.cmpi sgt, %jit3A_139, %sign3A_148 : i32
    %sign3A_150 = arith.extui %sign3A_149 : i1 to i32
    %sign3A_151 = arith.constant 0 : i32
    %sign3A_152 = arith.cmpi slt, %jit3A_139, %sign3A_151 : i32
    %sign3A_153 = arith.extui %sign3A_152 : i1 to i32
    %sign3A_154 = arith.subi %sign3A_150, %sign3A_153 : i32
    %ne3A_155 = arith.cmpi ne, %sign3A_147, %sign3A_154 : i32
    %rem3A_156 = arith.remsi %mul3A_138, %jit3A_139 : i32
    %ne3A_157 = arith.constant 0 : i32
    %ne3A_158 = arith.cmpi ne, %rem3A_156, %ne3A_157 : i32
    %and3A_159 = arith.andi %ne3A_155, %ne3A_158 : i1
    %sub3A_160 = arith.constant 1 : i32
    %sub3A_161 = arith.subi %div3A_140, %sub3A_160 : i32
    %select_n3A_162 = arith.select %and3A_159, %sub3A_161, %div3A_140 : i32
    %mul3A_163 = arith.constant 128 : i32
    %mul3A_164 = arith.muli %select_n3A_162, %mul3A_163 : i32
    %min3A_165 = arith.constant 319744 : i32
    %min3A_166 = arith.minsi %mul3A_164, %min3A_165 : i32
    %dma_start3A_167 = arith.constant 0 : i32
    %dma_start3A_168 = tpu.memref_slice %arg3[%dma_start3A_167, %min3A_166] : memref<2x320000xi32, #tpu.memory_space<hbm>> -> memref<2x256xi32, #tpu.memory_space<hbm>>
    %dma_start3A_169 = arith.constant 0 : i32
    %dma_start3A_170 = tpu.memref_slice %arg3[%dma_start3A_169, %min3A_166] : memref<2x320000xi32, #tpu.memory_space<hbm>> -> memref<2x256xi32, #tpu.memory_space<hbm>>
    tpu.enqueue_dma source(%dma_start3A_170 : memref<2x256xi32, #tpu.memory_space<hbm>>) target(%arg11 : memref<2x256xi32, #tpu.memory_space<vmem>>) target_semaphore(%arg26 : memref<!tpu.dma_semaphore, #tpu.memory_space<semaphore_mem>>)
    %dma_wait3A = arith.constant 0 : i32
    %dma_wait3A_171 = arith.constant 0 : i32
    %dma_wait3A_172 = tpu.memref_slice %arg3[%dma_wait3A, %dma_wait3A_171] : memref<2x320000xi32, #tpu.memory_space<hbm>> -> memref<2x256xi32, #tpu.memory_space<hbm>>
    %dma_wait3A_173 = arith.constant 0 : i32
    %dma_wait3A_174 = arith.constant 0 : i32
    %dma_wait3A_175 = tpu.memref_slice %arg3[%dma_wait3A_173, %dma_wait3A_174] : memref<2x320000xi32, #tpu.memory_space<hbm>> -> memref<2x256xi32, #tpu.memory_space<hbm>>
    tpu.wait_dma2 semaphore(%arg22 : memref<!tpu.dma_semaphore, #tpu.memory_space<semaphore_mem>>) src(%dma_wait3A_175 : memref<2x256xi32, #tpu.memory_space<hbm>>) dst(%arg7 : memref<2x256xi32, #tpu.memory_space<vmem>>)
    %add3A_176 = arith.constant 0 : i32
    %add3A_177 = arith.addi %add3A, %add3A_176 : i32
    %mul3A_178 = arith.constant 80 : i32
    %mul3A_179 = arith.muli %add3A_177, %mul3A_178 : i32
    %add3A_180 = arith.constant 0 : i32
    %add3A_181 = arith.addi %add3A, %add3A_180 : i32
    %mul3A_182 = arith.constant 80 : i32
    %mul3A_183 = arith.muli %add3A_181, %mul3A_182 : i32
    %jit3A_184 = arith.constant 128 : i32
    %div3A_185 = arith.divsi %mul3A_183, %jit3A_184 : i32
    %sign3A_186 = arith.constant 0 : i32
    %sign3A_187 = arith.cmpi sgt, %mul3A_183, %sign3A_186 : i32
    %sign3A_188 = arith.extui %sign3A_187 : i1 to i32
    %sign3A_189 = arith.constant 0 : i32
    %sign3A_190 = arith.cmpi slt, %mul3A_183, %sign3A_189 : i32
    %sign3A_191 = arith.extui %sign3A_190 : i1 to i32
    %sign3A_192 = arith.subi %sign3A_188, %sign3A_191 : i32
    %sign3A_193 = arith.constant 0 : i32
    %sign3A_194 = arith.cmpi sgt, %jit3A_184, %sign3A_193 : i32
    %sign3A_195 = arith.extui %sign3A_194 : i1 to i32
    %sign3A_196 = arith.constant 0 : i32
    %sign3A_197 = arith.cmpi slt, %jit3A_184, %sign3A_196 : i32
    %sign3A_198 = arith.extui %sign3A_197 : i1 to i32
    %sign3A_199 = arith.subi %sign3A_195, %sign3A_198 : i32
    %ne3A_200 = arith.cmpi ne, %sign3A_192, %sign3A_199 : i32
    %rem3A_201 = arith.remsi %mul3A_183, %jit3A_184 : i32
    %ne3A_202 = arith.constant 0 : i32
    %ne3A_203 = arith.cmpi ne, %rem3A_201, %ne3A_202 : i32
    %and3A_204 = arith.andi %ne3A_200, %ne3A_203 : i1
    %sub3A_205 = arith.constant 1 : i32
    %sub3A_206 = arith.subi %div3A_185, %sub3A_205 : i32
    %select_n3A_207 = arith.select %and3A_204, %sub3A_206, %div3A_185 : i32
    %mul3A_208 = arith.constant 128 : i32
    %mul3A_209 = arith.muli %select_n3A_207, %mul3A_208 : i32
    %min3A_210 = arith.constant 319744 : i32
    %min3A_211 = arith.minsi %mul3A_209, %min3A_210 : i32
    %sub3A_212 = arith.subi %mul3A_179, %min3A_211 : i32
    %add3A_213 = arith.constant 0 : i32
    %add3A_214 = arith.addi %sub3A_212, %add3A_213 : i32
    %get3A = arith.constant 0 : i32
    %get3A_215 = arith.index_cast %get3A : i32 to index
    %get3A_216 = arith.index_cast %add3A_214 : i32 to index
    %get3A_217 = tpu.vector_load %arg7[%get3A_215, %get3A_216] {strides = array<i32>} : memref<2x256xi32, #tpu.memory_space<vmem>>, vector<16xi32>,
    %gather3A = tpu.vector_load_idx %arg6[%get3A_217] : memref<10000xi32, #tpu.memory_space<vmem>>[vector<16xi32>], vector<16xi32>,
    %add3A_218 = arith.constant 0 : i32
    %add3A_219 = arith.addi %sub3A_212, %add3A_218 : i32
    %get3A_220 = arith.constant 1 : i32
    %get3A_221 = arith.index_cast %get3A_220 : i32 to index
    %get3A_222 = arith.index_cast %add3A_219 : i32 to index
    %get3A_223 = tpu.vector_load %arg7[%get3A_221, %get3A_222] {strides = array<i32>} : memref<2x256xi32, #tpu.memory_space<vmem>>, vector<16xi32>,
    %gather3A_224 = tpu.vector_load_idx %arg6[%get3A_223] : memref<10000xi32, #tpu.memory_space<vmem>>[vector<16xi32>], vector<16xi32>,
    %mul3A_225 = arith.constant 128 : i32
    %mul3A_226 = vector.broadcast %mul3A_225 : i32 to vector<16xi32>
    %mul3A_227 = arith.muli %gather3A, %mul3A_226 : vector<16xi32>
    %add3A_228 = arith.addi %mul3A_227, %gather3A_224 : vector<16xi32>
    %swap3A = arith.constant 0 : index
    %swap3A_229 = tpu.vector_load %arg12[%swap3A] {strides = array<i32>} : memref<80xi32, #tpu.memory_space<vmem>>, vector<16xi32>,
    tpu.vector_store %arg12[%swap3A], %add3A_228 {strides = array<i32>} : memref<80xi32, #tpu.memory_space<vmem>>, vector<16xi32>,
    %add3A_230 = arith.constant 16 : i32
    %add3A_231 = arith.addi %sub3A_212, %add3A_230 : i32
    %get3A_232 = arith.constant 0 : i32
    %get3A_233 = arith.index_cast %get3A_232 : i32 to index
    %get3A_234 = arith.index_cast %add3A_231 : i32 to index
    %get3A_235 = tpu.vector_load %arg7[%get3A_233, %get3A_234] {strides = array<i32>} : memref<2x256xi32, #tpu.memory_space<vmem>>, vector<16xi32>,
    %gather3A_236 = tpu.vector_load_idx %arg6[%get3A_235] : memref<10000xi32, #tpu.memory_space<vmem>>[vector<16xi32>], vector<16xi32>,
    %add3A_237 = arith.constant 16 : i32
    %add3A_238 = arith.addi %sub3A_212, %add3A_237 : i32
    %get3A_239 = arith.constant 1 : i32
    %get3A_240 = arith.index_cast %get3A_239 : i32 to index
    %get3A_241 = arith.index_cast %add3A_238 : i32 to index
    %get3A_242 = tpu.vector_load %arg7[%get3A_240, %get3A_241] {strides = array<i32>} : memref<2x256xi32, #tpu.memory_space<vmem>>, vector<16xi32>,
    %gather3A_243 = tpu.vector_load_idx %arg6[%get3A_242] : memref<10000xi32, #tpu.memory_space<vmem>>[vector<16xi32>], vector<16xi32>,
    %mul3A_244 = arith.constant 128 : i32
    %mul3A_245 = vector.broadcast %mul3A_244 : i32 to vector<16xi32>
    %mul3A_246 = arith.muli %gather3A_236, %mul3A_245 : vector<16xi32>
    %add3A_247 = arith.addi %mul3A_246, %gather3A_243 : vector<16xi32>
    %swap3A_248 = arith.constant 16 : index
    %swap3A_249 = tpu.vector_load %arg12[%swap3A_248] {strides = array<i32>} : memref<80xi32, #tpu.memory_space<vmem>>, vector<16xi32>,
    tpu.vector_store %arg12[%swap3A_248], %add3A_247 {strides = array<i32>} : memref<80xi32, #tpu.memory_space<vmem>>, vector<16xi32>,
    %add3A_250 = arith.constant 32 : i32
    %add3A_251 = arith.addi %sub3A_212, %add3A_250 : i32
    %get3A_252 = arith.constant 0 : i32
    %get3A_253 = arith.index_cast %get3A_252 : i32 to index
    %get3A_254 = arith.index_cast %add3A_251 : i32 to index
    %get3A_255 = tpu.vector_load %arg7[%get3A_253, %get3A_254] {strides = array<i32>} : memref<2x256xi32, #tpu.memory_space<vmem>>, vector<16xi32>,
    %gather3A_256 = tpu.vector_load_idx %arg6[%get3A_255] : memref<10000xi32, #tpu.memory_space<vmem>>[vector<16xi32>], vector<16xi32>,
    %add3A_257 = arith.constant 32 : i32
    %add3A_258 = arith.addi %sub3A_212, %add3A_257 : i32
    %get3A_259 = arith.constant 1 : i32
    %get3A_260 = arith.index_cast %get3A_259 : i32 to index
    %get3A_261 = arith.index_cast %add3A_258 : i32 to index
    %get3A_262 = tpu.vector_load %arg7[%get3A_260, %get3A_261] {strides = array<i32>} : memref<2x256xi32, #tpu.memory_space<vmem>>, vector<16xi32>,
    %gather3A_263 = tpu.vector_load_idx %arg6[%get3A_262] : memref<10000xi32, #tpu.memory_space<vmem>>[vector<16xi32>], vector<16xi32>,
    %mul3A_264 = arith.constant 128 : i32
    %mul3A_265 = vector.broadcast %mul3A_264 : i32 to vector<16xi32>
    %mul3A_266 = arith.muli %gather3A_256, %mul3A_265 : vector<16xi32>
    %add3A_267 = arith.addi %mul3A_266, %gather3A_263 : vector<16xi32>
    %swap3A_268 = arith.constant 32 : index
    %swap3A_269 = tpu.vector_load %arg12[%swap3A_268] {strides = array<i32>} : memref<80xi32, #tpu.memory_space<vmem>>, vector<16xi32>,
    tpu.vector_store %arg12[%swap3A_268], %add3A_267 {strides = array<i32>} : memref<80xi32, #tpu.memory_space<vmem>>, vector<16xi32>,
    %add3A_270 = arith.constant 48 : i32
    %add3A_271 = arith.addi %sub3A_212, %add3A_270 : i32
    %get3A_272 = arith.constant 0 : i32
    %get3A_273 = arith.index_cast %get3A_272 : i32 to index
    %get3A_274 = arith.index_cast %add3A_271 : i32 to index
    %get3A_275 = tpu.vector_load %arg7[%get3A_273, %get3A_274] {strides = array<i32>} : memref<2x256xi32, #tpu.memory_space<vmem>>, vector<16xi32>,
    %gather3A_276 = tpu.vector_load_idx %arg6[%get3A_275] : memref<10000xi32, #tpu.memory_space<vmem>>[vector<16xi32>], vector<16xi32>,
    %add3A_277 = arith.constant 48 : i32
    %add3A_278 = arith.addi %sub3A_212, %add3A_277 : i32
    %get3A_279 = arith.constant 1 : i32
    %get3A_280 = arith.index_cast %get3A_279 : i32 to index
    %get3A_281 = arith.index_cast %add3A_278 : i32 to index
    %get3A_282 = tpu.vector_load %arg7[%get3A_280, %get3A_281] {strides = array<i32>} : memref<2x256xi32, #tpu.memory_space<vmem>>, vector<16xi32>,
    %gather3A_283 = tpu.vector_load_idx %arg6[%get3A_282] : memref<10000xi32, #tpu.memory_space<vmem>>[vector<16xi32>], vector<16xi32>,
    %mul3A_284 = arith.constant 128 : i32
    %mul3A_285 = vector.broadcast %mul3A_284 : i32 to vector<16xi32>
    %mul3A_286 = arith.muli %gather3A_276, %mul3A_285 : vector<16xi32>
    %add3A_287 = arith.addi %mul3A_286, %gather3A_283 : vector<16xi32>
    %swap3A_288 = arith.constant 48 : index
    %swap3A_289 = tpu.vector_load %arg12[%swap3A_288] {strides = array<i32>} : memref<80xi32, #tpu.memory_space<vmem>>, vector<16xi32>,
    tpu.vector_store %arg12[%swap3A_288], %add3A_287 {strides = array<i32>} : memref<80xi32, #tpu.memory_space<vmem>>, vector<16xi32>,
    %add3A_290 = arith.constant 64 : i32
    %add3A_291 = arith.addi %sub3A_212, %add3A_290 : i32
    %get3A_292 = arith.constant 0 : i32
    %get3A_293 = arith.index_cast %get3A_292 : i32 to index
    %get3A_294 = arith.index_cast %add3A_291 : i32 to index
    %get3A_295 = tpu.vector_load %arg7[%get3A_293, %get3A_294] {strides = array<i32>} : memref<2x256xi32, #tpu.memory_space<vmem>>, vector<16xi32>,
    %gather3A_296 = tpu.vector_load_idx %arg6[%get3A_295] : memref<10000xi32, #tpu.memory_space<vmem>>[vector<16xi32>], vector<16xi32>,
    %add3A_297 = arith.constant 64 : i32
    %add3A_298 = arith.addi %sub3A_212, %add3A_297 : i32
    %get3A_299 = arith.constant 1 : i32
    %get3A_300 = arith.index_cast %get3A_299 : i32 to index
    %get3A_301 = arith.index_cast %add3A_298 : i32 to index
    %get3A_302 = tpu.vector_load %arg7[%get3A_300, %get3A_301] {strides = array<i32>} : memref<2x256xi32, #tpu.memory_space<vmem>>, vector<16xi32>,
    %gather3A_303 = tpu.vector_load_idx %arg6[%get3A_302] : memref<10000xi32, #tpu.memory_space<vmem>>[vector<16xi32>], vector<16xi32>,
    %mul3A_304 = arith.constant 128 : i32
    %mul3A_305 = vector.broadcast %mul3A_304 : i32 to vector<16xi32>
    %mul3A_306 = arith.muli %gather3A_296, %mul3A_305 : vector<16xi32>
    %add3A_307 = arith.addi %mul3A_306, %gather3A_303 : vector<16xi32>
    %swap3A_308 = arith.constant 64 : index
    %swap3A_309 = tpu.vector_load %arg12[%swap3A_308] {strides = array<i32>} : memref<80xi32, #tpu.memory_space<vmem>>, vector<16xi32>,
    tpu.vector_store %arg12[%swap3A_308], %add3A_307 {strides = array<i32>} : memref<80xi32, #tpu.memory_space<vmem>>, vector<16xi32>,
    %add3A_310 = arith.constant 160 : i32
    %add3A_311 = arith.addi %add3A, %add3A_310 : i32
    %mul3A_312 = arith.constant 80 : i32
    %mul3A_313 = arith.muli %add3A_311, %mul3A_312 : i32
    %jit3A_314 = arith.constant 128 : i32
    %div3A_315 = arith.divsi %mul3A_313, %jit3A_314 : i32
    %sign3A_316 = arith.constant 0 : i32
    %sign3A_317 = arith.cmpi sgt, %mul3A_313, %sign3A_316 : i32
    %sign3A_318 = arith.extui %sign3A_317 : i1 to i32
    %sign3A_319 = arith.constant 0 : i32
    %sign3A_320 = arith.cmpi slt, %mul3A_313, %sign3A_319 : i32
    %sign3A_321 = arith.extui %sign3A_320 : i1 to i32
    %sign3A_322 = arith.subi %sign3A_318, %sign3A_321 : i32
    %sign3A_323 = arith.constant 0 : i32
    %sign3A_324 = arith.cmpi sgt, %jit3A_314, %sign3A_323 : i32
    %sign3A_325 = arith.extui %sign3A_324 : i1 to i32
    %sign3A_326 = arith.constant 0 : i32
    %sign3A_327 = arith.cmpi slt, %jit3A_314, %sign3A_326 : i32
    %sign3A_328 = arith.extui %sign3A_327 : i1 to i32
    %sign3A_329 = arith.subi %sign3A_325, %sign3A_328 : i32
    %ne3A_330 = arith.cmpi ne, %sign3A_322, %sign3A_329 : i32
    %rem3A_331 = arith.remsi %mul3A_313, %jit3A_314 : i32
    %ne3A_332 = arith.constant 0 : i32
    %ne3A_333 = arith.cmpi ne, %rem3A_331, %ne3A_332 : i32
    %and3A_334 = arith.andi %ne3A_330, %ne3A_333 : i1
    %sub3A_335 = arith.constant 1 : i32
    %sub3A_336 = arith.subi %div3A_315, %sub3A_335 : i32
    %select_n3A_337 = arith.select %and3A_334, %sub3A_336, %div3A_315 : i32
    %mul3A_338 = arith.constant 128 : i32
    %mul3A_339 = arith.muli %select_n3A_337, %mul3A_338 : i32
    %min3A_340 = arith.constant 319744 : i32
    %min3A_341 = arith.minsi %mul3A_339, %min3A_340 : i32
    %dma_start3A_342 = arith.constant 0 : i32
    %dma_start3A_343 = tpu.memref_slice %arg3[%dma_start3A_342, %min3A_341] : memref<2x320000xi32, #tpu.memory_space<hbm>> -> memref<2x256xi32, #tpu.memory_space<hbm>>
    %dma_start3A_344 = arith.constant 0 : i32
    %dma_start3A_345 = tpu.memref_slice %arg3[%dma_start3A_344, %min3A_341] : memref<2x320000xi32, #tpu.memory_space<hbm>> -> memref<2x256xi32, #tpu.memory_space<hbm>>
    tpu.enqueue_dma source(%dma_start3A_345 : memref<2x256xi32, #tpu.memory_space<hbm>>) target(%arg7 : memref<2x256xi32, #tpu.memory_space<vmem>>) target_semaphore(%arg22 : memref<!tpu.dma_semaphore, #tpu.memory_space<semaphore_mem>>)
    %dma_start3A_346 = arith.constant 0 : i32
    %dma_start3A_347 = arith.constant 0 : i32
    %dma_start3A_348 = tpu.memref_slice %arg4[%dma_start3A_346, %dma_start3A_347] : memref<16384x128xf32, #tpu.memory_space<hbm>> -> memref<16384x128xf32, #tpu.memory_space<hbm>>
    tpu.enqueue_indirect_dma source(%dma_start3A_348 : memref<16384x128xf32, #tpu.memory_space<hbm>>) target(%arg17 : memref<80x128xf32, #tpu.memory_space<vmem>>) offsets(%arg12 : memref<80xi32, #tpu.memory_space<vmem>>) semaphore(%arg27 : memref<!tpu.dma_semaphore, #tpu.memory_space<semaphore_mem>>)
    %dma_wait3A_349 = arith.constant 0 : i32
    %dma_wait3A_350 = arith.constant 0 : i32
    %dma_wait3A_351 = tpu.memref_slice %arg3[%dma_wait3A_349, %dma_wait3A_350] : memref<2x320000xi32, #tpu.memory_space<hbm>> -> memref<2x256xi32, #tpu.memory_space<hbm>>
    %dma_wait3A_352 = arith.constant 0 : i32
    %dma_wait3A_353 = arith.constant 0 : i32
    %dma_wait3A_354 = tpu.memref_slice %arg3[%dma_wait3A_352, %dma_wait3A_353] : memref<2x320000xi32, #tpu.memory_space<hbm>> -> memref<2x256xi32, #tpu.memory_space<hbm>>
    tpu.wait_dma2 semaphore(%arg23 : memref<!tpu.dma_semaphore, #tpu.memory_space<semaphore_mem>>) src(%dma_wait3A_354 : memref<2x256xi32, #tpu.memory_space<hbm>>) dst(%arg8 : memref<2x256xi32, #tpu.memory_space<vmem>>)
    %add3A_355 = arith.constant 32 : i32
    %add3A_356 = arith.addi %add3A, %add3A_355 : i32
    %mul3A_357 = arith.constant 80 : i32
    %mul3A_358 = arith.muli %add3A_356, %mul3A_357 : i32
    %add3A_359 = arith.constant 32 : i32
    %add3A_360 = arith.addi %add3A, %add3A_359 : i32
    %mul3A_361 = arith.constant 80 : i32
    %mul3A_362 = arith.muli %add3A_360, %mul3A_361 : i32
    %jit3A_363 = arith.constant 128 : i32
    %div3A_364 = arith.divsi %mul3A_362, %jit3A_363 : i32
    %sign3A_365 = arith.constant 0 : i32
    %sign3A_366 = arith.cmpi sgt, %mul3A_362, %sign3A_365 : i32
    %sign3A_367 = arith.extui %sign3A_366 : i1 to i32
    %sign3A_368 = arith.constant 0 : i32
    %sign3A_369 = arith.cmpi slt, %mul3A_362, %sign3A_368 : i32
    %sign3A_370 = arith.extui %sign3A_369 : i1 to i32
    %sign3A_371 = arith.subi %sign3A_367, %sign3A_370 : i32
    %sign3A_372 = arith.constant 0 : i32
    %sign3A_373 = arith.cmpi sgt, %jit3A_363, %sign3A_372 : i32
    %sign3A_374 = arith.extui %sign3A_373 : i1 to i32
    %sign3A_375 = arith.constant 0 : i32
    %sign3A_376 = arith.cmpi slt, %jit3A_363, %sign3A_375 : i32
    %sign3A_377 = arith.extui %sign3A_376 : i1 to i32
    %sign3A_378 = arith.subi %sign3A_374, %sign3A_377 : i32
    %ne3A_379 = arith.cmpi ne, %sign3A_371, %sign3A_378 : i32
    %rem3A_380 = arith.remsi %mul3A_362, %jit3A_363 : i32
    %ne3A_381 = arith.constant 0 : i32
    %ne3A_382 = arith.cmpi ne, %rem3A_380, %ne3A_381 : i32
    %and3A_383 = arith.andi %ne3A_379, %ne3A_382 : i1
    %sub3A_384 = arith.constant 1 : i32
    %sub3A_385 = arith.subi %div3A_364, %sub3A_384 : i32
    %select_n3A_386 = arith.select %and3A_383, %sub3A_385, %div3A_364 : i32
    %mul3A_387 = arith.constant 128 : i32
    %mul3A_388 = arith.muli %select_n3A_386, %mul3A_387 : i32
    %min3A_389 = arith.constant 319744 : i32
    %min3A_390 = arith.minsi %mul3A_388, %min3A_389 : i32
    %sub3A_391 = arith.subi %mul3A_358, %min3A_390 : i32
    %add3A_392 = arith.constant 0 : i32
    %add3A_393 = arith.addi %sub3A_391, %add3A_392 : i32
    %get3A_394 = arith.constant 0 : i32
    %get3A_395 = arith.index_cast %get3A_394 : i32 to index
    %get3A_396 = arith.index_cast %add3A_393 : i32 to index
    %get3A_397 = tpu.vector_load %arg8[%get3A_395, %get3A_396] {strides = array<i32>} : memref<2x256xi32, #tpu.memory_space<vmem>>, vector<16xi32>,
    %gather3A_398 = tpu.vector_load_idx %arg6[%get3A_397] : memref<10000xi32, #tpu.memory_space<vmem>>[vector<16xi32>], vector<16xi32>,
    %add3A_399 = arith.constant 0 : i32
    %add3A_400 = arith.addi %sub3A_391, %add3A_399 : i32
    %get3A_401 = arith.constant 1 : i32
    %get3A_402 = arith.index_cast %get3A_401 : i32 to index
    %get3A_403 = arith.index_cast %add3A_400 : i32 to index
    %get3A_404 = tpu.vector_load %arg8[%get3A_402, %get3A_403] {strides = array<i32>} : memref<2x256xi32, #tpu.memory_space<vmem>>, vector<16xi32>,
    %gather3A_405 = tpu.vector_load_idx %arg6[%get3A_404] : memref<10000xi32, #tpu.memory_space<vmem>>[vector<16xi32>], vector<16xi32>,
    %mul3A_406 = arith.constant 128 : i32
    %mul3A_407 = vector.broadcast %mul3A_406 : i32 to vector<16xi32>
    %mul3A_408 = arith.muli %gather3A_398, %mul3A_407 : vector<16xi32>
    %add3A_409 = arith.addi %mul3A_408, %gather3A_405 : vector<16xi32>
    %swap3A_410 = arith.constant 0 : index
    %swap3A_411 = tpu.vector_load %arg13[%swap3A_410] {strides = array<i32>} : memref<80xi32, #tpu.memory_space<vmem>>, vector<16xi32>,
    tpu.vector_store %arg13[%swap3A_410], %add3A_409 {strides = array<i32>} : memref<80xi32, #tpu.memory_space<vmem>>, vector<16xi32>,
    %add3A_412 = arith.constant 16 : i32
    %add3A_413 = arith.addi %sub3A_391, %add3A_412 : i32
    %get3A_414 = arith.constant 0 : i32
    %get3A_415 = arith.index_cast %get3A_414 : i32 to index
    %get3A_416 = arith.index_cast %add3A_413 : i32 to index
    %get3A_417 = tpu.vector_load %arg8[%get3A_415, %get3A_416] {strides = array<i32>} : memref<2x256xi32, #tpu.memory_space<vmem>>, vector<16xi32>,
    %gather3A_418 = tpu.vector_load_idx %arg6[%get3A_417] : memref<10000xi32, #tpu.memory_space<vmem>>[vector<16xi32>], vector<16xi32>,
    %add3A_419 = arith.constant 16 : i32
    %add3A_420 = arith.addi %sub3A_391, %add3A_419 : i32
    %get3A_421 = arith.constant 1 : i32
    %get3A_422 = arith.index_cast %get3A_421 : i32 to index
    %get3A_423 = arith.index_cast %add3A_420 : i32 to index
    %get3A_424 = tpu.vector_load %arg8[%get3A_422, %get3A_423] {strides = array<i32>} : memref<2x256xi32, #tpu.memory_space<vmem>>, vector<16xi32>,
    %gather3A_425 = tpu.vector_load_idx %arg6[%get3A_424] : memref<10000xi32, #tpu.memory_space<vmem>>[vector<16xi32>], vector<16xi32>,
    %mul3A_426 = arith.constant 128 : i32
    %mul3A_427 = vector.broadcast %mul3A_426 : i32 to vector<16xi32>
    %mul3A_428 = arith.muli %gather3A_418, %mul3A_427 : vector<16xi32>
    %add3A_429 = arith.addi %mul3A_428, %gather3A_425 : vector<16xi32>
    %swap3A_430 = arith.constant 16 : index
    %swap3A_431 = tpu.vector_load %arg13[%swap3A_430] {strides = array<i32>} : memref<80xi32, #tpu.memory_space<vmem>>, vector<16xi32>,
    tpu.vector_store %arg13[%swap3A_430], %add3A_429 {strides = array<i32>} : memref<80xi32, #tpu.memory_space<vmem>>, vector<16xi32>,
    %add3A_432 = arith.constant 32 : i32
    %add3A_433 = arith.addi %sub3A_391, %add3A_432 : i32
    %get3A_434 = arith.constant 0 : i32
    %get3A_435 = arith.index_cast %get3A_434 : i32 to index
    %get3A_436 = arith.index_cast %add3A_433 : i32 to index
    %get3A_437 = tpu.vector_load %arg8[%get3A_435, %get3A_436] {strides = array<i32>} : memref<2x256xi32, #tpu.memory_space<vmem>>, vector<16xi32>,
    %gather3A_438 = tpu.vector_load_idx %arg6[%get3A_437] : memref<10000xi32, #tpu.memory_space<vmem>>[vector<16xi32>], vector<16xi32>,
    %add3A_439 = arith.constant 32 : i32
    %add3A_440 = arith.addi %sub3A_391, %add3A_439 : i32
    %get3A_441 = arith.constant 1 : i32
    %get3A_442 = arith.index_cast %get3A_441 : i32 to index
    %get3A_443 = arith.index_cast %add3A_440 : i32 to index
    %get3A_444 = tpu.vector_load %arg8[%get3A_442, %get3A_443] {strides = array<i32>} : memref<2x256xi32, #tpu.memory_space<vmem>>, vector<16xi32>,
    %gather3A_445 = tpu.vector_load_idx %arg6[%get3A_444] : memref<10000xi32, #tpu.memory_space<vmem>>[vector<16xi32>], vector<16xi32>,
    %mul3A_446 = arith.constant 128 : i32
    %mul3A_447 = vector.broadcast %mul3A_446 : i32 to vector<16xi32>
    %mul3A_448 = arith.muli %gather3A_438, %mul3A_447 : vector<16xi32>
    %add3A_449 = arith.addi %mul3A_448, %gather3A_445 : vector<16xi32>
    %swap3A_450 = arith.constant 32 : index
    %swap3A_451 = tpu.vector_load %arg13[%swap3A_450] {strides = array<i32>} : memref<80xi32, #tpu.memory_space<vmem>>, vector<16xi32>,
    tpu.vector_store %arg13[%swap3A_450], %add3A_449 {strides = array<i32>} : memref<80xi32, #tpu.memory_space<vmem>>, vector<16xi32>,
    %add3A_452 = arith.constant 48 : i32
    %add3A_453 = arith.addi %sub3A_391, %add3A_452 : i32
    %get3A_454 = arith.constant 0 : i32
    %get3A_455 = arith.index_cast %get3A_454 : i32 to index
    %get3A_456 = arith.index_cast %add3A_453 : i32 to index
    %get3A_457 = tpu.vector_load %arg8[%get3A_455, %get3A_456] {strides = array<i32>} : memref<2x256xi32, #tpu.memory_space<vmem>>, vector<16xi32>,
    %gather3A_458 = tpu.vector_load_idx %arg6[%get3A_457] : memref<10000xi32, #tpu.memory_space<vmem>>[vector<16xi32>], vector<16xi32>,
    %add3A_459 = arith.constant 48 : i32
    %add3A_460 = arith.addi %sub3A_391, %add3A_459 : i32
    %get3A_461 = arith.constant 1 : i32
    %get3A_462 = arith.index_cast %get3A_461 : i32 to index
    %get3A_463 = arith.index_cast %add3A_460 : i32 to index
    %get3A_464 = tpu.vector_load %arg8[%get3A_462, %get3A_463] {strides = array<i32>} : memref<2x256xi32, #tpu.memory_space<vmem>>, vector<16xi32>,
    %gather3A_465 = tpu.vector_load_idx %arg6[%get3A_464] : memref<10000xi32, #tpu.memory_space<vmem>>[vector<16xi32>], vector<16xi32>,
    %mul3A_466 = arith.constant 128 : i32
    %mul3A_467 = vector.broadcast %mul3A_466 : i32 to vector<16xi32>
    %mul3A_468 = arith.muli %gather3A_458, %mul3A_467 : vector<16xi32>
    %add3A_469 = arith.addi %mul3A_468, %gather3A_465 : vector<16xi32>
    %swap3A_470 = arith.constant 48 : index
    %swap3A_471 = tpu.vector_load %arg13[%swap3A_470] {strides = array<i32>} : memref<80xi32, #tpu.memory_space<vmem>>, vector<16xi32>,
    tpu.vector_store %arg13[%swap3A_470], %add3A_469 {strides = array<i32>} : memref<80xi32, #tpu.memory_space<vmem>>, vector<16xi32>,
    %add3A_472 = arith.constant 64 : i32
    %add3A_473 = arith.addi %sub3A_391, %add3A_472 : i32
    %get3A_474 = arith.constant 0 : i32
    %get3A_475 = arith.index_cast %get3A_474 : i32 to index
    %get3A_476 = arith.index_cast %add3A_473 : i32 to index
    %get3A_477 = tpu.vector_load %arg8[%get3A_475, %get3A_476] {strides = array<i32>} : memref<2x256xi32, #tpu.memory_space<vmem>>, vector<16xi32>,
    %gather3A_478 = tpu.vector_load_idx %arg6[%get3A_477] : memref<10000xi32, #tpu.memory_space<vmem>>[vector<16xi32>], vector<16xi32>,
    %add3A_479 = arith.constant 64 : i32
    %add3A_480 = arith.addi %sub3A_391, %add3A_479 : i32
    %get3A_481 = arith.constant 1 : i32
    %get3A_482 = arith.index_cast %get3A_481 : i32 to index
    %get3A_483 = arith.index_cast %add3A_480 : i32 to index
    %get3A_484 = tpu.vector_load %arg8[%get3A_482, %get3A_483] {strides = array<i32>} : memref<2x256xi32, #tpu.memory_space<vmem>>, vector<16xi32>,
    %gather3A_485 = tpu.vector_load_idx %arg6[%get3A_484] : memref<10000xi32, #tpu.memory_space<vmem>>[vector<16xi32>], vector<16xi32>,
    %mul3A_486 = arith.constant 128 : i32
    %mul3A_487 = vector.broadcast %mul3A_486 : i32 to vector<16xi32>
    %mul3A_488 = arith.muli %gather3A_478, %mul3A_487 : vector<16xi32>
    %add3A_489 = arith.addi %mul3A_488, %gather3A_485 : vector<16xi32>
    %swap3A_490 = arith.constant 64 : index
    %swap3A_491 = tpu.vector_load %arg13[%swap3A_490] {strides = array<i32>} : memref<80xi32, #tpu.memory_space<vmem>>, vector<16xi32>,
    tpu.vector_store %arg13[%swap3A_490], %add3A_489 {strides = array<i32>} : memref<80xi32, #tpu.memory_space<vmem>>, vector<16xi32>,
    %add3A_492 = arith.constant 192 : i32
    %add3A_493 = arith.addi %add3A, %add3A_492 : i32
    %mul3A_494 = arith.constant 80 : i32
    %mul3A_495 = arith.muli %add3A_493, %mul3A_494 : i32
    %jit3A_496 = arith.constant 128 : i32
    %div3A_497 = arith.divsi %mul3A_495, %jit3A_496 : i32
    %sign3A_498 = arith.constant 0 : i32
    %sign3A_499 = arith.cmpi sgt, %mul3A_495, %sign3A_498 : i32
    %sign3A_500 = arith.extui %sign3A_499 : i1 to i32
    %sign3A_501 = arith.constant 0 : i32
    %sign3A_502 = arith.cmpi slt, %mul3A_495, %sign3A_501 : i32
    %sign3A_503 = arith.extui %sign3A_502 : i1 to i32
    %sign3A_504 = arith.subi %sign3A_500, %sign3A_503 : i32
    %sign3A_505 = arith.constant 0 : i32
    %sign3A_506 = arith.cmpi sgt, %jit3A_496, %sign3A_505 : i32
    %sign3A_507 = arith.extui %sign3A_506 : i1 to i32
    %sign3A_508 = arith.constant 0 : i32
    %sign3A_509 = arith.cmpi slt, %jit3A_496, %sign3A_508 : i32
    %sign3A_510 = arith.extui %sign3A_509 : i1 to i32
    %sign3A_511 = arith.subi %sign3A_507, %sign3A_510 : i32
    %ne3A_512 = arith.cmpi ne, %sign3A_504, %sign3A_511 : i32
    %rem3A_513 = arith.remsi %mul3A_495, %jit3A_496 : i32
    %ne3A_514 = arith.constant 0 : i32
    %ne3A_515 = arith.cmpi ne, %rem3A_513, %ne3A_514 : i32
    %and3A_516 = arith.andi %ne3A_512, %ne3A_515 : i1
    %sub3A_517 = arith.constant 1 : i32
    %sub3A_518 = arith.subi %div3A_497, %sub3A_517 : i32
    %select_n3A_519 = arith.select %and3A_516, %sub3A_518, %div3A_497 : i32
    %mul3A_520 = arith.constant 128 : i32
    %mul3A_521 = arith.muli %select_n3A_519, %mul3A_520 : i32
    %min3A_522 = arith.constant 319744 : i32
    %min3A_523 = arith.minsi %mul3A_521, %min3A_522 : i32
    %dma_start3A_524 = arith.constant 0 : i32
    %dma_start3A_525 = tpu.memref_slice %arg3[%dma_start3A_524, %min3A_523] : memref<2x320000xi32, #tpu.memory_space<hbm>> -> memref<2x256xi32, #tpu.memory_space<hbm>>
    %dma_start3A_526 = arith.constant 0 : i32
    %dma_start3A_527 = tpu.memref_slice %arg3[%dma_start3A_526, %min3A_523] : memref<2x320000xi32, #tpu.memory_space<hbm>> -> memref<2x256xi32, #tpu.memory_space<hbm>>
    tpu.enqueue_dma source(%dma_start3A_527 : memref<2x256xi32, #tpu.memory_space<hbm>>) target(%arg8 : memref<2x256xi32, #tpu.memory_space<vmem>>) target_semaphore(%arg23 : memref<!tpu.dma_semaphore, #tpu.memory_space<semaphore_mem>>)
    %dma_start3A_528 = arith.constant 0 : i32
    %dma_start3A_529 = arith.constant 0 : i32
    %dma_start3A_530 = tpu.memref_slice %arg4[%dma_start3A_528, %dma_start3A_529] : memref<16384x128xf32, #tpu.memory_space<hbm>> -> memref<16384x128xf32, #tpu.memory_space<hbm>>
    tpu.enqueue_indirect_dma source(%dma_start3A_530 : memref<16384x128xf32, #tpu.memory_space<hbm>>) target(%arg18 : memref<80x128xf32, #tpu.memory_space<vmem>>) offsets(%arg13 : memref<80xi32, #tpu.memory_space<vmem>>) semaphore(%arg28 : memref<!tpu.dma_semaphore, #tpu.memory_space<semaphore_mem>>)
    %dma_wait3A_531 = arith.constant 0 : i32
    %dma_wait3A_532 = arith.constant 0 : i32
    %dma_wait3A_533 = tpu.memref_slice %arg3[%dma_wait3A_531, %dma_wait3A_532] : memref<2x320000xi32, #tpu.memory_space<hbm>> -> memref<2x256xi32, #tpu.memory_space<hbm>>
    %dma_wait3A_534 = arith.constant 0 : i32
    %dma_wait3A_535 = arith.constant 0 : i32
    %dma_wait3A_536 = tpu.memref_slice %arg3[%dma_wait3A_534, %dma_wait3A_535] : memref<2x320000xi32, #tpu.memory_space<hbm>> -> memref<2x256xi32, #tpu.memory_space<hbm>>
    tpu.wait_dma2 semaphore(%arg24 : memref<!tpu.dma_semaphore, #tpu.memory_space<semaphore_mem>>) src(%dma_wait3A_536 : memref<2x256xi32, #tpu.memory_space<hbm>>) dst(%arg9 : memref<2x256xi32, #tpu.memory_space<vmem>>)
    %add3A_537 = arith.constant 64 : i32
    %add3A_538 = arith.addi %add3A, %add3A_537 : i32
    %mul3A_539 = arith.constant 80 : i32
    %mul3A_540 = arith.muli %add3A_538, %mul3A_539 : i32
    %add3A_541 = arith.constant 64 : i32
    %add3A_542 = arith.addi %add3A, %add3A_541 : i32
    %mul3A_543 = arith.constant 80 : i32
    %mul3A_544 = arith.muli %add3A_542, %mul3A_543 : i32
    %jit3A_545 = arith.constant 128 : i32
    %div3A_546 = arith.divsi %mul3A_544, %jit3A_545 : i32
    %sign3A_547 = arith.constant 0 : i32
    %sign3A_548 = arith.cmpi sgt, %mul3A_544, %sign3A_547 : i32
    %sign3A_549 = arith.extui %sign3A_548 : i1 to i32
    %sign3A_550 = arith.constant 0 : i32
    %sign3A_551 = arith.cmpi slt, %mul3A_544, %sign3A_550 : i32
    %sign3A_552 = arith.extui %sign3A_551 : i1 to i32
    %sign3A_553 = arith.subi %sign3A_549, %sign3A_552 : i32
    %sign3A_554 = arith.constant 0 : i32
    %sign3A_555 = arith.cmpi sgt, %jit3A_545, %sign3A_554 : i32
    %sign3A_556 = arith.extui %sign3A_555 : i1 to i32
    %sign3A_557 = arith.constant 0 : i32
    %sign3A_558 = arith.cmpi slt, %jit3A_545, %sign3A_557 : i32
    %sign3A_559 = arith.extui %sign3A_558 : i1 to i32
    %sign3A_560 = arith.subi %sign3A_556, %sign3A_559 : i32
    %ne3A_561 = arith.cmpi ne, %sign3A_553, %sign3A_560 : i32
    %rem3A_562 = arith.remsi %mul3A_544, %jit3A_545 : i32
    %ne3A_563 = arith.constant 0 : i32
    %ne3A_564 = arith.cmpi ne, %rem3A_562, %ne3A_563 : i32
    %and3A_565 = arith.andi %ne3A_561, %ne3A_564 : i1
    %sub3A_566 = arith.constant 1 : i32
    %sub3A_567 = arith.subi %div3A_546, %sub3A_566 : i32
    %select_n3A_568 = arith.select %and3A_565, %sub3A_567, %div3A_546 : i32
    %mul3A_569 = arith.constant 128 : i32
    %mul3A_570 = arith.muli %select_n3A_568, %mul3A_569 : i32
    %min3A_571 = arith.constant 319744 : i32
    %min3A_572 = arith.minsi %mul3A_570, %min3A_571 : i32
    %sub3A_573 = arith.subi %mul3A_540, %min3A_572 : i32
    %add3A_574 = arith.constant 0 : i32
    %add3A_575 = arith.addi %sub3A_573, %add3A_574 : i32
    %get3A_576 = arith.constant 0 : i32
    %get3A_577 = arith.index_cast %get3A_576 : i32 to index
    %get3A_578 = arith.index_cast %add3A_575 : i32 to index
    %get3A_579 = tpu.vector_load %arg9[%get3A_577, %get3A_578] {strides = array<i32>} : memref<2x256xi32, #tpu.memory_space<vmem>>, vector<16xi32>,
    %gather3A_580 = tpu.vector_load_idx %arg6[%get3A_579] : memref<10000xi32, #tpu.memory_space<vmem>>[vector<16xi32>], vector<16xi32>,
    %add3A_581 = arith.constant 0 : i32
    %add3A_582 = arith.addi %sub3A_573, %add3A_581 : i32
    %get3A_583 = arith.constant 1 : i32
    %get3A_584 = arith.index_cast %get3A_583 : i32 to index
    %get3A_585 = arith.index_cast %add3A_582 : i32 to index
    %get3A_586 = tpu.vector_load %arg9[%get3A_584, %get3A_585] {strides = array<i32>} : memref<2x256xi32, #tpu.memory_space<vmem>>, vector<16xi32>,
    %gather3A_587 = tpu.vector_load_idx %arg6[%get3A_586] : memref<10000xi32, #tpu.memory_space<vmem>>[vector<16xi32>], vector<16xi32>,
    %mul3A_588 = arith.constant 128 : i32
    %mul3A_589 = vector.broadcast %mul3A_588 : i32 to vector<16xi32>
    %mul3A_590 = arith.muli %gather3A_580, %mul3A_589 : vector<16xi32>
    %add3A_591 = arith.addi %mul3A_590, %gather3A_587 : vector<16xi32>
    %swap3A_592 = arith.constant 0 : index
    %swap3A_593 = tpu.vector_load %arg14[%swap3A_592] {strides = array<i32>} : memref<80xi32, #tpu.memory_space<vmem>>, vector<16xi32>,
    tpu.vector_store %arg14[%swap3A_592], %add3A_591 {strides = array<i32>} : memref<80xi32, #tpu.memory_space<vmem>>, vector<16xi32>,
    %add3A_594 = arith.constant 16 : i32
    %add3A_595 = arith.addi %sub3A_573, %add3A_594 : i32
    %get3A_596 = arith.constant 0 : i32
    %get3A_597 = arith.index_cast %get3A_596 : i32 to index
    %get3A_598 = arith.index_cast %add3A_595 : i32 to index
    %get3A_599 = tpu.vector_load %arg9[%get3A_597, %get3A_598] {strides = array<i32>} : memref<2x256xi32, #tpu.memory_space<vmem>>, vector<16xi32>,
    %gather3A_600 = tpu.vector_load_idx %arg6[%get3A_599] : memref<10000xi32, #tpu.memory_space<vmem>>[vector<16xi32>], vector<16xi32>,
    %add3A_601 = arith.constant 16 : i32
    %add3A_602 = arith.addi %sub3A_573, %add3A_601 : i32
    %get3A_603 = arith.constant 1 : i32
    %get3A_604 = arith.index_cast %get3A_603 : i32 to index
    %get3A_605 = arith.index_cast %add3A_602 : i32 to index
    %get3A_606 = tpu.vector_load %arg9[%get3A_604, %get3A_605] {strides = array<i32>} : memref<2x256xi32, #tpu.memory_space<vmem>>, vector<16xi32>,
    %gather3A_607 = tpu.vector_load_idx %arg6[%get3A_606] : memref<10000xi32, #tpu.memory_space<vmem>>[vector<16xi32>], vector<16xi32>,
    %mul3A_608 = arith.constant 128 : i32
    %mul3A_609 = vector.broadcast %mul3A_608 : i32 to vector<16xi32>
    %mul3A_610 = arith.muli %gather3A_600, %mul3A_609 : vector<16xi32>
    %add3A_611 = arith.addi %mul3A_610, %gather3A_607 : vector<16xi32>
    %swap3A_612 = arith.constant 16 : index
    %swap3A_613 = tpu.vector_load %arg14[%swap3A_612] {strides = array<i32>} : memref<80xi32, #tpu.memory_space<vmem>>, vector<16xi32>,
    tpu.vector_store %arg14[%swap3A_612], %add3A_611 {strides = array<i32>} : memref<80xi32, #tpu.memory_space<vmem>>, vector<16xi32>,
    %add3A_614 = arith.constant 32 : i32
    %add3A_615 = arith.addi %sub3A_573, %add3A_614 : i32
    %get3A_616 = arith.constant 0 : i32
    %get3A_617 = arith.index_cast %get3A_616 : i32 to index
    %get3A_618 = arith.index_cast %add3A_615 : i32 to index
    %get3A_619 = tpu.vector_load %arg9[%get3A_617, %get3A_618] {strides = array<i32>} : memref<2x256xi32, #tpu.memory_space<vmem>>, vector<16xi32>,
    %gather3A_620 = tpu.vector_load_idx %arg6[%get3A_619] : memref<10000xi32, #tpu.memory_space<vmem>>[vector<16xi32>], vector<16xi32>,
    %add3A_621 = arith.constant 32 : i32
    %add3A_622 = arith.addi %sub3A_573, %add3A_621 : i32
    %get3A_623 = arith.constant 1 : i32
    %get3A_624 = arith.index_cast %get3A_623 : i32 to index
    %get3A_625 = arith.index_cast %add3A_622 : i32 to index
    %get3A_626 = tpu.vector_load %arg9[%get3A_624, %get3A_625] {strides = array<i32>} : memref<2x256xi32, #tpu.memory_space<vmem>>, vector<16xi32>,
    %gather3A_627 = tpu.vector_load_idx %arg6[%get3A_626] : memref<10000xi32, #tpu.memory_space<vmem>>[vector<16xi32>], vector<16xi32>,
    %mul3A_628 = arith.constant 128 : i32
    %mul3A_629 = vector.broadcast %mul3A_628 : i32 to vector<16xi32>
    %mul3A_630 = arith.muli %gather3A_620, %mul3A_629 : vector<16xi32>
    %add3A_631 = arith.addi %mul3A_630, %gather3A_627 : vector<16xi32>
    %swap3A_632 = arith.constant 32 : index
    %swap3A_633 = tpu.vector_load %arg14[%swap3A_632] {strides = array<i32>} : memref<80xi32, #tpu.memory_space<vmem>>, vector<16xi32>,
    tpu.vector_store %arg14[%swap3A_632], %add3A_631 {strides = array<i32>} : memref<80xi32, #tpu.memory_space<vmem>>, vector<16xi32>,
    %add3A_634 = arith.constant 48 : i32
    %add3A_635 = arith.addi %sub3A_573, %add3A_634 : i32
    %get3A_636 = arith.constant 0 : i32
    %get3A_637 = arith.index_cast %get3A_636 : i32 to index
    %get3A_638 = arith.index_cast %add3A_635 : i32 to index
    %get3A_639 = tpu.vector_load %arg9[%get3A_637, %get3A_638] {strides = array<i32>} : memref<2x256xi32, #tpu.memory_space<vmem>>, vector<16xi32>,
    %gather3A_640 = tpu.vector_load_idx %arg6[%get3A_639] : memref<10000xi32, #tpu.memory_space<vmem>>[vector<16xi32>], vector<16xi32>,
    %add3A_641 = arith.constant 48 : i32
    %add3A_642 = arith.addi %sub3A_573, %add3A_641 : i32
    %get3A_643 = arith.constant 1 : i32
    %get3A_644 = arith.index_cast %get3A_643 : i32 to index
    %get3A_645 = arith.index_cast %add3A_642 : i32 to index
    %get3A_646 = tpu.vector_load %arg9[%get3A_644, %get3A_645] {strides = array<i32>} : memref<2x256xi32, #tpu.memory_space<vmem>>, vector<16xi32>,
    %gather3A_647 = tpu.vector_load_idx %arg6[%get3A_646] : memref<10000xi32, #tpu.memory_space<vmem>>[vector<16xi32>], vector<16xi32>,
    %mul3A_648 = arith.constant 128 : i32
    %mul3A_649 = vector.broadcast %mul3A_648 : i32 to vector<16xi32>
    %mul3A_650 = arith.muli %gather3A_640, %mul3A_649 : vector<16xi32>
    %add3A_651 = arith.addi %mul3A_650, %gather3A_647 : vector<16xi32>
    %swap3A_652 = arith.constant 48 : index
    %swap3A_653 = tpu.vector_load %arg14[%swap3A_652] {strides = array<i32>} : memref<80xi32, #tpu.memory_space<vmem>>, vector<16xi32>,
    tpu.vector_store %arg14[%swap3A_652], %add3A_651 {strides = array<i32>} : memref<80xi32, #tpu.memory_space<vmem>>, vector<16xi32>,
    %add3A_654 = arith.constant 64 : i32
    %add3A_655 = arith.addi %sub3A_573, %add3A_654 : i32
    %get3A_656 = arith.constant 0 : i32
    %get3A_657 = arith.index_cast %get3A_656 : i32 to index
    %get3A_658 = arith.index_cast %add3A_655 : i32 to index
    %get3A_659 = tpu.vector_load %arg9[%get3A_657, %get3A_658] {strides = array<i32>} : memref<2x256xi32, #tpu.memory_space<vmem>>, vector<16xi32>,
    %gather3A_660 = tpu.vector_load_idx %arg6[%get3A_659] : memref<10000xi32, #tpu.memory_space<vmem>>[vector<16xi32>], vector<16xi32>,
    %add3A_661 = arith.constant 64 : i32
    %add3A_662 = arith.addi %sub3A_573, %add3A_661 : i32
    %get3A_663 = arith.constant 1 : i32
    %get3A_664 = arith.index_cast %get3A_663 : i32 to index
    %get3A_665 = arith.index_cast %add3A_662 : i32 to index
    %get3A_666 = tpu.vector_load %arg9[%get3A_664, %get3A_665] {strides = array<i32>} : memref<2x256xi32, #tpu.memory_space<vmem>>, vector<16xi32>,
    %gather3A_667 = tpu.vector_load_idx %arg6[%get3A_666] : memref<10000xi32, #tpu.memory_space<vmem>>[vector<16xi32>], vector<16xi32>,
    %mul3A_668 = arith.constant 128 : i32
    %mul3A_669 = vector.broadcast %mul3A_668 : i32 to vector<16xi32>
    %mul3A_670 = arith.muli %gather3A_660, %mul3A_669 : vector<16xi32>
    %add3A_671 = arith.addi %mul3A_670, %gather3A_667 : vector<16xi32>
    %swap3A_672 = arith.constant 64 : index
    %swap3A_673 = tpu.vector_load %arg14[%swap3A_672] {strides = array<i32>} : memref<80xi32, #tpu.memory_space<vmem>>, vector<16xi32>,
    tpu.vector_store %arg14[%swap3A_672], %add3A_671 {strides = array<i32>} : memref<80xi32, #tpu.memory_space<vmem>>, vector<16xi32>,
    %add3A_674 = arith.constant 224 : i32
    %add3A_675 = arith.addi %add3A, %add3A_674 : i32
    %mul3A_676 = arith.constant 80 : i32
    %mul3A_677 = arith.muli %add3A_675, %mul3A_676 : i32
    %jit3A_678 = arith.constant 128 : i32
    %div3A_679 = arith.divsi %mul3A_677, %jit3A_678 : i32
    %sign3A_680 = arith.constant 0 : i32
    %sign3A_681 = arith.cmpi sgt, %mul3A_677, %sign3A_680 : i32
    %sign3A_682 = arith.extui %sign3A_681 : i1 to i32
    %sign3A_683 = arith.constant 0 : i32
    %sign3A_684 = arith.cmpi slt, %mul3A_677, %sign3A_683 : i32
    %sign3A_685 = arith.extui %sign3A_684 : i1 to i32
    %sign3A_686 = arith.subi %sign3A_682, %sign3A_685 : i32
    %sign3A_687 = arith.constant 0 : i32
    %sign3A_688 = arith.cmpi sgt, %jit3A_678, %sign3A_687 : i32
    %sign3A_689 = arith.extui %sign3A_688 : i1 to i32
    %sign3A_690 = arith.constant 0 : i32
    %sign3A_691 = arith.cmpi slt, %jit3A_678, %sign3A_690 : i32
    %sign3A_692 = arith.extui %sign3A_691 : i1 to i32
    %sign3A_693 = arith.subi %sign3A_689, %sign3A_692 : i32
    %ne3A_694 = arith.cmpi ne, %sign3A_686, %sign3A_693 : i32
    %rem3A_695 = arith.remsi %mul3A_677, %jit3A_678 : i32
    %ne3A_696 = arith.constant 0 : i32
    %ne3A_697 = arith.cmpi ne, %rem3A_695, %ne3A_696 : i32
    %and3A_698 = arith.andi %ne3A_694, %ne3A_697 : i1
    %sub3A_699 = arith.constant 1 : i32
    %sub3A_700 = arith.subi %div3A_679, %sub3A_699 : i32
    %select_n3A_701 = arith.select %and3A_698, %sub3A_700, %div3A_679 : i32
    %mul3A_702 = arith.constant 128 : i32
    %mul3A_703 = arith.muli %select_n3A_701, %mul3A_702 : i32
    %min3A_704 = arith.constant 319744 : i32
    %min3A_705 = arith.minsi %mul3A_703, %min3A_704 : i32
    %dma_start3A_706 = arith.constant 0 : i32
    %dma_start3A_707 = tpu.memref_slice %arg3[%dma_start3A_706, %min3A_705] : memref<2x320000xi32, #tpu.memory_space<hbm>> -> memref<2x256xi32, #tpu.memory_space<hbm>>
    %dma_start3A_708 = arith.constant 0 : i32
    %dma_start3A_709 = tpu.memref_slice %arg3[%dma_start3A_708, %min3A_705] : memref<2x320000xi32, #tpu.memory_space<hbm>> -> memref<2x256xi32, #tpu.memory_space<hbm>>
    tpu.enqueue_dma source(%dma_start3A_709 : memref<2x256xi32, #tpu.memory_space<hbm>>) target(%arg9 : memref<2x256xi32, #tpu.memory_space<vmem>>) target_semaphore(%arg24 : memref<!tpu.dma_semaphore, #tpu.memory_space<semaphore_mem>>)
    %dma_start3A_710 = arith.constant 0 : i32
    %dma_start3A_711 = arith.constant 0 : i32
    %dma_start3A_712 = tpu.memref_slice %arg4[%dma_start3A_710, %dma_start3A_711] : memref<16384x128xf32, #tpu.memory_space<hbm>> -> memref<16384x128xf32, #tpu.memory_space<hbm>>
    tpu.enqueue_indirect_dma source(%dma_start3A_712 : memref<16384x128xf32, #tpu.memory_space<hbm>>) target(%arg19 : memref<80x128xf32, #tpu.memory_space<vmem>>) offsets(%arg14 : memref<80xi32, #tpu.memory_space<vmem>>) semaphore(%arg29 : memref<!tpu.dma_semaphore, #tpu.memory_space<semaphore_mem>>)
    %dma_wait3A_713 = arith.constant 0 : i32
    %dma_wait3A_714 = arith.constant 0 : i32
    %dma_wait3A_715 = tpu.memref_slice %arg3[%dma_wait3A_713, %dma_wait3A_714] : memref<2x320000xi32, #tpu.memory_space<hbm>> -> memref<2x256xi32, #tpu.memory_space<hbm>>
    %dma_wait3A_716 = arith.constant 0 : i32
    %dma_wait3A_717 = arith.constant 0 : i32
    %dma_wait3A_718 = tpu.memref_slice %arg3[%dma_wait3A_716, %dma_wait3A_717] : memref<2x320000xi32, #tpu.memory_space<hbm>> -> memref<2x256xi32, #tpu.memory_space<hbm>>
    tpu.wait_dma2 semaphore(%arg25 : memref<!tpu.dma_semaphore, #tpu.memory_space<semaphore_mem>>) src(%dma_wait3A_718 : memref<2x256xi32, #tpu.memory_space<hbm>>) dst(%arg10 : memref<2x256xi32, #tpu.memory_space<vmem>>)
    %add3A_719 = arith.constant 96 : i32
    %add3A_720 = arith.addi %add3A, %add3A_719 : i32
    %mul3A_721 = arith.constant 80 : i32
    %mul3A_722 = arith.muli %add3A_720, %mul3A_721 : i32
    %add3A_723 = arith.constant 96 : i32
    %add3A_724 = arith.addi %add3A, %add3A_723 : i32
    %mul3A_725 = arith.constant 80 : i32
    %mul3A_726 = arith.muli %add3A_724, %mul3A_725 : i32
    %jit3A_727 = arith.constant 128 : i32
    %div3A_728 = arith.divsi %mul3A_726, %jit3A_727 : i32
    %sign3A_729 = arith.constant 0 : i32
    %sign3A_730 = arith.cmpi sgt, %mul3A_726, %sign3A_729 : i32
    %sign3A_731 = arith.extui %sign3A_730 : i1 to i32
    %sign3A_732 = arith.constant 0 : i32
    %sign3A_733 = arith.cmpi slt, %mul3A_726, %sign3A_732 : i32
    %sign3A_734 = arith.extui %sign3A_733 : i1 to i32
    %sign3A_735 = arith.subi %sign3A_731, %sign3A_734 : i32
    %sign3A_736 = arith.constant 0 : i32
    %sign3A_737 = arith.cmpi sgt, %jit3A_727, %sign3A_736 : i32
    %sign3A_738 = arith.extui %sign3A_737 : i1 to i32
    %sign3A_739 = arith.constant 0 : i32
    %sign3A_740 = arith.cmpi slt, %jit3A_727, %sign3A_739 : i32
    %sign3A_741 = arith.extui %sign3A_740 : i1 to i32
    %sign3A_742 = arith.subi %sign3A_738, %sign3A_741 : i32
    %ne3A_743 = arith.cmpi ne, %sign3A_735, %sign3A_742 : i32
    %rem3A_744 = arith.remsi %mul3A_726, %jit3A_727 : i32
    %ne3A_745 = arith.constant 0 : i32
    %ne3A_746 = arith.cmpi ne, %rem3A_744, %ne3A_745 : i32
    %and3A_747 = arith.andi %ne3A_743, %ne3A_746 : i1
    %sub3A_748 = arith.constant 1 : i32
    %sub3A_749 = arith.subi %div3A_728, %sub3A_748 : i32
    %select_n3A_750 = arith.select %and3A_747, %sub3A_749, %div3A_728 : i32
    %mul3A_751 = arith.constant 128 : i32
    %mul3A_752 = arith.muli %select_n3A_750, %mul3A_751 : i32
    %min3A_753 = arith.constant 319744 : i32
    %min3A_754 = arith.minsi %mul3A_752, %min3A_753 : i32
    %sub3A_755 = arith.subi %mul3A_722, %min3A_754 : i32
    %add3A_756 = arith.constant 0 : i32
    %add3A_757 = arith.addi %sub3A_755, %add3A_756 : i32
    %get3A_758 = arith.constant 0 : i32
    %get3A_759 = arith.index_cast %get3A_758 : i32 to index
    %get3A_760 = arith.index_cast %add3A_757 : i32 to index
    %get3A_761 = tpu.vector_load %arg10[%get3A_759, %get3A_760] {strides = array<i32>} : memref<2x256xi32, #tpu.memory_space<vmem>>, vector<16xi32>,
    %gather3A_762 = tpu.vector_load_idx %arg6[%get3A_761] : memref<10000xi32, #tpu.memory_space<vmem>>[vector<16xi32>], vector<16xi32>,
    %add3A_763 = arith.constant 0 : i32
    %add3A_764 = arith.addi %sub3A_755, %add3A_763 : i32
    %get3A_765 = arith.constant 1 : i32
    %get3A_766 = arith.index_cast %get3A_765 : i32 to index
    %get3A_767 = arith.index_cast %add3A_764 : i32 to index
    %get3A_768 = tpu.vector_load %arg10[%get3A_766, %get3A_767] {strides = array<i32>} : memref<2x256xi32, #tpu.memory_space<vmem>>, vector<16xi32>,
    %gather3A_769 = tpu.vector_load_idx %arg6[%get3A_768] : memref<10000xi32, #tpu.memory_space<vmem>>[vector<16xi32>], vector<16xi32>,
    %mul3A_770 = arith.constant 128 : i32
    %mul3A_771 = vector.broadcast %mul3A_770 : i32 to vector<16xi32>
    %mul3A_772 = arith.muli %gather3A_762, %mul3A_771 : vector<16xi32>
    %add3A_773 = arith.addi %mul3A_772, %gather3A_769 : vector<16xi32>
    %swap3A_774 = arith.constant 0 : index
    %swap3A_775 = tpu.vector_load %arg15[%swap3A_774] {strides = array<i32>} : memref<80xi32, #tpu.memory_space<vmem>>, vector<16xi32>,
    tpu.vector_store %arg15[%swap3A_774], %add3A_773 {strides = array<i32>} : memref<80xi32, #tpu.memory_space<vmem>>, vector<16xi32>,
    %add3A_776 = arith.constant 16 : i32
    %add3A_777 = arith.addi %sub3A_755, %add3A_776 : i32
    %get3A_778 = arith.constant 0 : i32
    %get3A_779 = arith.index_cast %get3A_778 : i32 to index
    %get3A_780 = arith.index_cast %add3A_777 : i32 to index
    %get3A_781 = tpu.vector_load %arg10[%get3A_779, %get3A_780] {strides = array<i32>} : memref<2x256xi32, #tpu.memory_space<vmem>>, vector<16xi32>,
    %gather3A_782 = tpu.vector_load_idx %arg6[%get3A_781] : memref<10000xi32, #tpu.memory_space<vmem>>[vector<16xi32>], vector<16xi32>,
    %add3A_783 = arith.constant 16 : i32
    %add3A_784 = arith.addi %sub3A_755, %add3A_783 : i32
    %get3A_785 = arith.constant 1 : i32
    %get3A_786 = arith.index_cast %get3A_785 : i32 to index
    %get3A_787 = arith.index_cast %add3A_784 : i32 to index
    %get3A_788 = tpu.vector_load %arg10[%get3A_786, %get3A_787] {strides = array<i32>} : memref<2x256xi32, #tpu.memory_space<vmem>>, vector<16xi32>,
    %gather3A_789 = tpu.vector_load_idx %arg6[%get3A_788] : memref<10000xi32, #tpu.memory_space<vmem>>[vector<16xi32>], vector<16xi32>,
    %mul3A_790 = arith.constant 128 : i32
    %mul3A_791 = vector.broadcast %mul3A_790 : i32 to vector<16xi32>
    %mul3A_792 = arith.muli %gather3A_782, %mul3A_791 : vector<16xi32>
    %add3A_793 = arith.addi %mul3A_792, %gather3A_789 : vector<16xi32>
    %swap3A_794 = arith.constant 16 : index
    %swap3A_795 = tpu.vector_load %arg15[%swap3A_794] {strides = array<i32>} : memref<80xi32, #tpu.memory_space<vmem>>, vector<16xi32>,
    tpu.vector_store %arg15[%swap3A_794], %add3A_793 {strides = array<i32>} : memref<80xi32, #tpu.memory_space<vmem>>, vector<16xi32>,
    %add3A_796 = arith.constant 32 : i32
    %add3A_797 = arith.addi %sub3A_755, %add3A_796 : i32
    %get3A_798 = arith.constant 0 : i32
    %get3A_799 = arith.index_cast %get3A_798 : i32 to index
    %get3A_800 = arith.index_cast %add3A_797 : i32 to index
    %get3A_801 = tpu.vector_load %arg10[%get3A_799, %get3A_800] {strides = array<i32>} : memref<2x256xi32, #tpu.memory_space<vmem>>, vector<16xi32>,
    %gather3A_802 = tpu.vector_load_idx %arg6[%get3A_801] : memref<10000xi32, #tpu.memory_space<vmem>>[vector<16xi32>], vector<16xi32>,
    %add3A_803 = arith.constant 32 : i32
    %add3A_804 = arith.addi %sub3A_755, %add3A_803 : i32
    %get3A_805 = arith.constant 1 : i32
    %get3A_806 = arith.index_cast %get3A_805 : i32 to index
    %get3A_807 = arith.index_cast %add3A_804 : i32 to index
    %get3A_808 = tpu.vector_load %arg10[%get3A_806, %get3A_807] {strides = array<i32>} : memref<2x256xi32, #tpu.memory_space<vmem>>, vector<16xi32>,
    %gather3A_809 = tpu.vector_load_idx %arg6[%get3A_808] : memref<10000xi32, #tpu.memory_space<vmem>>[vector<16xi32>], vector<16xi32>,
    %mul3A_810 = arith.constant 128 : i32
    %mul3A_811 = vector.broadcast %mul3A_810 : i32 to vector<16xi32>
    %mul3A_812 = arith.muli %gather3A_802, %mul3A_811 : vector<16xi32>
    %add3A_813 = arith.addi %mul3A_812, %gather3A_809 : vector<16xi32>
    %swap3A_814 = arith.constant 32 : index
    %swap3A_815 = tpu.vector_load %arg15[%swap3A_814] {strides = array<i32>} : memref<80xi32, #tpu.memory_space<vmem>>, vector<16xi32>,
    tpu.vector_store %arg15[%swap3A_814], %add3A_813 {strides = array<i32>} : memref<80xi32, #tpu.memory_space<vmem>>, vector<16xi32>,
    %add3A_816 = arith.constant 48 : i32
    %add3A_817 = arith.addi %sub3A_755, %add3A_816 : i32
    %get3A_818 = arith.constant 0 : i32
    %get3A_819 = arith.index_cast %get3A_818 : i32 to index
    %get3A_820 = arith.index_cast %add3A_817 : i32 to index
    %get3A_821 = tpu.vector_load %arg10[%get3A_819, %get3A_820] {strides = array<i32>} : memref<2x256xi32, #tpu.memory_space<vmem>>, vector<16xi32>,
    %gather3A_822 = tpu.vector_load_idx %arg6[%get3A_821] : memref<10000xi32, #tpu.memory_space<vmem>>[vector<16xi32>], vector<16xi32>,
    %add3A_823 = arith.constant 48 : i32
    %add3A_824 = arith.addi %sub3A_755, %add3A_823 : i32
    %get3A_825 = arith.constant 1 : i32
    %get3A_826 = arith.index_cast %get3A_825 : i32 to index
    %get3A_827 = arith.index_cast %add3A_824 : i32 to index
    %get3A_828 = tpu.vector_load %arg10[%get3A_826, %get3A_827] {strides = array<i32>} : memref<2x256xi32, #tpu.memory_space<vmem>>, vector<16xi32>,
    %gather3A_829 = tpu.vector_load_idx %arg6[%get3A_828] : memref<10000xi32, #tpu.memory_space<vmem>>[vector<16xi32>], vector<16xi32>,
    %mul3A_830 = arith.constant 128 : i32
    %mul3A_831 = vector.broadcast %mul3A_830 : i32 to vector<16xi32>
    %mul3A_832 = arith.muli %gather3A_822, %mul3A_831 : vector<16xi32>
    %add3A_833 = arith.addi %mul3A_832, %gather3A_829 : vector<16xi32>
    %swap3A_834 = arith.constant 48 : index
    %swap3A_835 = tpu.vector_load %arg15[%swap3A_834] {strides = array<i32>} : memref<80xi32, #tpu.memory_space<vmem>>, vector<16xi32>,
    tpu.vector_store %arg15[%swap3A_834], %add3A_833 {strides = array<i32>} : memref<80xi32, #tpu.memory_space<vmem>>, vector<16xi32>,
    %add3A_836 = arith.constant 64 : i32
    %add3A_837 = arith.addi %sub3A_755, %add3A_836 : i32
    %get3A_838 = arith.constant 0 : i32
    %get3A_839 = arith.index_cast %get3A_838 : i32 to index
    %get3A_840 = arith.index_cast %add3A_837 : i32 to index
    %get3A_841 = tpu.vector_load %arg10[%get3A_839, %get3A_840] {strides = array<i32>} : memref<2x256xi32, #tpu.memory_space<vmem>>, vector<16xi32>,
    %gather3A_842 = tpu.vector_load_idx %arg6[%get3A_841] : memref<10000xi32, #tpu.memory_space<vmem>>[vector<16xi32>], vector<16xi32>,
    %add3A_843 = arith.constant 64 : i32
    %add3A_844 = arith.addi %sub3A_755, %add3A_843 : i32
    %get3A_845 = arith.constant 1 : i32
    %get3A_846 = arith.index_cast %get3A_845 : i32 to index
    %get3A_847 = arith.index_cast %add3A_844 : i32 to index
    %get3A_848 = tpu.vector_load %arg10[%get3A_846, %get3A_847] {strides = array<i32>} : memref<2x256xi32, #tpu.memory_space<vmem>>, vector<16xi32>,
    %gather3A_849 = tpu.vector_load_idx %arg6[%get3A_848] : memref<10000xi32, #tpu.memory_space<vmem>>[vector<16xi32>], vector<16xi32>,
    %mul3A_850 = arith.constant 128 : i32
    %mul3A_851 = vector.broadcast %mul3A_850 : i32 to vector<16xi32>
    %mul3A_852 = arith.muli %gather3A_842, %mul3A_851 : vector<16xi32>
    %add3A_853 = arith.addi %mul3A_852, %gather3A_849 : vector<16xi32>
    %swap3A_854 = arith.constant 64 : index
    %swap3A_855 = tpu.vector_load %arg15[%swap3A_854] {strides = array<i32>} : memref<80xi32, #tpu.memory_space<vmem>>, vector<16xi32>,
    tpu.vector_store %arg15[%swap3A_854], %add3A_853 {strides = array<i32>} : memref<80xi32, #tpu.memory_space<vmem>>, vector<16xi32>,
    %add3A_856 = arith.constant 256 : i32
    %add3A_857 = arith.addi %add3A, %add3A_856 : i32
    %mul3A_858 = arith.constant 80 : i32
    %mul3A_859 = arith.muli %add3A_857, %mul3A_858 : i32
    %jit3A_860 = arith.constant 128 : i32
    %div3A_861 = arith.divsi %mul3A_859, %jit3A_860 : i32
    %sign3A_862 = arith.constant 0 : i32
    %sign3A_863 = arith.cmpi sgt, %mul3A_859, %sign3A_862 : i32
    %sign3A_864 = arith.extui %sign3A_863 : i1 to i32
    %sign3A_865 = arith.constant 0 : i32
    %sign3A_866 = arith.cmpi slt, %mul3A_859, %sign3A_865 : i32
    %sign3A_867 = arith.extui %sign3A_866 : i1 to i32
    %sign3A_868 = arith.subi %sign3A_864, %sign3A_867 : i32
    %sign3A_869 = arith.constant 0 : i32
    %sign3A_870 = arith.cmpi sgt, %jit3A_860, %sign3A_869 : i32
    %sign3A_871 = arith.extui %sign3A_870 : i1 to i32
    %sign3A_872 = arith.constant 0 : i32
    %sign3A_873 = arith.cmpi slt, %jit3A_860, %sign3A_872 : i32
    %sign3A_874 = arith.extui %sign3A_873 : i1 to i32
    %sign3A_875 = arith.subi %sign3A_871, %sign3A_874 : i32
    %ne3A_876 = arith.cmpi ne, %sign3A_868, %sign3A_875 : i32
    %rem3A_877 = arith.remsi %mul3A_859, %jit3A_860 : i32
    %ne3A_878 = arith.constant 0 : i32
    %ne3A_879 = arith.cmpi ne, %rem3A_877, %ne3A_878 : i32
    %and3A_880 = arith.andi %ne3A_876, %ne3A_879 : i1
    %sub3A_881 = arith.constant 1 : i32
    %sub3A_882 = arith.subi %div3A_861, %sub3A_881 : i32
    %select_n3A_883 = arith.select %and3A_880, %sub3A_882, %div3A_861 : i32
    %mul3A_884 = arith.constant 128 : i32
    %mul3A_885 = arith.muli %select_n3A_883, %mul3A_884 : i32
    %min3A_886 = arith.constant 319744 : i32
    %min3A_887 = arith.minsi %mul3A_885, %min3A_886 : i32
    %dma_start3A_888 = arith.constant 0 : i32
    %dma_start3A_889 = tpu.memref_slice %arg3[%dma_start3A_888, %min3A_887] : memref<2x320000xi32, #tpu.memory_space<hbm>> -> memref<2x256xi32, #tpu.memory_space<hbm>>
    %dma_start3A_890 = arith.constant 0 : i32
    %dma_start3A_891 = tpu.memref_slice %arg3[%dma_start3A_890, %min3A_887] : memref<2x320000xi32, #tpu.memory_space<hbm>> -> memref<2x256xi32, #tpu.memory_space<hbm>>
    tpu.enqueue_dma source(%dma_start3A_891 : memref<2x256xi32, #tpu.memory_space<hbm>>) target(%arg10 : memref<2x256xi32, #tpu.memory_space<vmem>>) target_semaphore(%arg25 : memref<!tpu.dma_semaphore, #tpu.memory_space<semaphore_mem>>)
    %dma_start3A_892 = arith.constant 0 : i32
    %dma_start3A_893 = arith.constant 0 : i32
    %dma_start3A_894 = tpu.memref_slice %arg4[%dma_start3A_892, %dma_start3A_893] : memref<16384x128xf32, #tpu.memory_space<hbm>> -> memref<16384x128xf32, #tpu.memory_space<hbm>>
    tpu.enqueue_indirect_dma source(%dma_start3A_894 : memref<16384x128xf32, #tpu.memory_space<hbm>>) target(%arg20 : memref<80x128xf32, #tpu.memory_space<vmem>>) offsets(%arg15 : memref<80xi32, #tpu.memory_space<vmem>>) semaphore(%arg30 : memref<!tpu.dma_semaphore, #tpu.memory_space<semaphore_mem>>)
    %dma_wait3A_895 = arith.constant 0 : i32
    %dma_wait3A_896 = arith.constant 0 : i32
    %dma_wait3A_897 = tpu.memref_slice %arg3[%dma_wait3A_895, %dma_wait3A_896] : memref<2x320000xi32, #tpu.memory_space<hbm>> -> memref<2x256xi32, #tpu.memory_space<hbm>>
    %dma_wait3A_898 = arith.constant 0 : i32
    %dma_wait3A_899 = arith.constant 0 : i32
    %dma_wait3A_900 = tpu.memref_slice %arg3[%dma_wait3A_898, %dma_wait3A_899] : memref<2x320000xi32, #tpu.memory_space<hbm>> -> memref<2x256xi32, #tpu.memory_space<hbm>>
    tpu.wait_dma2 semaphore(%arg26 : memref<!tpu.dma_semaphore, #tpu.memory_space<semaphore_mem>>) src(%dma_wait3A_900 : memref<2x256xi32, #tpu.memory_space<hbm>>) dst(%arg11 : memref<2x256xi32, #tpu.memory_space<vmem>>)
    %add3A_901 = arith.constant 128 : i32
    %add3A_902 = arith.addi %add3A, %add3A_901 : i32
    %mul3A_903 = arith.constant 80 : i32
    %mul3A_904 = arith.muli %add3A_902, %mul3A_903 : i32
    %add3A_905 = arith.constant 128 : i32
    %add3A_906 = arith.addi %add3A, %add3A_905 : i32
    %mul3A_907 = arith.constant 80 : i32
    %mul3A_908 = arith.muli %add3A_906, %mul3A_907 : i32
    %jit3A_909 = arith.constant 128 : i32
    %div3A_910 = arith.divsi %mul3A_908, %jit3A_909 : i32
    %sign3A_911 = arith.constant 0 : i32
    %sign3A_912 = arith.cmpi sgt, %mul3A_908, %sign3A_911 : i32
    %sign3A_913 = arith.extui %sign3A_912 : i1 to i32
    %sign3A_914 = arith.constant 0 : i32
    %sign3A_915 = arith.cmpi slt, %mul3A_908, %sign3A_914 : i32
    %sign3A_916 = arith.extui %sign3A_915 : i1 to i32
    %sign3A_917 = arith.subi %sign3A_913, %sign3A_916 : i32
    %sign3A_918 = arith.constant 0 : i32
    %sign3A_919 = arith.cmpi sgt, %jit3A_909, %sign3A_918 : i32
    %sign3A_920 = arith.extui %sign3A_919 : i1 to i32
    %sign3A_921 = arith.constant 0 : i32
    %sign3A_922 = arith.cmpi slt, %jit3A_909, %sign3A_921 : i32
    %sign3A_923 = arith.extui %sign3A_922 : i1 to i32
    %sign3A_924 = arith.subi %sign3A_920, %sign3A_923 : i32
    %ne3A_925 = arith.cmpi ne, %sign3A_917, %sign3A_924 : i32
    %rem3A_926 = arith.remsi %mul3A_908, %jit3A_909 : i32
    %ne3A_927 = arith.constant 0 : i32
    %ne3A_928 = arith.cmpi ne, %rem3A_926, %ne3A_927 : i32
    %and3A_929 = arith.andi %ne3A_925, %ne3A_928 : i1
    %sub3A_930 = arith.constant 1 : i32
    %sub3A_931 = arith.subi %div3A_910, %sub3A_930 : i32
    %select_n3A_932 = arith.select %and3A_929, %sub3A_931, %div3A_910 : i32
    %mul3A_933 = arith.constant 128 : i32
    %mul3A_934 = arith.muli %select_n3A_932, %mul3A_933 : i32
    %min3A_935 = arith.constant 319744 : i32
    %min3A_936 = arith.minsi %mul3A_934, %min3A_935 : i32
    %sub3A_937 = arith.subi %mul3A_904, %min3A_936 : i32
    %add3A_938 = arith.constant 0 : i32
    %add3A_939 = arith.addi %sub3A_937, %add3A_938 : i32
    %get3A_940 = arith.constant 0 : i32
    %get3A_941 = arith.index_cast %get3A_940 : i32 to index
    %get3A_942 = arith.index_cast %add3A_939 : i32 to index
    %get3A_943 = tpu.vector_load %arg11[%get3A_941, %get3A_942] {strides = array<i32>} : memref<2x256xi32, #tpu.memory_space<vmem>>, vector<16xi32>,
    %gather3A_944 = tpu.vector_load_idx %arg6[%get3A_943] : memref<10000xi32, #tpu.memory_space<vmem>>[vector<16xi32>], vector<16xi32>,
    %add3A_945 = arith.constant 0 : i32
    %add3A_946 = arith.addi %sub3A_937, %add3A_945 : i32
    %get3A_947 = arith.constant 1 : i32
    %get3A_948 = arith.index_cast %get3A_947 : i32 to index
    %get3A_949 = arith.index_cast %add3A_946 : i32 to index
    %get3A_950 = tpu.vector_load %arg11[%get3A_948, %get3A_949] {strides = array<i32>} : memref<2x256xi32, #tpu.memory_space<vmem>>, vector<16xi32>,
    %gather3A_951 = tpu.vector_load_idx %arg6[%get3A_950] : memref<10000xi32, #tpu.memory_space<vmem>>[vector<16xi32>], vector<16xi32>,
    %mul3A_952 = arith.constant 128 : i32
    %mul3A_953 = vector.broadcast %mul3A_952 : i32 to vector<16xi32>
    %mul3A_954 = arith.muli %gather3A_944, %mul3A_953 : vector<16xi32>
    %add3A_955 = arith.addi %mul3A_954, %gather3A_951 : vector<16xi32>
    %swap3A_956 = arith.constant 0 : index
    %swap3A_957 = tpu.vector_load %arg16[%swap3A_956] {strides = array<i32>} : memref<80xi32, #tpu.memory_space<vmem>>, vector<16xi32>,
    tpu.vector_store %arg16[%swap3A_956], %add3A_955 {strides = array<i32>} : memref<80xi32, #tpu.memory_space<vmem>>, vector<16xi32>,
    %add3A_958 = arith.constant 16 : i32
    %add3A_959 = arith.addi %sub3A_937, %add3A_958 : i32
    %get3A_960 = arith.constant 0 : i32
    %get3A_961 = arith.index_cast %get3A_960 : i32 to index
    %get3A_962 = arith.index_cast %add3A_959 : i32 to index
    %get3A_963 = tpu.vector_load %arg11[%get3A_961, %get3A_962] {strides = array<i32>} : memref<2x256xi32, #tpu.memory_space<vmem>>, vector<16xi32>,
    %gather3A_964 = tpu.vector_load_idx %arg6[%get3A_963] : memref<10000xi32, #tpu.memory_space<vmem>>[vector<16xi32>], vector<16xi32>,
    %add3A_965 = arith.constant 16 : i32
    %add3A_966 = arith.addi %sub3A_937, %add3A_965 : i32
    %get3A_967 = arith.constant 1 : i32
    %get3A_968 = arith.index_cast %get3A_967 : i32 to index
    %get3A_969 = arith.index_cast %add3A_966 : i32 to index
    %get3A_970 = tpu.vector_load %arg11[%get3A_968, %get3A_969] {strides = array<i32>} : memref<2x256xi32, #tpu.memory_space<vmem>>, vector<16xi32>,
    %gather3A_971 = tpu.vector_load_idx %arg6[%get3A_970] : memref<10000xi32, #tpu.memory_space<vmem>>[vector<16xi32>], vector<16xi32>,
    %mul3A_972 = arith.constant 128 : i32
    %mul3A_973 = vector.broadcast %mul3A_972 : i32 to vector<16xi32>
    %mul3A_974 = arith.muli %gather3A_964, %mul3A_973 : vector<16xi32>
    %add3A_975 = arith.addi %mul3A_974, %gather3A_971 : vector<16xi32>
    %swap3A_976 = arith.constant 16 : index
    %swap3A_977 = tpu.vector_load %arg16[%swap3A_976] {strides = array<i32>} : memref<80xi32, #tpu.memory_space<vmem>>, vector<16xi32>,
    tpu.vector_store %arg16[%swap3A_976], %add3A_975 {strides = array<i32>} : memref<80xi32, #tpu.memory_space<vmem>>, vector<16xi32>,
    %add3A_978 = arith.constant 32 : i32
    %add3A_979 = arith.addi %sub3A_937, %add3A_978 : i32
    %get3A_980 = arith.constant 0 : i32
    %get3A_981 = arith.index_cast %get3A_980 : i32 to index
    %get3A_982 = arith.index_cast %add3A_979 : i32 to index
    %get3A_983 = tpu.vector_load %arg11[%get3A_981, %get3A_982] {strides = array<i32>} : memref<2x256xi32, #tpu.memory_space<vmem>>, vector<16xi32>,
    %gather3A_984 = tpu.vector_load_idx %arg6[%get3A_983] : memref<10000xi32, #tpu.memory_space<vmem>>[vector<16xi32>], vector<16xi32>,
    %add3A_985 = arith.constant 32 : i32
    %add3A_986 = arith.addi %sub3A_937, %add3A_985 : i32
    %get3A_987 = arith.constant 1 : i32
    %get3A_988 = arith.index_cast %get3A_987 : i32 to index
    %get3A_989 = arith.index_cast %add3A_986 : i32 to index
    %get3A_990 = tpu.vector_load %arg11[%get3A_988, %get3A_989] {strides = array<i32>} : memref<2x256xi32, #tpu.memory_space<vmem>>, vector<16xi32>,
    %gather3A_991 = tpu.vector_load_idx %arg6[%get3A_990] : memref<10000xi32, #tpu.memory_space<vmem>>[vector<16xi32>], vector<16xi32>,
    %mul3A_992 = arith.constant 128 : i32
    %mul3A_993 = vector.broadcast %mul3A_992 : i32 to vector<16xi32>
    %mul3A_994 = arith.muli %gather3A_984, %mul3A_993 : vector<16xi32>
    %add3A_995 = arith.addi %mul3A_994, %gather3A_991 : vector<16xi32>
    %swap3A_996 = arith.constant 32 : index
    %swap3A_997 = tpu.vector_load %arg16[%swap3A_996] {strides = array<i32>} : memref<80xi32, #tpu.memory_space<vmem>>, vector<16xi32>,
    tpu.vector_store %arg16[%swap3A_996], %add3A_995 {strides = array<i32>} : memref<80xi32, #tpu.memory_space<vmem>>, vector<16xi32>,
    %add3A_998 = arith.constant 48 : i32
    %add3A_999 = arith.addi %sub3A_937, %add3A_998 : i32
    %get3A_1000 = arith.constant 0 : i32
    %get3A_1001 = arith.index_cast %get3A_1000 : i32 to index
    %get3A_1002 = arith.index_cast %add3A_999 : i32 to index
    %get3A_1003 = tpu.vector_load %arg11[%get3A_1001, %get3A_1002] {strides = array<i32>} : memref<2x256xi32, #tpu.memory_space<vmem>>, vector<16xi32>,
    %gather3A_1004 = tpu.vector_load_idx %arg6[%get3A_1003] : memref<10000xi32, #tpu.memory_space<vmem>>[vector<16xi32>], vector<16xi32>,
    %add3A_1005 = arith.constant 48 : i32
    %add3A_1006 = arith.addi %sub3A_937, %add3A_1005 : i32
    %get3A_1007 = arith.constant 1 : i32
    %get3A_1008 = arith.index_cast %get3A_1007 : i32 to index
    %get3A_1009 = arith.index_cast %add3A_1006 : i32 to index
    %get3A_1010 = tpu.vector_load %arg11[%get3A_1008, %get3A_1009] {strides = array<i32>} : memref<2x256xi32, #tpu.memory_space<vmem>>, vector<16xi32>,
    %gather3A_1011 = tpu.vector_load_idx %arg6[%get3A_1010] : memref<10000xi32, #tpu.memory_space<vmem>>[vector<16xi32>], vector<16xi32>,
    %mul3A_1012 = arith.constant 128 : i32
    %mul3A_1013 = vector.broadcast %mul3A_1012 : i32 to vector<16xi32>
    %mul3A_1014 = arith.muli %gather3A_1004, %mul3A_1013 : vector<16xi32>
    %add3A_1015 = arith.addi %mul3A_1014, %gather3A_1011 : vector<16xi32>
    %swap3A_1016 = arith.constant 48 : index
    %swap3A_1017 = tpu.vector_load %arg16[%swap3A_1016] {strides = array<i32>} : memref<80xi32, #tpu.memory_space<vmem>>, vector<16xi32>,
    tpu.vector_store %arg16[%swap3A_1016], %add3A_1015 {strides = array<i32>} : memref<80xi32, #tpu.memory_space<vmem>>, vector<16xi32>,
    %add3A_1018 = arith.constant 64 : i32
    %add3A_1019 = arith.addi %sub3A_937, %add3A_1018 : i32
    %get3A_1020 = arith.constant 0 : i32
    %get3A_1021 = arith.index_cast %get3A_1020 : i32 to index
    %get3A_1022 = arith.index_cast %add3A_1019 : i32 to index
    %get3A_1023 = tpu.vector_load %arg11[%get3A_1021, %get3A_1022] {strides = array<i32>} : memref<2x256xi32, #tpu.memory_space<vmem>>, vector<16xi32>,
    %gather3A_1024 = tpu.vector_load_idx %arg6[%get3A_1023] : memref<10000xi32, #tpu.memory_space<vmem>>[vector<16xi32>], vector<16xi32>,
    %add3A_1025 = arith.constant 64 : i32
    %add3A_1026 = arith.addi %sub3A_937, %add3A_1025 : i32
    %get3A_1027 = arith.constant 1 : i32
    %get3A_1028 = arith.index_cast %get3A_1027 : i32 to index
    %get3A_1029 = arith.index_cast %add3A_1026 : i32 to index
    %get3A_1030 = tpu.vector_load %arg11[%get3A_1028, %get3A_1029] {strides = array<i32>} : memref<2x256xi32, #tpu.memory_space<vmem>>, vector<16xi32>,
    %gather3A_1031 = tpu.vector_load_idx %arg6[%get3A_1030] : memref<10000xi32, #tpu.memory_space<vmem>>[vector<16xi32>], vector<16xi32>,
    %mul3A_1032 = arith.constant 128 : i32
    %mul3A_1033 = vector.broadcast %mul3A_1032 : i32 to vector<16xi32>
    %mul3A_1034 = arith.muli %gather3A_1024, %mul3A_1033 : vector<16xi32>
    %add3A_1035 = arith.addi %mul3A_1034, %gather3A_1031 : vector<16xi32>
    %swap3A_1036 = arith.constant 64 : index
    %swap3A_1037 = tpu.vector_load %arg16[%swap3A_1036] {strides = array<i32>} : memref<80xi32, #tpu.memory_space<vmem>>, vector<16xi32>,
    tpu.vector_store %arg16[%swap3A_1036], %add3A_1035 {strides = array<i32>} : memref<80xi32, #tpu.memory_space<vmem>>, vector<16xi32>,
    %add3A_1038 = arith.constant 288 : i32
    %add3A_1039 = arith.addi %add3A, %add3A_1038 : i32
    %mul3A_1040 = arith.constant 80 : i32
    %mul3A_1041 = arith.muli %add3A_1039, %mul3A_1040 : i32
    %jit3A_1042 = arith.constant 128 : i32
    %div3A_1043 = arith.divsi %mul3A_1041, %jit3A_1042 : i32
    %sign3A_1044 = arith.constant 0 : i32
    %sign3A_1045 = arith.cmpi sgt, %mul3A_1041, %sign3A_1044 : i32
    %sign3A_1046 = arith.extui %sign3A_1045 : i1 to i32
    %sign3A_1047 = arith.constant 0 : i32
    %sign3A_1048 = arith.cmpi slt, %mul3A_1041, %sign3A_1047 : i32
    %sign3A_1049 = arith.extui %sign3A_1048 : i1 to i32
    %sign3A_1050 = arith.subi %sign3A_1046, %sign3A_1049 : i32
    %sign3A_1051 = arith.constant 0 : i32
    %sign3A_1052 = arith.cmpi sgt, %jit3A_1042, %sign3A_1051 : i32
    %sign3A_1053 = arith.extui %sign3A_1052 : i1 to i32
    %sign3A_1054 = arith.constant 0 : i32
    %sign3A_1055 = arith.cmpi slt, %jit3A_1042, %sign3A_1054 : i32
    %sign3A_1056 = arith.extui %sign3A_1055 : i1 to i32
    %sign3A_1057 = arith.subi %sign3A_1053, %sign3A_1056 : i32
    %ne3A_1058 = arith.cmpi ne, %sign3A_1050, %sign3A_1057 : i32
    %rem3A_1059 = arith.remsi %mul3A_1041, %jit3A_1042 : i32
    %ne3A_1060 = arith.constant 0 : i32
    %ne3A_1061 = arith.cmpi ne, %rem3A_1059, %ne3A_1060 : i32
    %and3A_1062 = arith.andi %ne3A_1058, %ne3A_1061 : i1
    %sub3A_1063 = arith.constant 1 : i32
    %sub3A_1064 = arith.subi %div3A_1043, %sub3A_1063 : i32
    %select_n3A_1065 = arith.select %and3A_1062, %sub3A_1064, %div3A_1043 : i32
    %mul3A_1066 = arith.constant 128 : i32
    %mul3A_1067 = arith.muli %select_n3A_1065, %mul3A_1066 : i32
    %min3A_1068 = arith.constant 319744 : i32
    %min3A_1069 = arith.minsi %mul3A_1067, %min3A_1068 : i32
    %dma_start3A_1070 = arith.constant 0 : i32
    %dma_start3A_1071 = tpu.memref_slice %arg3[%dma_start3A_1070, %min3A_1069] : memref<2x320000xi32, #tpu.memory_space<hbm>> -> memref<2x256xi32, #tpu.memory_space<hbm>>
    %dma_start3A_1072 = arith.constant 0 : i32
    %dma_start3A_1073 = tpu.memref_slice %arg3[%dma_start3A_1072, %min3A_1069] : memref<2x320000xi32, #tpu.memory_space<hbm>> -> memref<2x256xi32, #tpu.memory_space<hbm>>
    tpu.enqueue_dma source(%dma_start3A_1073 : memref<2x256xi32, #tpu.memory_space<hbm>>) target(%arg11 : memref<2x256xi32, #tpu.memory_space<vmem>>) target_semaphore(%arg26 : memref<!tpu.dma_semaphore, #tpu.memory_space<semaphore_mem>>)
    %dma_start3A_1074 = arith.constant 0 : i32
    %dma_start3A_1075 = arith.constant 0 : i32
    %dma_start3A_1076 = tpu.memref_slice %arg4[%dma_start3A_1074, %dma_start3A_1075] : memref<16384x128xf32, #tpu.memory_space<hbm>> -> memref<16384x128xf32, #tpu.memory_space<hbm>>
    tpu.enqueue_indirect_dma source(%dma_start3A_1076 : memref<16384x128xf32, #tpu.memory_space<hbm>>) target(%arg21 : memref<80x128xf32, #tpu.memory_space<vmem>>) offsets(%arg16 : memref<80xi32, #tpu.memory_space<vmem>>) semaphore(%arg31 : memref<!tpu.dma_semaphore, #tpu.memory_space<semaphore_mem>>)
    %scan3A = arith.constant 0 : i32
    %scan3A_1077 = arith.constant 0 : i32
    %scan3A_1078 = arith.constant 23 : i32
    %scan3A_1079 = arith.addi %scan3A_1077, %scan3A_1078 : i32
    %scan3A_1080 = arith.constant 1 : i32
    scf.for %scan3A_1982 = %scan3A_1077 to %scan3A_1079 step %scan3A_1080  : i32 {
      %mul3A_1983 = arith.constant 5 : i32
      %mul3A_1984 = arith.muli %mul3A_1983, %scan3A_1982 : i32
      %add3A_1985 = arith.constant 0 : i32
      %add3A_1986 = arith.addi %mul3A_1984, %add3A_1985 : i32
      %dma_wait3A_1987 = arith.constant 0 : i32
      %dma_wait3A_1988 = arith.constant 0 : i32
      %dma_wait3A_1989 = tpu.memref_slice %arg4[%dma_wait3A_1987, %dma_wait3A_1988] : memref<16384x128xf32, #tpu.memory_space<hbm>> -> memref<16384x128xf32, #tpu.memory_space<hbm>>
      tpu.wait_indirect_dma semaphore(%arg27 : memref<!tpu.dma_semaphore, #tpu.memory_space<semaphore_mem>>) src(%dma_wait3A_1989 : memref<16384x128xf32, #tpu.memory_space<hbm>>) dst(%arg17 : memref<80x128xf32, #tpu.memory_space<vmem>>)
      %mul3A_1990 = arith.constant 32 : i32
      %mul3A_1991 = arith.muli %add3A_1986, %mul3A_1990 : i32
      %add3A_1992 = arith.addi %add3A, %mul3A_1991 : i32
      %mul3A_1993 = arith.constant 80 : i32
      %mul3A_1994 = arith.muli %add3A_1992, %mul3A_1993 : i32
      %dma_start3A_1995 = arith.constant 0 : i32
      %dma_start3A_1996 = tpu.memref_slice %arg5[%mul3A_1994, %dma_start3A_1995] : memref<320000x128xf32, #tpu.memory_space<hbm>> -> memref<80x128xf32, #tpu.memory_space<hbm>>
      %dma_start3A_1997 = arith.constant 0 : i32
      %dma_start3A_1998 = tpu.memref_slice %arg5[%mul3A_1994, %dma_start3A_1997] : memref<320000x128xf32, #tpu.memory_space<hbm>> -> memref<80x128xf32, #tpu.memory_space<hbm>>
      tpu.enqueue_dma source(%arg17 : memref<80x128xf32, #tpu.memory_space<vmem>>) target(%dma_start3A_1998 : memref<80x128xf32, #tpu.memory_space<hbm>>) target_semaphore(%arg32 : memref<!tpu.dma_semaphore, #tpu.memory_space<semaphore_mem>>)
      %add3A_1999 = arith.constant 0 : i32
      %add3A_2000 = arith.addi %mul3A_1984, %add3A_1999 : i32
      %add3A_2001 = arith.constant 5 : i32
      %add3A_2002 = arith.addi %add3A_2000, %add3A_2001 : i32
      %dma_wait3A_2003 = arith.constant 0 : i32
      %dma_wait3A_2004 = arith.constant 0 : i32
      %dma_wait3A_2005 = tpu.memref_slice %arg3[%dma_wait3A_2003, %dma_wait3A_2004] : memref<2x320000xi32, #tpu.memory_space<hbm>> -> memref<2x256xi32, #tpu.memory_space<hbm>>
      %dma_wait3A_2006 = arith.constant 0 : i32
      %dma_wait3A_2007 = arith.constant 0 : i32
      %dma_wait3A_2008 = tpu.memref_slice %arg3[%dma_wait3A_2006, %dma_wait3A_2007] : memref<2x320000xi32, #tpu.memory_space<hbm>> -> memref<2x256xi32, #tpu.memory_space<hbm>>
      tpu.wait_dma2 semaphore(%arg22 : memref<!tpu.dma_semaphore, #tpu.memory_space<semaphore_mem>>) src(%dma_wait3A_2008 : memref<2x256xi32, #tpu.memory_space<hbm>>) dst(%arg7 : memref<2x256xi32, #tpu.memory_space<vmem>>)
      %mul3A_2009 = arith.constant 32 : i32
      %mul3A_2010 = arith.muli %add3A_2002, %mul3A_2009 : i32
      %add3A_2011 = arith.addi %add3A, %mul3A_2010 : i32
      %mul3A_2012 = arith.constant 80 : i32
      %mul3A_2013 = arith.muli %add3A_2011, %mul3A_2012 : i32
      %mul3A_2014 = arith.constant 32 : i32
      %mul3A_2015 = arith.muli %add3A_2002, %mul3A_2014 : i32
      %add3A_2016 = arith.addi %add3A, %mul3A_2015 : i32
      %mul3A_2017 = arith.constant 80 : i32
      %mul3A_2018 = arith.muli %add3A_2016, %mul3A_2017 : i32
      %jit3A_2019 = arith.constant 128 : i32
      %div3A_2020 = arith.divsi %mul3A_2018, %jit3A_2019 : i32
      %sign3A_2021 = arith.constant 0 : i32
      %sign3A_2022 = arith.cmpi sgt, %mul3A_2018, %sign3A_2021 : i32
      %sign3A_2023 = arith.extui %sign3A_2022 : i1 to i32
      %sign3A_2024 = arith.constant 0 : i32
      %sign3A_2025 = arith.cmpi slt, %mul3A_2018, %sign3A_2024 : i32
      %sign3A_2026 = arith.extui %sign3A_2025 : i1 to i32
      %sign3A_2027 = arith.subi %sign3A_2023, %sign3A_2026 : i32
      %sign3A_2028 = arith.constant 0 : i32
      %sign3A_2029 = arith.cmpi sgt, %jit3A_2019, %sign3A_2028 : i32
      %sign3A_2030 = arith.extui %sign3A_2029 : i1 to i32
      %sign3A_2031 = arith.constant 0 : i32
      %sign3A_2032 = arith.cmpi slt, %jit3A_2019, %sign3A_2031 : i32
      %sign3A_2033 = arith.extui %sign3A_2032 : i1 to i32
      %sign3A_2034 = arith.subi %sign3A_2030, %sign3A_2033 : i32
      %ne3A_2035 = arith.cmpi ne, %sign3A_2027, %sign3A_2034 : i32
      %rem3A_2036 = arith.remsi %mul3A_2018, %jit3A_2019 : i32
      %ne3A_2037 = arith.constant 0 : i32
      %ne3A_2038 = arith.cmpi ne, %rem3A_2036, %ne3A_2037 : i32
      %and3A_2039 = arith.andi %ne3A_2035, %ne3A_2038 : i1
      %sub3A_2040 = arith.constant 1 : i32
      %sub3A_2041 = arith.subi %div3A_2020, %sub3A_2040 : i32
      %select_n3A_2042 = arith.select %and3A_2039, %sub3A_2041, %div3A_2020 : i32
      %mul3A_2043 = arith.constant 128 : i32
      %mul3A_2044 = arith.muli %select_n3A_2042, %mul3A_2043 : i32
      %min3A_2045 = arith.constant 319744 : i32
      %min3A_2046 = arith.minsi %mul3A_2044, %min3A_2045 : i32
      %sub3A_2047 = arith.subi %mul3A_2013, %min3A_2046 : i32
      %add3A_2048 = arith.constant 0 : i32
      %add3A_2049 = arith.addi %sub3A_2047, %add3A_2048 : i32
      %get3A_2050 = arith.constant 0 : i32
      %get3A_2051 = arith.index_cast %get3A_2050 : i32 to index
      %get3A_2052 = arith.index_cast %add3A_2049 : i32 to index
      %get3A_2053 = tpu.vector_load %arg7[%get3A_2051, %get3A_2052] {strides = array<i32>} : memref<2x256xi32, #tpu.memory_space<vmem>>, vector<16xi32>,
      %gather3A_2054 = tpu.vector_load_idx %arg6[%get3A_2053] : memref<10000xi32, #tpu.memory_space<vmem>>[vector<16xi32>], vector<16xi32>,
      %add3A_2055 = arith.constant 0 : i32
      %add3A_2056 = arith.addi %sub3A_2047, %add3A_2055 : i32
      %get3A_2057 = arith.constant 1 : i32
      %get3A_2058 = arith.index_cast %get3A_2057 : i32 to index
      %get3A_2059 = arith.index_cast %add3A_2056 : i32 to index
      %get3A_2060 = tpu.vector_load %arg7[%get3A_2058, %get3A_2059] {strides = array<i32>} : memref<2x256xi32, #tpu.memory_space<vmem>>, vector<16xi32>,
      %gather3A_2061 = tpu.vector_load_idx %arg6[%get3A_2060] : memref<10000xi32, #tpu.memory_space<vmem>>[vector<16xi32>], vector<16xi32>,
      %mul3A_2062 = arith.constant 128 : i32
      %mul3A_2063 = vector.broadcast %mul3A_2062 : i32 to vector<16xi32>
      %mul3A_2064 = arith.muli %gather3A_2054, %mul3A_2063 : vector<16xi32>
      %add3A_2065 = arith.addi %mul3A_2064, %gather3A_2061 : vector<16xi32>
      %swap3A_2066 = arith.constant 0 : index
      %swap3A_2067 = tpu.vector_load %arg12[%swap3A_2066] {strides = array<i32>} : memref<80xi32, #tpu.memory_space<vmem>>, vector<16xi32>,
      tpu.vector_store %arg12[%swap3A_2066], %add3A_2065 {strides = array<i32>} : memref<80xi32, #tpu.memory_space<vmem>>, vector<16xi32>,
      %add3A_2068 = arith.constant 16 : i32
      %add3A_2069 = arith.addi %sub3A_2047, %add3A_2068 : i32
      %get3A_2070 = arith.constant 0 : i32
      %get3A_2071 = arith.index_cast %get3A_2070 : i32 to index
      %get3A_2072 = arith.index_cast %add3A_2069 : i32 to index
      %get3A_2073 = tpu.vector_load %arg7[%get3A_2071, %get3A_2072] {strides = array<i32>} : memref<2x256xi32, #tpu.memory_space<vmem>>, vector<16xi32>,
      %gather3A_2074 = tpu.vector_load_idx %arg6[%get3A_2073] : memref<10000xi32, #tpu.memory_space<vmem>>[vector<16xi32>], vector<16xi32>,
      %add3A_2075 = arith.constant 16 : i32
      %add3A_2076 = arith.addi %sub3A_2047, %add3A_2075 : i32
      %get3A_2077 = arith.constant 1 : i32
      %get3A_2078 = arith.index_cast %get3A_2077 : i32 to index
      %get3A_2079 = arith.index_cast %add3A_2076 : i32 to index
      %get3A_2080 = tpu.vector_load %arg7[%get3A_2078, %get3A_2079] {strides = array<i32>} : memref<2x256xi32, #tpu.memory_space<vmem>>, vector<16xi32>,
      %gather3A_2081 = tpu.vector_load_idx %arg6[%get3A_2080] : memref<10000xi32, #tpu.memory_space<vmem>>[vector<16xi32>], vector<16xi32>,
      %mul3A_2082 = arith.constant 128 : i32
      %mul3A_2083 = vector.broadcast %mul3A_2082 : i32 to vector<16xi32>
      %mul3A_2084 = arith.muli %gather3A_2074, %mul3A_2083 : vector<16xi32>
      %add3A_2085 = arith.addi %mul3A_2084, %gather3A_2081 : vector<16xi32>
      %swap3A_2086 = arith.constant 16 : index
      %swap3A_2087 = tpu.vector_load %arg12[%swap3A_2086] {strides = array<i32>} : memref<80xi32, #tpu.memory_space<vmem>>, vector<16xi32>,
      tpu.vector_store %arg12[%swap3A_2086], %add3A_2085 {strides = array<i32>} : memref<80xi32, #tpu.memory_space<vmem>>, vector<16xi32>,
      %add3A_2088 = arith.constant 32 : i32
      %add3A_2089 = arith.addi %sub3A_2047, %add3A_2088 : i32
      %get3A_2090 = arith.constant 0 : i32
      %get3A_2091 = arith.index_cast %get3A_2090 : i32 to index
      %get3A_2092 = arith.index_cast %add3A_2089 : i32 to index
      %get3A_2093 = tpu.vector_load %arg7[%get3A_2091, %get3A_2092] {strides = array<i32>} : memref<2x256xi32, #tpu.memory_space<vmem>>, vector<16xi32>,
      %gather3A_2094 = tpu.vector_load_idx %arg6[%get3A_2093] : memref<10000xi32, #tpu.memory_space<vmem>>[vector<16xi32>], vector<16xi32>,
      %add3A_2095 = arith.constant 32 : i32
      %add3A_2096 = arith.addi %sub3A_2047, %add3A_2095 : i32
      %get3A_2097 = arith.constant 1 : i32
      %get3A_2098 = arith.index_cast %get3A_2097 : i32 to index
      %get3A_2099 = arith.index_cast %add3A_2096 : i32 to index
      %get3A_2100 = tpu.vector_load %arg7[%get3A_2098, %get3A_2099] {strides = array<i32>} : memref<2x256xi32, #tpu.memory_space<vmem>>, vector<16xi32>,
      %gather3A_2101 = tpu.vector_load_idx %arg6[%get3A_2100] : memref<10000xi32, #tpu.memory_space<vmem>>[vector<16xi32>], vector<16xi32>,
      %mul3A_2102 = arith.constant 128 : i32
      %mul3A_2103 = vector.broadcast %mul3A_2102 : i32 to vector<16xi32>
      %mul3A_2104 = arith.muli %gather3A_2094, %mul3A_2103 : vector<16xi32>
      %add3A_2105 = arith.addi %mul3A_2104, %gather3A_2101 : vector<16xi32>
      %swap3A_2106 = arith.constant 32 : index
      %swap3A_2107 = tpu.vector_load %arg12[%swap3A_2106] {strides = array<i32>} : memref<80xi32, #tpu.memory_space<vmem>>, vector<16xi32>,
      tpu.vector_store %arg12[%swap3A_2106], %add3A_2105 {strides = array<i32>} : memref<80xi32, #tpu.memory_space<vmem>>, vector<16xi32>,
      %add3A_2108 = arith.constant 48 : i32
      %add3A_2109 = arith.addi %sub3A_2047, %add3A_2108 : i32
      %get3A_2110 = arith.constant 0 : i32
      %get3A_2111 = arith.index_cast %get3A_2110 : i32 to index
      %get3A_2112 = arith.index_cast %add3A_2109 : i32 to index
      %get3A_2113 = tpu.vector_load %arg7[%get3A_2111, %get3A_2112] {strides = array<i32>} : memref<2x256xi32, #tpu.memory_space<vmem>>, vector<16xi32>,
      %gather3A_2114 = tpu.vector_load_idx %arg6[%get3A_2113] : memref<10000xi32, #tpu.memory_space<vmem>>[vector<16xi32>], vector<16xi32>,
      %add3A_2115 = arith.constant 48 : i32
      %add3A_2116 = arith.addi %sub3A_2047, %add3A_2115 : i32
      %get3A_2117 = arith.constant 1 : i32
      %get3A_2118 = arith.index_cast %get3A_2117 : i32 to index
      %get3A_2119 = arith.index_cast %add3A_2116 : i32 to index
      %get3A_2120 = tpu.vector_load %arg7[%get3A_2118, %get3A_2119] {strides = array<i32>} : memref<2x256xi32, #tpu.memory_space<vmem>>, vector<16xi32>,
      %gather3A_2121 = tpu.vector_load_idx %arg6[%get3A_2120] : memref<10000xi32, #tpu.memory_space<vmem>>[vector<16xi32>], vector<16xi32>,
      %mul3A_2122 = arith.constant 128 : i32
      %mul3A_2123 = vector.broadcast %mul3A_2122 : i32 to vector<16xi32>
      %mul3A_2124 = arith.muli %gather3A_2114, %mul3A_2123 : vector<16xi32>
      %add3A_2125 = arith.addi %mul3A_2124, %gather3A_2121 : vector<16xi32>
      %swap3A_2126 = arith.constant 48 : index
      %swap3A_2127 = tpu.vector_load %arg12[%swap3A_2126] {strides = array<i32>} : memref<80xi32, #tpu.memory_space<vmem>>, vector<16xi32>,
      tpu.vector_store %arg12[%swap3A_2126], %add3A_2125 {strides = array<i32>} : memref<80xi32, #tpu.memory_space<vmem>>, vector<16xi32>,
      %add3A_2128 = arith.constant 64 : i32
      %add3A_2129 = arith.addi %sub3A_2047, %add3A_2128 : i32
      %get3A_2130 = arith.constant 0 : i32
      %get3A_2131 = arith.index_cast %get3A_2130 : i32 to index
      %get3A_2132 = arith.index_cast %add3A_2129 : i32 to index
      %get3A_2133 = tpu.vector_load %arg7[%get3A_2131, %get3A_2132] {strides = array<i32>} : memref<2x256xi32, #tpu.memory_space<vmem>>, vector<16xi32>,
      %gather3A_2134 = tpu.vector_load_idx %arg6[%get3A_2133] : memref<10000xi32, #tpu.memory_space<vmem>>[vector<16xi32>], vector<16xi32>,
      %add3A_2135 = arith.constant 64 : i32
      %add3A_2136 = arith.addi %sub3A_2047, %add3A_2135 : i32
      %get3A_2137 = arith.constant 1 : i32
      %get3A_2138 = arith.index_cast %get3A_2137 : i32 to index
      %get3A_2139 = arith.index_cast %add3A_2136 : i32 to index
      %get3A_2140 = tpu.vector_load %arg7[%get3A_2138, %get3A_2139] {strides = array<i32>} : memref<2x256xi32, #tpu.memory_space<vmem>>, vector<16xi32>,
      %gather3A_2141 = tpu.vector_load_idx %arg6[%get3A_2140] : memref<10000xi32, #tpu.memory_space<vmem>>[vector<16xi32>], vector<16xi32>,
      %mul3A_2142 = arith.constant 128 : i32
      %mul3A_2143 = vector.broadcast %mul3A_2142 : i32 to vector<16xi32>
      %mul3A_2144 = arith.muli %gather3A_2134, %mul3A_2143 : vector<16xi32>
      %add3A_2145 = arith.addi %mul3A_2144, %gather3A_2141 : vector<16xi32>
      %swap3A_2146 = arith.constant 64 : index
      %swap3A_2147 = tpu.vector_load %arg12[%swap3A_2146] {strides = array<i32>} : memref<80xi32, #tpu.memory_space<vmem>>, vector<16xi32>,
      tpu.vector_store %arg12[%swap3A_2146], %add3A_2145 {strides = array<i32>} : memref<80xi32, #tpu.memory_space<vmem>>, vector<16xi32>,
      %add3A_2148 = arith.constant 5 : i32
      %add3A_2149 = arith.addi %add3A_2002, %add3A_2148 : i32
      %mul3A_2150 = arith.constant 32 : i32
      %mul3A_2151 = arith.muli %add3A_2149, %mul3A_2150 : i32
      %add3A_2152 = arith.addi %add3A, %mul3A_2151 : i32
      %mul3A_2153 = arith.constant 80 : i32
      %mul3A_2154 = arith.muli %add3A_2152, %mul3A_2153 : i32
      %jit3A_2155 = arith.constant 128 : i32
      %div3A_2156 = arith.divsi %mul3A_2154, %jit3A_2155 : i32
      %sign3A_2157 = arith.constant 0 : i32
      %sign3A_2158 = arith.cmpi sgt, %mul3A_2154, %sign3A_2157 : i32
      %sign3A_2159 = arith.extui %sign3A_2158 : i1 to i32
      %sign3A_2160 = arith.constant 0 : i32
      %sign3A_2161 = arith.cmpi slt, %mul3A_2154, %sign3A_2160 : i32
      %sign3A_2162 = arith.extui %sign3A_2161 : i1 to i32
      %sign3A_2163 = arith.subi %sign3A_2159, %sign3A_2162 : i32
      %sign3A_2164 = arith.constant 0 : i32
      %sign3A_2165 = arith.cmpi sgt, %jit3A_2155, %sign3A_2164 : i32
      %sign3A_2166 = arith.extui %sign3A_2165 : i1 to i32
      %sign3A_2167 = arith.constant 0 : i32
      %sign3A_2168 = arith.cmpi slt, %jit3A_2155, %sign3A_2167 : i32
      %sign3A_2169 = arith.extui %sign3A_2168 : i1 to i32
      %sign3A_2170 = arith.subi %sign3A_2166, %sign3A_2169 : i32
      %ne3A_2171 = arith.cmpi ne, %sign3A_2163, %sign3A_2170 : i32
      %rem3A_2172 = arith.remsi %mul3A_2154, %jit3A_2155 : i32
      %ne3A_2173 = arith.constant 0 : i32
      %ne3A_2174 = arith.cmpi ne, %rem3A_2172, %ne3A_2173 : i32
      %and3A_2175 = arith.andi %ne3A_2171, %ne3A_2174 : i1
      %sub3A_2176 = arith.constant 1 : i32
      %sub3A_2177 = arith.subi %div3A_2156, %sub3A_2176 : i32
      %select_n3A_2178 = arith.select %and3A_2175, %sub3A_2177, %div3A_2156 : i32
      %mul3A_2179 = arith.constant 128 : i32
      %mul3A_2180 = arith.muli %select_n3A_2178, %mul3A_2179 : i32
      %min3A_2181 = arith.constant 319744 : i32
      %min3A_2182 = arith.minsi %mul3A_2180, %min3A_2181 : i32
      %dma_start3A_2183 = arith.constant 0 : i32
      %dma_start3A_2184 = tpu.memref_slice %arg3[%dma_start3A_2183, %min3A_2182] : memref<2x320000xi32, #tpu.memory_space<hbm>> -> memref<2x256xi32, #tpu.memory_space<hbm>>
      %dma_start3A_2185 = arith.constant 0 : i32
      %dma_start3A_2186 = tpu.memref_slice %arg3[%dma_start3A_2185, %min3A_2182] : memref<2x320000xi32, #tpu.memory_space<hbm>> -> memref<2x256xi32, #tpu.memory_space<hbm>>
      tpu.enqueue_dma source(%dma_start3A_2186 : memref<2x256xi32, #tpu.memory_space<hbm>>) target(%arg7 : memref<2x256xi32, #tpu.memory_space<vmem>>) target_semaphore(%arg22 : memref<!tpu.dma_semaphore, #tpu.memory_space<semaphore_mem>>)
      %dma_wait3A_2187 = arith.constant 0 : i32
      %dma_wait3A_2188 = arith.constant 0 : i32
      %dma_wait3A_2189 = tpu.memref_slice %arg5[%dma_wait3A_2187, %dma_wait3A_2188] : memref<320000x128xf32, #tpu.memory_space<hbm>> -> memref<80x128xf32, #tpu.memory_space<hbm>>
      %dma_wait3A_2190 = arith.constant 0 : i32
      %dma_wait3A_2191 = arith.constant 0 : i32
      %dma_wait3A_2192 = tpu.memref_slice %arg5[%dma_wait3A_2190, %dma_wait3A_2191] : memref<320000x128xf32, #tpu.memory_space<hbm>> -> memref<80x128xf32, #tpu.memory_space<hbm>>
      tpu.wait_dma2 semaphore(%arg32 : memref<!tpu.dma_semaphore, #tpu.memory_space<semaphore_mem>>) src(%dma_wait3A_2192 : memref<80x128xf32, #tpu.memory_space<hbm>>) dst(%arg17 : memref<80x128xf32, #tpu.memory_space<vmem>>)
      %dma_start3A_2193 = arith.constant 0 : i32
      %dma_start3A_2194 = arith.constant 0 : i32
      %dma_start3A_2195 = tpu.memref_slice %arg4[%dma_start3A_2193, %dma_start3A_2194] : memref<16384x128xf32, #tpu.memory_space<hbm>> -> memref<16384x128xf32, #tpu.memory_space<hbm>>
      tpu.enqueue_indirect_dma source(%dma_start3A_2195 : memref<16384x128xf32, #tpu.memory_space<hbm>>) target(%arg17 : memref<80x128xf32, #tpu.memory_space<vmem>>) offsets(%arg12 : memref<80xi32, #tpu.memory_space<vmem>>) semaphore(%arg27 : memref<!tpu.dma_semaphore, #tpu.memory_space<semaphore_mem>>)
      %add3A_2196 = arith.constant 1 : i32
      %add3A_2197 = arith.addi %mul3A_1984, %add3A_2196 : i32
      %dma_wait3A_2198 = arith.constant 0 : i32
      %dma_wait3A_2199 = arith.constant 0 : i32
      %dma_wait3A_2200 = tpu.memref_slice %arg4[%dma_wait3A_2198, %dma_wait3A_2199] : memref<16384x128xf32, #tpu.memory_space<hbm>> -> memref<16384x128xf32, #tpu.memory_space<hbm>>
      tpu.wait_indirect_dma semaphore(%arg28 : memref<!tpu.dma_semaphore, #tpu.memory_space<semaphore_mem>>) src(%dma_wait3A_2200 : memref<16384x128xf32, #tpu.memory_space<hbm>>) dst(%arg18 : memref<80x128xf32, #tpu.memory_space<vmem>>)
      %mul3A_2201 = arith.constant 32 : i32
      %mul3A_2202 = arith.muli %add3A_2197, %mul3A_2201 : i32
      %add3A_2203 = arith.addi %add3A, %mul3A_2202 : i32
      %mul3A_2204 = arith.constant 80 : i32
      %mul3A_2205 = arith.muli %add3A_2203, %mul3A_2204 : i32
      %dma_start3A_2206 = arith.constant 0 : i32
      %dma_start3A_2207 = tpu.memref_slice %arg5[%mul3A_2205, %dma_start3A_2206] : memref<320000x128xf32, #tpu.memory_space<hbm>> -> memref<80x128xf32, #tpu.memory_space<hbm>>
      %dma_start3A_2208 = arith.constant 0 : i32
      %dma_start3A_2209 = tpu.memref_slice %arg5[%mul3A_2205, %dma_start3A_2208] : memref<320000x128xf32, #tpu.memory_space<hbm>> -> memref<80x128xf32, #tpu.memory_space<hbm>>
      tpu.enqueue_dma source(%arg18 : memref<80x128xf32, #tpu.memory_space<vmem>>) target(%dma_start3A_2209 : memref<80x128xf32, #tpu.memory_space<hbm>>) target_semaphore(%arg33 : memref<!tpu.dma_semaphore, #tpu.memory_space<semaphore_mem>>)
      %add3A_2210 = arith.constant 1 : i32
      %add3A_2211 = arith.addi %mul3A_1984, %add3A_2210 : i32
      %add3A_2212 = arith.constant 5 : i32
      %add3A_2213 = arith.addi %add3A_2211, %add3A_2212 : i32
      %dma_wait3A_2214 = arith.constant 0 : i32
      %dma_wait3A_2215 = arith.constant 0 : i32
      %dma_wait3A_2216 = tpu.memref_slice %arg3[%dma_wait3A_2214, %dma_wait3A_2215] : memref<2x320000xi32, #tpu.memory_space<hbm>> -> memref<2x256xi32, #tpu.memory_space<hbm>>
      %dma_wait3A_2217 = arith.constant 0 : i32
      %dma_wait3A_2218 = arith.constant 0 : i32
      %dma_wait3A_2219 = tpu.memref_slice %arg3[%dma_wait3A_2217, %dma_wait3A_2218] : memref<2x320000xi32, #tpu.memory_space<hbm>> -> memref<2x256xi32, #tpu.memory_space<hbm>>
      tpu.wait_dma2 semaphore(%arg23 : memref<!tpu.dma_semaphore, #tpu.memory_space<semaphore_mem>>) src(%dma_wait3A_2219 : memref<2x256xi32, #tpu.memory_space<hbm>>) dst(%arg8 : memref<2x256xi32, #tpu.memory_space<vmem>>)
      %mul3A_2220 = arith.constant 32 : i32
      %mul3A_2221 = arith.muli %add3A_2213, %mul3A_2220 : i32
      %add3A_2222 = arith.addi %add3A, %mul3A_2221 : i32
      %mul3A_2223 = arith.constant 80 : i32
      %mul3A_2224 = arith.muli %add3A_2222, %mul3A_2223 : i32
      %mul3A_2225 = arith.constant 32 : i32
      %mul3A_2226 = arith.muli %add3A_2213, %mul3A_2225 : i32
      %add3A_2227 = arith.addi %add3A, %mul3A_2226 : i32
      %mul3A_2228 = arith.constant 80 : i32
      %mul3A_2229 = arith.muli %add3A_2227, %mul3A_2228 : i32
      %jit3A_2230 = arith.constant 128 : i32
      %div3A_2231 = arith.divsi %mul3A_2229, %jit3A_2230 : i32
      %sign3A_2232 = arith.constant 0 : i32
      %sign3A_2233 = arith.cmpi sgt, %mul3A_2229, %sign3A_2232 : i32
      %sign3A_2234 = arith.extui %sign3A_2233 : i1 to i32
      %sign3A_2235 = arith.constant 0 : i32
      %sign3A_2236 = arith.cmpi slt, %mul3A_2229, %sign3A_2235 : i32
      %sign3A_2237 = arith.extui %sign3A_2236 : i1 to i32
      %sign3A_2238 = arith.subi %sign3A_2234, %sign3A_2237 : i32
      %sign3A_2239 = arith.constant 0 : i32
      %sign3A_2240 = arith.cmpi sgt, %jit3A_2230, %sign3A_2239 : i32
      %sign3A_2241 = arith.extui %sign3A_2240 : i1 to i32
      %sign3A_2242 = arith.constant 0 : i32
      %sign3A_2243 = arith.cmpi slt, %jit3A_2230, %sign3A_2242 : i32
      %sign3A_2244 = arith.extui %sign3A_2243 : i1 to i32
      %sign3A_2245 = arith.subi %sign3A_2241, %sign3A_2244 : i32
      %ne3A_2246 = arith.cmpi ne, %sign3A_2238, %sign3A_2245 : i32
      %rem3A_2247 = arith.remsi %mul3A_2229, %jit3A_2230 : i32
      %ne3A_2248 = arith.constant 0 : i32
      %ne3A_2249 = arith.cmpi ne, %rem3A_2247, %ne3A_2248 : i32
      %and3A_2250 = arith.andi %ne3A_2246, %ne3A_2249 : i1
      %sub3A_2251 = arith.constant 1 : i32
      %sub3A_2252 = arith.subi %div3A_2231, %sub3A_2251 : i32
      %select_n3A_2253 = arith.select %and3A_2250, %sub3A_2252, %div3A_2231 : i32
      %mul3A_2254 = arith.constant 128 : i32
      %mul3A_2255 = arith.muli %select_n3A_2253, %mul3A_2254 : i32
      %min3A_2256 = arith.constant 319744 : i32
      %min3A_2257 = arith.minsi %mul3A_2255, %min3A_2256 : i32
      %sub3A_2258 = arith.subi %mul3A_2224, %min3A_2257 : i32
      %add3A_2259 = arith.constant 0 : i32
      %add3A_2260 = arith.addi %sub3A_2258, %add3A_2259 : i32
      %get3A_2261 = arith.constant 0 : i32
      %get3A_2262 = arith.index_cast %get3A_2261 : i32 to index
      %get3A_2263 = arith.index_cast %add3A_2260 : i32 to index
      %get3A_2264 = tpu.vector_load %arg8[%get3A_2262, %get3A_2263] {strides = array<i32>} : memref<2x256xi32, #tpu.memory_space<vmem>>, vector<16xi32>,
      %gather3A_2265 = tpu.vector_load_idx %arg6[%get3A_2264] : memref<10000xi32, #tpu.memory_space<vmem>>[vector<16xi32>], vector<16xi32>,
      %add3A_2266 = arith.constant 0 : i32
      %add3A_2267 = arith.addi %sub3A_2258, %add3A_2266 : i32
      %get3A_2268 = arith.constant 1 : i32
      %get3A_2269 = arith.index_cast %get3A_2268 : i32 to index
      %get3A_2270 = arith.index_cast %add3A_2267 : i32 to index
      %get3A_2271 = tpu.vector_load %arg8[%get3A_2269, %get3A_2270] {strides = array<i32>} : memref<2x256xi32, #tpu.memory_space<vmem>>, vector<16xi32>,
      %gather3A_2272 = tpu.vector_load_idx %arg6[%get3A_2271] : memref<10000xi32, #tpu.memory_space<vmem>>[vector<16xi32>], vector<16xi32>,
      %mul3A_2273 = arith.constant 128 : i32
      %mul3A_2274 = vector.broadcast %mul3A_2273 : i32 to vector<16xi32>
      %mul3A_2275 = arith.muli %gather3A_2265, %mul3A_2274 : vector<16xi32>
      %add3A_2276 = arith.addi %mul3A_2275, %gather3A_2272 : vector<16xi32>
      %swap3A_2277 = arith.constant 0 : index
      %swap3A_2278 = tpu.vector_load %arg13[%swap3A_2277] {strides = array<i32>} : memref<80xi32, #tpu.memory_space<vmem>>, vector<16xi32>,
      tpu.vector_store %arg13[%swap3A_2277], %add3A_2276 {strides = array<i32>} : memref<80xi32, #tpu.memory_space<vmem>>, vector<16xi32>,
      %add3A_2279 = arith.constant 16 : i32
      %add3A_2280 = arith.addi %sub3A_2258, %add3A_2279 : i32
      %get3A_2281 = arith.constant 0 : i32
      %get3A_2282 = arith.index_cast %get3A_2281 : i32 to index
      %get3A_2283 = arith.index_cast %add3A_2280 : i32 to index
      %get3A_2284 = tpu.vector_load %arg8[%get3A_2282, %get3A_2283] {strides = array<i32>} : memref<2x256xi32, #tpu.memory_space<vmem>>, vector<16xi32>,
      %gather3A_2285 = tpu.vector_load_idx %arg6[%get3A_2284] : memref<10000xi32, #tpu.memory_space<vmem>>[vector<16xi32>], vector<16xi32>,
      %add3A_2286 = arith.constant 16 : i32
      %add3A_2287 = arith.addi %sub3A_2258, %add3A_2286 : i32
      %get3A_2288 = arith.constant 1 : i32
      %get3A_2289 = arith.index_cast %get3A_2288 : i32 to index
      %get3A_2290 = arith.index_cast %add3A_2287 : i32 to index
      %get3A_2291 = tpu.vector_load %arg8[%get3A_2289, %get3A_2290] {strides = array<i32>} : memref<2x256xi32, #tpu.memory_space<vmem>>, vector<16xi32>,
      %gather3A_2292 = tpu.vector_load_idx %arg6[%get3A_2291] : memref<10000xi32, #tpu.memory_space<vmem>>[vector<16xi32>], vector<16xi32>,
      %mul3A_2293 = arith.constant 128 : i32
      %mul3A_2294 = vector.broadcast %mul3A_2293 : i32 to vector<16xi32>
      %mul3A_2295 = arith.muli %gather3A_2285, %mul3A_2294 : vector<16xi32>
      %add3A_2296 = arith.addi %mul3A_2295, %gather3A_2292 : vector<16xi32>
      %swap3A_2297 = arith.constant 16 : index
      %swap3A_2298 = tpu.vector_load %arg13[%swap3A_2297] {strides = array<i32>} : memref<80xi32, #tpu.memory_space<vmem>>, vector<16xi32>,
      tpu.vector_store %arg13[%swap3A_2297], %add3A_2296 {strides = array<i32>} : memref<80xi32, #tpu.memory_space<vmem>>, vector<16xi32>,
      %add3A_2299 = arith.constant 32 : i32
      %add3A_2300 = arith.addi %sub3A_2258, %add3A_2299 : i32
      %get3A_2301 = arith.constant 0 : i32
      %get3A_2302 = arith.index_cast %get3A_2301 : i32 to index
      %get3A_2303 = arith.index_cast %add3A_2300 : i32 to index
      %get3A_2304 = tpu.vector_load %arg8[%get3A_2302, %get3A_2303] {strides = array<i32>} : memref<2x256xi32, #tpu.memory_space<vmem>>, vector<16xi32>,
      %gather3A_2305 = tpu.vector_load_idx %arg6[%get3A_2304] : memref<10000xi32, #tpu.memory_space<vmem>>[vector<16xi32>], vector<16xi32>,
      %add3A_2306 = arith.constant 32 : i32
      %add3A_2307 = arith.addi %sub3A_2258, %add3A_2306 : i32
      %get3A_2308 = arith.constant 1 : i32
      %get3A_2309 = arith.index_cast %get3A_2308 : i32 to index
      %get3A_2310 = arith.index_cast %add3A_2307 : i32 to index
      %get3A_2311 = tpu.vector_load %arg8[%get3A_2309, %get3A_2310] {strides = array<i32>} : memref<2x256xi32, #tpu.memory_space<vmem>>, vector<16xi32>,
      %gather3A_2312 = tpu.vector_load_idx %arg6[%get3A_2311] : memref<10000xi32, #tpu.memory_space<vmem>>[vector<16xi32>], vector<16xi32>,
      %mul3A_2313 = arith.constant 128 : i32
      %mul3A_2314 = vector.broadcast %mul3A_2313 : i32 to vector<16xi32>
      %mul3A_2315 = arith.muli %gather3A_2305, %mul3A_2314 : vector<16xi32>
      %add3A_2316 = arith.addi %mul3A_2315, %gather3A_2312 : vector<16xi32>
      %swap3A_2317 = arith.constant 32 : index
      %swap3A_2318 = tpu.vector_load %arg13[%swap3A_2317] {strides = array<i32>} : memref<80xi32, #tpu.memory_space<vmem>>, vector<16xi32>,
      tpu.vector_store %arg13[%swap3A_2317], %add3A_2316 {strides = array<i32>} : memref<80xi32, #tpu.memory_space<vmem>>, vector<16xi32>,
      %add3A_2319 = arith.constant 48 : i32
      %add3A_2320 = arith.addi %sub3A_2258, %add3A_2319 : i32
      %get3A_2321 = arith.constant 0 : i32
      %get3A_2322 = arith.index_cast %get3A_2321 : i32 to index
      %get3A_2323 = arith.index_cast %add3A_2320 : i32 to index
      %get3A_2324 = tpu.vector_load %arg8[%get3A_2322, %get3A_2323] {strides = array<i32>} : memref<2x256xi32, #tpu.memory_space<vmem>>, vector<16xi32>,
      %gather3A_2325 = tpu.vector_load_idx %arg6[%get3A_2324] : memref<10000xi32, #tpu.memory_space<vmem>>[vector<16xi32>], vector<16xi32>,
      %add3A_2326 = arith.constant 48 : i32
      %add3A_2327 = arith.addi %sub3A_2258, %add3A_2326 : i32
      %get3A_2328 = arith.constant 1 : i32
      %get3A_2329 = arith.index_cast %get3A_2328 : i32 to index
      %get3A_2330 = arith.index_cast %add3A_2327 : i32 to index
      %get3A_2331 = tpu.vector_load %arg8[%get3A_2329, %get3A_2330] {strides = array<i32>} : memref<2x256xi32, #tpu.memory_space<vmem>>, vector<16xi32>,
      %gather3A_2332 = tpu.vector_load_idx %arg6[%get3A_2331] : memref<10000xi32, #tpu.memory_space<vmem>>[vector<16xi32>], vector<16xi32>,
      %mul3A_2333 = arith.constant 128 : i32
      %mul3A_2334 = vector.broadcast %mul3A_2333 : i32 to vector<16xi32>
      %mul3A_2335 = arith.muli %gather3A_2325, %mul3A_2334 : vector<16xi32>
      %add3A_2336 = arith.addi %mul3A_2335, %gather3A_2332 : vector<16xi32>
      %swap3A_2337 = arith.constant 48 : index
      %swap3A_2338 = tpu.vector_load %arg13[%swap3A_2337] {strides = array<i32>} : memref<80xi32, #tpu.memory_space<vmem>>, vector<16xi32>,
      tpu.vector_store %arg13[%swap3A_2337], %add3A_2336 {strides = array<i32>} : memref<80xi32, #tpu.memory_space<vmem>>, vector<16xi32>,
      %add3A_2339 = arith.constant 64 : i32
      %add3A_2340 = arith.addi %sub3A_2258, %add3A_2339 : i32
      %get3A_2341 = arith.constant 0 : i32
      %get3A_2342 = arith.index_cast %get3A_2341 : i32 to index
      %get3A_2343 = arith.index_cast %add3A_2340 : i32 to index
      %get3A_2344 = tpu.vector_load %arg8[%get3A_2342, %get3A_2343] {strides = array<i32>} : memref<2x256xi32, #tpu.memory_space<vmem>>, vector<16xi32>,
      %gather3A_2345 = tpu.vector_load_idx %arg6[%get3A_2344] : memref<10000xi32, #tpu.memory_space<vmem>>[vector<16xi32>], vector<16xi32>,
      %add3A_2346 = arith.constant 64 : i32
      %add3A_2347 = arith.addi %sub3A_2258, %add3A_2346 : i32
      %get3A_2348 = arith.constant 1 : i32
      %get3A_2349 = arith.index_cast %get3A_2348 : i32 to index
      %get3A_2350 = arith.index_cast %add3A_2347 : i32 to index
      %get3A_2351 = tpu.vector_load %arg8[%get3A_2349, %get3A_2350] {strides = array<i32>} : memref<2x256xi32, #tpu.memory_space<vmem>>, vector<16xi32>,
      %gather3A_2352 = tpu.vector_load_idx %arg6[%get3A_2351] : memref<10000xi32, #tpu.memory_space<vmem>>[vector<16xi32>], vector<16xi32>,
      %mul3A_2353 = arith.constant 128 : i32
      %mul3A_2354 = vector.broadcast %mul3A_2353 : i32 to vector<16xi32>
      %mul3A_2355 = arith.muli %gather3A_2345, %mul3A_2354 : vector<16xi32>
      %add3A_2356 = arith.addi %mul3A_2355, %gather3A_2352 : vector<16xi32>
      %swap3A_2357 = arith.constant 64 : index
      %swap3A_2358 = tpu.vector_load %arg13[%swap3A_2357] {strides = array<i32>} : memref<80xi32, #tpu.memory_space<vmem>>, vector<16xi32>,
      tpu.vector_store %arg13[%swap3A_2357], %add3A_2356 {strides = array<i32>} : memref<80xi32, #tpu.memory_space<vmem>>, vector<16xi32>,
      %add3A_2359 = arith.constant 5 : i32
      %add3A_2360 = arith.addi %add3A_2213, %add3A_2359 : i32
      %mul3A_2361 = arith.constant 32 : i32
      %mul3A_2362 = arith.muli %add3A_2360, %mul3A_2361 : i32
      %add3A_2363 = arith.addi %add3A, %mul3A_2362 : i32
      %mul3A_2364 = arith.constant 80 : i32
      %mul3A_2365 = arith.muli %add3A_2363, %mul3A_2364 : i32
      %jit3A_2366 = arith.constant 128 : i32
      %div3A_2367 = arith.divsi %mul3A_2365, %jit3A_2366 : i32
      %sign3A_2368 = arith.constant 0 : i32
      %sign3A_2369 = arith.cmpi sgt, %mul3A_2365, %sign3A_2368 : i32
      %sign3A_2370 = arith.extui %sign3A_2369 : i1 to i32
      %sign3A_2371 = arith.constant 0 : i32
      %sign3A_2372 = arith.cmpi slt, %mul3A_2365, %sign3A_2371 : i32
      %sign3A_2373 = arith.extui %sign3A_2372 : i1 to i32
      %sign3A_2374 = arith.subi %sign3A_2370, %sign3A_2373 : i32
      %sign3A_2375 = arith.constant 0 : i32
      %sign3A_2376 = arith.cmpi sgt, %jit3A_2366, %sign3A_2375 : i32
      %sign3A_2377 = arith.extui %sign3A_2376 : i1 to i32
      %sign3A_2378 = arith.constant 0 : i32
      %sign3A_2379 = arith.cmpi slt, %jit3A_2366, %sign3A_2378 : i32
      %sign3A_2380 = arith.extui %sign3A_2379 : i1 to i32
      %sign3A_2381 = arith.subi %sign3A_2377, %sign3A_2380 : i32
      %ne3A_2382 = arith.cmpi ne, %sign3A_2374, %sign3A_2381 : i32
      %rem3A_2383 = arith.remsi %mul3A_2365, %jit3A_2366 : i32
      %ne3A_2384 = arith.constant 0 : i32
      %ne3A_2385 = arith.cmpi ne, %rem3A_2383, %ne3A_2384 : i32
      %and3A_2386 = arith.andi %ne3A_2382, %ne3A_2385 : i1
      %sub3A_2387 = arith.constant 1 : i32
      %sub3A_2388 = arith.subi %div3A_2367, %sub3A_2387 : i32
      %select_n3A_2389 = arith.select %and3A_2386, %sub3A_2388, %div3A_2367 : i32
      %mul3A_2390 = arith.constant 128 : i32
      %mul3A_2391 = arith.muli %select_n3A_2389, %mul3A_2390 : i32
      %min3A_2392 = arith.constant 319744 : i32
      %min3A_2393 = arith.minsi %mul3A_2391, %min3A_2392 : i32
      %dma_start3A_2394 = arith.constant 0 : i32
      %dma_start3A_2395 = tpu.memref_slice %arg3[%dma_start3A_2394, %min3A_2393] : memref<2x320000xi32, #tpu.memory_space<hbm>> -> memref<2x256xi32, #tpu.memory_space<hbm>>
      %dma_start3A_2396 = arith.constant 0 : i32
      %dma_start3A_2397 = tpu.memref_slice %arg3[%dma_start3A_2396, %min3A_2393] : memref<2x320000xi32, #tpu.memory_space<hbm>> -> memref<2x256xi32, #tpu.memory_space<hbm>>
      tpu.enqueue_dma source(%dma_start3A_2397 : memref<2x256xi32, #tpu.memory_space<hbm>>) target(%arg8 : memref<2x256xi32, #tpu.memory_space<vmem>>) target_semaphore(%arg23 : memref<!tpu.dma_semaphore, #tpu.memory_space<semaphore_mem>>)
      %dma_wait3A_2398 = arith.constant 0 : i32
      %dma_wait3A_2399 = arith.constant 0 : i32
      %dma_wait3A_2400 = tpu.memref_slice %arg5[%dma_wait3A_2398, %dma_wait3A_2399] : memref<320000x128xf32, #tpu.memory_space<hbm>> -> memref<80x128xf32, #tpu.memory_space<hbm>>
      %dma_wait3A_2401 = arith.constant 0 : i32
      %dma_wait3A_2402 = arith.constant 0 : i32
      %dma_wait3A_2403 = tpu.memref_slice %arg5[%dma_wait3A_2401, %dma_wait3A_2402] : memref<320000x128xf32, #tpu.memory_space<hbm>> -> memref<80x128xf32, #tpu.memory_space<hbm>>
      tpu.wait_dma2 semaphore(%arg33 : memref<!tpu.dma_semaphore, #tpu.memory_space<semaphore_mem>>) src(%dma_wait3A_2403 : memref<80x128xf32, #tpu.memory_space<hbm>>) dst(%arg18 : memref<80x128xf32, #tpu.memory_space<vmem>>)
      %dma_start3A_2404 = arith.constant 0 : i32
      %dma_start3A_2405 = arith.constant 0 : i32
      %dma_start3A_2406 = tpu.memref_slice %arg4[%dma_start3A_2404, %dma_start3A_2405] : memref<16384x128xf32, #tpu.memory_space<hbm>> -> memref<16384x128xf32, #tpu.memory_space<hbm>>
      tpu.enqueue_indirect_dma source(%dma_start3A_2406 : memref<16384x128xf32, #tpu.memory_space<hbm>>) target(%arg18 : memref<80x128xf32, #tpu.memory_space<vmem>>) offsets(%arg13 : memref<80xi32, #tpu.memory_space<vmem>>) semaphore(%arg28 : memref<!tpu.dma_semaphore, #tpu.memory_space<semaphore_mem>>)
      %add3A_2407 = arith.constant 2 : i32
      %add3A_2408 = arith.addi %mul3A_1984, %add3A_2407 : i32
      %dma_wait3A_2409 = arith.constant 0 : i32
      %dma_wait3A_2410 = arith.constant 0 : i32
      %dma_wait3A_2411 = tpu.memref_slice %arg4[%dma_wait3A_2409, %dma_wait3A_2410] : memref<16384x128xf32, #tpu.memory_space<hbm>> -> memref<16384x128xf32, #tpu.memory_space<hbm>>
      tpu.wait_indirect_dma semaphore(%arg29 : memref<!tpu.dma_semaphore, #tpu.memory_space<semaphore_mem>>) src(%dma_wait3A_2411 : memref<16384x128xf32, #tpu.memory_space<hbm>>) dst(%arg19 : memref<80x128xf32, #tpu.memory_space<vmem>>)
      %mul3A_2412 = arith.constant 32 : i32
      %mul3A_2413 = arith.muli %add3A_2408, %mul3A_2412 : i32
      %add3A_2414 = arith.addi %add3A, %mul3A_2413 : i32
      %mul3A_2415 = arith.constant 80 : i32
      %mul3A_2416 = arith.muli %add3A_2414, %mul3A_2415 : i32
      %dma_start3A_2417 = arith.constant 0 : i32
      %dma_start3A_2418 = tpu.memref_slice %arg5[%mul3A_2416, %dma_start3A_2417] : memref<320000x128xf32, #tpu.memory_space<hbm>> -> memref<80x128xf32, #tpu.memory_space<hbm>>
      %dma_start3A_2419 = arith.constant 0 : i32
      %dma_start3A_2420 = tpu.memref_slice %arg5[%mul3A_2416, %dma_start3A_2419] : memref<320000x128xf32, #tpu.memory_space<hbm>> -> memref<80x128xf32, #tpu.memory_space<hbm>>
      tpu.enqueue_dma source(%arg19 : memref<80x128xf32, #tpu.memory_space<vmem>>) target(%dma_start3A_2420 : memref<80x128xf32, #tpu.memory_space<hbm>>) target_semaphore(%arg34 : memref<!tpu.dma_semaphore, #tpu.memory_space<semaphore_mem>>)
      %add3A_2421 = arith.constant 2 : i32
      %add3A_2422 = arith.addi %mul3A_1984, %add3A_2421 : i32
      %add3A_2423 = arith.constant 5 : i32
      %add3A_2424 = arith.addi %add3A_2422, %add3A_2423 : i32
      %dma_wait3A_2425 = arith.constant 0 : i32
      %dma_wait3A_2426 = arith.constant 0 : i32
      %dma_wait3A_2427 = tpu.memref_slice %arg3[%dma_wait3A_2425, %dma_wait3A_2426] : memref<2x320000xi32, #tpu.memory_space<hbm>> -> memref<2x256xi32, #tpu.memory_space<hbm>>
      %dma_wait3A_2428 = arith.constant 0 : i32
      %dma_wait3A_2429 = arith.constant 0 : i32
      %dma_wait3A_2430 = tpu.memref_slice %arg3[%dma_wait3A_2428, %dma_wait3A_2429] : memref<2x320000xi32, #tpu.memory_space<hbm>> -> memref<2x256xi32, #tpu.memory_space<hbm>>
      tpu.wait_dma2 semaphore(%arg24 : memref<!tpu.dma_semaphore, #tpu.memory_space<semaphore_mem>>) src(%dma_wait3A_2430 : memref<2x256xi32, #tpu.memory_space<hbm>>) dst(%arg9 : memref<2x256xi32, #tpu.memory_space<vmem>>)
      %mul3A_2431 = arith.constant 32 : i32
      %mul3A_2432 = arith.muli %add3A_2424, %mul3A_2431 : i32
      %add3A_2433 = arith.addi %add3A, %mul3A_2432 : i32
      %mul3A_2434 = arith.constant 80 : i32
      %mul3A_2435 = arith.muli %add3A_2433, %mul3A_2434 : i32
      %mul3A_2436 = arith.constant 32 : i32
      %mul3A_2437 = arith.muli %add3A_2424, %mul3A_2436 : i32
      %add3A_2438 = arith.addi %add3A, %mul3A_2437 : i32
      %mul3A_2439 = arith.constant 80 : i32
      %mul3A_2440 = arith.muli %add3A_2438, %mul3A_2439 : i32
      %jit3A_2441 = arith.constant 128 : i32
      %div3A_2442 = arith.divsi %mul3A_2440, %jit3A_2441 : i32
      %sign3A_2443 = arith.constant 0 : i32
      %sign3A_2444 = arith.cmpi sgt, %mul3A_2440, %sign3A_2443 : i32
      %sign3A_2445 = arith.extui %sign3A_2444 : i1 to i32
      %sign3A_2446 = arith.constant 0 : i32
      %sign3A_2447 = arith.cmpi slt, %mul3A_2440, %sign3A_2446 : i32
      %sign3A_2448 = arith.extui %sign3A_2447 : i1 to i32
      %sign3A_2449 = arith.subi %sign3A_2445, %sign3A_2448 : i32
      %sign3A_2450 = arith.constant 0 : i32
      %sign3A_2451 = arith.cmpi sgt, %jit3A_2441, %sign3A_2450 : i32
      %sign3A_2452 = arith.extui %sign3A_2451 : i1 to i32
      %sign3A_2453 = arith.constant 0 : i32
      %sign3A_2454 = arith.cmpi slt, %jit3A_2441, %sign3A_2453 : i32
      %sign3A_2455 = arith.extui %sign3A_2454 : i1 to i32
      %sign3A_2456 = arith.subi %sign3A_2452, %sign3A_2455 : i32
      %ne3A_2457 = arith.cmpi ne, %sign3A_2449, %sign3A_2456 : i32
      %rem3A_2458 = arith.remsi %mul3A_2440, %jit3A_2441 : i32
      %ne3A_2459 = arith.constant 0 : i32
      %ne3A_2460 = arith.cmpi ne, %rem3A_2458, %ne3A_2459 : i32
      %and3A_2461 = arith.andi %ne3A_2457, %ne3A_2460 : i1
      %sub3A_2462 = arith.constant 1 : i32
      %sub3A_2463 = arith.subi %div3A_2442, %sub3A_2462 : i32
      %select_n3A_2464 = arith.select %and3A_2461, %sub3A_2463, %div3A_2442 : i32
      %mul3A_2465 = arith.constant 128 : i32
      %mul3A_2466 = arith.muli %select_n3A_2464, %mul3A_2465 : i32
      %min3A_2467 = arith.constant 319744 : i32
      %min3A_2468 = arith.minsi %mul3A_2466, %min3A_2467 : i32
      %sub3A_2469 = arith.subi %mul3A_2435, %min3A_2468 : i32
      %add3A_2470 = arith.constant 0 : i32
      %add3A_2471 = arith.addi %sub3A_2469, %add3A_2470 : i32
      %get3A_2472 = arith.constant 0 : i32
      %get3A_2473 = arith.index_cast %get3A_2472 : i32 to index
      %get3A_2474 = arith.index_cast %add3A_2471 : i32 to index
      %get3A_2475 = tpu.vector_load %arg9[%get3A_2473, %get3A_2474] {strides = array<i32>} : memref<2x256xi32, #tpu.memory_space<vmem>>, vector<16xi32>,
      %gather3A_2476 = tpu.vector_load_idx %arg6[%get3A_2475] : memref<10000xi32, #tpu.memory_space<vmem>>[vector<16xi32>], vector<16xi32>,
      %add3A_2477 = arith.constant 0 : i32
      %add3A_2478 = arith.addi %sub3A_2469, %add3A_2477 : i32
      %get3A_2479 = arith.constant 1 : i32
      %get3A_2480 = arith.index_cast %get3A_2479 : i32 to index
      %get3A_2481 = arith.index_cast %add3A_2478 : i32 to index
      %get3A_2482 = tpu.vector_load %arg9[%get3A_2480, %get3A_2481] {strides = array<i32>} : memref<2x256xi32, #tpu.memory_space<vmem>>, vector<16xi32>,
      %gather3A_2483 = tpu.vector_load_idx %arg6[%get3A_2482] : memref<10000xi32, #tpu.memory_space<vmem>>[vector<16xi32>], vector<16xi32>,
      %mul3A_2484 = arith.constant 128 : i32
      %mul3A_2485 = vector.broadcast %mul3A_2484 : i32 to vector<16xi32>
      %mul3A_2486 = arith.muli %gather3A_2476, %mul3A_2485 : vector<16xi32>
      %add3A_2487 = arith.addi %mul3A_2486, %gather3A_2483 : vector<16xi32>
      %swap3A_2488 = arith.constant 0 : index
      %swap3A_2489 = tpu.vector_load %arg14[%swap3A_2488] {strides = array<i32>} : memref<80xi32, #tpu.memory_space<vmem>>, vector<16xi32>,
      tpu.vector_store %arg14[%swap3A_2488], %add3A_2487 {strides = array<i32>} : memref<80xi32, #tpu.memory_space<vmem>>, vector<16xi32>,
      %add3A_2490 = arith.constant 16 : i32
      %add3A_2491 = arith.addi %sub3A_2469, %add3A_2490 : i32
      %get3A_2492 = arith.constant 0 : i32
      %get3A_2493 = arith.index_cast %get3A_2492 : i32 to index
      %get3A_2494 = arith.index_cast %add3A_2491 : i32 to index
      %get3A_2495 = tpu.vector_load %arg9[%get3A_2493, %get3A_2494] {strides = array<i32>} : memref<2x256xi32, #tpu.memory_space<vmem>>, vector<16xi32>,
      %gather3A_2496 = tpu.vector_load_idx %arg6[%get3A_2495] : memref<10000xi32, #tpu.memory_space<vmem>>[vector<16xi32>], vector<16xi32>,
      %add3A_2497 = arith.constant 16 : i32
      %add3A_2498 = arith.addi %sub3A_2469, %add3A_2497 : i32
      %get3A_2499 = arith.constant 1 : i32
      %get3A_2500 = arith.index_cast %get3A_2499 : i32 to index
      %get3A_2501 = arith.index_cast %add3A_2498 : i32 to index
      %get3A_2502 = tpu.vector_load %arg9[%get3A_2500, %get3A_2501] {strides = array<i32>} : memref<2x256xi32, #tpu.memory_space<vmem>>, vector<16xi32>,
      %gather3A_2503 = tpu.vector_load_idx %arg6[%get3A_2502] : memref<10000xi32, #tpu.memory_space<vmem>>[vector<16xi32>], vector<16xi32>,
      %mul3A_2504 = arith.constant 128 : i32
      %mul3A_2505 = vector.broadcast %mul3A_2504 : i32 to vector<16xi32>
      %mul3A_2506 = arith.muli %gather3A_2496, %mul3A_2505 : vector<16xi32>
      %add3A_2507 = arith.addi %mul3A_2506, %gather3A_2503 : vector<16xi32>
      %swap3A_2508 = arith.constant 16 : index
      %swap3A_2509 = tpu.vector_load %arg14[%swap3A_2508] {strides = array<i32>} : memref<80xi32, #tpu.memory_space<vmem>>, vector<16xi32>,
      tpu.vector_store %arg14[%swap3A_2508], %add3A_2507 {strides = array<i32>} : memref<80xi32, #tpu.memory_space<vmem>>, vector<16xi32>,
      %add3A_2510 = arith.constant 32 : i32
      %add3A_2511 = arith.addi %sub3A_2469, %add3A_2510 : i32
      %get3A_2512 = arith.constant 0 : i32
      %get3A_2513 = arith.index_cast %get3A_2512 : i32 to index
      %get3A_2514 = arith.index_cast %add3A_2511 : i32 to index
      %get3A_2515 = tpu.vector_load %arg9[%get3A_2513, %get3A_2514] {strides = array<i32>} : memref<2x256xi32, #tpu.memory_space<vmem>>, vector<16xi32>,
      %gather3A_2516 = tpu.vector_load_idx %arg6[%get3A_2515] : memref<10000xi32, #tpu.memory_space<vmem>>[vector<16xi32>], vector<16xi32>,
      %add3A_2517 = arith.constant 32 : i32
      %add3A_2518 = arith.addi %sub3A_2469, %add3A_2517 : i32
      %get3A_2519 = arith.constant 1 : i32
      %get3A_2520 = arith.index_cast %get3A_2519 : i32 to index
      %get3A_2521 = arith.index_cast %add3A_2518 : i32 to index
      %get3A_2522 = tpu.vector_load %arg9[%get3A_2520, %get3A_2521] {strides = array<i32>} : memref<2x256xi32, #tpu.memory_space<vmem>>, vector<16xi32>,
      %gather3A_2523 = tpu.vector_load_idx %arg6[%get3A_2522] : memref<10000xi32, #tpu.memory_space<vmem>>[vector<16xi32>], vector<16xi32>,
      %mul3A_2524 = arith.constant 128 : i32
      %mul3A_2525 = vector.broadcast %mul3A_2524 : i32 to vector<16xi32>
      %mul3A_2526 = arith.muli %gather3A_2516, %mul3A_2525 : vector<16xi32>
      %add3A_2527 = arith.addi %mul3A_2526, %gather3A_2523 : vector<16xi32>
      %swap3A_2528 = arith.constant 32 : index
      %swap3A_2529 = tpu.vector_load %arg14[%swap3A_2528] {strides = array<i32>} : memref<80xi32, #tpu.memory_space<vmem>>, vector<16xi32>,
      tpu.vector_store %arg14[%swap3A_2528], %add3A_2527 {strides = array<i32>} : memref<80xi32, #tpu.memory_space<vmem>>, vector<16xi32>,
      %add3A_2530 = arith.constant 48 : i32
      %add3A_2531 = arith.addi %sub3A_2469, %add3A_2530 : i32
      %get3A_2532 = arith.constant 0 : i32
      %get3A_2533 = arith.index_cast %get3A_2532 : i32 to index
      %get3A_2534 = arith.index_cast %add3A_2531 : i32 to index
      %get3A_2535 = tpu.vector_load %arg9[%get3A_2533, %get3A_2534] {strides = array<i32>} : memref<2x256xi32, #tpu.memory_space<vmem>>, vector<16xi32>,
      %gather3A_2536 = tpu.vector_load_idx %arg6[%get3A_2535] : memref<10000xi32, #tpu.memory_space<vmem>>[vector<16xi32>], vector<16xi32>,
      %add3A_2537 = arith.constant 48 : i32
      %add3A_2538 = arith.addi %sub3A_2469, %add3A_2537 : i32
      %get3A_2539 = arith.constant 1 : i32
      %get3A_2540 = arith.index_cast %get3A_2539 : i32 to index
      %get3A_2541 = arith.index_cast %add3A_2538 : i32 to index
      %get3A_2542 = tpu.vector_load %arg9[%get3A_2540, %get3A_2541] {strides = array<i32>} : memref<2x256xi32, #tpu.memory_space<vmem>>, vector<16xi32>,
      %gather3A_2543 = tpu.vector_load_idx %arg6[%get3A_2542] : memref<10000xi32, #tpu.memory_space<vmem>>[vector<16xi32>], vector<16xi32>,
      %mul3A_2544 = arith.constant 128 : i32
      %mul3A_2545 = vector.broadcast %mul3A_2544 : i32 to vector<16xi32>
      %mul3A_2546 = arith.muli %gather3A_2536, %mul3A_2545 : vector<16xi32>
      %add3A_2547 = arith.addi %mul3A_2546, %gather3A_2543 : vector<16xi32>
      %swap3A_2548 = arith.constant 48 : index
      %swap3A_2549 = tpu.vector_load %arg14[%swap3A_2548] {strides = array<i32>} : memref<80xi32, #tpu.memory_space<vmem>>, vector<16xi32>,
      tpu.vector_store %arg14[%swap3A_2548], %add3A_2547 {strides = array<i32>} : memref<80xi32, #tpu.memory_space<vmem>>, vector<16xi32>,
      %add3A_2550 = arith.constant 64 : i32
      %add3A_2551 = arith.addi %sub3A_2469, %add3A_2550 : i32
      %get3A_2552 = arith.constant 0 : i32
      %get3A_2553 = arith.index_cast %get3A_2552 : i32 to index
      %get3A_2554 = arith.index_cast %add3A_2551 : i32 to index
      %get3A_2555 = tpu.vector_load %arg9[%get3A_2553, %get3A_2554] {strides = array<i32>} : memref<2x256xi32, #tpu.memory_space<vmem>>, vector<16xi32>,
      %gather3A_2556 = tpu.vector_load_idx %arg6[%get3A_2555] : memref<10000xi32, #tpu.memory_space<vmem>>[vector<16xi32>], vector<16xi32>,
      %add3A_2557 = arith.constant 64 : i32
      %add3A_2558 = arith.addi %sub3A_2469, %add3A_2557 : i32
      %get3A_2559 = arith.constant 1 : i32
      %get3A_2560 = arith.index_cast %get3A_2559 : i32 to index
      %get3A_2561 = arith.index_cast %add3A_2558 : i32 to index
      %get3A_2562 = tpu.vector_load %arg9[%get3A_2560, %get3A_2561] {strides = array<i32>} : memref<2x256xi32, #tpu.memory_space<vmem>>, vector<16xi32>,
      %gather3A_2563 = tpu.vector_load_idx %arg6[%get3A_2562] : memref<10000xi32, #tpu.memory_space<vmem>>[vector<16xi32>], vector<16xi32>,
      %mul3A_2564 = arith.constant 128 : i32
      %mul3A_2565 = vector.broadcast %mul3A_2564 : i32 to vector<16xi32>
      %mul3A_2566 = arith.muli %gather3A_2556, %mul3A_2565 : vector<16xi32>
      %add3A_2567 = arith.addi %mul3A_2566, %gather3A_2563 : vector<16xi32>
      %swap3A_2568 = arith.constant 64 : index
      %swap3A_2569 = tpu.vector_load %arg14[%swap3A_2568] {strides = array<i32>} : memref<80xi32, #tpu.memory_space<vmem>>, vector<16xi32>,
      tpu.vector_store %arg14[%swap3A_2568], %add3A_2567 {strides = array<i32>} : memref<80xi32, #tpu.memory_space<vmem>>, vector<16xi32>,
      %add3A_2570 = arith.constant 5 : i32
      %add3A_2571 = arith.addi %add3A_2424, %add3A_2570 : i32
      %mul3A_2572 = arith.constant 32 : i32
      %mul3A_2573 = arith.muli %add3A_2571, %mul3A_2572 : i32
      %add3A_2574 = arith.addi %add3A, %mul3A_2573 : i32
      %mul3A_2575 = arith.constant 80 : i32
      %mul3A_2576 = arith.muli %add3A_2574, %mul3A_2575 : i32
      %jit3A_2577 = arith.constant 128 : i32
      %div3A_2578 = arith.divsi %mul3A_2576, %jit3A_2577 : i32
      %sign3A_2579 = arith.constant 0 : i32
      %sign3A_2580 = arith.cmpi sgt, %mul3A_2576, %sign3A_2579 : i32
      %sign3A_2581 = arith.extui %sign3A_2580 : i1 to i32
      %sign3A_2582 = arith.constant 0 : i32
      %sign3A_2583 = arith.cmpi slt, %mul3A_2576, %sign3A_2582 : i32
      %sign3A_2584 = arith.extui %sign3A_2583 : i1 to i32
      %sign3A_2585 = arith.subi %sign3A_2581, %sign3A_2584 : i32
      %sign3A_2586 = arith.constant 0 : i32
      %sign3A_2587 = arith.cmpi sgt, %jit3A_2577, %sign3A_2586 : i32
      %sign3A_2588 = arith.extui %sign3A_2587 : i1 to i32
      %sign3A_2589 = arith.constant 0 : i32
      %sign3A_2590 = arith.cmpi slt, %jit3A_2577, %sign3A_2589 : i32
      %sign3A_2591 = arith.extui %sign3A_2590 : i1 to i32
      %sign3A_2592 = arith.subi %sign3A_2588, %sign3A_2591 : i32
      %ne3A_2593 = arith.cmpi ne, %sign3A_2585, %sign3A_2592 : i32
      %rem3A_2594 = arith.remsi %mul3A_2576, %jit3A_2577 : i32
      %ne3A_2595 = arith.constant 0 : i32
      %ne3A_2596 = arith.cmpi ne, %rem3A_2594, %ne3A_2595 : i32
      %and3A_2597 = arith.andi %ne3A_2593, %ne3A_2596 : i1
      %sub3A_2598 = arith.constant 1 : i32
      %sub3A_2599 = arith.subi %div3A_2578, %sub3A_2598 : i32
      %select_n3A_2600 = arith.select %and3A_2597, %sub3A_2599, %div3A_2578 : i32
      %mul3A_2601 = arith.constant 128 : i32
      %mul3A_2602 = arith.muli %select_n3A_2600, %mul3A_2601 : i32
      %min3A_2603 = arith.constant 319744 : i32
      %min3A_2604 = arith.minsi %mul3A_2602, %min3A_2603 : i32
      %dma_start3A_2605 = arith.constant 0 : i32
      %dma_start3A_2606 = tpu.memref_slice %arg3[%dma_start3A_2605, %min3A_2604] : memref<2x320000xi32, #tpu.memory_space<hbm>> -> memref<2x256xi32, #tpu.memory_space<hbm>>
      %dma_start3A_2607 = arith.constant 0 : i32
      %dma_start3A_2608 = tpu.memref_slice %arg3[%dma_start3A_2607, %min3A_2604] : memref<2x320000xi32, #tpu.memory_space<hbm>> -> memref<2x256xi32, #tpu.memory_space<hbm>>
      tpu.enqueue_dma source(%dma_start3A_2608 : memref<2x256xi32, #tpu.memory_space<hbm>>) target(%arg9 : memref<2x256xi32, #tpu.memory_space<vmem>>) target_semaphore(%arg24 : memref<!tpu.dma_semaphore, #tpu.memory_space<semaphore_mem>>)
      %dma_wait3A_2609 = arith.constant 0 : i32
      %dma_wait3A_2610 = arith.constant 0 : i32
      %dma_wait3A_2611 = tpu.memref_slice %arg5[%dma_wait3A_2609, %dma_wait3A_2610] : memref<320000x128xf32, #tpu.memory_space<hbm>> -> memref<80x128xf32, #tpu.memory_space<hbm>>
      %dma_wait3A_2612 = arith.constant 0 : i32
      %dma_wait3A_2613 = arith.constant 0 : i32
      %dma_wait3A_2614 = tpu.memref_slice %arg5[%dma_wait3A_2612, %dma_wait3A_2613] : memref<320000x128xf32, #tpu.memory_space<hbm>> -> memref<80x128xf32, #tpu.memory_space<hbm>>
      tpu.wait_dma2 semaphore(%arg34 : memref<!tpu.dma_semaphore, #tpu.memory_space<semaphore_mem>>) src(%dma_wait3A_2614 : memref<80x128xf32, #tpu.memory_space<hbm>>) dst(%arg19 : memref<80x128xf32, #tpu.memory_space<vmem>>)
      %dma_start3A_2615 = arith.constant 0 : i32
      %dma_start3A_2616 = arith.constant 0 : i32
      %dma_start3A_2617 = tpu.memref_slice %arg4[%dma_start3A_2615, %dma_start3A_2616] : memref<16384x128xf32, #tpu.memory_space<hbm>> -> memref<16384x128xf32, #tpu.memory_space<hbm>>
      tpu.enqueue_indirect_dma source(%dma_start3A_2617 : memref<16384x128xf32, #tpu.memory_space<hbm>>) target(%arg19 : memref<80x128xf32, #tpu.memory_space<vmem>>) offsets(%arg14 : memref<80xi32, #tpu.memory_space<vmem>>) semaphore(%arg29 : memref<!tpu.dma_semaphore, #tpu.memory_space<semaphore_mem>>)
      %add3A_2618 = arith.constant 3 : i32
      %add3A_2619 = arith.addi %mul3A_1984, %add3A_2618 : i32
      %dma_wait3A_2620 = arith.constant 0 : i32
      %dma_wait3A_2621 = arith.constant 0 : i32
      %dma_wait3A_2622 = tpu.memref_slice %arg4[%dma_wait3A_2620, %dma_wait3A_2621] : memref<16384x128xf32, #tpu.memory_space<hbm>> -> memref<16384x128xf32, #tpu.memory_space<hbm>>
      tpu.wait_indirect_dma semaphore(%arg30 : memref<!tpu.dma_semaphore, #tpu.memory_space<semaphore_mem>>) src(%dma_wait3A_2622 : memref<16384x128xf32, #tpu.memory_space<hbm>>) dst(%arg20 : memref<80x128xf32, #tpu.memory_space<vmem>>)
      %mul3A_2623 = arith.constant 32 : i32
      %mul3A_2624 = arith.muli %add3A_2619, %mul3A_2623 : i32
      %add3A_2625 = arith.addi %add3A, %mul3A_2624 : i32
      %mul3A_2626 = arith.constant 80 : i32
      %mul3A_2627 = arith.muli %add3A_2625, %mul3A_2626 : i32
      %dma_start3A_2628 = arith.constant 0 : i32
      %dma_start3A_2629 = tpu.memref_slice %arg5[%mul3A_2627, %dma_start3A_2628] : memref<320000x128xf32, #tpu.memory_space<hbm>> -> memref<80x128xf32, #tpu.memory_space<hbm>>
      %dma_start3A_2630 = arith.constant 0 : i32
      %dma_start3A_2631 = tpu.memref_slice %arg5[%mul3A_2627, %dma_start3A_2630] : memref<320000x128xf32, #tpu.memory_space<hbm>> -> memref<80x128xf32, #tpu.memory_space<hbm>>
      tpu.enqueue_dma source(%arg20 : memref<80x128xf32, #tpu.memory_space<vmem>>) target(%dma_start3A_2631 : memref<80x128xf32, #tpu.memory_space<hbm>>) target_semaphore(%arg35 : memref<!tpu.dma_semaphore, #tpu.memory_space<semaphore_mem>>)
      %add3A_2632 = arith.constant 3 : i32
      %add3A_2633 = arith.addi %mul3A_1984, %add3A_2632 : i32
      %add3A_2634 = arith.constant 5 : i32
      %add3A_2635 = arith.addi %add3A_2633, %add3A_2634 : i32
      %dma_wait3A_2636 = arith.constant 0 : i32
      %dma_wait3A_2637 = arith.constant 0 : i32
      %dma_wait3A_2638 = tpu.memref_slice %arg3[%dma_wait3A_2636, %dma_wait3A_2637] : memref<2x320000xi32, #tpu.memory_space<hbm>> -> memref<2x256xi32, #tpu.memory_space<hbm>>
      %dma_wait3A_2639 = arith.constant 0 : i32
      %dma_wait3A_2640 = arith.constant 0 : i32
      %dma_wait3A_2641 = tpu.memref_slice %arg3[%dma_wait3A_2639, %dma_wait3A_2640] : memref<2x320000xi32, #tpu.memory_space<hbm>> -> memref<2x256xi32, #tpu.memory_space<hbm>>
      tpu.wait_dma2 semaphore(%arg25 : memref<!tpu.dma_semaphore, #tpu.memory_space<semaphore_mem>>) src(%dma_wait3A_2641 : memref<2x256xi32, #tpu.memory_space<hbm>>) dst(%arg10 : memref<2x256xi32, #tpu.memory_space<vmem>>)
      %mul3A_2642 = arith.constant 32 : i32
      %mul3A_2643 = arith.muli %add3A_2635, %mul3A_2642 : i32
      %add3A_2644 = arith.addi %add3A, %mul3A_2643 : i32
      %mul3A_2645 = arith.constant 80 : i32
      %mul3A_2646 = arith.muli %add3A_2644, %mul3A_2645 : i32
      %mul3A_2647 = arith.constant 32 : i32
      %mul3A_2648 = arith.muli %add3A_2635, %mul3A_2647 : i32
      %add3A_2649 = arith.addi %add3A, %mul3A_2648 : i32
      %mul3A_2650 = arith.constant 80 : i32
      %mul3A_2651 = arith.muli %add3A_2649, %mul3A_2650 : i32
      %jit3A_2652 = arith.constant 128 : i32
      %div3A_2653 = arith.divsi %mul3A_2651, %jit3A_2652 : i32
      %sign3A_2654 = arith.constant 0 : i32
      %sign3A_2655 = arith.cmpi sgt, %mul3A_2651, %sign3A_2654 : i32
      %sign3A_2656 = arith.extui %sign3A_2655 : i1 to i32
      %sign3A_2657 = arith.constant 0 : i32
      %sign3A_2658 = arith.cmpi slt, %mul3A_2651, %sign3A_2657 : i32
      %sign3A_2659 = arith.extui %sign3A_2658 : i1 to i32
      %sign3A_2660 = arith.subi %sign3A_2656, %sign3A_2659 : i32
      %sign3A_2661 = arith.constant 0 : i32
      %sign3A_2662 = arith.cmpi sgt, %jit3A_2652, %sign3A_2661 : i32
      %sign3A_2663 = arith.extui %sign3A_2662 : i1 to i32
      %sign3A_2664 = arith.constant 0 : i32
      %sign3A_2665 = arith.cmpi slt, %jit3A_2652, %sign3A_2664 : i32
      %sign3A_2666 = arith.extui %sign3A_2665 : i1 to i32
      %sign3A_2667 = arith.subi %sign3A_2663, %sign3A_2666 : i32
      %ne3A_2668 = arith.cmpi ne, %sign3A_2660, %sign3A_2667 : i32
      %rem3A_2669 = arith.remsi %mul3A_2651, %jit3A_2652 : i32
      %ne3A_2670 = arith.constant 0 : i32
      %ne3A_2671 = arith.cmpi ne, %rem3A_2669, %ne3A_2670 : i32
      %and3A_2672 = arith.andi %ne3A_2668, %ne3A_2671 : i1
      %sub3A_2673 = arith.constant 1 : i32
      %sub3A_2674 = arith.subi %div3A_2653, %sub3A_2673 : i32
      %select_n3A_2675 = arith.select %and3A_2672, %sub3A_2674, %div3A_2653 : i32
      %mul3A_2676 = arith.constant 128 : i32
      %mul3A_2677 = arith.muli %select_n3A_2675, %mul3A_2676 : i32
      %min3A_2678 = arith.constant 319744 : i32
      %min3A_2679 = arith.minsi %mul3A_2677, %min3A_2678 : i32
      %sub3A_2680 = arith.subi %mul3A_2646, %min3A_2679 : i32
      %add3A_2681 = arith.constant 0 : i32
      %add3A_2682 = arith.addi %sub3A_2680, %add3A_2681 : i32
      %get3A_2683 = arith.constant 0 : i32
      %get3A_2684 = arith.index_cast %get3A_2683 : i32 to index
      %get3A_2685 = arith.index_cast %add3A_2682 : i32 to index
      %get3A_2686 = tpu.vector_load %arg10[%get3A_2684, %get3A_2685] {strides = array<i32>} : memref<2x256xi32, #tpu.memory_space<vmem>>, vector<16xi32>,
      %gather3A_2687 = tpu.vector_load_idx %arg6[%get3A_2686] : memref<10000xi32, #tpu.memory_space<vmem>>[vector<16xi32>], vector<16xi32>,
      %add3A_2688 = arith.constant 0 : i32
      %add3A_2689 = arith.addi %sub3A_2680, %add3A_2688 : i32
      %get3A_2690 = arith.constant 1 : i32
      %get3A_2691 = arith.index_cast %get3A_2690 : i32 to index
      %get3A_2692 = arith.index_cast %add3A_2689 : i32 to index
      %get3A_2693 = tpu.vector_load %arg10[%get3A_2691, %get3A_2692] {strides = array<i32>} : memref<2x256xi32, #tpu.memory_space<vmem>>, vector<16xi32>,
      %gather3A_2694 = tpu.vector_load_idx %arg6[%get3A_2693] : memref<10000xi32, #tpu.memory_space<vmem>>[vector<16xi32>], vector<16xi32>,
      %mul3A_2695 = arith.constant 128 : i32
      %mul3A_2696 = vector.broadcast %mul3A_2695 : i32 to vector<16xi32>
      %mul3A_2697 = arith.muli %gather3A_2687, %mul3A_2696 : vector<16xi32>
      %add3A_2698 = arith.addi %mul3A_2697, %gather3A_2694 : vector<16xi32>
      %swap3A_2699 = arith.constant 0 : index
      %swap3A_2700 = tpu.vector_load %arg15[%swap3A_2699] {strides = array<i32>} : memref<80xi32, #tpu.memory_space<vmem>>, vector<16xi32>,
      tpu.vector_store %arg15[%swap3A_2699], %add3A_2698 {strides = array<i32>} : memref<80xi32, #tpu.memory_space<vmem>>, vector<16xi32>,
      %add3A_2701 = arith.constant 16 : i32
      %add3A_2702 = arith.addi %sub3A_2680, %add3A_2701 : i32
      %get3A_2703 = arith.constant 0 : i32
      %get3A_2704 = arith.index_cast %get3A_2703 : i32 to index
      %get3A_2705 = arith.index_cast %add3A_2702 : i32 to index
      %get3A_2706 = tpu.vector_load %arg10[%get3A_2704, %get3A_2705] {strides = array<i32>} : memref<2x256xi32, #tpu.memory_space<vmem>>, vector<16xi32>,
      %gather3A_2707 = tpu.vector_load_idx %arg6[%get3A_2706] : memref<10000xi32, #tpu.memory_space<vmem>>[vector<16xi32>], vector<16xi32>,
      %add3A_2708 = arith.constant 16 : i32
      %add3A_2709 = arith.addi %sub3A_2680, %add3A_2708 : i32
      %get3A_2710 = arith.constant 1 : i32
      %get3A_2711 = arith.index_cast %get3A_2710 : i32 to index
      %get3A_2712 = arith.index_cast %add3A_2709 : i32 to index
      %get3A_2713 = tpu.vector_load %arg10[%get3A_2711, %get3A_2712] {strides = array<i32>} : memref<2x256xi32, #tpu.memory_space<vmem>>, vector<16xi32>,
      %gather3A_2714 = tpu.vector_load_idx %arg6[%get3A_2713] : memref<10000xi32, #tpu.memory_space<vmem>>[vector<16xi32>], vector<16xi32>,
      %mul3A_2715 = arith.constant 128 : i32
      %mul3A_2716 = vector.broadcast %mul3A_2715 : i32 to vector<16xi32>
      %mul3A_2717 = arith.muli %gather3A_2707, %mul3A_2716 : vector<16xi32>
      %add3A_2718 = arith.addi %mul3A_2717, %gather3A_2714 : vector<16xi32>
      %swap3A_2719 = arith.constant 16 : index
      %swap3A_2720 = tpu.vector_load %arg15[%swap3A_2719] {strides = array<i32>} : memref<80xi32, #tpu.memory_space<vmem>>, vector<16xi32>,
      tpu.vector_store %arg15[%swap3A_2719], %add3A_2718 {strides = array<i32>} : memref<80xi32, #tpu.memory_space<vmem>>, vector<16xi32>,
      %add3A_2721 = arith.constant 32 : i32
      %add3A_2722 = arith.addi %sub3A_2680, %add3A_2721 : i32
      %get3A_2723 = arith.constant 0 : i32
      %get3A_2724 = arith.index_cast %get3A_2723 : i32 to index
      %get3A_2725 = arith.index_cast %add3A_2722 : i32 to index
      %get3A_2726 = tpu.vector_load %arg10[%get3A_2724, %get3A_2725] {strides = array<i32>} : memref<2x256xi32, #tpu.memory_space<vmem>>, vector<16xi32>,
      %gather3A_2727 = tpu.vector_load_idx %arg6[%get3A_2726] : memref<10000xi32, #tpu.memory_space<vmem>>[vector<16xi32>], vector<16xi32>,
      %add3A_2728 = arith.constant 32 : i32
      %add3A_2729 = arith.addi %sub3A_2680, %add3A_2728 : i32
      %get3A_2730 = arith.constant 1 : i32
      %get3A_2731 = arith.index_cast %get3A_2730 : i32 to index
      %get3A_2732 = arith.index_cast %add3A_2729 : i32 to index
      %get3A_2733 = tpu.vector_load %arg10[%get3A_2731, %get3A_2732] {strides = array<i32>} : memref<2x256xi32, #tpu.memory_space<vmem>>, vector<16xi32>,
      %gather3A_2734 = tpu.vector_load_idx %arg6[%get3A_2733] : memref<10000xi32, #tpu.memory_space<vmem>>[vector<16xi32>], vector<16xi32>,
      %mul3A_2735 = arith.constant 128 : i32
      %mul3A_2736 = vector.broadcast %mul3A_2735 : i32 to vector<16xi32>
      %mul3A_2737 = arith.muli %gather3A_2727, %mul3A_2736 : vector<16xi32>
      %add3A_2738 = arith.addi %mul3A_2737, %gather3A_2734 : vector<16xi32>
      %swap3A_2739 = arith.constant 32 : index
      %swap3A_2740 = tpu.vector_load %arg15[%swap3A_2739] {strides = array<i32>} : memref<80xi32, #tpu.memory_space<vmem>>, vector<16xi32>,
      tpu.vector_store %arg15[%swap3A_2739], %add3A_2738 {strides = array<i32>} : memref<80xi32, #tpu.memory_space<vmem>>, vector<16xi32>,
      %add3A_2741 = arith.constant 48 : i32
      %add3A_2742 = arith.addi %sub3A_2680, %add3A_2741 : i32
      %get3A_2743 = arith.constant 0 : i32
      %get3A_2744 = arith.index_cast %get3A_2743 : i32 to index
      %get3A_2745 = arith.index_cast %add3A_2742 : i32 to index
      %get3A_2746 = tpu.vector_load %arg10[%get3A_2744, %get3A_2745] {strides = array<i32>} : memref<2x256xi32, #tpu.memory_space<vmem>>, vector<16xi32>,
      %gather3A_2747 = tpu.vector_load_idx %arg6[%get3A_2746] : memref<10000xi32, #tpu.memory_space<vmem>>[vector<16xi32>], vector<16xi32>,
      %add3A_2748 = arith.constant 48 : i32
      %add3A_2749 = arith.addi %sub3A_2680, %add3A_2748 : i32
      %get3A_2750 = arith.constant 1 : i32
      %get3A_2751 = arith.index_cast %get3A_2750 : i32 to index
      %get3A_2752 = arith.index_cast %add3A_2749 : i32 to index
      %get3A_2753 = tpu.vector_load %arg10[%get3A_2751, %get3A_2752] {strides = array<i32>} : memref<2x256xi32, #tpu.memory_space<vmem>>, vector<16xi32>,
      %gather3A_2754 = tpu.vector_load_idx %arg6[%get3A_2753] : memref<10000xi32, #tpu.memory_space<vmem>>[vector<16xi32>], vector<16xi32>,
      %mul3A_2755 = arith.constant 128 : i32
      %mul3A_2756 = vector.broadcast %mul3A_2755 : i32 to vector<16xi32>
      %mul3A_2757 = arith.muli %gather3A_2747, %mul3A_2756 : vector<16xi32>
      %add3A_2758 = arith.addi %mul3A_2757, %gather3A_2754 : vector<16xi32>
      %swap3A_2759 = arith.constant 48 : index
      %swap3A_2760 = tpu.vector_load %arg15[%swap3A_2759] {strides = array<i32>} : memref<80xi32, #tpu.memory_space<vmem>>, vector<16xi32>,
      tpu.vector_store %arg15[%swap3A_2759], %add3A_2758 {strides = array<i32>} : memref<80xi32, #tpu.memory_space<vmem>>, vector<16xi32>,
      %add3A_2761 = arith.constant 64 : i32
      %add3A_2762 = arith.addi %sub3A_2680, %add3A_2761 : i32
      %get3A_2763 = arith.constant 0 : i32
      %get3A_2764 = arith.index_cast %get3A_2763 : i32 to index
      %get3A_2765 = arith.index_cast %add3A_2762 : i32 to index
      %get3A_2766 = tpu.vector_load %arg10[%get3A_2764, %get3A_2765] {strides = array<i32>} : memref<2x256xi32, #tpu.memory_space<vmem>>, vector<16xi32>,
      %gather3A_2767 = tpu.vector_load_idx %arg6[%get3A_2766] : memref<10000xi32, #tpu.memory_space<vmem>>[vector<16xi32>], vector<16xi32>,
      %add3A_2768 = arith.constant 64 : i32
      %add3A_2769 = arith.addi %sub3A_2680, %add3A_2768 : i32
      %get3A_2770 = arith.constant 1 : i32
      %get3A_2771 = arith.index_cast %get3A_2770 : i32 to index
      %get3A_2772 = arith.index_cast %add3A_2769 : i32 to index
      %get3A_2773 = tpu.vector_load %arg10[%get3A_2771, %get3A_2772] {strides = array<i32>} : memref<2x256xi32, #tpu.memory_space<vmem>>, vector<16xi32>,
      %gather3A_2774 = tpu.vector_load_idx %arg6[%get3A_2773] : memref<10000xi32, #tpu.memory_space<vmem>>[vector<16xi32>], vector<16xi32>,
      %mul3A_2775 = arith.constant 128 : i32
      %mul3A_2776 = vector.broadcast %mul3A_2775 : i32 to vector<16xi32>
      %mul3A_2777 = arith.muli %gather3A_2767, %mul3A_2776 : vector<16xi32>
      %add3A_2778 = arith.addi %mul3A_2777, %gather3A_2774 : vector<16xi32>
      %swap3A_2779 = arith.constant 64 : index
      %swap3A_2780 = tpu.vector_load %arg15[%swap3A_2779] {strides = array<i32>} : memref<80xi32, #tpu.memory_space<vmem>>, vector<16xi32>,
      tpu.vector_store %arg15[%swap3A_2779], %add3A_2778 {strides = array<i32>} : memref<80xi32, #tpu.memory_space<vmem>>, vector<16xi32>,
      %add3A_2781 = arith.constant 5 : i32
      %add3A_2782 = arith.addi %add3A_2635, %add3A_2781 : i32
      %mul3A_2783 = arith.constant 32 : i32
      %mul3A_2784 = arith.muli %add3A_2782, %mul3A_2783 : i32
      %add3A_2785 = arith.addi %add3A, %mul3A_2784 : i32
      %mul3A_2786 = arith.constant 80 : i32
      %mul3A_2787 = arith.muli %add3A_2785, %mul3A_2786 : i32
      %jit3A_2788 = arith.constant 128 : i32
      %div3A_2789 = arith.divsi %mul3A_2787, %jit3A_2788 : i32
      %sign3A_2790 = arith.constant 0 : i32
      %sign3A_2791 = arith.cmpi sgt, %mul3A_2787, %sign3A_2790 : i32
      %sign3A_2792 = arith.extui %sign3A_2791 : i1 to i32
      %sign3A_2793 = arith.constant 0 : i32
      %sign3A_2794 = arith.cmpi slt, %mul3A_2787, %sign3A_2793 : i32
      %sign3A_2795 = arith.extui %sign3A_2794 : i1 to i32
      %sign3A_2796 = arith.subi %sign3A_2792, %sign3A_2795 : i32
      %sign3A_2797 = arith.constant 0 : i32
      %sign3A_2798 = arith.cmpi sgt, %jit3A_2788, %sign3A_2797 : i32
      %sign3A_2799 = arith.extui %sign3A_2798 : i1 to i32
      %sign3A_2800 = arith.constant 0 : i32
      %sign3A_2801 = arith.cmpi slt, %jit3A_2788, %sign3A_2800 : i32
      %sign3A_2802 = arith.extui %sign3A_2801 : i1 to i32
      %sign3A_2803 = arith.subi %sign3A_2799, %sign3A_2802 : i32
      %ne3A_2804 = arith.cmpi ne, %sign3A_2796, %sign3A_2803 : i32
      %rem3A_2805 = arith.remsi %mul3A_2787, %jit3A_2788 : i32
      %ne3A_2806 = arith.constant 0 : i32
      %ne3A_2807 = arith.cmpi ne, %rem3A_2805, %ne3A_2806 : i32
      %and3A_2808 = arith.andi %ne3A_2804, %ne3A_2807 : i1
      %sub3A_2809 = arith.constant 1 : i32
      %sub3A_2810 = arith.subi %div3A_2789, %sub3A_2809 : i32
      %select_n3A_2811 = arith.select %and3A_2808, %sub3A_2810, %div3A_2789 : i32
      %mul3A_2812 = arith.constant 128 : i32
      %mul3A_2813 = arith.muli %select_n3A_2811, %mul3A_2812 : i32
      %min3A_2814 = arith.constant 319744 : i32
      %min3A_2815 = arith.minsi %mul3A_2813, %min3A_2814 : i32
      %dma_start3A_2816 = arith.constant 0 : i32
      %dma_start3A_2817 = tpu.memref_slice %arg3[%dma_start3A_2816, %min3A_2815] : memref<2x320000xi32, #tpu.memory_space<hbm>> -> memref<2x256xi32, #tpu.memory_space<hbm>>
      %dma_start3A_2818 = arith.constant 0 : i32
      %dma_start3A_2819 = tpu.memref_slice %arg3[%dma_start3A_2818, %min3A_2815] : memref<2x320000xi32, #tpu.memory_space<hbm>> -> memref<2x256xi32, #tpu.memory_space<hbm>>
      tpu.enqueue_dma source(%dma_start3A_2819 : memref<2x256xi32, #tpu.memory_space<hbm>>) target(%arg10 : memref<2x256xi32, #tpu.memory_space<vmem>>) target_semaphore(%arg25 : memref<!tpu.dma_semaphore, #tpu.memory_space<semaphore_mem>>)
      %dma_wait3A_2820 = arith.constant 0 : i32
      %dma_wait3A_2821 = arith.constant 0 : i32
      %dma_wait3A_2822 = tpu.memref_slice %arg5[%dma_wait3A_2820, %dma_wait3A_2821] : memref<320000x128xf32, #tpu.memory_space<hbm>> -> memref<80x128xf32, #tpu.memory_space<hbm>>
      %dma_wait3A_2823 = arith.constant 0 : i32
      %dma_wait3A_2824 = arith.constant 0 : i32
      %dma_wait3A_2825 = tpu.memref_slice %arg5[%dma_wait3A_2823, %dma_wait3A_2824] : memref<320000x128xf32, #tpu.memory_space<hbm>> -> memref<80x128xf32, #tpu.memory_space<hbm>>
      tpu.wait_dma2 semaphore(%arg35 : memref<!tpu.dma_semaphore, #tpu.memory_space<semaphore_mem>>) src(%dma_wait3A_2825 : memref<80x128xf32, #tpu.memory_space<hbm>>) dst(%arg20 : memref<80x128xf32, #tpu.memory_space<vmem>>)
      %dma_start3A_2826 = arith.constant 0 : i32
      %dma_start3A_2827 = arith.constant 0 : i32
      %dma_start3A_2828 = tpu.memref_slice %arg4[%dma_start3A_2826, %dma_start3A_2827] : memref<16384x128xf32, #tpu.memory_space<hbm>> -> memref<16384x128xf32, #tpu.memory_space<hbm>>
      tpu.enqueue_indirect_dma source(%dma_start3A_2828 : memref<16384x128xf32, #tpu.memory_space<hbm>>) target(%arg20 : memref<80x128xf32, #tpu.memory_space<vmem>>) offsets(%arg15 : memref<80xi32, #tpu.memory_space<vmem>>) semaphore(%arg30 : memref<!tpu.dma_semaphore, #tpu.memory_space<semaphore_mem>>)
      %add3A_2829 = arith.constant 4 : i32
      %add3A_2830 = arith.addi %mul3A_1984, %add3A_2829 : i32
      %dma_wait3A_2831 = arith.constant 0 : i32
      %dma_wait3A_2832 = arith.constant 0 : i32
      %dma_wait3A_2833 = tpu.memref_slice %arg4[%dma_wait3A_2831, %dma_wait3A_2832] : memref<16384x128xf32, #tpu.memory_space<hbm>> -> memref<16384x128xf32, #tpu.memory_space<hbm>>
      tpu.wait_indirect_dma semaphore(%arg31 : memref<!tpu.dma_semaphore, #tpu.memory_space<semaphore_mem>>) src(%dma_wait3A_2833 : memref<16384x128xf32, #tpu.memory_space<hbm>>) dst(%arg21 : memref<80x128xf32, #tpu.memory_space<vmem>>)
      %mul3A_2834 = arith.constant 32 : i32
      %mul3A_2835 = arith.muli %add3A_2830, %mul3A_2834 : i32
      %add3A_2836 = arith.addi %add3A, %mul3A_2835 : i32
      %mul3A_2837 = arith.constant 80 : i32
      %mul3A_2838 = arith.muli %add3A_2836, %mul3A_2837 : i32
      %dma_start3A_2839 = arith.constant 0 : i32
      %dma_start3A_2840 = tpu.memref_slice %arg5[%mul3A_2838, %dma_start3A_2839] : memref<320000x128xf32, #tpu.memory_space<hbm>> -> memref<80x128xf32, #tpu.memory_space<hbm>>
      %dma_start3A_2841 = arith.constant 0 : i32
      %dma_start3A_2842 = tpu.memref_slice %arg5[%mul3A_2838, %dma_start3A_2841] : memref<320000x128xf32, #tpu.memory_space<hbm>> -> memref<80x128xf32, #tpu.memory_space<hbm>>
      tpu.enqueue_dma source(%arg21 : memref<80x128xf32, #tpu.memory_space<vmem>>) target(%dma_start3A_2842 : memref<80x128xf32, #tpu.memory_space<hbm>>) target_semaphore(%arg36 : memref<!tpu.dma_semaphore, #tpu.memory_space<semaphore_mem>>)
      %add3A_2843 = arith.constant 4 : i32
      %add3A_2844 = arith.addi %mul3A_1984, %add3A_2843 : i32
      %add3A_2845 = arith.constant 5 : i32
      %add3A_2846 = arith.addi %add3A_2844, %add3A_2845 : i32
      %dma_wait3A_2847 = arith.constant 0 : i32
      %dma_wait3A_2848 = arith.constant 0 : i32
      %dma_wait3A_2849 = tpu.memref_slice %arg3[%dma_wait3A_2847, %dma_wait3A_2848] : memref<2x320000xi32, #tpu.memory_space<hbm>> -> memref<2x256xi32, #tpu.memory_space<hbm>>
      %dma_wait3A_2850 = arith.constant 0 : i32
      %dma_wait3A_2851 = arith.constant 0 : i32
      %dma_wait3A_2852 = tpu.memref_slice %arg3[%dma_wait3A_2850, %dma_wait3A_2851] : memref<2x320000xi32, #tpu.memory_space<hbm>> -> memref<2x256xi32, #tpu.memory_space<hbm>>
      tpu.wait_dma2 semaphore(%arg26 : memref<!tpu.dma_semaphore, #tpu.memory_space<semaphore_mem>>) src(%dma_wait3A_2852 : memref<2x256xi32, #tpu.memory_space<hbm>>) dst(%arg11 : memref<2x256xi32, #tpu.memory_space<vmem>>)
      %mul3A_2853 = arith.constant 32 : i32
      %mul3A_2854 = arith.muli %add3A_2846, %mul3A_2853 : i32
      %add3A_2855 = arith.addi %add3A, %mul3A_2854 : i32
      %mul3A_2856 = arith.constant 80 : i32
      %mul3A_2857 = arith.muli %add3A_2855, %mul3A_2856 : i32
      %mul3A_2858 = arith.constant 32 : i32
      %mul3A_2859 = arith.muli %add3A_2846, %mul3A_2858 : i32
      %add3A_2860 = arith.addi %add3A, %mul3A_2859 : i32
      %mul3A_2861 = arith.constant 80 : i32
      %mul3A_2862 = arith.muli %add3A_2860, %mul3A_2861 : i32
      %jit3A_2863 = arith.constant 128 : i32
      %div3A_2864 = arith.divsi %mul3A_2862, %jit3A_2863 : i32
      %sign3A_2865 = arith.constant 0 : i32
      %sign3A_2866 = arith.cmpi sgt, %mul3A_2862, %sign3A_2865 : i32
      %sign3A_2867 = arith.extui %sign3A_2866 : i1 to i32
      %sign3A_2868 = arith.constant 0 : i32
      %sign3A_2869 = arith.cmpi slt, %mul3A_2862, %sign3A_2868 : i32
      %sign3A_2870 = arith.extui %sign3A_2869 : i1 to i32
      %sign3A_2871 = arith.subi %sign3A_2867, %sign3A_2870 : i32
      %sign3A_2872 = arith.constant 0 : i32
      %sign3A_2873 = arith.cmpi sgt, %jit3A_2863, %sign3A_2872 : i32
      %sign3A_2874 = arith.extui %sign3A_2873 : i1 to i32
      %sign3A_2875 = arith.constant 0 : i32
      %sign3A_2876 = arith.cmpi slt, %jit3A_2863, %sign3A_2875 : i32
      %sign3A_2877 = arith.extui %sign3A_2876 : i1 to i32
      %sign3A_2878 = arith.subi %sign3A_2874, %sign3A_2877 : i32
      %ne3A_2879 = arith.cmpi ne, %sign3A_2871, %sign3A_2878 : i32
      %rem3A_2880 = arith.remsi %mul3A_2862, %jit3A_2863 : i32
      %ne3A_2881 = arith.constant 0 : i32
      %ne3A_2882 = arith.cmpi ne, %rem3A_2880, %ne3A_2881 : i32
      %and3A_2883 = arith.andi %ne3A_2879, %ne3A_2882 : i1
      %sub3A_2884 = arith.constant 1 : i32
      %sub3A_2885 = arith.subi %div3A_2864, %sub3A_2884 : i32
      %select_n3A_2886 = arith.select %and3A_2883, %sub3A_2885, %div3A_2864 : i32
      %mul3A_2887 = arith.constant 128 : i32
      %mul3A_2888 = arith.muli %select_n3A_2886, %mul3A_2887 : i32
      %min3A_2889 = arith.constant 319744 : i32
      %min3A_2890 = arith.minsi %mul3A_2888, %min3A_2889 : i32
      %sub3A_2891 = arith.subi %mul3A_2857, %min3A_2890 : i32
      %add3A_2892 = arith.constant 0 : i32
      %add3A_2893 = arith.addi %sub3A_2891, %add3A_2892 : i32
      %get3A_2894 = arith.constant 0 : i32
      %get3A_2895 = arith.index_cast %get3A_2894 : i32 to index
      %get3A_2896 = arith.index_cast %add3A_2893 : i32 to index
      %get3A_2897 = tpu.vector_load %arg11[%get3A_2895, %get3A_2896] {strides = array<i32>} : memref<2x256xi32, #tpu.memory_space<vmem>>, vector<16xi32>,
      %gather3A_2898 = tpu.vector_load_idx %arg6[%get3A_2897] : memref<10000xi32, #tpu.memory_space<vmem>>[vector<16xi32>], vector<16xi32>,
      %add3A_2899 = arith.constant 0 : i32
      %add3A_2900 = arith.addi %sub3A_2891, %add3A_2899 : i32
      %get3A_2901 = arith.constant 1 : i32
      %get3A_2902 = arith.index_cast %get3A_2901 : i32 to index
      %get3A_2903 = arith.index_cast %add3A_2900 : i32 to index
      %get3A_2904 = tpu.vector_load %arg11[%get3A_2902, %get3A_2903] {strides = array<i32>} : memref<2x256xi32, #tpu.memory_space<vmem>>, vector<16xi32>,
      %gather3A_2905 = tpu.vector_load_idx %arg6[%get3A_2904] : memref<10000xi32, #tpu.memory_space<vmem>>[vector<16xi32>], vector<16xi32>,
      %mul3A_2906 = arith.constant 128 : i32
      %mul3A_2907 = vector.broadcast %mul3A_2906 : i32 to vector<16xi32>
      %mul3A_2908 = arith.muli %gather3A_2898, %mul3A_2907 : vector<16xi32>
      %add3A_2909 = arith.addi %mul3A_2908, %gather3A_2905 : vector<16xi32>
      %swap3A_2910 = arith.constant 0 : index
      %swap3A_2911 = tpu.vector_load %arg16[%swap3A_2910] {strides = array<i32>} : memref<80xi32, #tpu.memory_space<vmem>>, vector<16xi32>,
      tpu.vector_store %arg16[%swap3A_2910], %add3A_2909 {strides = array<i32>} : memref<80xi32, #tpu.memory_space<vmem>>, vector<16xi32>,
      %add3A_2912 = arith.constant 16 : i32
      %add3A_2913 = arith.addi %sub3A_2891, %add3A_2912 : i32
      %get3A_2914 = arith.constant 0 : i32
      %get3A_2915 = arith.index_cast %get3A_2914 : i32 to index
      %get3A_2916 = arith.index_cast %add3A_2913 : i32 to index
      %get3A_2917 = tpu.vector_load %arg11[%get3A_2915, %get3A_2916] {strides = array<i32>} : memref<2x256xi32, #tpu.memory_space<vmem>>, vector<16xi32>,
      %gather3A_2918 = tpu.vector_load_idx %arg6[%get3A_2917] : memref<10000xi32, #tpu.memory_space<vmem>>[vector<16xi32>], vector<16xi32>,
      %add3A_2919 = arith.constant 16 : i32
      %add3A_2920 = arith.addi %sub3A_2891, %add3A_2919 : i32
      %get3A_2921 = arith.constant 1 : i32
      %get3A_2922 = arith.index_cast %get3A_2921 : i32 to index
      %get3A_2923 = arith.index_cast %add3A_2920 : i32 to index
      %get3A_2924 = tpu.vector_load %arg11[%get3A_2922, %get3A_2923] {strides = array<i32>} : memref<2x256xi32, #tpu.memory_space<vmem>>, vector<16xi32>,
      %gather3A_2925 = tpu.vector_load_idx %arg6[%get3A_2924] : memref<10000xi32, #tpu.memory_space<vmem>>[vector<16xi32>], vector<16xi32>,
      %mul3A_2926 = arith.constant 128 : i32
      %mul3A_2927 = vector.broadcast %mul3A_2926 : i32 to vector<16xi32>
      %mul3A_2928 = arith.muli %gather3A_2918, %mul3A_2927 : vector<16xi32>
      %add3A_2929 = arith.addi %mul3A_2928, %gather3A_2925 : vector<16xi32>
      %swap3A_2930 = arith.constant 16 : index
      %swap3A_2931 = tpu.vector_load %arg16[%swap3A_2930] {strides = array<i32>} : memref<80xi32, #tpu.memory_space<vmem>>, vector<16xi32>,
      tpu.vector_store %arg16[%swap3A_2930], %add3A_2929 {strides = array<i32>} : memref<80xi32, #tpu.memory_space<vmem>>, vector<16xi32>,
      %add3A_2932 = arith.constant 32 : i32
      %add3A_2933 = arith.addi %sub3A_2891, %add3A_2932 : i32
      %get3A_2934 = arith.constant 0 : i32
      %get3A_2935 = arith.index_cast %get3A_2934 : i32 to index
      %get3A_2936 = arith.index_cast %add3A_2933 : i32 to index
      %get3A_2937 = tpu.vector_load %arg11[%get3A_2935, %get3A_2936] {strides = array<i32>} : memref<2x256xi32, #tpu.memory_space<vmem>>, vector<16xi32>,
      %gather3A_2938 = tpu.vector_load_idx %arg6[%get3A_2937] : memref<10000xi32, #tpu.memory_space<vmem>>[vector<16xi32>], vector<16xi32>,
      %add3A_2939 = arith.constant 32 : i32
      %add3A_2940 = arith.addi %sub3A_2891, %add3A_2939 : i32
      %get3A_2941 = arith.constant 1 : i32
      %get3A_2942 = arith.index_cast %get3A_2941 : i32 to index
      %get3A_2943 = arith.index_cast %add3A_2940 : i32 to index
      %get3A_2944 = tpu.vector_load %arg11[%get3A_2942, %get3A_2943] {strides = array<i32>} : memref<2x256xi32, #tpu.memory_space<vmem>>, vector<16xi32>,
      %gather3A_2945 = tpu.vector_load_idx %arg6[%get3A_2944] : memref<10000xi32, #tpu.memory_space<vmem>>[vector<16xi32>], vector<16xi32>,
      %mul3A_2946 = arith.constant 128 : i32
      %mul3A_2947 = vector.broadcast %mul3A_2946 : i32 to vector<16xi32>
      %mul3A_2948 = arith.muli %gather3A_2938, %mul3A_2947 : vector<16xi32>
      %add3A_2949 = arith.addi %mul3A_2948, %gather3A_2945 : vector<16xi32>
      %swap3A_2950 = arith.constant 32 : index
      %swap3A_2951 = tpu.vector_load %arg16[%swap3A_2950] {strides = array<i32>} : memref<80xi32, #tpu.memory_space<vmem>>, vector<16xi32>,
      tpu.vector_store %arg16[%swap3A_2950], %add3A_2949 {strides = array<i32>} : memref<80xi32, #tpu.memory_space<vmem>>, vector<16xi32>,
      %add3A_2952 = arith.constant 48 : i32
      %add3A_2953 = arith.addi %sub3A_2891, %add3A_2952 : i32
      %get3A_2954 = arith.constant 0 : i32
      %get3A_2955 = arith.index_cast %get3A_2954 : i32 to index
      %get3A_2956 = arith.index_cast %add3A_2953 : i32 to index
      %get3A_2957 = tpu.vector_load %arg11[%get3A_2955, %get3A_2956] {strides = array<i32>} : memref<2x256xi32, #tpu.memory_space<vmem>>, vector<16xi32>,
      %gather3A_2958 = tpu.vector_load_idx %arg6[%get3A_2957] : memref<10000xi32, #tpu.memory_space<vmem>>[vector<16xi32>], vector<16xi32>,
      %add3A_2959 = arith.constant 48 : i32
      %add3A_2960 = arith.addi %sub3A_2891, %add3A_2959 : i32
      %get3A_2961 = arith.constant 1 : i32
      %get3A_2962 = arith.index_cast %get3A_2961 : i32 to index
      %get3A_2963 = arith.index_cast %add3A_2960 : i32 to index
      %get3A_2964 = tpu.vector_load %arg11[%get3A_2962, %get3A_2963] {strides = array<i32>} : memref<2x256xi32, #tpu.memory_space<vmem>>, vector<16xi32>,
      %gather3A_2965 = tpu.vector_load_idx %arg6[%get3A_2964] : memref<10000xi32, #tpu.memory_space<vmem>>[vector<16xi32>], vector<16xi32>,
      %mul3A_2966 = arith.constant 128 : i32
      %mul3A_2967 = vector.broadcast %mul3A_2966 : i32 to vector<16xi32>
      %mul3A_2968 = arith.muli %gather3A_2958, %mul3A_2967 : vector<16xi32>
      %add3A_2969 = arith.addi %mul3A_2968, %gather3A_2965 : vector<16xi32>
      %swap3A_2970 = arith.constant 48 : index
      %swap3A_2971 = tpu.vector_load %arg16[%swap3A_2970] {strides = array<i32>} : memref<80xi32, #tpu.memory_space<vmem>>, vector<16xi32>,
      tpu.vector_store %arg16[%swap3A_2970], %add3A_2969 {strides = array<i32>} : memref<80xi32, #tpu.memory_space<vmem>>, vector<16xi32>,
      %add3A_2972 = arith.constant 64 : i32
      %add3A_2973 = arith.addi %sub3A_2891, %add3A_2972 : i32
      %get3A_2974 = arith.constant 0 : i32
      %get3A_2975 = arith.index_cast %get3A_2974 : i32 to index
      %get3A_2976 = arith.index_cast %add3A_2973 : i32 to index
      %get3A_2977 = tpu.vector_load %arg11[%get3A_2975, %get3A_2976] {strides = array<i32>} : memref<2x256xi32, #tpu.memory_space<vmem>>, vector<16xi32>,
      %gather3A_2978 = tpu.vector_load_idx %arg6[%get3A_2977] : memref<10000xi32, #tpu.memory_space<vmem>>[vector<16xi32>], vector<16xi32>,
      %add3A_2979 = arith.constant 64 : i32
      %add3A_2980 = arith.addi %sub3A_2891, %add3A_2979 : i32
      %get3A_2981 = arith.constant 1 : i32
      %get3A_2982 = arith.index_cast %get3A_2981 : i32 to index
      %get3A_2983 = arith.index_cast %add3A_2980 : i32 to index
      %get3A_2984 = tpu.vector_load %arg11[%get3A_2982, %get3A_2983] {strides = array<i32>} : memref<2x256xi32, #tpu.memory_space<vmem>>, vector<16xi32>,
      %gather3A_2985 = tpu.vector_load_idx %arg6[%get3A_2984] : memref<10000xi32, #tpu.memory_space<vmem>>[vector<16xi32>], vector<16xi32>,
      %mul3A_2986 = arith.constant 128 : i32
      %mul3A_2987 = vector.broadcast %mul3A_2986 : i32 to vector<16xi32>
      %mul3A_2988 = arith.muli %gather3A_2978, %mul3A_2987 : vector<16xi32>
      %add3A_2989 = arith.addi %mul3A_2988, %gather3A_2985 : vector<16xi32>
      %swap3A_2990 = arith.constant 64 : index
      %swap3A_2991 = tpu.vector_load %arg16[%swap3A_2990] {strides = array<i32>} : memref<80xi32, #tpu.memory_space<vmem>>, vector<16xi32>,
      tpu.vector_store %arg16[%swap3A_2990], %add3A_2989 {strides = array<i32>} : memref<80xi32, #tpu.memory_space<vmem>>, vector<16xi32>,
      %add3A_2992 = arith.constant 5 : i32
      %add3A_2993 = arith.addi %add3A_2846, %add3A_2992 : i32
      %mul3A_2994 = arith.constant 32 : i32
      %mul3A_2995 = arith.muli %add3A_2993, %mul3A_2994 : i32
      %add3A_2996 = arith.addi %add3A, %mul3A_2995 : i32
      %mul3A_2997 = arith.constant 80 : i32
      %mul3A_2998 = arith.muli %add3A_2996, %mul3A_2997 : i32
      %jit3A_2999 = arith.constant 128 : i32
      %div3A_3000 = arith.divsi %mul3A_2998, %jit3A_2999 : i32
      %sign3A_3001 = arith.constant 0 : i32
      %sign3A_3002 = arith.cmpi sgt, %mul3A_2998, %sign3A_3001 : i32
      %sign3A_3003 = arith.extui %sign3A_3002 : i1 to i32
      %sign3A_3004 = arith.constant 0 : i32
      %sign3A_3005 = arith.cmpi slt, %mul3A_2998, %sign3A_3004 : i32
      %sign3A_3006 = arith.extui %sign3A_3005 : i1 to i32
      %sign3A_3007 = arith.subi %sign3A_3003, %sign3A_3006 : i32
      %sign3A_3008 = arith.constant 0 : i32
      %sign3A_3009 = arith.cmpi sgt, %jit3A_2999, %sign3A_3008 : i32
      %sign3A_3010 = arith.extui %sign3A_3009 : i1 to i32
      %sign3A_3011 = arith.constant 0 : i32
      %sign3A_3012 = arith.cmpi slt, %jit3A_2999, %sign3A_3011 : i32
      %sign3A_3013 = arith.extui %sign3A_3012 : i1 to i32
      %sign3A_3014 = arith.subi %sign3A_3010, %sign3A_3013 : i32
      %ne3A_3015 = arith.cmpi ne, %sign3A_3007, %sign3A_3014 : i32
      %rem3A_3016 = arith.remsi %mul3A_2998, %jit3A_2999 : i32
      %ne3A_3017 = arith.constant 0 : i32
      %ne3A_3018 = arith.cmpi ne, %rem3A_3016, %ne3A_3017 : i32
      %and3A_3019 = arith.andi %ne3A_3015, %ne3A_3018 : i1
      %sub3A_3020 = arith.constant 1 : i32
      %sub3A_3021 = arith.subi %div3A_3000, %sub3A_3020 : i32
      %select_n3A_3022 = arith.select %and3A_3019, %sub3A_3021, %div3A_3000 : i32
      %mul3A_3023 = arith.constant 128 : i32
      %mul3A_3024 = arith.muli %select_n3A_3022, %mul3A_3023 : i32
      %min3A_3025 = arith.constant 319744 : i32
      %min3A_3026 = arith.minsi %mul3A_3024, %min3A_3025 : i32
      %dma_start3A_3027 = arith.constant 0 : i32
      %dma_start3A_3028 = tpu.memref_slice %arg3[%dma_start3A_3027, %min3A_3026] : memref<2x320000xi32, #tpu.memory_space<hbm>> -> memref<2x256xi32, #tpu.memory_space<hbm>>
      %dma_start3A_3029 = arith.constant 0 : i32
      %dma_start3A_3030 = tpu.memref_slice %arg3[%dma_start3A_3029, %min3A_3026] : memref<2x320000xi32, #tpu.memory_space<hbm>> -> memref<2x256xi32, #tpu.memory_space<hbm>>
      tpu.enqueue_dma source(%dma_start3A_3030 : memref<2x256xi32, #tpu.memory_space<hbm>>) target(%arg11 : memref<2x256xi32, #tpu.memory_space<vmem>>) target_semaphore(%arg26 : memref<!tpu.dma_semaphore, #tpu.memory_space<semaphore_mem>>)
      %dma_wait3A_3031 = arith.constant 0 : i32
      %dma_wait3A_3032 = arith.constant 0 : i32
      %dma_wait3A_3033 = tpu.memref_slice %arg5[%dma_wait3A_3031, %dma_wait3A_3032] : memref<320000x128xf32, #tpu.memory_space<hbm>> -> memref<80x128xf32, #tpu.memory_space<hbm>>
      %dma_wait3A_3034 = arith.constant 0 : i32
      %dma_wait3A_3035 = arith.constant 0 : i32
      %dma_wait3A_3036 = tpu.memref_slice %arg5[%dma_wait3A_3034, %dma_wait3A_3035] : memref<320000x128xf32, #tpu.memory_space<hbm>> -> memref<80x128xf32, #tpu.memory_space<hbm>>
      tpu.wait_dma2 semaphore(%arg36 : memref<!tpu.dma_semaphore, #tpu.memory_space<semaphore_mem>>) src(%dma_wait3A_3036 : memref<80x128xf32, #tpu.memory_space<hbm>>) dst(%arg21 : memref<80x128xf32, #tpu.memory_space<vmem>>)
      %dma_start3A_3037 = arith.constant 0 : i32
      %dma_start3A_3038 = arith.constant 0 : i32
      %dma_start3A_3039 = tpu.memref_slice %arg4[%dma_start3A_3037, %dma_start3A_3038] : memref<16384x128xf32, #tpu.memory_space<hbm>> -> memref<16384x128xf32, #tpu.memory_space<hbm>>
      tpu.enqueue_indirect_dma source(%dma_start3A_3039 : memref<16384x128xf32, #tpu.memory_space<hbm>>) target(%arg21 : memref<80x128xf32, #tpu.memory_space<vmem>>) offsets(%arg16 : memref<80xi32, #tpu.memory_space<vmem>>) semaphore(%arg31 : memref<!tpu.dma_semaphore, #tpu.memory_space<semaphore_mem>>)
    }
    %scan3A_1081 = arith.constant 23 : i32
    %dma_wait3A_1082 = arith.constant 0 : i32
    %dma_wait3A_1083 = arith.constant 0 : i32
    %dma_wait3A_1084 = tpu.memref_slice %arg4[%dma_wait3A_1082, %dma_wait3A_1083] : memref<16384x128xf32, #tpu.memory_space<hbm>> -> memref<16384x128xf32, #tpu.memory_space<hbm>>
    tpu.wait_indirect_dma semaphore(%arg27 : memref<!tpu.dma_semaphore, #tpu.memory_space<semaphore_mem>>) src(%dma_wait3A_1084 : memref<16384x128xf32, #tpu.memory_space<hbm>>) dst(%arg17 : memref<80x128xf32, #tpu.memory_space<vmem>>)
    %add3A_1085 = arith.constant 3680 : i32
    %add3A_1086 = arith.addi %add3A, %add3A_1085 : i32
    %mul3A_1087 = arith.constant 80 : i32
    %mul3A_1088 = arith.muli %add3A_1086, %mul3A_1087 : i32
    %dma_start3A_1089 = arith.constant 0 : i32
    %dma_start3A_1090 = tpu.memref_slice %arg5[%mul3A_1088, %dma_start3A_1089] : memref<320000x128xf32, #tpu.memory_space<hbm>> -> memref<80x128xf32, #tpu.memory_space<hbm>>
    %dma_start3A_1091 = arith.constant 0 : i32
    %dma_start3A_1092 = tpu.memref_slice %arg5[%mul3A_1088, %dma_start3A_1091] : memref<320000x128xf32, #tpu.memory_space<hbm>> -> memref<80x128xf32, #tpu.memory_space<hbm>>
    tpu.enqueue_dma source(%arg17 : memref<80x128xf32, #tpu.memory_space<vmem>>) target(%dma_start3A_1092 : memref<80x128xf32, #tpu.memory_space<hbm>>) target_semaphore(%arg32 : memref<!tpu.dma_semaphore, #tpu.memory_space<semaphore_mem>>)
    %dma_wait3A_1093 = arith.constant 0 : i32
    %dma_wait3A_1094 = arith.constant 0 : i32
    %dma_wait3A_1095 = tpu.memref_slice %arg3[%dma_wait3A_1093, %dma_wait3A_1094] : memref<2x320000xi32, #tpu.memory_space<hbm>> -> memref<2x256xi32, #tpu.memory_space<hbm>>
    %dma_wait3A_1096 = arith.constant 0 : i32
    %dma_wait3A_1097 = arith.constant 0 : i32
    %dma_wait3A_1098 = tpu.memref_slice %arg3[%dma_wait3A_1096, %dma_wait3A_1097] : memref<2x320000xi32, #tpu.memory_space<hbm>> -> memref<2x256xi32, #tpu.memory_space<hbm>>
    tpu.wait_dma2 semaphore(%arg22 : memref<!tpu.dma_semaphore, #tpu.memory_space<semaphore_mem>>) src(%dma_wait3A_1098 : memref<2x256xi32, #tpu.memory_space<hbm>>) dst(%arg7 : memref<2x256xi32, #tpu.memory_space<vmem>>)
    %add3A_1099 = arith.constant 3840 : i32
    %add3A_1100 = arith.addi %add3A, %add3A_1099 : i32
    %mul3A_1101 = arith.constant 80 : i32
    %mul3A_1102 = arith.muli %add3A_1100, %mul3A_1101 : i32
    %add3A_1103 = arith.constant 3840 : i32
    %add3A_1104 = arith.addi %add3A, %add3A_1103 : i32
    %mul3A_1105 = arith.constant 80 : i32
    %mul3A_1106 = arith.muli %add3A_1104, %mul3A_1105 : i32
    %jit3A_1107 = arith.constant 128 : i32
    %div3A_1108 = arith.divsi %mul3A_1106, %jit3A_1107 : i32
    %sign3A_1109 = arith.constant 0 : i32
    %sign3A_1110 = arith.cmpi sgt, %mul3A_1106, %sign3A_1109 : i32
    %sign3A_1111 = arith.extui %sign3A_1110 : i1 to i32
    %sign3A_1112 = arith.constant 0 : i32
    %sign3A_1113 = arith.cmpi slt, %mul3A_1106, %sign3A_1112 : i32
    %sign3A_1114 = arith.extui %sign3A_1113 : i1 to i32
    %sign3A_1115 = arith.subi %sign3A_1111, %sign3A_1114 : i32
    %sign3A_1116 = arith.constant 0 : i32
    %sign3A_1117 = arith.cmpi sgt, %jit3A_1107, %sign3A_1116 : i32
    %sign3A_1118 = arith.extui %sign3A_1117 : i1 to i32
    %sign3A_1119 = arith.constant 0 : i32
    %sign3A_1120 = arith.cmpi slt, %jit3A_1107, %sign3A_1119 : i32
    %sign3A_1121 = arith.extui %sign3A_1120 : i1 to i32
    %sign3A_1122 = arith.subi %sign3A_1118, %sign3A_1121 : i32
    %ne3A_1123 = arith.cmpi ne, %sign3A_1115, %sign3A_1122 : i32
    %rem3A_1124 = arith.remsi %mul3A_1106, %jit3A_1107 : i32
    %ne3A_1125 = arith.constant 0 : i32
    %ne3A_1126 = arith.cmpi ne, %rem3A_1124, %ne3A_1125 : i32
    %and3A_1127 = arith.andi %ne3A_1123, %ne3A_1126 : i1
    %sub3A_1128 = arith.constant 1 : i32
    %sub3A_1129 = arith.subi %div3A_1108, %sub3A_1128 : i32
    %select_n3A_1130 = arith.select %and3A_1127, %sub3A_1129, %div3A_1108 : i32
    %mul3A_1131 = arith.constant 128 : i32
    %mul3A_1132 = arith.muli %select_n3A_1130, %mul3A_1131 : i32
    %min3A_1133 = arith.constant 319744 : i32
    %min3A_1134 = arith.minsi %mul3A_1132, %min3A_1133 : i32
    %sub3A_1135 = arith.subi %mul3A_1102, %min3A_1134 : i32
    %add3A_1136 = arith.constant 0 : i32
    %add3A_1137 = arith.addi %sub3A_1135, %add3A_1136 : i32
    %get3A_1138 = arith.constant 0 : i32
    %get3A_1139 = arith.index_cast %get3A_1138 : i32 to index
    %get3A_1140 = arith.index_cast %add3A_1137 : i32 to index
    %get3A_1141 = tpu.vector_load %arg7[%get3A_1139, %get3A_1140] {strides = array<i32>} : memref<2x256xi32, #tpu.memory_space<vmem>>, vector<16xi32>,
    %gather3A_1142 = tpu.vector_load_idx %arg6[%get3A_1141] : memref<10000xi32, #tpu.memory_space<vmem>>[vector<16xi32>], vector<16xi32>,
    %add3A_1143 = arith.constant 0 : i32
    %add3A_1144 = arith.addi %sub3A_1135, %add3A_1143 : i32
    %get3A_1145 = arith.constant 1 : i32
    %get3A_1146 = arith.index_cast %get3A_1145 : i32 to index
    %get3A_1147 = arith.index_cast %add3A_1144 : i32 to index
    %get3A_1148 = tpu.vector_load %arg7[%get3A_1146, %get3A_1147] {strides = array<i32>} : memref<2x256xi32, #tpu.memory_space<vmem>>, vector<16xi32>,
    %gather3A_1149 = tpu.vector_load_idx %arg6[%get3A_1148] : memref<10000xi32, #tpu.memory_space<vmem>>[vector<16xi32>], vector<16xi32>,
    %mul3A_1150 = arith.constant 128 : i32
    %mul3A_1151 = vector.broadcast %mul3A_1150 : i32 to vector<16xi32>
    %mul3A_1152 = arith.muli %gather3A_1142, %mul3A_1151 : vector<16xi32>
    %add3A_1153 = arith.addi %mul3A_1152, %gather3A_1149 : vector<16xi32>
    %swap3A_1154 = arith.constant 0 : index
    %swap3A_1155 = tpu.vector_load %arg12[%swap3A_1154] {strides = array<i32>} : memref<80xi32, #tpu.memory_space<vmem>>, vector<16xi32>,
    tpu.vector_store %arg12[%swap3A_1154], %add3A_1153 {strides = array<i32>} : memref<80xi32, #tpu.memory_space<vmem>>, vector<16xi32>,
    %add3A_1156 = arith.constant 16 : i32
    %add3A_1157 = arith.addi %sub3A_1135, %add3A_1156 : i32
    %get3A_1158 = arith.constant 0 : i32
    %get3A_1159 = arith.index_cast %get3A_1158 : i32 to index
    %get3A_1160 = arith.index_cast %add3A_1157 : i32 to index
    %get3A_1161 = tpu.vector_load %arg7[%get3A_1159, %get3A_1160] {strides = array<i32>} : memref<2x256xi32, #tpu.memory_space<vmem>>, vector<16xi32>,
    %gather3A_1162 = tpu.vector_load_idx %arg6[%get3A_1161] : memref<10000xi32, #tpu.memory_space<vmem>>[vector<16xi32>], vector<16xi32>,
    %add3A_1163 = arith.constant 16 : i32
    %add3A_1164 = arith.addi %sub3A_1135, %add3A_1163 : i32
    %get3A_1165 = arith.constant 1 : i32
    %get3A_1166 = arith.index_cast %get3A_1165 : i32 to index
    %get3A_1167 = arith.index_cast %add3A_1164 : i32 to index
    %get3A_1168 = tpu.vector_load %arg7[%get3A_1166, %get3A_1167] {strides = array<i32>} : memref<2x256xi32, #tpu.memory_space<vmem>>, vector<16xi32>,
    %gather3A_1169 = tpu.vector_load_idx %arg6[%get3A_1168] : memref<10000xi32, #tpu.memory_space<vmem>>[vector<16xi32>], vector<16xi32>,
    %mul3A_1170 = arith.constant 128 : i32
    %mul3A_1171 = vector.broadcast %mul3A_1170 : i32 to vector<16xi32>
    %mul3A_1172 = arith.muli %gather3A_1162, %mul3A_1171 : vector<16xi32>
    %add3A_1173 = arith.addi %mul3A_1172, %gather3A_1169 : vector<16xi32>
    %swap3A_1174 = arith.constant 16 : index
    %swap3A_1175 = tpu.vector_load %arg12[%swap3A_1174] {strides = array<i32>} : memref<80xi32, #tpu.memory_space<vmem>>, vector<16xi32>,
    tpu.vector_store %arg12[%swap3A_1174], %add3A_1173 {strides = array<i32>} : memref<80xi32, #tpu.memory_space<vmem>>, vector<16xi32>,
    %add3A_1176 = arith.constant 32 : i32
    %add3A_1177 = arith.addi %sub3A_1135, %add3A_1176 : i32
    %get3A_1178 = arith.constant 0 : i32
    %get3A_1179 = arith.index_cast %get3A_1178 : i32 to index
    %get3A_1180 = arith.index_cast %add3A_1177 : i32 to index
    %get3A_1181 = tpu.vector_load %arg7[%get3A_1179, %get3A_1180] {strides = array<i32>} : memref<2x256xi32, #tpu.memory_space<vmem>>, vector<16xi32>,
    %gather3A_1182 = tpu.vector_load_idx %arg6[%get3A_1181] : memref<10000xi32, #tpu.memory_space<vmem>>[vector<16xi32>], vector<16xi32>,
    %add3A_1183 = arith.constant 32 : i32
    %add3A_1184 = arith.addi %sub3A_1135, %add3A_1183 : i32
    %get3A_1185 = arith.constant 1 : i32
    %get3A_1186 = arith.index_cast %get3A_1185 : i32 to index
    %get3A_1187 = arith.index_cast %add3A_1184 : i32 to index
    %get3A_1188 = tpu.vector_load %arg7[%get3A_1186, %get3A_1187] {strides = array<i32>} : memref<2x256xi32, #tpu.memory_space<vmem>>, vector<16xi32>,
    %gather3A_1189 = tpu.vector_load_idx %arg6[%get3A_1188] : memref<10000xi32, #tpu.memory_space<vmem>>[vector<16xi32>], vector<16xi32>,
    %mul3A_1190 = arith.constant 128 : i32
    %mul3A_1191 = vector.broadcast %mul3A_1190 : i32 to vector<16xi32>
    %mul3A_1192 = arith.muli %gather3A_1182, %mul3A_1191 : vector<16xi32>
    %add3A_1193 = arith.addi %mul3A_1192, %gather3A_1189 : vector<16xi32>
    %swap3A_1194 = arith.constant 32 : index
    %swap3A_1195 = tpu.vector_load %arg12[%swap3A_1194] {strides = array<i32>} : memref<80xi32, #tpu.memory_space<vmem>>, vector<16xi32>,
    tpu.vector_store %arg12[%swap3A_1194], %add3A_1193 {strides = array<i32>} : memref<80xi32, #tpu.memory_space<vmem>>, vector<16xi32>,
    %add3A_1196 = arith.constant 48 : i32
    %add3A_1197 = arith.addi %sub3A_1135, %add3A_1196 : i32
    %get3A_1198 = arith.constant 0 : i32
    %get3A_1199 = arith.index_cast %get3A_1198 : i32 to index
    %get3A_1200 = arith.index_cast %add3A_1197 : i32 to index
    %get3A_1201 = tpu.vector_load %arg7[%get3A_1199, %get3A_1200] {strides = array<i32>} : memref<2x256xi32, #tpu.memory_space<vmem>>, vector<16xi32>,
    %gather3A_1202 = tpu.vector_load_idx %arg6[%get3A_1201] : memref<10000xi32, #tpu.memory_space<vmem>>[vector<16xi32>], vector<16xi32>,
    %add3A_1203 = arith.constant 48 : i32
    %add3A_1204 = arith.addi %sub3A_1135, %add3A_1203 : i32
    %get3A_1205 = arith.constant 1 : i32
    %get3A_1206 = arith.index_cast %get3A_1205 : i32 to index
    %get3A_1207 = arith.index_cast %add3A_1204 : i32 to index
    %get3A_1208 = tpu.vector_load %arg7[%get3A_1206, %get3A_1207] {strides = array<i32>} : memref<2x256xi32, #tpu.memory_space<vmem>>, vector<16xi32>,
    %gather3A_1209 = tpu.vector_load_idx %arg6[%get3A_1208] : memref<10000xi32, #tpu.memory_space<vmem>>[vector<16xi32>], vector<16xi32>,
    %mul3A_1210 = arith.constant 128 : i32
    %mul3A_1211 = vector.broadcast %mul3A_1210 : i32 to vector<16xi32>
    %mul3A_1212 = arith.muli %gather3A_1202, %mul3A_1211 : vector<16xi32>
    %add3A_1213 = arith.addi %mul3A_1212, %gather3A_1209 : vector<16xi32>
    %swap3A_1214 = arith.constant 48 : index
    %swap3A_1215 = tpu.vector_load %arg12[%swap3A_1214] {strides = array<i32>} : memref<80xi32, #tpu.memory_space<vmem>>, vector<16xi32>,
    tpu.vector_store %arg12[%swap3A_1214], %add3A_1213 {strides = array<i32>} : memref<80xi32, #tpu.memory_space<vmem>>, vector<16xi32>,
    %add3A_1216 = arith.constant 64 : i32
    %add3A_1217 = arith.addi %sub3A_1135, %add3A_1216 : i32
    %get3A_1218 = arith.constant 0 : i32
    %get3A_1219 = arith.index_cast %get3A_1218 : i32 to index
    %get3A_1220 = arith.index_cast %add3A_1217 : i32 to index
    %get3A_1221 = tpu.vector_load %arg7[%get3A_1219, %get3A_1220] {strides = array<i32>} : memref<2x256xi32, #tpu.memory_space<vmem>>, vector<16xi32>,
    %gather3A_1222 = tpu.vector_load_idx %arg6[%get3A_1221] : memref<10000xi32, #tpu.memory_space<vmem>>[vector<16xi32>], vector<16xi32>,
    %add3A_1223 = arith.constant 64 : i32
    %add3A_1224 = arith.addi %sub3A_1135, %add3A_1223 : i32
    %get3A_1225 = arith.constant 1 : i32
    %get3A_1226 = arith.index_cast %get3A_1225 : i32 to index
    %get3A_1227 = arith.index_cast %add3A_1224 : i32 to index
    %get3A_1228 = tpu.vector_load %arg7[%get3A_1226, %get3A_1227] {strides = array<i32>} : memref<2x256xi32, #tpu.memory_space<vmem>>, vector<16xi32>,
    %gather3A_1229 = tpu.vector_load_idx %arg6[%get3A_1228] : memref<10000xi32, #tpu.memory_space<vmem>>[vector<16xi32>], vector<16xi32>,
    %mul3A_1230 = arith.constant 128 : i32
    %mul3A_1231 = vector.broadcast %mul3A_1230 : i32 to vector<16xi32>
    %mul3A_1232 = arith.muli %gather3A_1222, %mul3A_1231 : vector<16xi32>
    %add3A_1233 = arith.addi %mul3A_1232, %gather3A_1229 : vector<16xi32>
    %swap3A_1234 = arith.constant 64 : index
    %swap3A_1235 = tpu.vector_load %arg12[%swap3A_1234] {strides = array<i32>} : memref<80xi32, #tpu.memory_space<vmem>>, vector<16xi32>,
    tpu.vector_store %arg12[%swap3A_1234], %add3A_1233 {strides = array<i32>} : memref<80xi32, #tpu.memory_space<vmem>>, vector<16xi32>,
    %dma_wait3A_1236 = arith.constant 0 : i32
    %dma_wait3A_1237 = arith.constant 0 : i32
    %dma_wait3A_1238 = tpu.memref_slice %arg5[%dma_wait3A_1236, %dma_wait3A_1237] : memref<320000x128xf32, #tpu.memory_space<hbm>> -> memref<80x128xf32, #tpu.memory_space<hbm>>
    %dma_wait3A_1239 = arith.constant 0 : i32
    %dma_wait3A_1240 = arith.constant 0 : i32
    %dma_wait3A_1241 = tpu.memref_slice %arg5[%dma_wait3A_1239, %dma_wait3A_1240] : memref<320000x128xf32, #tpu.memory_space<hbm>> -> memref<80x128xf32, #tpu.memory_space<hbm>>
    tpu.wait_dma2 semaphore(%arg32 : memref<!tpu.dma_semaphore, #tpu.memory_space<semaphore_mem>>) src(%dma_wait3A_1241 : memref<80x128xf32, #tpu.memory_space<hbm>>) dst(%arg17 : memref<80x128xf32, #tpu.memory_space<vmem>>)
    %dma_start3A_1242 = arith.constant 0 : i32
    %dma_start3A_1243 = arith.constant 0 : i32
    %dma_start3A_1244 = tpu.memref_slice %arg4[%dma_start3A_1242, %dma_start3A_1243] : memref<16384x128xf32, #tpu.memory_space<hbm>> -> memref<16384x128xf32, #tpu.memory_space<hbm>>
    tpu.enqueue_indirect_dma source(%dma_start3A_1244 : memref<16384x128xf32, #tpu.memory_space<hbm>>) target(%arg17 : memref<80x128xf32, #tpu.memory_space<vmem>>) offsets(%arg12 : memref<80xi32, #tpu.memory_space<vmem>>) semaphore(%arg27 : memref<!tpu.dma_semaphore, #tpu.memory_space<semaphore_mem>>)
    %dma_wait3A_1245 = arith.constant 0 : i32
    %dma_wait3A_1246 = arith.constant 0 : i32
    %dma_wait3A_1247 = tpu.memref_slice %arg4[%dma_wait3A_1245, %dma_wait3A_1246] : memref<16384x128xf32, #tpu.memory_space<hbm>> -> memref<16384x128xf32, #tpu.memory_space<hbm>>
    tpu.wait_indirect_dma semaphore(%arg28 : memref<!tpu.dma_semaphore, #tpu.memory_space<semaphore_mem>>) src(%dma_wait3A_1247 : memref<16384x128xf32, #tpu.memory_space<hbm>>) dst(%arg18 : memref<80x128xf32, #tpu.memory_space<vmem>>)
    %add3A_1248 = arith.constant 3712 : i32
    %add3A_1249 = arith.addi %add3A, %add3A_1248 : i32
    %mul3A_1250 = arith.constant 80 : i32
    %mul3A_1251 = arith.muli %add3A_1249, %mul3A_1250 : i32
    %dma_start3A_1252 = arith.constant 0 : i32
    %dma_start3A_1253 = tpu.memref_slice %arg5[%mul3A_1251, %dma_start3A_1252] : memref<320000x128xf32, #tpu.memory_space<hbm>> -> memref<80x128xf32, #tpu.memory_space<hbm>>
    %dma_start3A_1254 = arith.constant 0 : i32
    %dma_start3A_1255 = tpu.memref_slice %arg5[%mul3A_1251, %dma_start3A_1254] : memref<320000x128xf32, #tpu.memory_space<hbm>> -> memref<80x128xf32, #tpu.memory_space<hbm>>
    tpu.enqueue_dma source(%arg18 : memref<80x128xf32, #tpu.memory_space<vmem>>) target(%dma_start3A_1255 : memref<80x128xf32, #tpu.memory_space<hbm>>) target_semaphore(%arg33 : memref<!tpu.dma_semaphore, #tpu.memory_space<semaphore_mem>>)
    %dma_wait3A_1256 = arith.constant 0 : i32
    %dma_wait3A_1257 = arith.constant 0 : i32
    %dma_wait3A_1258 = tpu.memref_slice %arg3[%dma_wait3A_1256, %dma_wait3A_1257] : memref<2x320000xi32, #tpu.memory_space<hbm>> -> memref<2x256xi32, #tpu.memory_space<hbm>>
    %dma_wait3A_1259 = arith.constant 0 : i32
    %dma_wait3A_1260 = arith.constant 0 : i32
    %dma_wait3A_1261 = tpu.memref_slice %arg3[%dma_wait3A_1259, %dma_wait3A_1260] : memref<2x320000xi32, #tpu.memory_space<hbm>> -> memref<2x256xi32, #tpu.memory_space<hbm>>
    tpu.wait_dma2 semaphore(%arg23 : memref<!tpu.dma_semaphore, #tpu.memory_space<semaphore_mem>>) src(%dma_wait3A_1261 : memref<2x256xi32, #tpu.memory_space<hbm>>) dst(%arg8 : memref<2x256xi32, #tpu.memory_space<vmem>>)
    %add3A_1262 = arith.constant 3872 : i32
    %add3A_1263 = arith.addi %add3A, %add3A_1262 : i32
    %mul3A_1264 = arith.constant 80 : i32
    %mul3A_1265 = arith.muli %add3A_1263, %mul3A_1264 : i32
    %add3A_1266 = arith.constant 3872 : i32
    %add3A_1267 = arith.addi %add3A, %add3A_1266 : i32
    %mul3A_1268 = arith.constant 80 : i32
    %mul3A_1269 = arith.muli %add3A_1267, %mul3A_1268 : i32
    %jit3A_1270 = arith.constant 128 : i32
    %div3A_1271 = arith.divsi %mul3A_1269, %jit3A_1270 : i32
    %sign3A_1272 = arith.constant 0 : i32
    %sign3A_1273 = arith.cmpi sgt, %mul3A_1269, %sign3A_1272 : i32
    %sign3A_1274 = arith.extui %sign3A_1273 : i1 to i32
    %sign3A_1275 = arith.constant 0 : i32
    %sign3A_1276 = arith.cmpi slt, %mul3A_1269, %sign3A_1275 : i32
    %sign3A_1277 = arith.extui %sign3A_1276 : i1 to i32
    %sign3A_1278 = arith.subi %sign3A_1274, %sign3A_1277 : i32
    %sign3A_1279 = arith.constant 0 : i32
    %sign3A_1280 = arith.cmpi sgt, %jit3A_1270, %sign3A_1279 : i32
    %sign3A_1281 = arith.extui %sign3A_1280 : i1 to i32
    %sign3A_1282 = arith.constant 0 : i32
    %sign3A_1283 = arith.cmpi slt, %jit3A_1270, %sign3A_1282 : i32
    %sign3A_1284 = arith.extui %sign3A_1283 : i1 to i32
    %sign3A_1285 = arith.subi %sign3A_1281, %sign3A_1284 : i32
    %ne3A_1286 = arith.cmpi ne, %sign3A_1278, %sign3A_1285 : i32
    %rem3A_1287 = arith.remsi %mul3A_1269, %jit3A_1270 : i32
    %ne3A_1288 = arith.constant 0 : i32
    %ne3A_1289 = arith.cmpi ne, %rem3A_1287, %ne3A_1288 : i32
    %and3A_1290 = arith.andi %ne3A_1286, %ne3A_1289 : i1
    %sub3A_1291 = arith.constant 1 : i32
    %sub3A_1292 = arith.subi %div3A_1271, %sub3A_1291 : i32
    %select_n3A_1293 = arith.select %and3A_1290, %sub3A_1292, %div3A_1271 : i32
    %mul3A_1294 = arith.constant 128 : i32
    %mul3A_1295 = arith.muli %select_n3A_1293, %mul3A_1294 : i32
    %min3A_1296 = arith.constant 319744 : i32
    %min3A_1297 = arith.minsi %mul3A_1295, %min3A_1296 : i32
    %sub3A_1298 = arith.subi %mul3A_1265, %min3A_1297 : i32
    %add3A_1299 = arith.constant 0 : i32
    %add3A_1300 = arith.addi %sub3A_1298, %add3A_1299 : i32
    %get3A_1301 = arith.constant 0 : i32
    %get3A_1302 = arith.index_cast %get3A_1301 : i32 to index
    %get3A_1303 = arith.index_cast %add3A_1300 : i32 to index
    %get3A_1304 = tpu.vector_load %arg8[%get3A_1302, %get3A_1303] {strides = array<i32>} : memref<2x256xi32, #tpu.memory_space<vmem>>, vector<16xi32>,
    %gather3A_1305 = tpu.vector_load_idx %arg6[%get3A_1304] : memref<10000xi32, #tpu.memory_space<vmem>>[vector<16xi32>], vector<16xi32>,
    %add3A_1306 = arith.constant 0 : i32
    %add3A_1307 = arith.addi %sub3A_1298, %add3A_1306 : i32
    %get3A_1308 = arith.constant 1 : i32
    %get3A_1309 = arith.index_cast %get3A_1308 : i32 to index
    %get3A_1310 = arith.index_cast %add3A_1307 : i32 to index
    %get3A_1311 = tpu.vector_load %arg8[%get3A_1309, %get3A_1310] {strides = array<i32>} : memref<2x256xi32, #tpu.memory_space<vmem>>, vector<16xi32>,
    %gather3A_1312 = tpu.vector_load_idx %arg6[%get3A_1311] : memref<10000xi32, #tpu.memory_space<vmem>>[vector<16xi32>], vector<16xi32>,
    %mul3A_1313 = arith.constant 128 : i32
    %mul3A_1314 = vector.broadcast %mul3A_1313 : i32 to vector<16xi32>
    %mul3A_1315 = arith.muli %gather3A_1305, %mul3A_1314 : vector<16xi32>
    %add3A_1316 = arith.addi %mul3A_1315, %gather3A_1312 : vector<16xi32>
    %swap3A_1317 = arith.constant 0 : index
    %swap3A_1318 = tpu.vector_load %arg13[%swap3A_1317] {strides = array<i32>} : memref<80xi32, #tpu.memory_space<vmem>>, vector<16xi32>,
    tpu.vector_store %arg13[%swap3A_1317], %add3A_1316 {strides = array<i32>} : memref<80xi32, #tpu.memory_space<vmem>>, vector<16xi32>,
    %add3A_1319 = arith.constant 16 : i32
    %add3A_1320 = arith.addi %sub3A_1298, %add3A_1319 : i32
    %get3A_1321 = arith.constant 0 : i32
    %get3A_1322 = arith.index_cast %get3A_1321 : i32 to index
    %get3A_1323 = arith.index_cast %add3A_1320 : i32 to index
    %get3A_1324 = tpu.vector_load %arg8[%get3A_1322, %get3A_1323] {strides = array<i32>} : memref<2x256xi32, #tpu.memory_space<vmem>>, vector<16xi32>,
    %gather3A_1325 = tpu.vector_load_idx %arg6[%get3A_1324] : memref<10000xi32, #tpu.memory_space<vmem>>[vector<16xi32>], vector<16xi32>,
    %add3A_1326 = arith.constant 16 : i32
    %add3A_1327 = arith.addi %sub3A_1298, %add3A_1326 : i32
    %get3A_1328 = arith.constant 1 : i32
    %get3A_1329 = arith.index_cast %get3A_1328 : i32 to index
    %get3A_1330 = arith.index_cast %add3A_1327 : i32 to index
    %get3A_1331 = tpu.vector_load %arg8[%get3A_1329, %get3A_1330] {strides = array<i32>} : memref<2x256xi32, #tpu.memory_space<vmem>>, vector<16xi32>,
    %gather3A_1332 = tpu.vector_load_idx %arg6[%get3A_1331] : memref<10000xi32, #tpu.memory_space<vmem>>[vector<16xi32>], vector<16xi32>,
    %mul3A_1333 = arith.constant 128 : i32
    %mul3A_1334 = vector.broadcast %mul3A_1333 : i32 to vector<16xi32>
    %mul3A_1335 = arith.muli %gather3A_1325, %mul3A_1334 : vector<16xi32>
    %add3A_1336 = arith.addi %mul3A_1335, %gather3A_1332 : vector<16xi32>
    %swap3A_1337 = arith.constant 16 : index
    %swap3A_1338 = tpu.vector_load %arg13[%swap3A_1337] {strides = array<i32>} : memref<80xi32, #tpu.memory_space<vmem>>, vector<16xi32>,
    tpu.vector_store %arg13[%swap3A_1337], %add3A_1336 {strides = array<i32>} : memref<80xi32, #tpu.memory_space<vmem>>, vector<16xi32>,
    %add3A_1339 = arith.constant 32 : i32
    %add3A_1340 = arith.addi %sub3A_1298, %add3A_1339 : i32
    %get3A_1341 = arith.constant 0 : i32
    %get3A_1342 = arith.index_cast %get3A_1341 : i32 to index
    %get3A_1343 = arith.index_cast %add3A_1340 : i32 to index
    %get3A_1344 = tpu.vector_load %arg8[%get3A_1342, %get3A_1343] {strides = array<i32>} : memref<2x256xi32, #tpu.memory_space<vmem>>, vector<16xi32>,
    %gather3A_1345 = tpu.vector_load_idx %arg6[%get3A_1344] : memref<10000xi32, #tpu.memory_space<vmem>>[vector<16xi32>], vector<16xi32>,
    %add3A_1346 = arith.constant 32 : i32
    %add3A_1347 = arith.addi %sub3A_1298, %add3A_1346 : i32
    %get3A_1348 = arith.constant 1 : i32
    %get3A_1349 = arith.index_cast %get3A_1348 : i32 to index
    %get3A_1350 = arith.index_cast %add3A_1347 : i32 to index
    %get3A_1351 = tpu.vector_load %arg8[%get3A_1349, %get3A_1350] {strides = array<i32>} : memref<2x256xi32, #tpu.memory_space<vmem>>, vector<16xi32>,
    %gather3A_1352 = tpu.vector_load_idx %arg6[%get3A_1351] : memref<10000xi32, #tpu.memory_space<vmem>>[vector<16xi32>], vector<16xi32>,
    %mul3A_1353 = arith.constant 128 : i32
    %mul3A_1354 = vector.broadcast %mul3A_1353 : i32 to vector<16xi32>
    %mul3A_1355 = arith.muli %gather3A_1345, %mul3A_1354 : vector<16xi32>
    %add3A_1356 = arith.addi %mul3A_1355, %gather3A_1352 : vector<16xi32>
    %swap3A_1357 = arith.constant 32 : index
    %swap3A_1358 = tpu.vector_load %arg13[%swap3A_1357] {strides = array<i32>} : memref<80xi32, #tpu.memory_space<vmem>>, vector<16xi32>,
    tpu.vector_store %arg13[%swap3A_1357], %add3A_1356 {strides = array<i32>} : memref<80xi32, #tpu.memory_space<vmem>>, vector<16xi32>,
    %add3A_1359 = arith.constant 48 : i32
    %add3A_1360 = arith.addi %sub3A_1298, %add3A_1359 : i32
    %get3A_1361 = arith.constant 0 : i32
    %get3A_1362 = arith.index_cast %get3A_1361 : i32 to index
    %get3A_1363 = arith.index_cast %add3A_1360 : i32 to index
    %get3A_1364 = tpu.vector_load %arg8[%get3A_1362, %get3A_1363] {strides = array<i32>} : memref<2x256xi32, #tpu.memory_space<vmem>>, vector<16xi32>,
    %gather3A_1365 = tpu.vector_load_idx %arg6[%get3A_1364] : memref<10000xi32, #tpu.memory_space<vmem>>[vector<16xi32>], vector<16xi32>,
    %add3A_1366 = arith.constant 48 : i32
    %add3A_1367 = arith.addi %sub3A_1298, %add3A_1366 : i32
    %get3A_1368 = arith.constant 1 : i32
    %get3A_1369 = arith.index_cast %get3A_1368 : i32 to index
    %get3A_1370 = arith.index_cast %add3A_1367 : i32 to index
    %get3A_1371 = tpu.vector_load %arg8[%get3A_1369, %get3A_1370] {strides = array<i32>} : memref<2x256xi32, #tpu.memory_space<vmem>>, vector<16xi32>,
    %gather3A_1372 = tpu.vector_load_idx %arg6[%get3A_1371] : memref<10000xi32, #tpu.memory_space<vmem>>[vector<16xi32>], vector<16xi32>,
    %mul3A_1373 = arith.constant 128 : i32
    %mul3A_1374 = vector.broadcast %mul3A_1373 : i32 to vector<16xi32>
    %mul3A_1375 = arith.muli %gather3A_1365, %mul3A_1374 : vector<16xi32>
    %add3A_1376 = arith.addi %mul3A_1375, %gather3A_1372 : vector<16xi32>
    %swap3A_1377 = arith.constant 48 : index
    %swap3A_1378 = tpu.vector_load %arg13[%swap3A_1377] {strides = array<i32>} : memref<80xi32, #tpu.memory_space<vmem>>, vector<16xi32>,
    tpu.vector_store %arg13[%swap3A_1377], %add3A_1376 {strides = array<i32>} : memref<80xi32, #tpu.memory_space<vmem>>, vector<16xi32>,
    %add3A_1379 = arith.constant 64 : i32
    %add3A_1380 = arith.addi %sub3A_1298, %add3A_1379 : i32
    %get3A_1381 = arith.constant 0 : i32
    %get3A_1382 = arith.index_cast %get3A_1381 : i32 to index
    %get3A_1383 = arith.index_cast %add3A_1380 : i32 to index
    %get3A_1384 = tpu.vector_load %arg8[%get3A_1382, %get3A_1383] {strides = array<i32>} : memref<2x256xi32, #tpu.memory_space<vmem>>, vector<16xi32>,
    %gather3A_1385 = tpu.vector_load_idx %arg6[%get3A_1384] : memref<10000xi32, #tpu.memory_space<vmem>>[vector<16xi32>], vector<16xi32>,
    %add3A_1386 = arith.constant 64 : i32
    %add3A_1387 = arith.addi %sub3A_1298, %add3A_1386 : i32
    %get3A_1388 = arith.constant 1 : i32
    %get3A_1389 = arith.index_cast %get3A_1388 : i32 to index
    %get3A_1390 = arith.index_cast %add3A_1387 : i32 to index
    %get3A_1391 = tpu.vector_load %arg8[%get3A_1389, %get3A_1390] {strides = array<i32>} : memref<2x256xi32, #tpu.memory_space<vmem>>, vector<16xi32>,
    %gather3A_1392 = tpu.vector_load_idx %arg6[%get3A_1391] : memref<10000xi32, #tpu.memory_space<vmem>>[vector<16xi32>], vector<16xi32>,
    %mul3A_1393 = arith.constant 128 : i32
    %mul3A_1394 = vector.broadcast %mul3A_1393 : i32 to vector<16xi32>
    %mul3A_1395 = arith.muli %gather3A_1385, %mul3A_1394 : vector<16xi32>
    %add3A_1396 = arith.addi %mul3A_1395, %gather3A_1392 : vector<16xi32>
    %swap3A_1397 = arith.constant 64 : index
    %swap3A_1398 = tpu.vector_load %arg13[%swap3A_1397] {strides = array<i32>} : memref<80xi32, #tpu.memory_space<vmem>>, vector<16xi32>,
    tpu.vector_store %arg13[%swap3A_1397], %add3A_1396 {strides = array<i32>} : memref<80xi32, #tpu.memory_space<vmem>>, vector<16xi32>,
    %dma_wait3A_1399 = arith.constant 0 : i32
    %dma_wait3A_1400 = arith.constant 0 : i32
    %dma_wait3A_1401 = tpu.memref_slice %arg5[%dma_wait3A_1399, %dma_wait3A_1400] : memref<320000x128xf32, #tpu.memory_space<hbm>> -> memref<80x128xf32, #tpu.memory_space<hbm>>
    %dma_wait3A_1402 = arith.constant 0 : i32
    %dma_wait3A_1403 = arith.constant 0 : i32
    %dma_wait3A_1404 = tpu.memref_slice %arg5[%dma_wait3A_1402, %dma_wait3A_1403] : memref<320000x128xf32, #tpu.memory_space<hbm>> -> memref<80x128xf32, #tpu.memory_space<hbm>>
    tpu.wait_dma2 semaphore(%arg33 : memref<!tpu.dma_semaphore, #tpu.memory_space<semaphore_mem>>) src(%dma_wait3A_1404 : memref<80x128xf32, #tpu.memory_space<hbm>>) dst(%arg18 : memref<80x128xf32, #tpu.memory_space<vmem>>)
    %dma_start3A_1405 = arith.constant 0 : i32
    %dma_start3A_1406 = arith.constant 0 : i32
    %dma_start3A_1407 = tpu.memref_slice %arg4[%dma_start3A_1405, %dma_start3A_1406] : memref<16384x128xf32, #tpu.memory_space<hbm>> -> memref<16384x128xf32, #tpu.memory_space<hbm>>
    tpu.enqueue_indirect_dma source(%dma_start3A_1407 : memref<16384x128xf32, #tpu.memory_space<hbm>>) target(%arg18 : memref<80x128xf32, #tpu.memory_space<vmem>>) offsets(%arg13 : memref<80xi32, #tpu.memory_space<vmem>>) semaphore(%arg28 : memref<!tpu.dma_semaphore, #tpu.memory_space<semaphore_mem>>)
    %dma_wait3A_1408 = arith.constant 0 : i32
    %dma_wait3A_1409 = arith.constant 0 : i32
    %dma_wait3A_1410 = tpu.memref_slice %arg4[%dma_wait3A_1408, %dma_wait3A_1409] : memref<16384x128xf32, #tpu.memory_space<hbm>> -> memref<16384x128xf32, #tpu.memory_space<hbm>>
    tpu.wait_indirect_dma semaphore(%arg29 : memref<!tpu.dma_semaphore, #tpu.memory_space<semaphore_mem>>) src(%dma_wait3A_1410 : memref<16384x128xf32, #tpu.memory_space<hbm>>) dst(%arg19 : memref<80x128xf32, #tpu.memory_space<vmem>>)
    %add3A_1411 = arith.constant 3744 : i32
    %add3A_1412 = arith.addi %add3A, %add3A_1411 : i32
    %mul3A_1413 = arith.constant 80 : i32
    %mul3A_1414 = arith.muli %add3A_1412, %mul3A_1413 : i32
    %dma_start3A_1415 = arith.constant 0 : i32
    %dma_start3A_1416 = tpu.memref_slice %arg5[%mul3A_1414, %dma_start3A_1415] : memref<320000x128xf32, #tpu.memory_space<hbm>> -> memref<80x128xf32, #tpu.memory_space<hbm>>
    %dma_start3A_1417 = arith.constant 0 : i32
    %dma_start3A_1418 = tpu.memref_slice %arg5[%mul3A_1414, %dma_start3A_1417] : memref<320000x128xf32, #tpu.memory_space<hbm>> -> memref<80x128xf32, #tpu.memory_space<hbm>>
    tpu.enqueue_dma source(%arg19 : memref<80x128xf32, #tpu.memory_space<vmem>>) target(%dma_start3A_1418 : memref<80x128xf32, #tpu.memory_space<hbm>>) target_semaphore(%arg34 : memref<!tpu.dma_semaphore, #tpu.memory_space<semaphore_mem>>)
    %dma_wait3A_1419 = arith.constant 0 : i32
    %dma_wait3A_1420 = arith.constant 0 : i32
    %dma_wait3A_1421 = tpu.memref_slice %arg3[%dma_wait3A_1419, %dma_wait3A_1420] : memref<2x320000xi32, #tpu.memory_space<hbm>> -> memref<2x256xi32, #tpu.memory_space<hbm>>
    %dma_wait3A_1422 = arith.constant 0 : i32
    %dma_wait3A_1423 = arith.constant 0 : i32
    %dma_wait3A_1424 = tpu.memref_slice %arg3[%dma_wait3A_1422, %dma_wait3A_1423] : memref<2x320000xi32, #tpu.memory_space<hbm>> -> memref<2x256xi32, #tpu.memory_space<hbm>>
    tpu.wait_dma2 semaphore(%arg24 : memref<!tpu.dma_semaphore, #tpu.memory_space<semaphore_mem>>) src(%dma_wait3A_1424 : memref<2x256xi32, #tpu.memory_space<hbm>>) dst(%arg9 : memref<2x256xi32, #tpu.memory_space<vmem>>)
    %add3A_1425 = arith.constant 3904 : i32
    %add3A_1426 = arith.addi %add3A, %add3A_1425 : i32
    %mul3A_1427 = arith.constant 80 : i32
    %mul3A_1428 = arith.muli %add3A_1426, %mul3A_1427 : i32
    %add3A_1429 = arith.constant 3904 : i32
    %add3A_1430 = arith.addi %add3A, %add3A_1429 : i32
    %mul3A_1431 = arith.constant 80 : i32
    %mul3A_1432 = arith.muli %add3A_1430, %mul3A_1431 : i32
    %jit3A_1433 = arith.constant 128 : i32
    %div3A_1434 = arith.divsi %mul3A_1432, %jit3A_1433 : i32
    %sign3A_1435 = arith.constant 0 : i32
    %sign3A_1436 = arith.cmpi sgt, %mul3A_1432, %sign3A_1435 : i32
    %sign3A_1437 = arith.extui %sign3A_1436 : i1 to i32
    %sign3A_1438 = arith.constant 0 : i32
    %sign3A_1439 = arith.cmpi slt, %mul3A_1432, %sign3A_1438 : i32
    %sign3A_1440 = arith.extui %sign3A_1439 : i1 to i32
    %sign3A_1441 = arith.subi %sign3A_1437, %sign3A_1440 : i32
    %sign3A_1442 = arith.constant 0 : i32
    %sign3A_1443 = arith.cmpi sgt, %jit3A_1433, %sign3A_1442 : i32
    %sign3A_1444 = arith.extui %sign3A_1443 : i1 to i32
    %sign3A_1445 = arith.constant 0 : i32
    %sign3A_1446 = arith.cmpi slt, %jit3A_1433, %sign3A_1445 : i32
    %sign3A_1447 = arith.extui %sign3A_1446 : i1 to i32
    %sign3A_1448 = arith.subi %sign3A_1444, %sign3A_1447 : i32
    %ne3A_1449 = arith.cmpi ne, %sign3A_1441, %sign3A_1448 : i32
    %rem3A_1450 = arith.remsi %mul3A_1432, %jit3A_1433 : i32
    %ne3A_1451 = arith.constant 0 : i32
    %ne3A_1452 = arith.cmpi ne, %rem3A_1450, %ne3A_1451 : i32
    %and3A_1453 = arith.andi %ne3A_1449, %ne3A_1452 : i1
    %sub3A_1454 = arith.constant 1 : i32
    %sub3A_1455 = arith.subi %div3A_1434, %sub3A_1454 : i32
    %select_n3A_1456 = arith.select %and3A_1453, %sub3A_1455, %div3A_1434 : i32
    %mul3A_1457 = arith.constant 128 : i32
    %mul3A_1458 = arith.muli %select_n3A_1456, %mul3A_1457 : i32
    %min3A_1459 = arith.constant 319744 : i32
    %min3A_1460 = arith.minsi %mul3A_1458, %min3A_1459 : i32
    %sub3A_1461 = arith.subi %mul3A_1428, %min3A_1460 : i32
    %add3A_1462 = arith.constant 0 : i32
    %add3A_1463 = arith.addi %sub3A_1461, %add3A_1462 : i32
    %get3A_1464 = arith.constant 0 : i32
    %get3A_1465 = arith.index_cast %get3A_1464 : i32 to index
    %get3A_1466 = arith.index_cast %add3A_1463 : i32 to index
    %get3A_1467 = tpu.vector_load %arg9[%get3A_1465, %get3A_1466] {strides = array<i32>} : memref<2x256xi32, #tpu.memory_space<vmem>>, vector<16xi32>,
    %gather3A_1468 = tpu.vector_load_idx %arg6[%get3A_1467] : memref<10000xi32, #tpu.memory_space<vmem>>[vector<16xi32>], vector<16xi32>,
    %add3A_1469 = arith.constant 0 : i32
    %add3A_1470 = arith.addi %sub3A_1461, %add3A_1469 : i32
    %get3A_1471 = arith.constant 1 : i32
    %get3A_1472 = arith.index_cast %get3A_1471 : i32 to index
    %get3A_1473 = arith.index_cast %add3A_1470 : i32 to index
    %get3A_1474 = tpu.vector_load %arg9[%get3A_1472, %get3A_1473] {strides = array<i32>} : memref<2x256xi32, #tpu.memory_space<vmem>>, vector<16xi32>,
    %gather3A_1475 = tpu.vector_load_idx %arg6[%get3A_1474] : memref<10000xi32, #tpu.memory_space<vmem>>[vector<16xi32>], vector<16xi32>,
    %mul3A_1476 = arith.constant 128 : i32
    %mul3A_1477 = vector.broadcast %mul3A_1476 : i32 to vector<16xi32>
    %mul3A_1478 = arith.muli %gather3A_1468, %mul3A_1477 : vector<16xi32>
    %add3A_1479 = arith.addi %mul3A_1478, %gather3A_1475 : vector<16xi32>
    %swap3A_1480 = arith.constant 0 : index
    %swap3A_1481 = tpu.vector_load %arg14[%swap3A_1480] {strides = array<i32>} : memref<80xi32, #tpu.memory_space<vmem>>, vector<16xi32>,
    tpu.vector_store %arg14[%swap3A_1480], %add3A_1479 {strides = array<i32>} : memref<80xi32, #tpu.memory_space<vmem>>, vector<16xi32>,
    %add3A_1482 = arith.constant 16 : i32
    %add3A_1483 = arith.addi %sub3A_1461, %add3A_1482 : i32
    %get3A_1484 = arith.constant 0 : i32
    %get3A_1485 = arith.index_cast %get3A_1484 : i32 to index
    %get3A_1486 = arith.index_cast %add3A_1483 : i32 to index
    %get3A_1487 = tpu.vector_load %arg9[%get3A_1485, %get3A_1486] {strides = array<i32>} : memref<2x256xi32, #tpu.memory_space<vmem>>, vector<16xi32>,
    %gather3A_1488 = tpu.vector_load_idx %arg6[%get3A_1487] : memref<10000xi32, #tpu.memory_space<vmem>>[vector<16xi32>], vector<16xi32>,
    %add3A_1489 = arith.constant 16 : i32
    %add3A_1490 = arith.addi %sub3A_1461, %add3A_1489 : i32
    %get3A_1491 = arith.constant 1 : i32
    %get3A_1492 = arith.index_cast %get3A_1491 : i32 to index
    %get3A_1493 = arith.index_cast %add3A_1490 : i32 to index
    %get3A_1494 = tpu.vector_load %arg9[%get3A_1492, %get3A_1493] {strides = array<i32>} : memref<2x256xi32, #tpu.memory_space<vmem>>, vector<16xi32>,
    %gather3A_1495 = tpu.vector_load_idx %arg6[%get3A_1494] : memref<10000xi32, #tpu.memory_space<vmem>>[vector<16xi32>], vector<16xi32>,
    %mul3A_1496 = arith.constant 128 : i32
    %mul3A_1497 = vector.broadcast %mul3A_1496 : i32 to vector<16xi32>
    %mul3A_1498 = arith.muli %gather3A_1488, %mul3A_1497 : vector<16xi32>
    %add3A_1499 = arith.addi %mul3A_1498, %gather3A_1495 : vector<16xi32>
    %swap3A_1500 = arith.constant 16 : index
    %swap3A_1501 = tpu.vector_load %arg14[%swap3A_1500] {strides = array<i32>} : memref<80xi32, #tpu.memory_space<vmem>>, vector<16xi32>,
    tpu.vector_store %arg14[%swap3A_1500], %add3A_1499 {strides = array<i32>} : memref<80xi32, #tpu.memory_space<vmem>>, vector<16xi32>,
    %add3A_1502 = arith.constant 32 : i32
    %add3A_1503 = arith.addi %sub3A_1461, %add3A_1502 : i32
    %get3A_1504 = arith.constant 0 : i32
    %get3A_1505 = arith.index_cast %get3A_1504 : i32 to index
    %get3A_1506 = arith.index_cast %add3A_1503 : i32 to index
    %get3A_1507 = tpu.vector_load %arg9[%get3A_1505, %get3A_1506] {strides = array<i32>} : memref<2x256xi32, #tpu.memory_space<vmem>>, vector<16xi32>,
    %gather3A_1508 = tpu.vector_load_idx %arg6[%get3A_1507] : memref<10000xi32, #tpu.memory_space<vmem>>[vector<16xi32>], vector<16xi32>,
    %add3A_1509 = arith.constant 32 : i32
    %add3A_1510 = arith.addi %sub3A_1461, %add3A_1509 : i32
    %get3A_1511 = arith.constant 1 : i32
    %get3A_1512 = arith.index_cast %get3A_1511 : i32 to index
    %get3A_1513 = arith.index_cast %add3A_1510 : i32 to index
    %get3A_1514 = tpu.vector_load %arg9[%get3A_1512, %get3A_1513] {strides = array<i32>} : memref<2x256xi32, #tpu.memory_space<vmem>>, vector<16xi32>,
    %gather3A_1515 = tpu.vector_load_idx %arg6[%get3A_1514] : memref<10000xi32, #tpu.memory_space<vmem>>[vector<16xi32>], vector<16xi32>,
    %mul3A_1516 = arith.constant 128 : i32
    %mul3A_1517 = vector.broadcast %mul3A_1516 : i32 to vector<16xi32>
    %mul3A_1518 = arith.muli %gather3A_1508, %mul3A_1517 : vector<16xi32>
    %add3A_1519 = arith.addi %mul3A_1518, %gather3A_1515 : vector<16xi32>
    %swap3A_1520 = arith.constant 32 : index
    %swap3A_1521 = tpu.vector_load %arg14[%swap3A_1520] {strides = array<i32>} : memref<80xi32, #tpu.memory_space<vmem>>, vector<16xi32>,
    tpu.vector_store %arg14[%swap3A_1520], %add3A_1519 {strides = array<i32>} : memref<80xi32, #tpu.memory_space<vmem>>, vector<16xi32>,
    %add3A_1522 = arith.constant 48 : i32
    %add3A_1523 = arith.addi %sub3A_1461, %add3A_1522 : i32
    %get3A_1524 = arith.constant 0 : i32
    %get3A_1525 = arith.index_cast %get3A_1524 : i32 to index
    %get3A_1526 = arith.index_cast %add3A_1523 : i32 to index
    %get3A_1527 = tpu.vector_load %arg9[%get3A_1525, %get3A_1526] {strides = array<i32>} : memref<2x256xi32, #tpu.memory_space<vmem>>, vector<16xi32>,
    %gather3A_1528 = tpu.vector_load_idx %arg6[%get3A_1527] : memref<10000xi32, #tpu.memory_space<vmem>>[vector<16xi32>], vector<16xi32>,
    %add3A_1529 = arith.constant 48 : i32
    %add3A_1530 = arith.addi %sub3A_1461, %add3A_1529 : i32
    %get3A_1531 = arith.constant 1 : i32
    %get3A_1532 = arith.index_cast %get3A_1531 : i32 to index
    %get3A_1533 = arith.index_cast %add3A_1530 : i32 to index
    %get3A_1534 = tpu.vector_load %arg9[%get3A_1532, %get3A_1533] {strides = array<i32>} : memref<2x256xi32, #tpu.memory_space<vmem>>, vector<16xi32>,
    %gather3A_1535 = tpu.vector_load_idx %arg6[%get3A_1534] : memref<10000xi32, #tpu.memory_space<vmem>>[vector<16xi32>], vector<16xi32>,
    %mul3A_1536 = arith.constant 128 : i32
    %mul3A_1537 = vector.broadcast %mul3A_1536 : i32 to vector<16xi32>
    %mul3A_1538 = arith.muli %gather3A_1528, %mul3A_1537 : vector<16xi32>
    %add3A_1539 = arith.addi %mul3A_1538, %gather3A_1535 : vector<16xi32>
    %swap3A_1540 = arith.constant 48 : index
    %swap3A_1541 = tpu.vector_load %arg14[%swap3A_1540] {strides = array<i32>} : memref<80xi32, #tpu.memory_space<vmem>>, vector<16xi32>,
    tpu.vector_store %arg14[%swap3A_1540], %add3A_1539 {strides = array<i32>} : memref<80xi32, #tpu.memory_space<vmem>>, vector<16xi32>,
    %add3A_1542 = arith.constant 64 : i32
    %add3A_1543 = arith.addi %sub3A_1461, %add3A_1542 : i32
    %get3A_1544 = arith.constant 0 : i32
    %get3A_1545 = arith.index_cast %get3A_1544 : i32 to index
    %get3A_1546 = arith.index_cast %add3A_1543 : i32 to index
    %get3A_1547 = tpu.vector_load %arg9[%get3A_1545, %get3A_1546] {strides = array<i32>} : memref<2x256xi32, #tpu.memory_space<vmem>>, vector<16xi32>,
    %gather3A_1548 = tpu.vector_load_idx %arg6[%get3A_1547] : memref<10000xi32, #tpu.memory_space<vmem>>[vector<16xi32>], vector<16xi32>,
    %add3A_1549 = arith.constant 64 : i32
    %add3A_1550 = arith.addi %sub3A_1461, %add3A_1549 : i32
    %get3A_1551 = arith.constant 1 : i32
    %get3A_1552 = arith.index_cast %get3A_1551 : i32 to index
    %get3A_1553 = arith.index_cast %add3A_1550 : i32 to index
    %get3A_1554 = tpu.vector_load %arg9[%get3A_1552, %get3A_1553] {strides = array<i32>} : memref<2x256xi32, #tpu.memory_space<vmem>>, vector<16xi32>,
    %gather3A_1555 = tpu.vector_load_idx %arg6[%get3A_1554] : memref<10000xi32, #tpu.memory_space<vmem>>[vector<16xi32>], vector<16xi32>,
    %mul3A_1556 = arith.constant 128 : i32
    %mul3A_1557 = vector.broadcast %mul3A_1556 : i32 to vector<16xi32>
    %mul3A_1558 = arith.muli %gather3A_1548, %mul3A_1557 : vector<16xi32>
    %add3A_1559 = arith.addi %mul3A_1558, %gather3A_1555 : vector<16xi32>
    %swap3A_1560 = arith.constant 64 : index
    %swap3A_1561 = tpu.vector_load %arg14[%swap3A_1560] {strides = array<i32>} : memref<80xi32, #tpu.memory_space<vmem>>, vector<16xi32>,
    tpu.vector_store %arg14[%swap3A_1560], %add3A_1559 {strides = array<i32>} : memref<80xi32, #tpu.memory_space<vmem>>, vector<16xi32>,
    %dma_wait3A_1562 = arith.constant 0 : i32
    %dma_wait3A_1563 = arith.constant 0 : i32
    %dma_wait3A_1564 = tpu.memref_slice %arg5[%dma_wait3A_1562, %dma_wait3A_1563] : memref<320000x128xf32, #tpu.memory_space<hbm>> -> memref<80x128xf32, #tpu.memory_space<hbm>>
    %dma_wait3A_1565 = arith.constant 0 : i32
    %dma_wait3A_1566 = arith.constant 0 : i32
    %dma_wait3A_1567 = tpu.memref_slice %arg5[%dma_wait3A_1565, %dma_wait3A_1566] : memref<320000x128xf32, #tpu.memory_space<hbm>> -> memref<80x128xf32, #tpu.memory_space<hbm>>
    tpu.wait_dma2 semaphore(%arg34 : memref<!tpu.dma_semaphore, #tpu.memory_space<semaphore_mem>>) src(%dma_wait3A_1567 : memref<80x128xf32, #tpu.memory_space<hbm>>) dst(%arg19 : memref<80x128xf32, #tpu.memory_space<vmem>>)
    %dma_start3A_1568 = arith.constant 0 : i32
    %dma_start3A_1569 = arith.constant 0 : i32
    %dma_start3A_1570 = tpu.memref_slice %arg4[%dma_start3A_1568, %dma_start3A_1569] : memref<16384x128xf32, #tpu.memory_space<hbm>> -> memref<16384x128xf32, #tpu.memory_space<hbm>>
    tpu.enqueue_indirect_dma source(%dma_start3A_1570 : memref<16384x128xf32, #tpu.memory_space<hbm>>) target(%arg19 : memref<80x128xf32, #tpu.memory_space<vmem>>) offsets(%arg14 : memref<80xi32, #tpu.memory_space<vmem>>) semaphore(%arg29 : memref<!tpu.dma_semaphore, #tpu.memory_space<semaphore_mem>>)
    %dma_wait3A_1571 = arith.constant 0 : i32
    %dma_wait3A_1572 = arith.constant 0 : i32
    %dma_wait3A_1573 = tpu.memref_slice %arg4[%dma_wait3A_1571, %dma_wait3A_1572] : memref<16384x128xf32, #tpu.memory_space<hbm>> -> memref<16384x128xf32, #tpu.memory_space<hbm>>
    tpu.wait_indirect_dma semaphore(%arg30 : memref<!tpu.dma_semaphore, #tpu.memory_space<semaphore_mem>>) src(%dma_wait3A_1573 : memref<16384x128xf32, #tpu.memory_space<hbm>>) dst(%arg20 : memref<80x128xf32, #tpu.memory_space<vmem>>)
    %add3A_1574 = arith.constant 3776 : i32
    %add3A_1575 = arith.addi %add3A, %add3A_1574 : i32
    %mul3A_1576 = arith.constant 80 : i32
    %mul3A_1577 = arith.muli %add3A_1575, %mul3A_1576 : i32
    %dma_start3A_1578 = arith.constant 0 : i32
    %dma_start3A_1579 = tpu.memref_slice %arg5[%mul3A_1577, %dma_start3A_1578] : memref<320000x128xf32, #tpu.memory_space<hbm>> -> memref<80x128xf32, #tpu.memory_space<hbm>>
    %dma_start3A_1580 = arith.constant 0 : i32
    %dma_start3A_1581 = tpu.memref_slice %arg5[%mul3A_1577, %dma_start3A_1580] : memref<320000x128xf32, #tpu.memory_space<hbm>> -> memref<80x128xf32, #tpu.memory_space<hbm>>
    tpu.enqueue_dma source(%arg20 : memref<80x128xf32, #tpu.memory_space<vmem>>) target(%dma_start3A_1581 : memref<80x128xf32, #tpu.memory_space<hbm>>) target_semaphore(%arg35 : memref<!tpu.dma_semaphore, #tpu.memory_space<semaphore_mem>>)
    %dma_wait3A_1582 = arith.constant 0 : i32
    %dma_wait3A_1583 = arith.constant 0 : i32
    %dma_wait3A_1584 = tpu.memref_slice %arg3[%dma_wait3A_1582, %dma_wait3A_1583] : memref<2x320000xi32, #tpu.memory_space<hbm>> -> memref<2x256xi32, #tpu.memory_space<hbm>>
    %dma_wait3A_1585 = arith.constant 0 : i32
    %dma_wait3A_1586 = arith.constant 0 : i32
    %dma_wait3A_1587 = tpu.memref_slice %arg3[%dma_wait3A_1585, %dma_wait3A_1586] : memref<2x320000xi32, #tpu.memory_space<hbm>> -> memref<2x256xi32, #tpu.memory_space<hbm>>
    tpu.wait_dma2 semaphore(%arg25 : memref<!tpu.dma_semaphore, #tpu.memory_space<semaphore_mem>>) src(%dma_wait3A_1587 : memref<2x256xi32, #tpu.memory_space<hbm>>) dst(%arg10 : memref<2x256xi32, #tpu.memory_space<vmem>>)
    %add3A_1588 = arith.constant 3936 : i32
    %add3A_1589 = arith.addi %add3A, %add3A_1588 : i32
    %mul3A_1590 = arith.constant 80 : i32
    %mul3A_1591 = arith.muli %add3A_1589, %mul3A_1590 : i32
    %add3A_1592 = arith.constant 3936 : i32
    %add3A_1593 = arith.addi %add3A, %add3A_1592 : i32
    %mul3A_1594 = arith.constant 80 : i32
    %mul3A_1595 = arith.muli %add3A_1593, %mul3A_1594 : i32
    %jit3A_1596 = arith.constant 128 : i32
    %div3A_1597 = arith.divsi %mul3A_1595, %jit3A_1596 : i32
    %sign3A_1598 = arith.constant 0 : i32
    %sign3A_1599 = arith.cmpi sgt, %mul3A_1595, %sign3A_1598 : i32
    %sign3A_1600 = arith.extui %sign3A_1599 : i1 to i32
    %sign3A_1601 = arith.constant 0 : i32
    %sign3A_1602 = arith.cmpi slt, %mul3A_1595, %sign3A_1601 : i32
    %sign3A_1603 = arith.extui %sign3A_1602 : i1 to i32
    %sign3A_1604 = arith.subi %sign3A_1600, %sign3A_1603 : i32
    %sign3A_1605 = arith.constant 0 : i32
    %sign3A_1606 = arith.cmpi sgt, %jit3A_1596, %sign3A_1605 : i32
    %sign3A_1607 = arith.extui %sign3A_1606 : i1 to i32
    %sign3A_1608 = arith.constant 0 : i32
    %sign3A_1609 = arith.cmpi slt, %jit3A_1596, %sign3A_1608 : i32
    %sign3A_1610 = arith.extui %sign3A_1609 : i1 to i32
    %sign3A_1611 = arith.subi %sign3A_1607, %sign3A_1610 : i32
    %ne3A_1612 = arith.cmpi ne, %sign3A_1604, %sign3A_1611 : i32
    %rem3A_1613 = arith.remsi %mul3A_1595, %jit3A_1596 : i32
    %ne3A_1614 = arith.constant 0 : i32
    %ne3A_1615 = arith.cmpi ne, %rem3A_1613, %ne3A_1614 : i32
    %and3A_1616 = arith.andi %ne3A_1612, %ne3A_1615 : i1
    %sub3A_1617 = arith.constant 1 : i32
    %sub3A_1618 = arith.subi %div3A_1597, %sub3A_1617 : i32
    %select_n3A_1619 = arith.select %and3A_1616, %sub3A_1618, %div3A_1597 : i32
    %mul3A_1620 = arith.constant 128 : i32
    %mul3A_1621 = arith.muli %select_n3A_1619, %mul3A_1620 : i32
    %min3A_1622 = arith.constant 319744 : i32
    %min3A_1623 = arith.minsi %mul3A_1621, %min3A_1622 : i32
    %sub3A_1624 = arith.subi %mul3A_1591, %min3A_1623 : i32
    %add3A_1625 = arith.constant 0 : i32
    %add3A_1626 = arith.addi %sub3A_1624, %add3A_1625 : i32
    %get3A_1627 = arith.constant 0 : i32
    %get3A_1628 = arith.index_cast %get3A_1627 : i32 to index
    %get3A_1629 = arith.index_cast %add3A_1626 : i32 to index
    %get3A_1630 = tpu.vector_load %arg10[%get3A_1628, %get3A_1629] {strides = array<i32>} : memref<2x256xi32, #tpu.memory_space<vmem>>, vector<16xi32>,
    %gather3A_1631 = tpu.vector_load_idx %arg6[%get3A_1630] : memref<10000xi32, #tpu.memory_space<vmem>>[vector<16xi32>], vector<16xi32>,
    %add3A_1632 = arith.constant 0 : i32
    %add3A_1633 = arith.addi %sub3A_1624, %add3A_1632 : i32
    %get3A_1634 = arith.constant 1 : i32
    %get3A_1635 = arith.index_cast %get3A_1634 : i32 to index
    %get3A_1636 = arith.index_cast %add3A_1633 : i32 to index
    %get3A_1637 = tpu.vector_load %arg10[%get3A_1635, %get3A_1636] {strides = array<i32>} : memref<2x256xi32, #tpu.memory_space<vmem>>, vector<16xi32>,
    %gather3A_1638 = tpu.vector_load_idx %arg6[%get3A_1637] : memref<10000xi32, #tpu.memory_space<vmem>>[vector<16xi32>], vector<16xi32>,
    %mul3A_1639 = arith.constant 128 : i32
    %mul3A_1640 = vector.broadcast %mul3A_1639 : i32 to vector<16xi32>
    %mul3A_1641 = arith.muli %gather3A_1631, %mul3A_1640 : vector<16xi32>
    %add3A_1642 = arith.addi %mul3A_1641, %gather3A_1638 : vector<16xi32>
    %swap3A_1643 = arith.constant 0 : index
    %swap3A_1644 = tpu.vector_load %arg15[%swap3A_1643] {strides = array<i32>} : memref<80xi32, #tpu.memory_space<vmem>>, vector<16xi32>,
    tpu.vector_store %arg15[%swap3A_1643], %add3A_1642 {strides = array<i32>} : memref<80xi32, #tpu.memory_space<vmem>>, vector<16xi32>,
    %add3A_1645 = arith.constant 16 : i32
    %add3A_1646 = arith.addi %sub3A_1624, %add3A_1645 : i32
    %get3A_1647 = arith.constant 0 : i32
    %get3A_1648 = arith.index_cast %get3A_1647 : i32 to index
    %get3A_1649 = arith.index_cast %add3A_1646 : i32 to index
    %get3A_1650 = tpu.vector_load %arg10[%get3A_1648, %get3A_1649] {strides = array<i32>} : memref<2x256xi32, #tpu.memory_space<vmem>>, vector<16xi32>,
    %gather3A_1651 = tpu.vector_load_idx %arg6[%get3A_1650] : memref<10000xi32, #tpu.memory_space<vmem>>[vector<16xi32>], vector<16xi32>,
    %add3A_1652 = arith.constant 16 : i32
    %add3A_1653 = arith.addi %sub3A_1624, %add3A_1652 : i32
    %get3A_1654 = arith.constant 1 : i32
    %get3A_1655 = arith.index_cast %get3A_1654 : i32 to index
    %get3A_1656 = arith.index_cast %add3A_1653 : i32 to index
    %get3A_1657 = tpu.vector_load %arg10[%get3A_1655, %get3A_1656] {strides = array<i32>} : memref<2x256xi32, #tpu.memory_space<vmem>>, vector<16xi32>,
    %gather3A_1658 = tpu.vector_load_idx %arg6[%get3A_1657] : memref<10000xi32, #tpu.memory_space<vmem>>[vector<16xi32>], vector<16xi32>,
    %mul3A_1659 = arith.constant 128 : i32
    %mul3A_1660 = vector.broadcast %mul3A_1659 : i32 to vector<16xi32>
    %mul3A_1661 = arith.muli %gather3A_1651, %mul3A_1660 : vector<16xi32>
    %add3A_1662 = arith.addi %mul3A_1661, %gather3A_1658 : vector<16xi32>
    %swap3A_1663 = arith.constant 16 : index
    %swap3A_1664 = tpu.vector_load %arg15[%swap3A_1663] {strides = array<i32>} : memref<80xi32, #tpu.memory_space<vmem>>, vector<16xi32>,
    tpu.vector_store %arg15[%swap3A_1663], %add3A_1662 {strides = array<i32>} : memref<80xi32, #tpu.memory_space<vmem>>, vector<16xi32>,
    %add3A_1665 = arith.constant 32 : i32
    %add3A_1666 = arith.addi %sub3A_1624, %add3A_1665 : i32
    %get3A_1667 = arith.constant 0 : i32
    %get3A_1668 = arith.index_cast %get3A_1667 : i32 to index
    %get3A_1669 = arith.index_cast %add3A_1666 : i32 to index
    %get3A_1670 = tpu.vector_load %arg10[%get3A_1668, %get3A_1669] {strides = array<i32>} : memref<2x256xi32, #tpu.memory_space<vmem>>, vector<16xi32>,
    %gather3A_1671 = tpu.vector_load_idx %arg6[%get3A_1670] : memref<10000xi32, #tpu.memory_space<vmem>>[vector<16xi32>], vector<16xi32>,
    %add3A_1672 = arith.constant 32 : i32
    %add3A_1673 = arith.addi %sub3A_1624, %add3A_1672 : i32
    %get3A_1674 = arith.constant 1 : i32
    %get3A_1675 = arith.index_cast %get3A_1674 : i32 to index
    %get3A_1676 = arith.index_cast %add3A_1673 : i32 to index
    %get3A_1677 = tpu.vector_load %arg10[%get3A_1675, %get3A_1676] {strides = array<i32>} : memref<2x256xi32, #tpu.memory_space<vmem>>, vector<16xi32>,
    %gather3A_1678 = tpu.vector_load_idx %arg6[%get3A_1677] : memref<10000xi32, #tpu.memory_space<vmem>>[vector<16xi32>], vector<16xi32>,
    %mul3A_1679 = arith.constant 128 : i32
    %mul3A_1680 = vector.broadcast %mul3A_1679 : i32 to vector<16xi32>
    %mul3A_1681 = arith.muli %gather3A_1671, %mul3A_1680 : vector<16xi32>
    %add3A_1682 = arith.addi %mul3A_1681, %gather3A_1678 : vector<16xi32>
    %swap3A_1683 = arith.constant 32 : index
    %swap3A_1684 = tpu.vector_load %arg15[%swap3A_1683] {strides = array<i32>} : memref<80xi32, #tpu.memory_space<vmem>>, vector<16xi32>,
    tpu.vector_store %arg15[%swap3A_1683], %add3A_1682 {strides = array<i32>} : memref<80xi32, #tpu.memory_space<vmem>>, vector<16xi32>,
    %add3A_1685 = arith.constant 48 : i32
    %add3A_1686 = arith.addi %sub3A_1624, %add3A_1685 : i32
    %get3A_1687 = arith.constant 0 : i32
    %get3A_1688 = arith.index_cast %get3A_1687 : i32 to index
    %get3A_1689 = arith.index_cast %add3A_1686 : i32 to index
    %get3A_1690 = tpu.vector_load %arg10[%get3A_1688, %get3A_1689] {strides = array<i32>} : memref<2x256xi32, #tpu.memory_space<vmem>>, vector<16xi32>,
    %gather3A_1691 = tpu.vector_load_idx %arg6[%get3A_1690] : memref<10000xi32, #tpu.memory_space<vmem>>[vector<16xi32>], vector<16xi32>,
    %add3A_1692 = arith.constant 48 : i32
    %add3A_1693 = arith.addi %sub3A_1624, %add3A_1692 : i32
    %get3A_1694 = arith.constant 1 : i32
    %get3A_1695 = arith.index_cast %get3A_1694 : i32 to index
    %get3A_1696 = arith.index_cast %add3A_1693 : i32 to index
    %get3A_1697 = tpu.vector_load %arg10[%get3A_1695, %get3A_1696] {strides = array<i32>} : memref<2x256xi32, #tpu.memory_space<vmem>>, vector<16xi32>,
    %gather3A_1698 = tpu.vector_load_idx %arg6[%get3A_1697] : memref<10000xi32, #tpu.memory_space<vmem>>[vector<16xi32>], vector<16xi32>,
    %mul3A_1699 = arith.constant 128 : i32
    %mul3A_1700 = vector.broadcast %mul3A_1699 : i32 to vector<16xi32>
    %mul3A_1701 = arith.muli %gather3A_1691, %mul3A_1700 : vector<16xi32>
    %add3A_1702 = arith.addi %mul3A_1701, %gather3A_1698 : vector<16xi32>
    %swap3A_1703 = arith.constant 48 : index
    %swap3A_1704 = tpu.vector_load %arg15[%swap3A_1703] {strides = array<i32>} : memref<80xi32, #tpu.memory_space<vmem>>, vector<16xi32>,
    tpu.vector_store %arg15[%swap3A_1703], %add3A_1702 {strides = array<i32>} : memref<80xi32, #tpu.memory_space<vmem>>, vector<16xi32>,
    %add3A_1705 = arith.constant 64 : i32
    %add3A_1706 = arith.addi %sub3A_1624, %add3A_1705 : i32
    %get3A_1707 = arith.constant 0 : i32
    %get3A_1708 = arith.index_cast %get3A_1707 : i32 to index
    %get3A_1709 = arith.index_cast %add3A_1706 : i32 to index
    %get3A_1710 = tpu.vector_load %arg10[%get3A_1708, %get3A_1709] {strides = array<i32>} : memref<2x256xi32, #tpu.memory_space<vmem>>, vector<16xi32>,
    %gather3A_1711 = tpu.vector_load_idx %arg6[%get3A_1710] : memref<10000xi32, #tpu.memory_space<vmem>>[vector<16xi32>], vector<16xi32>,
    %add3A_1712 = arith.constant 64 : i32
    %add3A_1713 = arith.addi %sub3A_1624, %add3A_1712 : i32
    %get3A_1714 = arith.constant 1 : i32
    %get3A_1715 = arith.index_cast %get3A_1714 : i32 to index
    %get3A_1716 = arith.index_cast %add3A_1713 : i32 to index
    %get3A_1717 = tpu.vector_load %arg10[%get3A_1715, %get3A_1716] {strides = array<i32>} : memref<2x256xi32, #tpu.memory_space<vmem>>, vector<16xi32>,
    %gather3A_1718 = tpu.vector_load_idx %arg6[%get3A_1717] : memref<10000xi32, #tpu.memory_space<vmem>>[vector<16xi32>], vector<16xi32>,
    %mul3A_1719 = arith.constant 128 : i32
    %mul3A_1720 = vector.broadcast %mul3A_1719 : i32 to vector<16xi32>
    %mul3A_1721 = arith.muli %gather3A_1711, %mul3A_1720 : vector<16xi32>
    %add3A_1722 = arith.addi %mul3A_1721, %gather3A_1718 : vector<16xi32>
    %swap3A_1723 = arith.constant 64 : index
    %swap3A_1724 = tpu.vector_load %arg15[%swap3A_1723] {strides = array<i32>} : memref<80xi32, #tpu.memory_space<vmem>>, vector<16xi32>,
    tpu.vector_store %arg15[%swap3A_1723], %add3A_1722 {strides = array<i32>} : memref<80xi32, #tpu.memory_space<vmem>>, vector<16xi32>,
    %dma_wait3A_1725 = arith.constant 0 : i32
    %dma_wait3A_1726 = arith.constant 0 : i32
    %dma_wait3A_1727 = tpu.memref_slice %arg5[%dma_wait3A_1725, %dma_wait3A_1726] : memref<320000x128xf32, #tpu.memory_space<hbm>> -> memref<80x128xf32, #tpu.memory_space<hbm>>
    %dma_wait3A_1728 = arith.constant 0 : i32
    %dma_wait3A_1729 = arith.constant 0 : i32
    %dma_wait3A_1730 = tpu.memref_slice %arg5[%dma_wait3A_1728, %dma_wait3A_1729] : memref<320000x128xf32, #tpu.memory_space<hbm>> -> memref<80x128xf32, #tpu.memory_space<hbm>>
    tpu.wait_dma2 semaphore(%arg35 : memref<!tpu.dma_semaphore, #tpu.memory_space<semaphore_mem>>) src(%dma_wait3A_1730 : memref<80x128xf32, #tpu.memory_space<hbm>>) dst(%arg20 : memref<80x128xf32, #tpu.memory_space<vmem>>)
    %dma_start3A_1731 = arith.constant 0 : i32
    %dma_start3A_1732 = arith.constant 0 : i32
    %dma_start3A_1733 = tpu.memref_slice %arg4[%dma_start3A_1731, %dma_start3A_1732] : memref<16384x128xf32, #tpu.memory_space<hbm>> -> memref<16384x128xf32, #tpu.memory_space<hbm>>
    tpu.enqueue_indirect_dma source(%dma_start3A_1733 : memref<16384x128xf32, #tpu.memory_space<hbm>>) target(%arg20 : memref<80x128xf32, #tpu.memory_space<vmem>>) offsets(%arg15 : memref<80xi32, #tpu.memory_space<vmem>>) semaphore(%arg30 : memref<!tpu.dma_semaphore, #tpu.memory_space<semaphore_mem>>)
    %dma_wait3A_1734 = arith.constant 0 : i32
    %dma_wait3A_1735 = arith.constant 0 : i32
    %dma_wait3A_1736 = tpu.memref_slice %arg4[%dma_wait3A_1734, %dma_wait3A_1735] : memref<16384x128xf32, #tpu.memory_space<hbm>> -> memref<16384x128xf32, #tpu.memory_space<hbm>>
    tpu.wait_indirect_dma semaphore(%arg31 : memref<!tpu.dma_semaphore, #tpu.memory_space<semaphore_mem>>) src(%dma_wait3A_1736 : memref<16384x128xf32, #tpu.memory_space<hbm>>) dst(%arg21 : memref<80x128xf32, #tpu.memory_space<vmem>>)
    %add3A_1737 = arith.constant 3808 : i32
    %add3A_1738 = arith.addi %add3A, %add3A_1737 : i32
    %mul3A_1739 = arith.constant 80 : i32
    %mul3A_1740 = arith.muli %add3A_1738, %mul3A_1739 : i32
    %dma_start3A_1741 = arith.constant 0 : i32
    %dma_start3A_1742 = tpu.memref_slice %arg5[%mul3A_1740, %dma_start3A_1741] : memref<320000x128xf32, #tpu.memory_space<hbm>> -> memref<80x128xf32, #tpu.memory_space<hbm>>
    %dma_start3A_1743 = arith.constant 0 : i32
    %dma_start3A_1744 = tpu.memref_slice %arg5[%mul3A_1740, %dma_start3A_1743] : memref<320000x128xf32, #tpu.memory_space<hbm>> -> memref<80x128xf32, #tpu.memory_space<hbm>>
    tpu.enqueue_dma source(%arg21 : memref<80x128xf32, #tpu.memory_space<vmem>>) target(%dma_start3A_1744 : memref<80x128xf32, #tpu.memory_space<hbm>>) target_semaphore(%arg36 : memref<!tpu.dma_semaphore, #tpu.memory_space<semaphore_mem>>)
    %dma_wait3A_1745 = arith.constant 0 : i32
    %dma_wait3A_1746 = arith.constant 0 : i32
    %dma_wait3A_1747 = tpu.memref_slice %arg3[%dma_wait3A_1745, %dma_wait3A_1746] : memref<2x320000xi32, #tpu.memory_space<hbm>> -> memref<2x256xi32, #tpu.memory_space<hbm>>
    %dma_wait3A_1748 = arith.constant 0 : i32
    %dma_wait3A_1749 = arith.constant 0 : i32
    %dma_wait3A_1750 = tpu.memref_slice %arg3[%dma_wait3A_1748, %dma_wait3A_1749] : memref<2x320000xi32, #tpu.memory_space<hbm>> -> memref<2x256xi32, #tpu.memory_space<hbm>>
    tpu.wait_dma2 semaphore(%arg26 : memref<!tpu.dma_semaphore, #tpu.memory_space<semaphore_mem>>) src(%dma_wait3A_1750 : memref<2x256xi32, #tpu.memory_space<hbm>>) dst(%arg11 : memref<2x256xi32, #tpu.memory_space<vmem>>)
    %add3A_1751 = arith.constant 3968 : i32
    %add3A_1752 = arith.addi %add3A, %add3A_1751 : i32
    %mul3A_1753 = arith.constant 80 : i32
    %mul3A_1754 = arith.muli %add3A_1752, %mul3A_1753 : i32
    %add3A_1755 = arith.constant 3968 : i32
    %add3A_1756 = arith.addi %add3A, %add3A_1755 : i32
    %mul3A_1757 = arith.constant 80 : i32
    %mul3A_1758 = arith.muli %add3A_1756, %mul3A_1757 : i32
    %jit3A_1759 = arith.constant 128 : i32
    %div3A_1760 = arith.divsi %mul3A_1758, %jit3A_1759 : i32
    %sign3A_1761 = arith.constant 0 : i32
    %sign3A_1762 = arith.cmpi sgt, %mul3A_1758, %sign3A_1761 : i32
    %sign3A_1763 = arith.extui %sign3A_1762 : i1 to i32
    %sign3A_1764 = arith.constant 0 : i32
    %sign3A_1765 = arith.cmpi slt, %mul3A_1758, %sign3A_1764 : i32
    %sign3A_1766 = arith.extui %sign3A_1765 : i1 to i32
    %sign3A_1767 = arith.subi %sign3A_1763, %sign3A_1766 : i32
    %sign3A_1768 = arith.constant 0 : i32
    %sign3A_1769 = arith.cmpi sgt, %jit3A_1759, %sign3A_1768 : i32
    %sign3A_1770 = arith.extui %sign3A_1769 : i1 to i32
    %sign3A_1771 = arith.constant 0 : i32
    %sign3A_1772 = arith.cmpi slt, %jit3A_1759, %sign3A_1771 : i32
    %sign3A_1773 = arith.extui %sign3A_1772 : i1 to i32
    %sign3A_1774 = arith.subi %sign3A_1770, %sign3A_1773 : i32
    %ne3A_1775 = arith.cmpi ne, %sign3A_1767, %sign3A_1774 : i32
    %rem3A_1776 = arith.remsi %mul3A_1758, %jit3A_1759 : i32
    %ne3A_1777 = arith.constant 0 : i32
    %ne3A_1778 = arith.cmpi ne, %rem3A_1776, %ne3A_1777 : i32
    %and3A_1779 = arith.andi %ne3A_1775, %ne3A_1778 : i1
    %sub3A_1780 = arith.constant 1 : i32
    %sub3A_1781 = arith.subi %div3A_1760, %sub3A_1780 : i32
    %select_n3A_1782 = arith.select %and3A_1779, %sub3A_1781, %div3A_1760 : i32
    %mul3A_1783 = arith.constant 128 : i32
    %mul3A_1784 = arith.muli %select_n3A_1782, %mul3A_1783 : i32
    %min3A_1785 = arith.constant 319744 : i32
    %min3A_1786 = arith.minsi %mul3A_1784, %min3A_1785 : i32
    %sub3A_1787 = arith.subi %mul3A_1754, %min3A_1786 : i32
    %add3A_1788 = arith.constant 0 : i32
    %add3A_1789 = arith.addi %sub3A_1787, %add3A_1788 : i32
    %get3A_1790 = arith.constant 0 : i32
    %get3A_1791 = arith.index_cast %get3A_1790 : i32 to index
    %get3A_1792 = arith.index_cast %add3A_1789 : i32 to index
    %get3A_1793 = tpu.vector_load %arg11[%get3A_1791, %get3A_1792] {strides = array<i32>} : memref<2x256xi32, #tpu.memory_space<vmem>>, vector<16xi32>,
    %gather3A_1794 = tpu.vector_load_idx %arg6[%get3A_1793] : memref<10000xi32, #tpu.memory_space<vmem>>[vector<16xi32>], vector<16xi32>,
    %add3A_1795 = arith.constant 0 : i32
    %add3A_1796 = arith.addi %sub3A_1787, %add3A_1795 : i32
    %get3A_1797 = arith.constant 1 : i32
    %get3A_1798 = arith.index_cast %get3A_1797 : i32 to index
    %get3A_1799 = arith.index_cast %add3A_1796 : i32 to index
    %get3A_1800 = tpu.vector_load %arg11[%get3A_1798, %get3A_1799] {strides = array<i32>} : memref<2x256xi32, #tpu.memory_space<vmem>>, vector<16xi32>,
    %gather3A_1801 = tpu.vector_load_idx %arg6[%get3A_1800] : memref<10000xi32, #tpu.memory_space<vmem>>[vector<16xi32>], vector<16xi32>,
    %mul3A_1802 = arith.constant 128 : i32
    %mul3A_1803 = vector.broadcast %mul3A_1802 : i32 to vector<16xi32>
    %mul3A_1804 = arith.muli %gather3A_1794, %mul3A_1803 : vector<16xi32>
    %add3A_1805 = arith.addi %mul3A_1804, %gather3A_1801 : vector<16xi32>
    %swap3A_1806 = arith.constant 0 : index
    %swap3A_1807 = tpu.vector_load %arg16[%swap3A_1806] {strides = array<i32>} : memref<80xi32, #tpu.memory_space<vmem>>, vector<16xi32>,
    tpu.vector_store %arg16[%swap3A_1806], %add3A_1805 {strides = array<i32>} : memref<80xi32, #tpu.memory_space<vmem>>, vector<16xi32>,
    %add3A_1808 = arith.constant 16 : i32
    %add3A_1809 = arith.addi %sub3A_1787, %add3A_1808 : i32
    %get3A_1810 = arith.constant 0 : i32
    %get3A_1811 = arith.index_cast %get3A_1810 : i32 to index
    %get3A_1812 = arith.index_cast %add3A_1809 : i32 to index
    %get3A_1813 = tpu.vector_load %arg11[%get3A_1811, %get3A_1812] {strides = array<i32>} : memref<2x256xi32, #tpu.memory_space<vmem>>, vector<16xi32>,
    %gather3A_1814 = tpu.vector_load_idx %arg6[%get3A_1813] : memref<10000xi32, #tpu.memory_space<vmem>>[vector<16xi32>], vector<16xi32>,
    %add3A_1815 = arith.constant 16 : i32
    %add3A_1816 = arith.addi %sub3A_1787, %add3A_1815 : i32
    %get3A_1817 = arith.constant 1 : i32
    %get3A_1818 = arith.index_cast %get3A_1817 : i32 to index
    %get3A_1819 = arith.index_cast %add3A_1816 : i32 to index
    %get3A_1820 = tpu.vector_load %arg11[%get3A_1818, %get3A_1819] {strides = array<i32>} : memref<2x256xi32, #tpu.memory_space<vmem>>, vector<16xi32>,
    %gather3A_1821 = tpu.vector_load_idx %arg6[%get3A_1820] : memref<10000xi32, #tpu.memory_space<vmem>>[vector<16xi32>], vector<16xi32>,
    %mul3A_1822 = arith.constant 128 : i32
    %mul3A_1823 = vector.broadcast %mul3A_1822 : i32 to vector<16xi32>
    %mul3A_1824 = arith.muli %gather3A_1814, %mul3A_1823 : vector<16xi32>
    %add3A_1825 = arith.addi %mul3A_1824, %gather3A_1821 : vector<16xi32>
    %swap3A_1826 = arith.constant 16 : index
    %swap3A_1827 = tpu.vector_load %arg16[%swap3A_1826] {strides = array<i32>} : memref<80xi32, #tpu.memory_space<vmem>>, vector<16xi32>,
    tpu.vector_store %arg16[%swap3A_1826], %add3A_1825 {strides = array<i32>} : memref<80xi32, #tpu.memory_space<vmem>>, vector<16xi32>,
    %add3A_1828 = arith.constant 32 : i32
    %add3A_1829 = arith.addi %sub3A_1787, %add3A_1828 : i32
    %get3A_1830 = arith.constant 0 : i32
    %get3A_1831 = arith.index_cast %get3A_1830 : i32 to index
    %get3A_1832 = arith.index_cast %add3A_1829 : i32 to index
    %get3A_1833 = tpu.vector_load %arg11[%get3A_1831, %get3A_1832] {strides = array<i32>} : memref<2x256xi32, #tpu.memory_space<vmem>>, vector<16xi32>,
    %gather3A_1834 = tpu.vector_load_idx %arg6[%get3A_1833] : memref<10000xi32, #tpu.memory_space<vmem>>[vector<16xi32>], vector<16xi32>,
    %add3A_1835 = arith.constant 32 : i32
    %add3A_1836 = arith.addi %sub3A_1787, %add3A_1835 : i32
    %get3A_1837 = arith.constant 1 : i32
    %get3A_1838 = arith.index_cast %get3A_1837 : i32 to index
    %get3A_1839 = arith.index_cast %add3A_1836 : i32 to index
    %get3A_1840 = tpu.vector_load %arg11[%get3A_1838, %get3A_1839] {strides = array<i32>} : memref<2x256xi32, #tpu.memory_space<vmem>>, vector<16xi32>,
    %gather3A_1841 = tpu.vector_load_idx %arg6[%get3A_1840] : memref<10000xi32, #tpu.memory_space<vmem>>[vector<16xi32>], vector<16xi32>,
    %mul3A_1842 = arith.constant 128 : i32
    %mul3A_1843 = vector.broadcast %mul3A_1842 : i32 to vector<16xi32>
    %mul3A_1844 = arith.muli %gather3A_1834, %mul3A_1843 : vector<16xi32>
    %add3A_1845 = arith.addi %mul3A_1844, %gather3A_1841 : vector<16xi32>
    %swap3A_1846 = arith.constant 32 : index
    %swap3A_1847 = tpu.vector_load %arg16[%swap3A_1846] {strides = array<i32>} : memref<80xi32, #tpu.memory_space<vmem>>, vector<16xi32>,
    tpu.vector_store %arg16[%swap3A_1846], %add3A_1845 {strides = array<i32>} : memref<80xi32, #tpu.memory_space<vmem>>, vector<16xi32>,
    %add3A_1848 = arith.constant 48 : i32
    %add3A_1849 = arith.addi %sub3A_1787, %add3A_1848 : i32
    %get3A_1850 = arith.constant 0 : i32
    %get3A_1851 = arith.index_cast %get3A_1850 : i32 to index
    %get3A_1852 = arith.index_cast %add3A_1849 : i32 to index
    %get3A_1853 = tpu.vector_load %arg11[%get3A_1851, %get3A_1852] {strides = array<i32>} : memref<2x256xi32, #tpu.memory_space<vmem>>, vector<16xi32>,
    %gather3A_1854 = tpu.vector_load_idx %arg6[%get3A_1853] : memref<10000xi32, #tpu.memory_space<vmem>>[vector<16xi32>], vector<16xi32>,
    %add3A_1855 = arith.constant 48 : i32
    %add3A_1856 = arith.addi %sub3A_1787, %add3A_1855 : i32
    %get3A_1857 = arith.constant 1 : i32
    %get3A_1858 = arith.index_cast %get3A_1857 : i32 to index
    %get3A_1859 = arith.index_cast %add3A_1856 : i32 to index
    %get3A_1860 = tpu.vector_load %arg11[%get3A_1858, %get3A_1859] {strides = array<i32>} : memref<2x256xi32, #tpu.memory_space<vmem>>, vector<16xi32>,
    %gather3A_1861 = tpu.vector_load_idx %arg6[%get3A_1860] : memref<10000xi32, #tpu.memory_space<vmem>>[vector<16xi32>], vector<16xi32>,
    %mul3A_1862 = arith.constant 128 : i32
    %mul3A_1863 = vector.broadcast %mul3A_1862 : i32 to vector<16xi32>
    %mul3A_1864 = arith.muli %gather3A_1854, %mul3A_1863 : vector<16xi32>
    %add3A_1865 = arith.addi %mul3A_1864, %gather3A_1861 : vector<16xi32>
    %swap3A_1866 = arith.constant 48 : index
    %swap3A_1867 = tpu.vector_load %arg16[%swap3A_1866] {strides = array<i32>} : memref<80xi32, #tpu.memory_space<vmem>>, vector<16xi32>,
    tpu.vector_store %arg16[%swap3A_1866], %add3A_1865 {strides = array<i32>} : memref<80xi32, #tpu.memory_space<vmem>>, vector<16xi32>,
    %add3A_1868 = arith.constant 64 : i32
    %add3A_1869 = arith.addi %sub3A_1787, %add3A_1868 : i32
    %get3A_1870 = arith.constant 0 : i32
    %get3A_1871 = arith.index_cast %get3A_1870 : i32 to index
    %get3A_1872 = arith.index_cast %add3A_1869 : i32 to index
    %get3A_1873 = tpu.vector_load %arg11[%get3A_1871, %get3A_1872] {strides = array<i32>} : memref<2x256xi32, #tpu.memory_space<vmem>>, vector<16xi32>,
    %gather3A_1874 = tpu.vector_load_idx %arg6[%get3A_1873] : memref<10000xi32, #tpu.memory_space<vmem>>[vector<16xi32>], vector<16xi32>,
    %add3A_1875 = arith.constant 64 : i32
    %add3A_1876 = arith.addi %sub3A_1787, %add3A_1875 : i32
    %get3A_1877 = arith.constant 1 : i32
    %get3A_1878 = arith.index_cast %get3A_1877 : i32 to index
    %get3A_1879 = arith.index_cast %add3A_1876 : i32 to index
    %get3A_1880 = tpu.vector_load %arg11[%get3A_1878, %get3A_1879] {strides = array<i32>} : memref<2x256xi32, #tpu.memory_space<vmem>>, vector<16xi32>,
    %gather3A_1881 = tpu.vector_load_idx %arg6[%get3A_1880] : memref<10000xi32, #tpu.memory_space<vmem>>[vector<16xi32>], vector<16xi32>,
    %mul3A_1882 = arith.constant 128 : i32
    %mul3A_1883 = vector.broadcast %mul3A_1882 : i32 to vector<16xi32>
    %mul3A_1884 = arith.muli %gather3A_1874, %mul3A_1883 : vector<16xi32>
    %add3A_1885 = arith.addi %mul3A_1884, %gather3A_1881 : vector<16xi32>
    %swap3A_1886 = arith.constant 64 : index
    %swap3A_1887 = tpu.vector_load %arg16[%swap3A_1886] {strides = array<i32>} : memref<80xi32, #tpu.memory_space<vmem>>, vector<16xi32>,
    tpu.vector_store %arg16[%swap3A_1886], %add3A_1885 {strides = array<i32>} : memref<80xi32, #tpu.memory_space<vmem>>, vector<16xi32>,
    %dma_wait3A_1888 = arith.constant 0 : i32
    %dma_wait3A_1889 = arith.constant 0 : i32
    %dma_wait3A_1890 = tpu.memref_slice %arg5[%dma_wait3A_1888, %dma_wait3A_1889] : memref<320000x128xf32, #tpu.memory_space<hbm>> -> memref<80x128xf32, #tpu.memory_space<hbm>>
    %dma_wait3A_1891 = arith.constant 0 : i32
    %dma_wait3A_1892 = arith.constant 0 : i32
    %dma_wait3A_1893 = tpu.memref_slice %arg5[%dma_wait3A_1891, %dma_wait3A_1892] : memref<320000x128xf32, #tpu.memory_space<hbm>> -> memref<80x128xf32, #tpu.memory_space<hbm>>
    tpu.wait_dma2 semaphore(%arg36 : memref<!tpu.dma_semaphore, #tpu.memory_space<semaphore_mem>>) src(%dma_wait3A_1893 : memref<80x128xf32, #tpu.memory_space<hbm>>) dst(%arg21 : memref<80x128xf32, #tpu.memory_space<vmem>>)
    %dma_start3A_1894 = arith.constant 0 : i32
    %dma_start3A_1895 = arith.constant 0 : i32
    %dma_start3A_1896 = tpu.memref_slice %arg4[%dma_start3A_1894, %dma_start3A_1895] : memref<16384x128xf32, #tpu.memory_space<hbm>> -> memref<16384x128xf32, #tpu.memory_space<hbm>>
    tpu.enqueue_indirect_dma source(%dma_start3A_1896 : memref<16384x128xf32, #tpu.memory_space<hbm>>) target(%arg21 : memref<80x128xf32, #tpu.memory_space<vmem>>) offsets(%arg16 : memref<80xi32, #tpu.memory_space<vmem>>) semaphore(%arg31 : memref<!tpu.dma_semaphore, #tpu.memory_space<semaphore_mem>>)
    %dma_wait3A_1897 = arith.constant 0 : i32
    %dma_wait3A_1898 = arith.constant 0 : i32
    %dma_wait3A_1899 = tpu.memref_slice %arg4[%dma_wait3A_1897, %dma_wait3A_1898] : memref<16384x128xf32, #tpu.memory_space<hbm>> -> memref<16384x128xf32, #tpu.memory_space<hbm>>
    tpu.wait_indirect_dma semaphore(%arg27 : memref<!tpu.dma_semaphore, #tpu.memory_space<semaphore_mem>>) src(%dma_wait3A_1899 : memref<16384x128xf32, #tpu.memory_space<hbm>>) dst(%arg17 : memref<80x128xf32, #tpu.memory_space<vmem>>)
    %add3A_1900 = arith.constant 3840 : i32
    %add3A_1901 = arith.addi %add3A, %add3A_1900 : i32
    %mul3A_1902 = arith.constant 80 : i32
    %mul3A_1903 = arith.muli %add3A_1901, %mul3A_1902 : i32
    %dma_start3A_1904 = arith.constant 0 : i32
    %dma_start3A_1905 = tpu.memref_slice %arg5[%mul3A_1903, %dma_start3A_1904] : memref<320000x128xf32, #tpu.memory_space<hbm>> -> memref<80x128xf32, #tpu.memory_space<hbm>>
    %dma_start3A_1906 = arith.constant 0 : i32
    %dma_start3A_1907 = tpu.memref_slice %arg5[%mul3A_1903, %dma_start3A_1906] : memref<320000x128xf32, #tpu.memory_space<hbm>> -> memref<80x128xf32, #tpu.memory_space<hbm>>
    tpu.enqueue_dma source(%arg17 : memref<80x128xf32, #tpu.memory_space<vmem>>) target(%dma_start3A_1907 : memref<80x128xf32, #tpu.memory_space<hbm>>) target_semaphore(%arg32 : memref<!tpu.dma_semaphore, #tpu.memory_space<semaphore_mem>>)
    %dma_wait3A_1908 = arith.constant 0 : i32
    %dma_wait3A_1909 = arith.constant 0 : i32
    %dma_wait3A_1910 = tpu.memref_slice %arg4[%dma_wait3A_1908, %dma_wait3A_1909] : memref<16384x128xf32, #tpu.memory_space<hbm>> -> memref<16384x128xf32, #tpu.memory_space<hbm>>
    tpu.wait_indirect_dma semaphore(%arg28 : memref<!tpu.dma_semaphore, #tpu.memory_space<semaphore_mem>>) src(%dma_wait3A_1910 : memref<16384x128xf32, #tpu.memory_space<hbm>>) dst(%arg18 : memref<80x128xf32, #tpu.memory_space<vmem>>)
    %add3A_1911 = arith.constant 3872 : i32
    %add3A_1912 = arith.addi %add3A, %add3A_1911 : i32
    %mul3A_1913 = arith.constant 80 : i32
    %mul3A_1914 = arith.muli %add3A_1912, %mul3A_1913 : i32
    %dma_start3A_1915 = arith.constant 0 : i32
    %dma_start3A_1916 = tpu.memref_slice %arg5[%mul3A_1914, %dma_start3A_1915] : memref<320000x128xf32, #tpu.memory_space<hbm>> -> memref<80x128xf32, #tpu.memory_space<hbm>>
    %dma_start3A_1917 = arith.constant 0 : i32
    %dma_start3A_1918 = tpu.memref_slice %arg5[%mul3A_1914, %dma_start3A_1917] : memref<320000x128xf32, #tpu.memory_space<hbm>> -> memref<80x128xf32, #tpu.memory_space<hbm>>
    tpu.enqueue_dma source(%arg18 : memref<80x128xf32, #tpu.memory_space<vmem>>) target(%dma_start3A_1918 : memref<80x128xf32, #tpu.memory_space<hbm>>) target_semaphore(%arg33 : memref<!tpu.dma_semaphore, #tpu.memory_space<semaphore_mem>>)
    %dma_wait3A_1919 = arith.constant 0 : i32
    %dma_wait3A_1920 = arith.constant 0 : i32
    %dma_wait3A_1921 = tpu.memref_slice %arg4[%dma_wait3A_1919, %dma_wait3A_1920] : memref<16384x128xf32, #tpu.memory_space<hbm>> -> memref<16384x128xf32, #tpu.memory_space<hbm>>
    tpu.wait_indirect_dma semaphore(%arg29 : memref<!tpu.dma_semaphore, #tpu.memory_space<semaphore_mem>>) src(%dma_wait3A_1921 : memref<16384x128xf32, #tpu.memory_space<hbm>>) dst(%arg19 : memref<80x128xf32, #tpu.memory_space<vmem>>)
    %add3A_1922 = arith.constant 3904 : i32
    %add3A_1923 = arith.addi %add3A, %add3A_1922 : i32
    %mul3A_1924 = arith.constant 80 : i32
    %mul3A_1925 = arith.muli %add3A_1923, %mul3A_1924 : i32
    %dma_start3A_1926 = arith.constant 0 : i32
    %dma_start3A_1927 = tpu.memref_slice %arg5[%mul3A_1925, %dma_start3A_1926] : memref<320000x128xf32, #tpu.memory_space<hbm>> -> memref<80x128xf32, #tpu.memory_space<hbm>>
    %dma_start3A_1928 = arith.constant 0 : i32
    %dma_start3A_1929 = tpu.memref_slice %arg5[%mul3A_1925, %dma_start3A_1928] : memref<320000x128xf32, #tpu.memory_space<hbm>> -> memref<80x128xf32, #tpu.memory_space<hbm>>
    tpu.enqueue_dma source(%arg19 : memref<80x128xf32, #tpu.memory_space<vmem>>) target(%dma_start3A_1929 : memref<80x128xf32, #tpu.memory_space<hbm>>) target_semaphore(%arg34 : memref<!tpu.dma_semaphore, #tpu.memory_space<semaphore_mem>>)
    %dma_wait3A_1930 = arith.constant 0 : i32
    %dma_wait3A_1931 = arith.constant 0 : i32
    %dma_wait3A_1932 = tpu.memref_slice %arg4[%dma_wait3A_1930, %dma_wait3A_1931] : memref<16384x128xf32, #tpu.memory_space<hbm>> -> memref<16384x128xf32, #tpu.memory_space<hbm>>
    tpu.wait_indirect_dma semaphore(%arg30 : memref<!tpu.dma_semaphore, #tpu.memory_space<semaphore_mem>>) src(%dma_wait3A_1932 : memref<16384x128xf32, #tpu.memory_space<hbm>>) dst(%arg20 : memref<80x128xf32, #tpu.memory_space<vmem>>)
    %add3A_1933 = arith.constant 3936 : i32
    %add3A_1934 = arith.addi %add3A, %add3A_1933 : i32
    %mul3A_1935 = arith.constant 80 : i32
    %mul3A_1936 = arith.muli %add3A_1934, %mul3A_1935 : i32
    %dma_start3A_1937 = arith.constant 0 : i32
    %dma_start3A_1938 = tpu.memref_slice %arg5[%mul3A_1936, %dma_start3A_1937] : memref<320000x128xf32, #tpu.memory_space<hbm>> -> memref<80x128xf32, #tpu.memory_space<hbm>>
    %dma_start3A_1939 = arith.constant 0 : i32
    %dma_start3A_1940 = tpu.memref_slice %arg5[%mul3A_1936, %dma_start3A_1939] : memref<320000x128xf32, #tpu.memory_space<hbm>> -> memref<80x128xf32, #tpu.memory_space<hbm>>
    tpu.enqueue_dma source(%arg20 : memref<80x128xf32, #tpu.memory_space<vmem>>) target(%dma_start3A_1940 : memref<80x128xf32, #tpu.memory_space<hbm>>) target_semaphore(%arg35 : memref<!tpu.dma_semaphore, #tpu.memory_space<semaphore_mem>>)
    %dma_wait3A_1941 = arith.constant 0 : i32
    %dma_wait3A_1942 = arith.constant 0 : i32
    %dma_wait3A_1943 = tpu.memref_slice %arg4[%dma_wait3A_1941, %dma_wait3A_1942] : memref<16384x128xf32, #tpu.memory_space<hbm>> -> memref<16384x128xf32, #tpu.memory_space<hbm>>
    tpu.wait_indirect_dma semaphore(%arg31 : memref<!tpu.dma_semaphore, #tpu.memory_space<semaphore_mem>>) src(%dma_wait3A_1943 : memref<16384x128xf32, #tpu.memory_space<hbm>>) dst(%arg21 : memref<80x128xf32, #tpu.memory_space<vmem>>)
    %add3A_1944 = arith.constant 3968 : i32
    %add3A_1945 = arith.addi %add3A, %add3A_1944 : i32
    %mul3A_1946 = arith.constant 80 : i32
    %mul3A_1947 = arith.muli %add3A_1945, %mul3A_1946 : i32
    %dma_start3A_1948 = arith.constant 0 : i32
    %dma_start3A_1949 = tpu.memref_slice %arg5[%mul3A_1947, %dma_start3A_1948] : memref<320000x128xf32, #tpu.memory_space<hbm>> -> memref<80x128xf32, #tpu.memory_space<hbm>>
    %dma_start3A_1950 = arith.constant 0 : i32
    %dma_start3A_1951 = tpu.memref_slice %arg5[%mul3A_1947, %dma_start3A_1950] : memref<320000x128xf32, #tpu.memory_space<hbm>> -> memref<80x128xf32, #tpu.memory_space<hbm>>
    tpu.enqueue_dma source(%arg21 : memref<80x128xf32, #tpu.memory_space<vmem>>) target(%dma_start3A_1951 : memref<80x128xf32, #tpu.memory_space<hbm>>) target_semaphore(%arg36 : memref<!tpu.dma_semaphore, #tpu.memory_space<semaphore_mem>>)
    %dma_wait3A_1952 = arith.constant 0 : i32
    %dma_wait3A_1953 = arith.constant 0 : i32
    %dma_wait3A_1954 = tpu.memref_slice %arg5[%dma_wait3A_1952, %dma_wait3A_1953] : memref<320000x128xf32, #tpu.memory_space<hbm>> -> memref<80x128xf32, #tpu.memory_space<hbm>>
    %dma_wait3A_1955 = arith.constant 0 : i32
    %dma_wait3A_1956 = arith.constant 0 : i32
    %dma_wait3A_1957 = tpu.memref_slice %arg5[%dma_wait3A_1955, %dma_wait3A_1956] : memref<320000x128xf32, #tpu.memory_space<hbm>> -> memref<80x128xf32, #tpu.memory_space<hbm>>
    tpu.wait_dma2 semaphore(%arg32 : memref<!tpu.dma_semaphore, #tpu.memory_space<semaphore_mem>>) src(%dma_wait3A_1957 : memref<80x128xf32, #tpu.memory_space<hbm>>) dst(%arg17 : memref<80x128xf32, #tpu.memory_space<vmem>>)
    %dma_wait3A_1958 = arith.constant 0 : i32
    %dma_wait3A_1959 = arith.constant 0 : i32
    %dma_wait3A_1960 = tpu.memref_slice %arg5[%dma_wait3A_1958, %dma_wait3A_1959] : memref<320000x128xf32, #tpu.memory_space<hbm>> -> memref<80x128xf32, #tpu.memory_space<hbm>>
    %dma_wait3A_1961 = arith.constant 0 : i32
    %dma_wait3A_1962 = arith.constant 0 : i32
    %dma_wait3A_1963 = tpu.memref_slice %arg5[%dma_wait3A_1961, %dma_wait3A_1962] : memref<320000x128xf32, #tpu.memory_space<hbm>> -> memref<80x128xf32, #tpu.memory_space<hbm>>
    tpu.wait_dma2 semaphore(%arg33 : memref<!tpu.dma_semaphore, #tpu.memory_space<semaphore_mem>>) src(%dma_wait3A_1963 : memref<80x128xf32, #tpu.memory_space<hbm>>) dst(%arg18 : memref<80x128xf32, #tpu.memory_space<vmem>>)
    %dma_wait3A_1964 = arith.constant 0 : i32
    %dma_wait3A_1965 = arith.constant 0 : i32
    %dma_wait3A_1966 = tpu.memref_slice %arg5[%dma_wait3A_1964, %dma_wait3A_1965] : memref<320000x128xf32, #tpu.memory_space<hbm>> -> memref<80x128xf32, #tpu.memory_space<hbm>>
    %dma_wait3A_1967 = arith.constant 0 : i32
    %dma_wait3A_1968 = arith.constant 0 : i32
    %dma_wait3A_1969 = tpu.memref_slice %arg5[%dma_wait3A_1967, %dma_wait3A_1968] : memref<320000x128xf32, #tpu.memory_space<hbm>> -> memref<80x128xf32, #tpu.memory_space<hbm>>
    tpu.wait_dma2 semaphore(%arg34 : memref<!tpu.dma_semaphore, #tpu.memory_space<semaphore_mem>>) src(%dma_wait3A_1969 : memref<80x128xf32, #tpu.memory_space<hbm>>) dst(%arg19 : memref<80x128xf32, #tpu.memory_space<vmem>>)
    %dma_wait3A_1970 = arith.constant 0 : i32
    %dma_wait3A_1971 = arith.constant 0 : i32
    %dma_wait3A_1972 = tpu.memref_slice %arg5[%dma_wait3A_1970, %dma_wait3A_1971] : memref<320000x128xf32, #tpu.memory_space<hbm>> -> memref<80x128xf32, #tpu.memory_space<hbm>>
    %dma_wait3A_1973 = arith.constant 0 : i32
    %dma_wait3A_1974 = arith.constant 0 : i32
    %dma_wait3A_1975 = tpu.memref_slice %arg5[%dma_wait3A_1973, %dma_wait3A_1974] : memref<320000x128xf32, #tpu.memory_space<hbm>> -> memref<80x128xf32, #tpu.memory_space<hbm>>
    tpu.wait_dma2 semaphore(%arg35 : memref<!tpu.dma_semaphore, #tpu.memory_space<semaphore_mem>>) src(%dma_wait3A_1975 : memref<80x128xf32, #tpu.memory_space<hbm>>) dst(%arg20 : memref<80x128xf32, #tpu.memory_space<vmem>>)
    %dma_wait3A_1976 = arith.constant 0 : i32
    %dma_wait3A_1977 = arith.constant 0 : i32
    %dma_wait3A_1978 = tpu.memref_slice %arg5[%dma_wait3A_1976, %dma_wait3A_1977] : memref<320000x128xf32, #tpu.memory_space<hbm>> -> memref<80x128xf32, #tpu.memory_space<hbm>>
    %dma_wait3A_1979 = arith.constant 0 : i32
    %dma_wait3A_1980 = arith.constant 0 : i32
    %dma_wait3A_1981 = tpu.memref_slice %arg5[%dma_wait3A_1979, %dma_wait3A_1980] : memref<320000x128xf32, #tpu.memory_space<hbm>> -> memref<80x128xf32, #tpu.memory_space<hbm>>
    tpu.wait_dma2 semaphore(%arg36 : memref<!tpu.dma_semaphore, #tpu.memory_space<semaphore_mem>>) src(%dma_wait3A_1981 : memref<80x128xf32, #tpu.memory_space<hbm>>) dst(%arg21 : memref<80x128xf32, #tpu.memory_space<vmem>>)
    return
  }
}

module attributes {stable_mosaic.version = 14 : i64} {
  func.func @_t12_body(%arg0: memref<128x128xf32, #tpu.memory_space<vmem>>, %arg1: memref<256x128xf32, #tpu.memory_space<vmem>>, %arg2: memref<1x128xf32, #tpu.memory_space<vmem>>, %arg3: memref<128x128x128xf32, #tpu.memory_space<vmem>>) attributes {dimension_semantics = [], scalar_prefetch = 0 : i64, scratch_operands = 0 : i64, tpu.core_type = #tpu.core_type<tc>} {
    %get3A = arith.constant 0 : index
    %get3A_0 = arith.constant 0 : index
    %get3A_1 = vector.load %arg0[%get3A, %get3A_0] : memref<128x128xf32, #tpu.memory_space<vmem>>, vector<128x128xf32>
    %get3A_2 = arith.constant 0 : index
    %get3A_3 = arith.constant 0 : index
    %get3A_4 = vector.load %arg1[%get3A_2, %get3A_3] : memref<256x128xf32, #tpu.memory_space<vmem>>, vector<128x128xf32>
    %dot_general3A = arith.constant dense<0.000000e+00> : vector<128x128xf32>
    %dot_general3A_5 = tpu.matmul %get3A_1, %get3A_4, %dot_general3A {dimension_numbers = #tpu.dot_dimension_numbers<[1], [0], [0], [1], [0, 0, 1, 1], [], []>, transpose_lhs_hint = false} : vector<128x128xf32>, vector<128x128xf32>, vector<128x128xf32> -> vector<128x128xf32>
    %get3A_6 = arith.constant 128 : index
    %get3A_7 = arith.constant 0 : index
    %get3A_8 = vector.load %arg1[%get3A_6, %get3A_7] : memref<256x128xf32, #tpu.memory_space<vmem>>, vector<128x128xf32>
    %dot_general3A_9 = arith.constant dense<0.000000e+00> : vector<128x128xf32>
    %dot_general3A_10 = tpu.matmul %get3A_1, %get3A_8, %dot_general3A_9 {dimension_numbers = #tpu.dot_dimension_numbers<[1], [0], [0], [1], [0, 0, 1, 1], [], []>, transpose_lhs_hint = false} : vector<128x128xf32>, vector<128x128xf32>, vector<128x128xf32> -> vector<128x128xf32>
    %get3A_11 = arith.constant 0 : index
    %get3A_12 = arith.constant 0 : index
    %get3A_13 = vector.load %arg2[%get3A_11, %get3A_12] : memref<1x128xf32, #tpu.memory_space<vmem>>, vector<1x128xf32>
    %add3A = vector.broadcast %get3A_13 : vector<1x128xf32> to vector<128x128xf32>
    %add3A_14 = arith.addf %dot_general3A_5, %add3A : vector<128x128xf32>
    %broadcast_in_dim3A = vector.shape_cast %add3A_14 : vector<128x128xf32> to vector<128x1x128xf32>
    %broadcast_in_dim3A_15 = vector.shape_cast %dot_general3A_10 : vector<128x128xf32> to vector<1x128x128xf32>
    %add3A_16 = vector.broadcast %broadcast_in_dim3A : vector<128x1x128xf32> to vector<128x128x128xf32>
    %add3A_17 = vector.broadcast %broadcast_in_dim3A_15 : vector<1x128x128xf32> to vector<128x128x128xf32>
    %add3A_18 = arith.addf %add3A_16, %add3A_17 : vector<128x128x128xf32>
    %swap3A = arith.constant 0 : index
    %swap3A_19 = arith.constant 0 : index
    %swap3A_20 = arith.constant 0 : index
    %swap3A_21 = vector.load %arg3[%swap3A, %swap3A_19, %swap3A_20] : memref<128x128x128xf32, #tpu.memory_space<vmem>>, vector<128x128x128xf32>
    tpu.vector_store %arg3[%swap3A, %swap3A_19, %swap3A_20], %add3A_18 {strides = array<i32>} : memref<128x128x128xf32, #tpu.memory_space<vmem>>, vector<128x128x128xf32>,
    return
  }
}

</mosaic_0001>

<sc_bundles>
// kernel: kernel.4.cloned.1.call-start
scs
__scs_entry_jumppad:
0x0: {  	(pc) =	sbr.rel $0x88, $3  }
0x1: {  	(tag) =	ssettag $0x0;
	lr =	simm.s32 $0x1  }
0x2: {  	[smem:$0x3F9C] =	sst lr;
	_ =	strace $0xD0000000  }
0x3: {  	_ = 	snop  }
0x4: {  	_ = 	snop  }
0x5: {  	_ = 	snop  }
0x6: {  	_ = 	snop  }
0x7: {  	_ = 	snop  }
__scs_overlays_trampoline_lowered:
0x8: {  	[smem:$0x3FAB] =	sst s0  }
0x9: {  	[smem:$0x3FAC] =	sst s1  }
0xa: {  	[smem:$0x3FAD] =	sst s2  }
0xb: {  	[smem:$0x3FAE] =	sst s3  }
0xc: {  	[smem:$0x3FAF] =	sst s4  }
0xd: {  	[smem:$0x3FB0] =	sst s5  }
0xe: {  	[smem:$0x3FB1] =	sst s6  }
0xf: {  	[smem:$0x3FB2] =	sst s7  }
0x10: {  	[smem:$0x3FB3] =	sst s8  }
0x11: {  	[smem:$0x3FB4] =	sst s9;
	s0 =	simm.s32 @!p0 $0x0  }
0x12: {  	s1 =	sld [smem:$0x3F9A];
	s0 =	simm.s32 @p0 $0x1  }
0x13: {  	[smem:$0x3FB5] =	sst s0;
	s0 =	simm.s32 @!p1 $0x0  }
0x14: {  	s2 =	sld [smem:$0x3F99];
	s0 =	simm.s32 @p1 $0x1  }
0x15: {  	[smem:$0x3FB6] =	sst s0;
	s0 =	simm.s32 @!p2 $0x0  }
0x16: {  	s3 =	sld [smem:$0x3FDB];
	s0 =	simm.s32 @p2 $0x1  }
0x17: {  	s4 =	simm.s32 $0x1BF5;
	[smem:$0x3FB8] =	sst s0  }
0x18: {  	s0 =	sld [smem:$0x3F9B];
	_ =	swait.ge [sflag:s4], $0x0  }
0x19: {  	s7 =	sld [smem:$0x3F9C]  }
0x1a: {  	s8 =	sadd.s32 $0xFFFFE003, lr  }
0x1b: {  	s9 =	sadd.s32 $0xFFFFFEF7, lr;
	s5 =	simm.s32 $0xFFFFFFFF;
	p2 =	slt.u32 s8, $0xFFFFF086  }
0x1c: {  	p1 =	slt.u32 s9, $0xF7A;
	s5 =	simm.s32 @!p2 $0x0  }
0x1d: {  	s5 =	simm.s32 @p1 $0x1;
	p0 =	seq.s32 s7, s2  }
0x1e: {  	s7 =	smul.u32 @!p0 $0xF7A, s2;
	p2 =	seq.s32 @!p0 s5, $0x0  }
0x1f: {  	s9 =	smul.u32 $0xF7A, s1;
	s8 =	simm.s32 @!p0 $0x1BF5;
	p2 =	por !p2, p0  }
0x20: {  	[sflag:s8] =	ssyncset.s32 @!p0 $0xFFFFF086;
	s6 =	sadd.s32 @!p0 s3, s7;
	s7 =	simm.s32 @!p0 $0x108  }
0x21: {  	s3 =	sadd.s32 s3, s9;
	s6 =	sadd.s32 @!p0 $0x88, s6;
	s7 =	simm.s32 @p2 $0x1082  }
0x22: {  	[simem:s7], [sflag:s8] =	dma.local @!p0 [hbm:s6], $0xF7A  }
0x23: {  	s9 =	sor.u32 $0xD0000000, s2;
	s6 =	simm.s32 $0x108;
	_ =	swait.ge @!p0 [sflag:s8], $0x0  }
0x24: {  	s3 =	sadd.s32 $0x88, s3;
	s6 =	simm.s32 @!p1 $0x1082;
	[sflag:s4] =	ssyncset.s32 $0xFFFFF086  }
0x25: {  	[simem:s6], [sflag:s4] =	dma.local [hbm:s3], $0xF7A  }
0x26: {  	[smem:$0x3F9C] =	sst s1;
	(tag) =	ssettag s2;
	_ =	strace s9  }
0x27: {  	s1 =	sld [smem:$0x3FAC]  }
0x28: {  	s2 =	sld [smem:$0x3FAD]  }
0x29: {  	s4 =	sld [smem:$0x3FAF]  }
0x2a: {  	p0 =	seq.s32 s5, $0x0;
	s5 =	sld [smem:$0x3FB0]  }
0x2b: {  	s6 =	sld [smem:$0x3FB1]  }
0x2c: {  	s7 =	sld [smem:$0x3FB2]  }
0x2d: {  	s3 =	simm.s32 $0x108;
	s8 =	sld [smem:$0x3FB3]  }
0x2e: {  	s3 =	simm.s32 @!p0 $0x1082;
	s9 =	sld [smem:$0x3FB4]  }
0x2f: {  	lr =	sadd.s32 s0, s3;
	s0 =	sld [smem:$0x3FAB]  }
0x30: {  	s3 =	sld [smem:$0x3FAE]  }
0x31: {  	[smem:$0x3FB7] =	sst s10  }
0x32: {  	s10 =	sld [smem:$0x3FB5];
	_ =	sdelay $0x3  }
0x33: {  	p0 =	seq.s32 s10, $0x1;
	s10 =	sld [smem:$0x3FB7];
	_ =	sdelay $0x3  }
0x34: {  	[smem:$0x3FB7] =	sst s10  }
0x35: {  	s10 =	sld [smem:$0x3FB6];
	_ =	sdelay $0x3  }
0x36: {  	p1 =	seq.s32 s10, $0x1;
	s10 =	sld [smem:$0x3FB7];
	_ =	sdelay $0x3  }
0x37: {  	[smem:$0x3FB7] =	sst s10  }
0x38: {  	s10 =	sld [smem:$0x3FB8]  }
0x39: {  	_ = 	snop;
	(pc) =	sbr.ind lr, $3  }
0x3a: {  	_ = 	snop  }
0x3b: {  	_ = 	snop  }
0x3c: {  	p2 =	seq.s32 s10, $0x1;
	s10 =	sld [smem:$0x3FB7]  }
0x3d: {  	_ =	shalt  }
0x3e: {  	_ =	shalt  }
0x3f: {  	_ =	shalt  }
0x40: {  	_ =	shalt  }
0x41: {  	_ =	shalt  }
0x42: {  	_ =	shalt  }
0x43: {  	_ =	shalt  }
0x44: {  	_ =	shalt  }
0x45: {  	_ =	shalt  }
0x46: {  	_ =	shalt  }
0x47: {  	_ =	shalt  }
0x48: {  	_ =	shalt  }
0x49: {  	_ =	shalt  }
0x4a: {  	_ =	shalt  }
0x4b: {  	_ =	shalt  }
0x4c: {  	_ =	shalt  }
0x4d: {  	_ =	shalt  }
0x4e: {  	_ =	shalt  }
0x4f: {  	_ =	shalt  }
0x50: {  	_ =	shalt  }
0x51: {  	_ =	shalt  }
0x52: {  	_ =	shalt  }
0x53: {  	_ =	shalt  }
0x54: {  	_ =	shalt  }
0x55: {  	_ =	shalt  }
0x56: {  	_ =	shalt  }
0x57: {  	_ =	shalt  }
0x58: {  	_ =	shalt  }
0x59: {  	_ =	shalt  }
0x5a: {  	_ =	shalt  }
0x5b: {  	_ =	shalt  }
0x5c: {  	_ =	shalt  }
0x5d: {  	_ =	shalt  }
0x5e: {  	_ =	shalt  }
0x5f: {  	_ =	shalt  }
0x60: {  	_ =	shalt  }
0x61: {  	_ =	shalt  }
0x62: {  	_ =	shalt  }
0x63: {  	_ =	shalt  }
0x64: {  	_ =	shalt  }
0x65: {  	_ =	shalt  }
0x66: {  	_ =	shalt  }
0x67: {  	_ =	shalt  }
0x68: {  	_ =	shalt  }
0x69: {  	_ =	shalt  }
0x6a: {  	_ =	shalt  }
0x6b: {  	_ =	shalt  }
0x6c: {  	_ =	shalt  }
0x6d: {  	_ =	shalt  }
0x6e: {  	_ =	shalt  }
0x6f: {  	_ =	shalt  }
0x70: {  	_ =	shalt  }
0x71: {  	_ =	shalt  }
0x72: {  	_ =	shalt  }
0x73: {  	_ =	shalt  }
0x74: {  	_ =	shalt  }
0x75: {  	_ =	shalt  }
0x76: {  	_ =	shalt  }
0x77: {  	_ =	shalt  }
0x78: {  	_ =	shalt  }
0x79: {  	_ =	shalt  }
0x7a: {  	_ =	shalt  }
0x7b: {  	_ =	shalt  }
0x7c: {  	_ =	shalt  }
0x7d: {  	_ =	shalt  }
0x7e: {  	_ =	shalt  }
0x7f: {  	_ =	shalt  }
0x80: {  	_ =	shalt  }
0x81: {  	_ =	shalt  }
0x82: {  	_ =	shalt  }
0x83: {  	_ =	shalt  }
0x84: {  	_ =	shalt  }
0x85: {  	_ =	shalt  }
0x86: {  	_ =	shalt  }
0x87: {  	_ =	shalt  }
.Lfunc_end0:
.L_simem_size_0:
called_computation_lowered:
.L_overlay_start_0:
0x88: {  	s2 =	sld [smem:$0x3FD9]  }
0x89: {  	s3 =	sld [smem:$0x3FFE];
	_ =	sdelay $0x1  }
0x8a: {  	s1 =	srdreg.scid  }
0x8b: {  	s0 =	sand.u32 $0x1, s1  }
0x8c: {  	s17 =	sshll.u32 s0, $0xA;
	s2 =	sadd.s32 s3, s2  }
0x8d: {  	s2 =	sadd.s32 s2, s17  }
0x8e: {  	[smem:$0x3FC3] =	sst s2  }
0x8f: {  	_ = 	snop  }
0x90: {  	s2 =	sld [smem:$0x3FC9]  }
0x91: {  	s18 =	sld [smem:$0x3FC8]  }
0x92: {  	s4 =	sld [smem:$0x3FD0];
	(tm) =	ssettm $0x1  }
0x93: {  	s5 =	sld [smem:$0x3FFB];
	_ =	sdelay $0x3  }
0x94: {  	_ =	strace s5  }
0x95: {  	s5 =	sld [smem:$0x3FFC];
	_ =	sdelay $0x3  }
0x96: {  	_ =	strace s5  }
0x97: {  	s5 =	sld [smem:$0x3FFD];
	_ =	sdelay $0x3  }
0x98: {  	_ =	strace s5  }
0x99: {  	_ =	strace $0x8FFFFFFF  }
0x9a: {  	s19 =	sld [smem:$0x3FDB];
	_ =	sdelay $0x1  }
0x9b: {  	s6 =	simm.s32 $_scs_section_size  }
0x9c: {  	s7 =	simm.s32 $_size__tile_overlayer_lowered;
	s8 =	simm.s32 $_tile_overlayer_lowered  }
0x9d: {  	s22 =	simm.s32 $0x1BFF;
	s21 =	sshll.u32 s8, $0x1;
	s5 =	sadd.s32 s6, s19  }
0x9e: {  	s9 =	simm.s32 $0x0;
	s20 =	sshll.u32 s7, $0x1;
	s7 =	sadd.s32 s21, s5  }
0x9f: {  	[timem:s9], [sflag:s22] =	dma.local [hbm:s7], s20  }
0xa0: {  	_ =	swait.ge [sflag:s22], s20  }
0xa1: {  	s6 =	ssub.s32 $0x0, s20;
	[sflag:s22] =	ssyncset.done $0x0  }
0xa2: {  	[sflag:s22] =	ssyncadd.s32 s6;
	_ =	sdelay $0x1  }
0xa3: {  	s23 =	simm.s32 $0x1B8B  }
0xa4: {  	_ =	swait.ge [sflag:s23], $0x1  }
0xa5: {  	[sflag:s23] =	ssyncset.done $0x0  }
0xa6: {  	s25 =	simm.s32 $0x1B8E;
	s24 =	sld [smem:$0x3FFE];
	[sflag:s23] =	ssyncadd.s32 $0xFFFFFFFF  }
0xa7: {  	s26 =	simm.s32 $execute0_lowered;
	[smem:$0x3FD2] =	sst s25  }
0xa8: {  	s7 =	sshll.u32 s26, $0x1;
	_ =	strace $0x80000046;
	[dreg:$0x1] =	wrdreg $0xFFFFFFFF  }
0xa9: {  	s28 =	simm.s32 $_size_execute0_lowered;
	s5 =	sadd.s32 s5, s7;
	[dreg:$0x0] =	wrdreg $0x0  }
0xaa: {  	s7 =	sshll.u32 s28, $0x1;
	[dreg:$0x2] =	wrdreg s5  }
0xab: {  	[dreg:$0x3] =	wrdreg s7  }
0xac: {  	[dreg:$0x4] =	wrdreg $0xC0  }
0xad: {  	_ =	task [dreg:s9], $0x5FFFF  }
0xae: {  	[dreg:$0x1] =	wrdreg $0xFFFFFFFF  }
0xaf: {  	[dreg:$0x0] =	wrdreg $0x60  }
0xb0: {  	[dreg:$0x2] =	wrdreg s2  }
0xb1: {  	[dreg:$0x3] =	wrdreg s18  }
0xb2: {  	[dreg:$0x4] =	wrdreg s24  }
0xb3: {  	[dreg:$0x5] =	wrdreg s4  }
0xb4: {  	[dreg:$0x6] =	wrdreg $0x9  }
0xb5: {  	_ =	task.clear_ibuf [dreg:s9], $0x7FFFF;
	_ =	strace $0x90000046  }
0xb6: {  	s29 =	simm.s32 $0x9;
	_ =	strace $0x80000048  }
0xb7: {  	_ =	swait.ge [sflag:s29], $0x1  }
0xb8: {  	[sflag:s29] =	ssyncadd.s32 $0xFFFFFFFF  }
0xb9: {  	_ =	strace $0x90000048  }
0xba: {  	_ =	sfence  }
0xbb: {  	s30 =	sld [smem:$0x0];
	_ =	sdelay $0x2  }
0xbc: {  	s31 =	sshll.u32 s1, $0xD;
	s1 =	sshrl.u32 s1, $0x2  }
0xbd: {  	s3 =	sand.u32 $0x4000, s31;
	s1 =	sadd.s32 s1, s30  }
0xbe: {  	s0 =	sor.u32 s3, s0;
	s1 =	sshll.u32 s1, $0x11  }
0xbf: {  	s0 =	sor.u32 s1, s0  }
0xc0: {  	s0 =	sadd.s32 $0x8F2B, s0  }
0xc1: {  	[sflag:s0] =	ssyncadd.remote.s32 $0x1  }
0xc2: {  	_ =	sfence.sel $0xFFFF  }
0xc3: {  	[dreg:$0x0] =	wrdreg $0xFFFFFFFF;
	(pc) =	sbr.abs _section_cstart, $3  }
0xc4: {  	[dreg:$0x1] =	wrdreg $0xFFFFFFFF  }
0xc5: {  	_ =	task.clear_ibuf [dreg:s9], $0x2FFFF;
	_ =	strace $0x9FFFFFFF  }
0xc6: {  	(tm) =	ssettm $0x7FFFFFFF  }
0xc7: {  	_ =	shalt  }
tec
execute0_lowered:
.L_overlay_start_1:
0x0: {  	(tag) =	ssettag $0x1  }
0x1: {  	s0 =	srdreg.scid  }
0x2: {  	s15 =	stileid.u32;
	s24 =	rddreg [dreg:$0x1]  }
0x3: {  	s2 =	rddreg [dreg:$0x2];
	s6 =	sand.u32 $0x1, s0;
	s10 =	sshll.u32 s15, $0x1  }
0x4: {  	s7 =	rddreg [dreg:$0x3];
	s4 =	simm.s32 $0x0;
	s1 =	sor.u32 s6, s10  }
0x5: {  	[smem:$0x7FF] =	sst s4;
	s11 =	ssub.s32 $0x2, s6;
	s5 =	smul.u32 $0x50, s1  }
0x6: {  	_ =	strace $0x80000047;
	p0 =	seq.s32 s6, $0x1;
	s3 =	sshrl.u32 s11, $0x1  }
0x7: {  	s0 =	ssub.s32 s11, s3;
	s20 =	sand.u32 $0x70, s5;
	s10 =	sadd.s32 $0x4D800, s5  }
0x8: {  	s0 =	smax.u32 s0, $0x1;
	s8 =	sadd.s32 $0x10, s20;
	s9 =	sadd.s32 $0x20, s20  }
0x9: {  	s16 =	sadd.s32 $0x30, s20;
	s18 =	sand.u32 $0x4FF80, s10;
	[smem:$0x7DE] =	sst s0  }
0xa: {  	s11 =	sadd.s32 $0x40, s20;
	[dreg:$0x9] =	wrdreg s20;
	s12 =	sshll.u32 s8, $0x1  }
0xb: {  	s8 =	sand.u32 $0x70, s8;
	s13 =	sand.u32 $0x70, s9;
	s14 =	sshll.u32 s9, $0x1  }
0xc: {  	s17 =	sand.u32 $0x70, s16;
	s9 =	sshll.u32 s16, $0x1;
	s3 =	sand.u32 $0x100, s12  }
0xd: {  	s9 =	sand.u32 $0x100, s9;
	s12 =	sshll.u32 s11, $0x1;
	s11 =	sand.u32 $0x70, s11  }
0xe: {  	s21 =	sor.u32 s8, s3;
	s8 =	sand.u32 $0x100, s14;
	s3 =	smin.u32 s18, $0x4E100  }
0xf: {  	s12 =	sand.u32 $0x100, s12;
	s26 =	sor.u32 s17, s9;
	s23 =	sor.u32 s13, s8  }
0x10: {  	s3 =	ssub.s32 s10, s3;
	s28 =	sor.u32 s11, s12;
	s12 =	smul.u32 $0x2800, s1  }
0x11: {  	s11 =	simm.s32 $0x50;
	s10 =	sshll.u32 s10, $0x4;
	[dreg:$0xa] =	wrdreg s21  }
0x12: {  	s31 =	sadd.s32 $0x2D80, s26;
	[dreg:$0xc] =	wrdreg s26;
	s13 =	sadd.s32 $0x10, s3  }
0x13: {  	s25 =	sadd.s32 $0x20, s3;
	s17 =	sadd.s32 $0x30, s3;
	[dreg:$0xb] =	wrdreg s23  }
0x14: {  	s11 =	simm.s32 @!p0 $0x0;
	s10 =	sadd.s32 s7, s10;
	[dreg:$0xd] =	wrdreg s28  }
0x15: {  	s30 =	sadd.s32 $0x2D80, s23;
	[smem:$0x7FC] =	sst s31;
	s19 =	sshll.u32 s13, $0x1  }
0x16: {  	s22 =	sand.u32 $0x70, s13;
	s13 =	sshll.u32 s25, $0x1;
	s14 =	sand.u32 $0x70, s25  }
0x17: {  	s25 =	sadd.s32 $0x40, s3;
	s12 =	sshrl.u32 s12, $0x3;
	[dreg:$0x12] =	wrdreg s10  }
0x18: {  	[smem:$0x7FB] =	sst s30;
	s8 =	sand.u32 $0xFFFFFF00, s19;
	s19 =	sand.u32 $0x70, s17  }
0x19: {  	s16 =	sor.u32 s22, s8;
	s8 =	sand.u32 $0xFFFFFF00, s13;
	s22 =	sshll.u32 s17, $0x1  }
0x1a: {  	s17 =	sand.u32 $0x70, s25;
	s13 =	smul.u32 $0xA0, s6;
	s18 =	sor.u32 s14, s8  }
0x1b: {  	s9 =	sand.u32 $0xFFFFFF00, s22;
	[dreg:$0xe] =	wrdreg s16;
	s16 =	sadd.s32 $0x2F80, s16  }
0x1c: {  	s14 =	sshll.u32 s15, $0x5;
	s19 =	sor.u32 s19, s9;
	[smem:$0x7F6] =	sst s16  }
0x1d: {  	s9 =	sshll.u32 s25, $0x1;
	[dreg:$0xf] =	wrdreg s18;
	s18 =	sadd.s32 $0x2F80, s18  }
0x1e: {  	s14 =	sadd.s32 s14, s11;
	s25 =	smul.u32 $0xA00, s15;
	[smem:$0x7F7] =	sst s18  }
0x1f: {  	s8 =	sand.u32 $0xFFFFFF00, s9;
	s9 =	sand.u32 $0x70, s14;
	[dreg:$0x10] =	wrdreg s19  }
0x20: {  	s14 =	sor.u32 s17, s8;
	s8 =	smul.u32 $0x500, s1;
	s22 =	sor.u32 $0x2980, s9  }
0x21: {  	s9 =	sor.u32 $0x2D80, s9;
	s17 =	smul.u32 $0x500, s6;
	[dreg:$0x5] =	wrdreg s22  }
0x22: {  	s12 =	sadd.s32 s7, s12;
	s6 =	smul.u32 $0x50, s6;
	[dreg:$0x6] =	wrdreg s9  }
0x23: {  	s22 =	sadd.s32 $0x8C00, s5;
	s5 =	sshrl.u32 s5, $0x2;
	[dreg:$0x11] =	wrdreg s14  }
0x24: {  	s8 =	sadd.s32 s8, s7;
	s7 =	sadd.s32 s25, s7;
	s25 =	smul.u32 $0x140, s15  }
0x25: {  	s11 =	sand.u32 $0x3E0, s5;
	s7 =	sadd.s32 s17, s7;
	s17 =	sand.u32 $0x9F80, s22  }
0x26: {  	s22 =	smul.u32 $0xA0, s15;
	s15 =	sadd.s32 $0x500, s5;
	[dreg:$0x13] =	wrdreg s7  }
0x27: {  	s9 =	sadd.s32 s24, s11;
	[dreg:$0x7] =	wrdreg s17;
	s25 =	sadd.s32 s13, s25  }
0x28: {  	s17 =	sadd.s32 $0xC00, s2;
	s13 =	sadd.s32 $0x280, s5;
	[dreg:$0x15] =	wrdreg s9  }
0x29: {  	s7 =	sadd.s32 $0xA00, s5;
	[dreg:$0x14] =	wrdreg s25;
	s10 =	sadd.s32 s6, s22  }
0x2a: {  	s2 =	sand.u32 $0x7E0, s13;
	s22 =	sand.u32 $0xFE0, s15;
	s6 =	sadd.s32 $0x780, s5  }
0x2b: {  	s11 =	sand.u32 $0xFE0, s7;
	[dreg:$0x8] =	wrdreg s10;
	s2 =	sadd.s32 s24, s2  }
0x2c: {  	s25 =	sadd.s32 s24, s22;
	s10 =	sadd.s32 $0xC80, s5;
	[dreg:$0x16] =	wrdreg s2  }
0x2d: {  	[dreg:$0x17] =	wrdreg s25;
	s2 =	sand.u32 $0xFE0, s6;
	s6 =	sadd.s32 $0x4B0000, s8  }
0x2e: {  	s13 =	sand.u32 $0x1FE0, s10;
	s2 =	sadd.s32 s24, s2;
	[smem:$0x7DA] =	sst s6  }
0x2f: {  	s22 =	sadd.s32 $0xF00, s5;
	s15 =	sadd.s32 s24, s13;
	[dreg:$0x18] =	wrdreg s2  }
0x30: {  	s25 =	sadd.s32 $0x1180, s5;
	s13 =	sadd.s32 $0x47E000, s12;
	[dreg:$0x1a] =	wrdreg s15  }
0x31: {  	s7 =	sand.u32 $0x17E0, s25;
	s25 =	sadd.s32 $0x49C000, s12;
	[dreg:$0x1e] =	wrdreg s13  }
0x32: {  	s5 =	sadd.s32 $0x1680, s5;
	s6 =	sadd.s32 $0x2780, s26;
	[smem:$0x7D8] =	sst s25  }
0x33: {  	s5 =	sand.u32 $0x1FE0, s5;
	s2 =	sadd.s32 s24, s11;
	[smem:$0x7E5] =	sst s6  }
0x34: {  	s10 =	sadd.s32 s24, s5;
	[dreg:$0x19] =	wrdreg s2  }
0x35: {  	s15 =	sadd.s32 $0x488000, s12;
	[dreg:$0x1d] =	wrdreg s10  }
0x36: {  	s5 =	sadd.s32 $0x4A6000, s12;
	[dreg:$0x1f] =	wrdreg s15  }
0x37: {  	s2 =	sand.u32 $0x1FE0, s22;
	s22 =	sadd.s32 $0x492000, s12;
	[smem:$0x7D9] =	sst s5  }
0x38: {  	s10 =	sadd.s32 $0x4C4000, s8;
	[smem:$0x7D7] =	sst s22  }
0x39: {  	s12 =	sadd.s32 $0x4CE000, s8;
	[smem:$0x7DC] =	sst s10  }
0x3a: {  	s5 =	sadd.s32 $0x2780, s23;
	[smem:$0x7DD] =	sst s12  }
0x3b: {  	s2 =	sadd.s32 s24, s2;
	[smem:$0x7E4] =	sst s5  }
0x3c: {  	s10 =	sadd.s32 $0x2980, s23;
	[dreg:$0x1b] =	wrdreg s2  }
0x3d: {  	s29 =	simm.s32 $0x4;
	s12 =	sadd.s32 $0x2980, s28;
	[smem:$0x7E8] =	sst s10  }
0x3e: {  	s18 =	simm.s32 $0x5;
	s2 =	sadd.s32 s24, s7;
	[smem:$0x7EA] =	sst s12  }
0x3f: {  	s1 =	smul.u32 $0x14, s1;
	s7 =	sadd.s32 $0x4BA000, s8;
	[dreg:$0x1c] =	wrdreg s2  }
0x40: {  	s11 =	sshll.u32 s3, $0x1;
	s8 =	sadd.s32 $0x2980, s21;
	[smem:$0x7DB] =	sst s7  }
0x41: {  	s22 =	sadd.s32 $0x1B80, s1;
	s10 =	sadd.s32 $0x2F80, s26;
	[smem:$0x7E7] =	sst s8  }
0x42: {  	s12 =	sadd.s32 $0x2F80, s28;
	s2 =	sand.u32 $0xFFFFFF00, s11;
	[smem:$0x7F2] =	sst s10  }
0x43: {  	s11 =	sadd.s32 $0x2080, s1;
	s7 =	sadd.s32 $0x2780, s28;
	[smem:$0x7F3] =	sst s12  }
0x44: {  	s8 =	sadd.s32 $0x2F80, s21;
	s3 =	sor.u32 s20, s2;
	[smem:$0x7E6] =	sst s7  }
0x45: {  	s13 =	sand.u32 $0x27E0, s11;
	s11 =	sadd.s32 $0x2980, s26;
	[smem:$0x7F0] =	sst s8  }
0x46: {  	s2 =	sand.u32 $0x1FE0, s22;
	s22 =	sadd.s32 $0x2B80, s26;
	[smem:$0x7E9] =	sst s11  }
0x47: {  	s6 =	simm.s32 $0x7;
	s7 =	sadd.s32 $0x1400, s9;
	[smem:$0x7ED] =	sst s22  }
0x48: {  	s15 =	sadd.s32 $0x1E00, s1;
	s9 =	sadd.s32 $0x2F80, s23;
	[smem:$0x7EF] =	sst s7  }
0x49: {  	s5 =	simm.s32 $0xE;
	s1 =	sadd.s32 $0x1900, s1;
	[smem:$0x7F1] =	sst s9  }
0x4a: {  	s12 =	simm.s32 $0x3400;
	s0 =	sadd.s32 s13, s24;
	[smem:$0x7F4] =	sst s3  }
0x4b: {  	s10 =	simm.s32 $0x6;
	s25 =	sadd.s32 s2, s24;
	[smem:$0x7DF] =	sst s0  }
0x4c: {  	s1 =	sand.u32 $0x1FE0, s1;
	s2 =	sadd.s32 $0x2780, s21;
	[smem:$0x7E1] =	sst s25  }
0x4d: {  	s8 =	simm.s32 $0x8;
	s13 =	sadd.s32 $0x2B80, s21;
	[smem:$0x7E3] =	sst s2  }
0x4e: {  	s22 =	sadd.s32 $0x2F80, s19;
	s7 =	simm.s32 $0xC;
	[smem:$0x7EB] =	sst s13  }
0x4f: {  	s0 =	sand.u32 $0x3FE0, s15;
	s15 =	sadd.s32 $0x2B80, s23;
	[smem:$0x7F8] =	sst s22  }
0x50: {  	s9 =	simm.s32 $0xD;
	s25 =	sadd.s32 $0x2B80, s28;
	[smem:$0x7EC] =	sst s15  }
0x51: {  	s19 =	simm.s32 $0xA;
	s13 =	sadd.s32 $0x2F80, s3;
	[smem:$0x7EE] =	sst s25  }
0x52: {  	s22 =	simm.s32 $0x5C00;
	s0 =	sadd.s32 s0, s24;
	[smem:$0x7F5] =	sst s13  }
0x53: {  	s2 =	simm.s32 $0x9;
	s25 =	sadd.s32 $0x2F80, s14;
	[smem:$0x7E0] =	sst s0  }
0x54: {  	s3 =	simm.s32 $0x0;
	s15 =	sadd.s32 $0x2D80, s21;
	[smem:$0x7F9] =	sst s25  }
0x55: {  	s13 =	simm.s32 $0x50;
	s0 =	sadd.s32 s1, s24;
	[smem:$0x7FA] =	sst s15  }
0x56: {  	s14 =	simm.s32 $0xB;
	s1 =	sadd.s32 $0x2D80, s28;
	[smem:$0x7E2] =	sst s0  }
0x57: {  	s25 =	simm.s32 $0x3;
	s0 =	simm.s32 $0xF;
	[smem:$0x7FD] =	sst s1  }
.LBB2_1:
0x58: {  	[smem:$0x7D6] =	sst s3  }
0x59: {  	s11 =	rddreg [dreg:$0x0];
	s1 =	simm.s32 $0x10  }
0x5a: {  	[tilespmem:s4], [sflag:$0x10] =	stream.linear.gather [hbm4b:s11+s4], $0x2780, $0x38;
	[tilespmem:$0xFC00] =	vst v63  }
0x5b: {  	_ =	swait.ge [sflag:s1], $0x2780  }
0x5c: {  	[sflag:s1] =	ssyncset.done $0x0  }
0x5d: {  	s3 =	simm.s32 $0x2780;
	s16 =	rddreg [dreg:$0x15];
	[sflag:s1] =	ssyncadd.s32 $0xFFFFD880  }
0x5e: {  	[tilespmem:s3], [sflag:$0x1] =	stream.linear.gather [hbm4b:s16+s4], $0x200, $0x38;
	[tilespmem:$0xFC00] =	vst v63  }
0x5f: {  	s11 =	rddreg [dreg:$0x16];
	s16 =	simm.s32 $0x2980  }
0x60: {  	[tilespmem:s16], [sflag:$0x2] =	stream.linear.gather [hbm4b:s11+s4], $0x200, $0x38;
	[tilespmem:$0xFC00] =	vst v63  }
0x61: {  	s1 =	rddreg [dreg:$0x17];
	s11 =	simm.s32 $0x2B80  }
0x62: {  	[tilespmem:s11], [sflag:$0x3] =	stream.linear.gather [hbm4b:s1+s4], $0x200, $0x38;
	[tilespmem:$0xFC00] =	vst v63  }
0x63: {  	s1 =	rddreg [dreg:$0x18];
	s11 =	simm.s32 $0x2D80  }
0x64: {  	[tilespmem:s11], [sflag:$0x4] =	stream.linear.gather [hbm4b:s1+s4], $0x200, $0x38;
	[tilespmem:$0xFC00] =	vst v63  }
0x65: {  	s1 =	rddreg [dreg:$0x19];
	s11 =	smov.u32 s31  }
0x66: {  	s31 =	smov.u32 s30;
	s30 =	smov.u32 s15;
	s15 =	simm.s32 $0x2F80  }
0x67: {  	[tilespmem:s15], [sflag:$0x5] =	stream.linear.gather [hbm4b:s1+s4], $0x200, $0x38;
	[tilespmem:$0xFC00] =	vst v63  }
0x68: {  	s1 =	simm.s32 $0x1  }
0x69: {  	_ =	swait.ge [sflag:s1], $0x200  }
0x6a: {  	[sflag:s1] =	ssyncset.done $0x0  }
0x6b: {  	[sflag:s1] =	ssyncadd.s32 $0xFFFFFE00  }
0x6c: {  	v0 =	vld [tilespmem:s20+$0x2780]  }
0x6d: {  	v1 =	vld [tilespmem:s20+$0x2800];
	_ =	sdelay $0x6  }
0x6e: {  	v0 =	vld.idx.msk [tilespmem:v0+s4+$0x0], $0xffff  }
0x6f: {  	v1 =	vld.idx.msk [tilespmem:v1+s4+$0x0], $0xffff;
	_ =	sdelay $0x3  }
0x70: {  	v0 =	vshll.u32 v0, $0x7  }
0x71: {  	s1 =	sld [smem:$0x7E3];
	v0 =	vadd.s32 v0, v1  }
0x72: {  	[tilespmem:$0x3180] =	vst v0  }
0x73: {  	v0 =	vld [tilespmem:s21+$0x2780]  }
0x74: {  	v36 =	vld [tilespmem:s1+$0x80];
	_ =	sdelay $0x6  }
0x75: {  	v0 =	vld.idx.msk [tilespmem:v0+s4+$0x0], $0xffff  }
0x76: {  	v1 =	vld.idx.msk [tilespmem:v36+s4+$0x0], $0xffff;
	_ =	sdelay $0x3  }
0x77: {  	v0 =	vshll.u32 v0, $0x7  }
0x78: {  	s1 =	sld [smem:$0x7E4];
	v0 =	vadd.s32 v0, v1  }
0x79: {  	[tilespmem:$0x3190] =	vst v0  }
0x7a: {  	v0 =	vld [tilespmem:s23+$0x2780]  }
0x7b: {  	v37 =	vld [tilespmem:s1+$0x80];
	_ =	sdelay $0x6  }
0x7c: {  	v0 =	vld.idx.msk [tilespmem:v0+s4+$0x0], $0xffff  }
0x7d: {  	v1 =	vld.idx.msk [tilespmem:v37+s4+$0x0], $0xffff;
	_ =	sdelay $0x3  }
0x7e: {  	v0 =	vshll.u32 v0, $0x7  }
0x7f: {  	s1 =	sld [smem:$0x7E5];
	v0 =	vadd.s32 v0, v1  }
0x80: {  	[tilespmem:$0x31A0] =	vst v0  }
0x81: {  	v0 =	vld [tilespmem:s26+$0x2780]  }
0x82: {  	v38 =	vld [tilespmem:s1+$0x80];
	_ =	sdelay $0x6  }
0x83: {  	v0 =	vld.idx.msk [tilespmem:v0+s4+$0x0], $0xffff  }
0x84: {  	v1 =	vld.idx.msk [tilespmem:v38+s4+$0x0], $0xffff;
	_ =	sdelay $0x3  }
0x85: {  	v0 =	vshll.u32 v0, $0x7  }
0x86: {  	s1 =	sld [smem:$0x7E6];
	v0 =	vadd.s32 v0, v1  }
0x87: {  	[tilespmem:$0x31B0] =	vst v0  }
0x88: {  	v0 =	vld [tilespmem:s28+$0x2780]  }
0x89: {  	v39 =	vld [tilespmem:s1+$0x80];
	_ =	sdelay $0x6  }
0x8a: {  	v0 =	vld.idx.msk [tilespmem:v0+s4+$0x0], $0xffff  }
0x8b: {  	v1 =	vld.idx.msk [tilespmem:v39+s4+$0x0], $0xffff;
	_ =	sdelay $0x3  }
0x8c: {  	v0 =	vshll.u32 v0, $0x7  }
0x8d: {  	v0 =	vadd.s32 v0, v1  }
0x8e: {  	s1 =	rddreg [dreg:$0x1a];
	[tilespmem:$0x31C0] =	vst v0  }
0x8f: {  	[tilespmem:s3], [sflag:$0x1] =	stream.linear.gather [hbm4b:s1+s4], $0x200, $0x38;
	[tilespmem:$0xFC00] =	vst v63  }
0x90: {  	s3 =	simm.s32 $0x3180  }
0x91: {  	[tilespmem:s12], [sflag:$0x6] =	stream.indirect.gather [hbm4b:s17+s13], $0x80, s3, s13, $0xb8;
	[tilespmem:$0xFC00] =	vst v63  }
0x92: {  	s3 =	simm.s32 $0x2  }
0x93: {  	_ =	swait.ge [sflag:s3], $0x200  }
0x94: {  	[sflag:s3] =	ssyncset.done $0x0  }
0x95: {  	[sflag:s3] =	ssyncadd.s32 $0xFFFFFE00  }
0x96: {  	v40 =	vld [tilespmem:s20+$0x2980]  }
0x97: {  	v41 =	vld [tilespmem:s20+$0x2A00];
	_ =	sdelay $0x6  }
0x98: {  	v0 =	vld.idx.msk [tilespmem:v40+s4+$0x0], $0xffff  }
0x99: {  	v1 =	vld.idx.msk [tilespmem:v41+s4+$0x0], $0xffff;
	_ =	sdelay $0x3  }
0x9a: {  	v0 =	vshll.u32 v0, $0x7  }
0x9b: {  	s12 =	sld [smem:$0x7E7];
	v0 =	vadd.s32 v0, v1  }
0x9c: {  	[tilespmem:$0x3200] =	vst v0  }
0x9d: {  	v0 =	vld [tilespmem:s21+$0x2980]  }
0x9e: {  	v42 =	vld [tilespmem:s12+$0x80];
	_ =	sdelay $0x6  }
0x9f: {  	v0 =	vld.idx.msk [tilespmem:v0+s4+$0x0], $0xffff  }
0xa0: {  	v1 =	vld.idx.msk [tilespmem:v42+s4+$0x0], $0xffff;
	_ =	sdelay $0x3  }
0xa1: {  	v0 =	vshll.u32 v0, $0x7  }
0xa2: {  	s3 =	sld [smem:$0x7E8];
	v0 =	vadd.s32 v0, v1  }
0xa3: {  	[tilespmem:$0x3210] =	vst v0  }
0xa4: {  	v0 =	vld [tilespmem:s23+$0x2980]  }
0xa5: {  	v43 =	vld [tilespmem:s3+$0x80];
	_ =	sdelay $0x6  }
0xa6: {  	v0 =	vld.idx.msk [tilespmem:v0+s4+$0x0], $0xffff  }
0xa7: {  	v1 =	vld.idx.msk [tilespmem:v43+s4+$0x0], $0xffff;
	_ =	sdelay $0x3  }
0xa8: {  	v0 =	vshll.u32 v0, $0x7  }
0xa9: {  	s12 =	sld [smem:$0x7E9];
	v0 =	vadd.s32 v0, v1  }
0xaa: {  	[tilespmem:$0x3220] =	vst v0  }
0xab: {  	v0 =	vld [tilespmem:s26+$0x2980]  }
0xac: {  	v44 =	vld [tilespmem:s12+$0x80];
	_ =	sdelay $0x6  }
0xad: {  	v0 =	vld.idx.msk [tilespmem:v0+s4+$0x0], $0xffff  }
0xae: {  	v1 =	vld.idx.msk [tilespmem:v44+s4+$0x0], $0xffff;
	_ =	sdelay $0x3  }
0xaf: {  	v0 =	vshll.u32 v0, $0x7  }
0xb0: {  	s3 =	sld [smem:$0x7EA];
	v0 =	vadd.s32 v0, v1  }
0xb1: {  	[tilespmem:$0x3230] =	vst v0  }
0xb2: {  	v0 =	vld [tilespmem:s28+$0x2980]  }
0xb3: {  	v45 =	vld [tilespmem:s3+$0x80];
	_ =	sdelay $0x6  }
0xb4: {  	v0 =	vld.idx.msk [tilespmem:v0+s4+$0x0], $0xffff  }
0xb5: {  	v1 =	vld.idx.msk [tilespmem:v45+s4+$0x0], $0xffff;
	_ =	sdelay $0x3  }
0xb6: {  	v0 =	vshll.u32 v0, $0x7  }
0xb7: {  	v0 =	vadd.s32 v0, v1  }
0xb8: {  	s12 =	rddreg [dreg:$0x1b];
	[tilespmem:$0x3240] =	vst v0  }
0xb9: {  	[tilespmem:s16], [sflag:$0x2] =	stream.linear.gather [hbm4b:s12+s4], $0x200, $0x38;
	[tilespmem:$0xFC00] =	vst v63  }
0xba: {  	s16 =	simm.s32 $0x3200  }
0xbb: {  	[tilespmem:s22], [sflag:$0x7] =	stream.indirect.gather [hbm4b:s17+s13], $0x80, s16, s13, $0xb8;
	[tilespmem:$0xFC00] =	vst v63  }
0xbc: {  	_ =	swait.ge [sflag:s25], $0x200  }
0xbd: {  	[sflag:s25] =	ssyncset.done $0x0  }
0xbe: {  	[sflag:s25] =	ssyncadd.s32 $0xFFFFFE00  }
0xbf: {  	v46 =	vld [tilespmem:s20+$0x2B80]  }
0xc0: {  	v47 =	vld [tilespmem:s20+$0x2C00];
	_ =	sdelay $0x6  }
0xc1: {  	v0 =	vld.idx.msk [tilespmem:v46+s4+$0x0], $0xffff  }
0xc2: {  	v1 =	vld.idx.msk [tilespmem:v47+s4+$0x0], $0xffff;
	_ =	sdelay $0x3  }
0xc3: {  	v0 =	vshll.u32 v0, $0x7  }
0xc4: {  	s3 =	sld [smem:$0x7EB];
	v0 =	vadd.s32 v0, v1  }
0xc5: {  	[tilespmem:$0x3280] =	vst v0  }
0xc6: {  	v0 =	vld [tilespmem:s21+$0x2B80]  }
0xc7: {  	v48 =	vld [tilespmem:s3+$0x80];
	_ =	sdelay $0x6  }
0xc8: {  	v0 =	vld.idx.msk [tilespmem:v0+s4+$0x0], $0xffff  }
0xc9: {  	v1 =	vld.idx.msk [tilespmem:v48+s4+$0x0], $0xffff;
	_ =	sdelay $0x3  }
0xca: {  	v0 =	vshll.u32 v0, $0x7  }
0xcb: {  	s12 =	sld [smem:$0x7EC];
	v0 =	vadd.s32 v0, v1  }
0xcc: {  	[tilespmem:$0x3290] =	vst v0  }
0xcd: {  	v0 =	vld [tilespmem:s23+$0x2B80]  }
0xce: {  	v49 =	vld [tilespmem:s12+$0x80];
	_ =	sdelay $0x6  }
0xcf: {  	v0 =	vld.idx.msk [tilespmem:v0+s4+$0x0], $0xffff  }
0xd0: {  	v1 =	vld.idx.msk [tilespmem:v49+s4+$0x0], $0xffff;
	_ =	sdelay $0x3  }
0xd1: {  	v0 =	vshll.u32 v0, $0x7  }
0xd2: {  	s16 =	sld [smem:$0x7ED];
	v0 =	vadd.s32 v0, v1  }
0xd3: {  	[tilespmem:$0x32A0] =	vst v0  }
0xd4: {  	v0 =	vld [tilespmem:s26+$0x2B80]  }
0xd5: {  	v50 =	vld [tilespmem:s16+$0x80];
	_ =	sdelay $0x6  }
0xd6: {  	v0 =	vld.idx.msk [tilespmem:v0+s4+$0x0], $0xffff  }
0xd7: {  	v1 =	vld.idx.msk [tilespmem:v50+s4+$0x0], $0xffff;
	_ =	sdelay $0x3  }
0xd8: {  	v0 =	vshll.u32 v0, $0x7  }
0xd9: {  	s22 =	sld [smem:$0x7EE];
	v0 =	vadd.s32 v0, v1  }
0xda: {  	[tilespmem:$0x32B0] =	vst v0  }
0xdb: {  	v0 =	vld [tilespmem:s28+$0x2B80]  }
0xdc: {  	v51 =	vld [tilespmem:s22+$0x80];
	_ =	sdelay $0x6  }
0xdd: {  	v0 =	vld.idx.msk [tilespmem:v0+s4+$0x0], $0xffff  }
0xde: {  	v1 =	vld.idx.msk [tilespmem:v51+s4+$0x0], $0xffff;
	_ =	sdelay $0x3  }
0xdf: {  	v0 =	vshll.u32 v0, $0x7  }
0xe0: {  	v0 =	vadd.s32 v0, v1  }
0xe1: {  	s3 =	rddreg [dreg:$0x1c];
	s12 =	simm.s32 $0x2B80;
	[tilespmem:$0x32C0] =	vst v0  }
0xe2: {  	[tilespmem:s12], [sflag:$0x3] =	stream.linear.gather [hbm4b:s3+s4], $0x200, $0x38;
	[tilespmem:$0xFC00] =	vst v63  }
0xe3: {  	s16 =	simm.s32 $0x3280;
	s22 =	simm.s32 $0x8400  }
0xe4: {  	[tilespmem:s22], [sflag:$0x8] =	stream.indirect.gather [hbm4b:s17+s13], $0x80, s16, s13, $0xb8;
	[tilespmem:$0xFC00] =	vst v63  }
0xe5: {  	_ =	swait.ge [sflag:s29], $0x200  }
0xe6: {  	[sflag:s29] =	ssyncset.done $0x0  }
0xe7: {  	[sflag:s29] =	ssyncadd.s32 $0xFFFFFE00  }
0xe8: {  	v52 =	vld [tilespmem:s20+$0x2D80]  }
0xe9: {  	v53 =	vld [tilespmem:s20+$0x2E00];
	_ =	sdelay $0x6  }
0xea: {  	v0 =	vld.idx.msk [tilespmem:v52+s4+$0x0], $0xffff  }
0xeb: {  	v1 =	vld.idx.msk [tilespmem:v53+s4+$0x0], $0xffff;
	_ =	sdelay $0x3  }
0xec: {  	v0 =	vshll.u32 v0, $0x7  }
0xed: {  	v0 =	vadd.s32 v0, v1  }
0xee: {  	[tilespmem:$0x3300] =	vst v0  }
0xef: {  	v0 =	vld [tilespmem:s21+$0x2D80]  }
0xf0: {  	v54 =	vld [tilespmem:s30+$0x80];
	_ =	sdelay $0x6  }
0xf1: {  	v0 =	vld.idx.msk [tilespmem:v0+s4+$0x0], $0xffff  }
0xf2: {  	v1 =	vld.idx.msk [tilespmem:v54+s4+$0x0], $0xffff;
	_ =	sdelay $0x3  }
0xf3: {  	v0 =	vshll.u32 v0, $0x7  }
0xf4: {  	v0 =	vadd.s32 v0, v1  }
0xf5: {  	[tilespmem:$0x3310] =	vst v0  }
0xf6: {  	v0 =	vld [tilespmem:s23+$0x2D80]  }
0xf7: {  	v55 =	vld [tilespmem:s31+$0x80];
	_ =	sdelay $0x6  }
0xf8: {  	v0 =	vld.idx.msk [tilespmem:v0+s4+$0x0], $0xffff  }
0xf9: {  	v1 =	vld.idx.msk [tilespmem:v55+s4+$0x0], $0xffff;
	_ =	sdelay $0x3  }
0xfa: {  	v0 =	vshll.u32 v0, $0x7  }
0xfb: {  	v0 =	vadd.s32 v0, v1  }
0xfc: {  	[tilespmem:$0x3320] =	vst v0  }
0xfd: {  	v0 =	vld [tilespmem:s26+$0x2D80]  }
0xfe: {  	v56 =	vld [tilespmem:s11+$0x80];
	_ =	sdelay $0x6  }
0xff: {  	v0 =	vld.idx.msk [tilespmem:v0+s4+$0x0], $0xffff  }
0x100: {  	v1 =	vld.idx.msk [tilespmem:v56+s4+$0x0], $0xffff;
	_ =	sdelay $0x3  }
0x101: {  	v0 =	vshll.u32 v0, $0x7  }
0x102: {  	s31 =	sld [smem:$0x7FD];
	v0 =	vadd.s32 v0, v1  }
0x103: {  	[tilespmem:$0x3330] =	vst v0  }
0x104: {  	v0 =	vld [tilespmem:s28+$0x2D80]  }
0x105: {  	v57 =	vld [tilespmem:s31+$0x80];
	_ =	sdelay $0x6  }
0x106: {  	v0 =	vld.idx.msk [tilespmem:v0+s4+$0x0], $0xffff  }
0x107: {  	v1 =	vld.idx.msk [tilespmem:v57+s4+$0x0], $0xffff;
	_ =	sdelay $0x3  }
0x108: {  	s3 =	sld [smem:$0x7EF];
	v0 =	vshll.u32 v0, $0x7  }
0x109: {  	v0 =	vadd.s32 v0, v1  }
0x10a: {  	s11 =	simm.s32 $0x2D80;
	[tilespmem:$0x3340] =	vst v0  }
0x10b: {  	[tilespmem:s11], [sflag:$0x4] =	stream.linear.gather [hbm4b:s3+s4], $0x200, $0x38;
	[tilespmem:$0xFC00] =	vst v63  }
0x10c: {  	s12 =	simm.s32 $0x3300;
	s16 =	simm.s32 $0xAC00  }
0x10d: {  	[tilespmem:s16], [sflag:$0x9] =	stream.indirect.gather [hbm4b:s17+s13], $0x80, s12, s13, $0xb8;
	[tilespmem:$0xFC00] =	vst v63  }
0x10e: {  	_ =	swait.ge [sflag:s18], $0x200  }
0x10f: {  	[sflag:s18] =	ssyncset.done $0x0  }
0x110: {  	[sflag:s18] =	ssyncadd.s32 $0xFFFFFE00  }
0x111: {  	v58 =	vld [tilespmem:s20+$0x2F80]  }
0x112: {  	v59 =	vld [tilespmem:s20+$0x3000];
	_ =	sdelay $0x6  }
0x113: {  	v0 =	vld.idx.msk [tilespmem:v58+s4+$0x0], $0xffff  }
0x114: {  	v1 =	vld.idx.msk [tilespmem:v59+s4+$0x0], $0xffff;
	_ =	sdelay $0x3  }
0x115: {  	v0 =	vshll.u32 v0, $0x7  }
0x116: {  	s20 =	sld [smem:$0x7F0];
	v0 =	vadd.s32 v0, v1  }
0x117: {  	[tilespmem:$0x3380] =	vst v0  }
0x118: {  	v0 =	vld [tilespmem:s21+$0x2F80]  }
0x119: {  	v60 =	vld [tilespmem:s20+$0x80];
	_ =	sdelay $0x6  }
0x11a: {  	v0 =	vld.idx.msk [tilespmem:v0+s4+$0x0], $0xffff  }
0x11b: {  	v1 =	vld.idx.msk [tilespmem:v60+s4+$0x0], $0xffff;
	_ =	sdelay $0x3  }
0x11c: {  	v0 =	vshll.u32 v0, $0x7  }
0x11d: {  	s21 =	sld [smem:$0x7F1];
	v0 =	vadd.s32 v0, v1  }
0x11e: {  	[tilespmem:$0x3390] =	vst v0  }
0x11f: {  	v0 =	vld [tilespmem:s23+$0x2F80]  }
0x120: {  	v61 =	vld [tilespmem:s21+$0x80];
	_ =	sdelay $0x6  }
0x121: {  	v0 =	vld.idx.msk [tilespmem:v0+s4+$0x0], $0xffff  }
0x122: {  	v1 =	vld.idx.msk [tilespmem:v61+s4+$0x0], $0xffff;
	_ =	sdelay $0x3  }
0x123: {  	v0 =	vshll.u32 v0, $0x7  }
0x124: {  	s22 =	sld [smem:$0x7F2];
	v0 =	vadd.s32 v0, v1  }
0x125: {  	[tilespmem:$0x33A0] =	vst v0  }
0x126: {  	v0 =	vld [tilespmem:s26+$0x2F80]  }
0x127: {  	v62 =	vld [tilespmem:s22+$0x80];
	_ =	sdelay $0x6  }
0x128: {  	v0 =	vld.idx.msk [tilespmem:v0+s4+$0x0], $0xffff  }
0x129: {  	v1 =	vld.idx.msk [tilespmem:v62+s4+$0x0], $0xffff;
	_ =	sdelay $0x3  }
0x12a: {  	v0 =	vshll.u32 v0, $0x7  }
0x12b: {  	s23 =	sld [smem:$0x7F3];
	v0 =	vadd.s32 v0, v1  }
0x12c: {  	[tilespmem:$0x33B0] =	vst v0  }
0x12d: {  	v0 =	vld [tilespmem:s28+$0x2F80]  }
0x12e: {  	v63 =	vld [tilespmem:s23+$0x80];
	_ =	sdelay $0x6  }
0x12f: {  	v0 =	vld.idx.msk [tilespmem:v0+s4+$0x0], $0xffff  }
0x130: {  	v1 =	vld.idx.msk [tilespmem:v63+s4+$0x0], $0xffff  }
0x131: {  	s11 =	sld [smem:$0x7E2]  }
0x132: {  	s12 =	sld [smem:$0x7E1]  }
0x133: {  	s30 =	rddreg [dreg:$0x14]  }
0x134: {  	s20 =	sld [smem:$0x7DF];
	v0 =	vshll.u32 v0, $0x7  }
0x135: {  	s26 =	rddreg [dreg:$0x1d];
	v0 =	vadd.s32 v0, v1  }
0x136: {  	s15 =	simm.s32 $0x2F80;
	s31 =	simm.s32 $0xD400;
	s23 =	rddreg [dreg:$0x13];
	[tilespmem:$0x33C0] =	vst v0  }
0x137: {  	[tilespmem:s15], [sflag:$0x5] =	stream.linear.gather [hbm4b:s26+s4], $0x200, $0x38;
	[tilespmem:$0xFC00] =	vst v63  }
0x138: {  	s28 =	simm.s32 $0x3380;
	s15 =	sld [smem:$0x7E0];
	s26 =	simm.s32 $0x0  }
0x139: {  	[tilespmem:s31], [sflag:$0xA] =	stream.indirect.gather [hbm4b:s17+s13], $0x80, s28, s13, $0xb8;
	[tilespmem:$0xFC00] =	vst v63  }
.LBB2_2:
0x13a: {  	_ =	swait.ge [sflag:s10], $0x2800  }
0x13b: {  	[sflag:s10] =	ssyncset.done $0x0  }
0x13c: {  	s16 =	simm.s32 $0x3400;
	s22 =	simm.s32 $0x1;
	[sflag:s10] =	ssyncadd.s32 $0xFFFFD800  }
0x13d: {  	[hbm4b:s23+s4] =	stream.linear.scatter [tilespmem:s16], [sflag:$0xB], $0x2800, $0x38;
	[tilespmem:$0xFC00] =	vst v63  }
0x13e: {  	_ =	swait.ge [sflag:s22], $0x200  }
0x13f: {  	s3 =	rddreg [dreg:$0x8]  }
0x140: {  	s21 =	sadd.s32 s26, s3  }
0x141: {  	s1 =	smov.u32 s24;
	s3 =	sadd.s32 $0x6400, s30;
	s24 =	sadd.s32 $0x3200, s21  }
0x142: {  	[sflag:s22] =	ssyncset.done $0x0;
	s31 =	sand.u32 $0xFFC00000, s3;
	s28 =	sand.u32 $0x70, s24  }
0x143: {  	[sflag:s22] =	ssyncadd.s32 $0xFFFFFE00;
	s28 =	sor.u32 s28, s31  }
0x144: {  	v0 =	vld [tilespmem:s28+$0x2780]  }
0x145: {  	v1 =	vld [tilespmem:s28+$0x2800];
	_ =	sdelay $0x6  }
0x146: {  	v0 =	vld.idx.msk [tilespmem:v0+s4+$0x0], $0xffff  }
0x147: {  	v1 =	vld.idx.msk [tilespmem:v1+s4+$0x0], $0xffff;
	_ =	sdelay $0x1  }
0x148: {  	s24 =	sand.u32 $0x7FE00070, s24  }
0x149: {  	s28 =	sadd.s32 $0x10, s24  }
0x14a: {  	s22 =	sshll.u32 s28, $0x1;
	v0 =	vshll.u32 v0, $0x7  }
0x14b: {  	s28 =	sand.u32 $0x70, s28;
	s31 =	sand.u32 $0xFFC00100, s22;
	v0 =	vadd.s32 v0, v1  }
0x14c: {  	s28 =	sor.u32 s28, s31;
	[tilespmem:$0x3180] =	vst v0  }
0x14d: {  	v0 =	vld [tilespmem:s28+$0x2780]  }
0x14e: {  	v36 =	vld [tilespmem:s28+$0x2800];
	_ =	sdelay $0x6  }
0x14f: {  	v0 =	vld.idx.msk [tilespmem:v0+s4+$0x0], $0xffff  }
0x150: {  	v1 =	vld.idx.msk [tilespmem:v36+s4+$0x0], $0xffff;
	_ =	sdelay $0x2  }
0x151: {  	s28 =	sadd.s32 $0x20, s24  }
0x152: {  	s22 =	sshll.u32 s28, $0x1;
	v0 =	vshll.u32 v0, $0x7  }
0x153: {  	s28 =	sand.u32 $0x70, s28;
	s31 =	sand.u32 $0xFFC00100, s22;
	v0 =	vadd.s32 v0, v1  }
0x154: {  	s28 =	sor.u32 s28, s31;
	[tilespmem:$0x3190] =	vst v0  }
0x155: {  	v0 =	vld [tilespmem:s28+$0x2780]  }
0x156: {  	v37 =	vld [tilespmem:s28+$0x2800];
	_ =	sdelay $0x6  }
0x157: {  	v0 =	vld.idx.msk [tilespmem:v0+s4+$0x0], $0xffff  }
0x158: {  	v1 =	vld.idx.msk [tilespmem:v37+s4+$0x0], $0xffff;
	_ =	sdelay $0x2  }
0x159: {  	s28 =	sadd.s32 $0x30, s24  }
0x15a: {  	s22 =	sshll.u32 s28, $0x1;
	v0 =	vshll.u32 v0, $0x7  }
0x15b: {  	s28 =	sand.u32 $0x70, s28;
	s31 =	sand.u32 $0xFFC00100, s22;
	v0 =	vadd.s32 v0, v1  }
0x15c: {  	s28 =	sor.u32 s28, s31;
	[tilespmem:$0x31A0] =	vst v0  }
0x15d: {  	v0 =	vld [tilespmem:s28+$0x2780]  }
0x15e: {  	v38 =	vld [tilespmem:s28+$0x2800];
	_ =	sdelay $0x6  }
0x15f: {  	v0 =	vld.idx.msk [tilespmem:v0+s4+$0x0], $0xffff  }
0x160: {  	v1 =	vld.idx.msk [tilespmem:v38+s4+$0x0], $0xffff;
	_ =	sdelay $0x2  }
0x161: {  	s24 =	sadd.s32 $0x40, s24  }
0x162: {  	s22 =	sshll.u32 s24, $0x1;
	v0 =	vshll.u32 v0, $0x7  }
0x163: {  	s24 =	sand.u32 $0x70, s24;
	s28 =	sand.u32 $0xFFC00100, s22;
	v0 =	vadd.s32 v0, v1  }
0x164: {  	s24 =	sor.u32 s24, s28;
	[tilespmem:$0x31B0] =	vst v0  }
0x165: {  	v0 =	vld [tilespmem:s24+$0x2780]  }
0x166: {  	v39 =	vld [tilespmem:s24+$0x2800];
	_ =	sdelay $0x6  }
0x167: {  	v0 =	vld.idx.msk [tilespmem:v0+s4+$0x0], $0xffff  }
0x168: {  	v1 =	vld.idx.msk [tilespmem:v39+s4+$0x0], $0xffff;
	_ =	sdelay $0x3  }
0x169: {  	v0 =	vshll.u32 v0, $0x7  }
0x16a: {  	v0 =	vadd.s32 v0, v1  }
0x16b: {  	s31 =	simm.s32 $0x2780;
	[tilespmem:$0x31C0] =	vst v0  }
0x16c: {  	[tilespmem:s31], [sflag:$0x1] =	stream.linear.gather [hbm4b:s11+s4], $0x200, $0x38;
	[tilespmem:$0xFC00] =	vst v63  }
0x16d: {  	_ =	swait.ge [sflag:s14], $0x2800  }
0x16e: {  	[sflag:s14] =	ssyncset.done $0x0  }
0x16f: {  	s22 =	simm.s32 $0x3180;
	[sflag:s14] =	ssyncadd.s32 $0xFFFFD800  }
0x170: {  	[tilespmem:s16], [sflag:$0x6] =	stream.indirect.gather [hbm4b:s17+s13], $0x80, s22, s13, $0xb8;
	[tilespmem:$0xFC00] =	vst v63  }
0x171: {  	_ =	swait.ge [sflag:s6], $0x2800  }
0x172: {  	s28 =	sadd.s32 $0xA000, s23;
	[sflag:s6] =	ssyncset.done $0x0  }
0x173: {  	s22 =	simm.s32 $0x5C00;
	s16 =	simm.s32 $0x2;
	[sflag:s6] =	ssyncadd.s32 $0xFFFFD800  }
0x174: {  	[hbm4b:s28+s4] =	stream.linear.scatter [tilespmem:s22], [sflag:$0xC], $0x2800, $0x38;
	[tilespmem:$0xFC00] =	vst v63  }
0x175: {  	s31 =	sadd.s32 $0x7800, s30;
	_ =	swait.ge [sflag:s16], $0x200  }
0x176: {  	s28 =	sand.u32 $0xFFC00000, s31;
	s24 =	rddreg [dreg:$0x5];
	[sflag:s16] =	ssyncset.done $0x0  }
0x177: {  	[sflag:s16] =	ssyncadd.s32 $0xFFFFFE00;
	s24 =	sor.u32 s28, s24  }
0x178: {  	v40 =	vld [tilespmem:s24+$0x0]  }
0x179: {  	v41 =	vld [tilespmem:s24+$0x80];
	_ =	sdelay $0x6  }
0x17a: {  	v0 =	vld.idx.msk [tilespmem:v40+s4+$0x0], $0xffff  }
0x17b: {  	v1 =	vld.idx.msk [tilespmem:v41+s4+$0x0], $0xffff  }
0x17c: {  	s31 =	sadd.s32 $0x3C00, s21  }
0x17d: {  	s24 =	sand.u32 $0x7FE00070, s31  }
0x17e: {  	s28 =	sadd.s32 $0x10, s24  }
0x17f: {  	s16 =	sshll.u32 s28, $0x1;
	v0 =	vshll.u32 v0, $0x7  }
0x180: {  	s28 =	sand.u32 $0x70, s28;
	s31 =	sand.u32 $0xFFC00100, s16;
	v0 =	vadd.s32 v0, v1  }
0x181: {  	s28 =	sor.u32 s28, s31;
	[tilespmem:$0x3200] =	vst v0  }
0x182: {  	v0 =	vld [tilespmem:s28+$0x2980]  }
0x183: {  	v42 =	vld [tilespmem:s28+$0x2A00];
	_ =	sdelay $0x6  }
0x184: {  	v0 =	vld.idx.msk [tilespmem:v0+s4+$0x0], $0xffff  }
0x185: {  	v1 =	vld.idx.msk [tilespmem:v42+s4+$0x0], $0xffff;
	_ =	sdelay $0x2  }
0x186: {  	s28 =	sadd.s32 $0x20, s24  }
0x187: {  	s16 =	sshll.u32 s28, $0x1;
	v0 =	vshll.u32 v0, $0x7  }
0x188: {  	s28 =	sand.u32 $0x70, s28;
	s31 =	sand.u32 $0xFFC00100, s16;
	v0 =	vadd.s32 v0, v1  }
0x189: {  	s28 =	sor.u32 s28, s31;
	[tilespmem:$0x3210] =	vst v0  }
0x18a: {  	v0 =	vld [tilespmem:s28+$0x2980]  }
0x18b: {  	v43 =	vld [tilespmem:s28+$0x2A00];
	_ =	sdelay $0x6  }
0x18c: {  	v0 =	vld.idx.msk [tilespmem:v0+s4+$0x0], $0xffff  }
0x18d: {  	v1 =	vld.idx.msk [tilespmem:v43+s4+$0x0], $0xffff;
	_ =	sdelay $0x2  }
0x18e: {  	s28 =	sadd.s32 $0x30, s24  }
0x18f: {  	s16 =	sshll.u32 s28, $0x1;
	v0 =	vshll.u32 v0, $0x7  }
0x190: {  	s28 =	sand.u32 $0x70, s28;
	s31 =	sand.u32 $0xFFC00100, s16;
	v0 =	vadd.s32 v0, v1  }
0x191: {  	s28 =	sor.u32 s28, s31;
	[tilespmem:$0x3220] =	vst v0  }
0x192: {  	v0 =	vld [tilespmem:s28+$0x2980]  }
0x193: {  	v44 =	vld [tilespmem:s28+$0x2A00];
	_ =	sdelay $0x6  }
0x194: {  	v0 =	vld.idx.msk [tilespmem:v0+s4+$0x0], $0xffff  }
0x195: {  	v1 =	vld.idx.msk [tilespmem:v44+s4+$0x0], $0xffff;
	_ =	sdelay $0x2  }
0x196: {  	s24 =	sadd.s32 $0x40, s24  }
0x197: {  	s16 =	sshll.u32 s24, $0x1;
	v0 =	vshll.u32 v0, $0x7  }
0x198: {  	s24 =	sand.u32 $0x70, s24;
	s28 =	sand.u32 $0xFFC00100, s16;
	v0 =	vadd.s32 v0, v1  }
0x199: {  	s24 =	sor.u32 s24, s28;
	[tilespmem:$0x3230] =	vst v0  }
0x19a: {  	v0 =	vld [tilespmem:s24+$0x2980]  }
0x19b: {  	v45 =	vld [tilespmem:s24+$0x2A00];
	_ =	sdelay $0x6  }
0x19c: {  	v0 =	vld.idx.msk [tilespmem:v0+s4+$0x0], $0xffff  }
0x19d: {  	v1 =	vld.idx.msk [tilespmem:v45+s4+$0x0], $0xffff;
	_ =	sdelay $0x3  }
0x19e: {  	v0 =	vshll.u32 v0, $0x7  }
0x19f: {  	v0 =	vadd.s32 v0, v1  }
0x1a0: {  	s24 =	simm.s32 $0x2980;
	[tilespmem:$0x3240] =	vst v0  }
0x1a1: {  	[tilespmem:s24], [sflag:$0x2] =	stream.linear.gather [hbm4b:s12+s4], $0x200, $0x38;
	[tilespmem:$0xFC00] =	vst v63  }
0x1a2: {  	_ =	swait.ge [sflag:s7], $0x2800  }
0x1a3: {  	[sflag:s7] =	ssyncset.done $0x0  }
0x1a4: {  	s28 =	simm.s32 $0x3200;
	[sflag:s7] =	ssyncadd.s32 $0xFFFFD800  }
0x1a5: {  	[tilespmem:s22], [sflag:$0x7] =	stream.indirect.gather [hbm4b:s17+s13], $0x80, s28, s13, $0xb8;
	[tilespmem:$0xFC00] =	vst v63  }
0x1a6: {  	_ =	swait.ge [sflag:s8], $0x2800  }
0x1a7: {  	[sflag:s8] =	ssyncset.done $0x0  }
0x1a8: {  	s31 =	sadd.s32 $0x14000, s23;
	s22 =	simm.s32 $0x8400;
	[sflag:s8] =	ssyncadd.s32 $0xFFFFD800  }
0x1a9: {  	[hbm4b:s31+s4] =	stream.linear.scatter [tilespmem:s22], [sflag:$0xD], $0x2800, $0x38;
	[tilespmem:$0xFC00] =	vst v63  }
0x1aa: {  	s24 =	sadd.s32 $0x4600, s21;
	s28 =	sadd.s32 $0x8C00, s30;
	_ =	swait.ge [sflag:s25], $0x200  }
0x1ab: {  	s16 =	sand.u32 $0x70, s24;
	s28 =	sand.u32 $0xFFC00000, s28;
	[sflag:s25] =	ssyncset.done $0x0  }
0x1ac: {  	s28 =	sor.u32 s16, s28;
	[sflag:s25] =	ssyncadd.s32 $0xFFFFFE00  }
0x1ad: {  	v46 =	vld [tilespmem:s28+$0x2B80]  }
0x1ae: {  	v47 =	vld [tilespmem:s28+$0x2C00];
	_ =	sdelay $0x6  }
0x1af: {  	v0 =	vld.idx.msk [tilespmem:v46+s4+$0x0], $0xffff  }
0x1b0: {  	v1 =	vld.idx.msk [tilespmem:v47+s4+$0x0], $0xffff;
	_ =	sdelay $0x1  }
0x1b1: {  	s24 =	sand.u32 $0x7FE00070, s24  }
0x1b2: {  	s28 =	sadd.s32 $0x10, s24  }
0x1b3: {  	s16 =	sshll.u32 s28, $0x1;
	v0 =	vshll.u32 v0, $0x7  }
0x1b4: {  	s28 =	sand.u32 $0x70, s28;
	s31 =	sand.u32 $0xFFC00100, s16;
	v0 =	vadd.s32 v0, v1  }
0x1b5: {  	s28 =	sor.u32 s28, s31;
	[tilespmem:$0x3280] =	vst v0  }
0x1b6: {  	v0 =	vld [tilespmem:s28+$0x2B80]  }
0x1b7: {  	v48 =	vld [tilespmem:s28+$0x2C00];
	_ =	sdelay $0x6  }
0x1b8: {  	v0 =	vld.idx.msk [tilespmem:v0+s4+$0x0], $0xffff  }
0x1b9: {  	v1 =	vld.idx.msk [tilespmem:v48+s4+$0x0], $0xffff;
	_ =	sdelay $0x2  }
0x1ba: {  	s28 =	sadd.s32 $0x20, s24  }
0x1bb: {  	s16 =	sshll.u32 s28, $0x1;
	v0 =	vshll.u32 v0, $0x7  }
0x1bc: {  	s28 =	sand.u32 $0x70, s28;
	s31 =	sand.u32 $0xFFC00100, s16;
	v0 =	vadd.s32 v0, v1  }
0x1bd: {  	s28 =	sor.u32 s28, s31;
	[tilespmem:$0x3290] =	vst v0  }
0x1be: {  	v0 =	vld [tilespmem:s28+$0x2B80]  }
0x1bf: {  	v49 =	vld [tilespmem:s28+$0x2C00];
	_ =	sdelay $0x6  }
0x1c0: {  	v0 =	vld.idx.msk [tilespmem:v0+s4+$0x0], $0xffff  }
0x1c1: {  	v1 =	vld.idx.msk [tilespmem:v49+s4+$0x0], $0xffff;
	_ =	sdelay $0x2  }
0x1c2: {  	s28 =	sadd.s32 $0x30, s24  }
0x1c3: {  	s16 =	sshll.u32 s28, $0x1;
	v0 =	vshll.u32 v0, $0x7  }
0x1c4: {  	s28 =	sand.u32 $0x70, s28;
	s31 =	sand.u32 $0xFFC00100, s16;
	v0 =	vadd.s32 v0, v1  }
0x1c5: {  	s28 =	sor.u32 s28, s31;
	[tilespmem:$0x32A0] =	vst v0  }
0x1c6: {  	v0 =	vld [tilespmem:s28+$0x2B80]  }
0x1c7: {  	v50 =	vld [tilespmem:s28+$0x2C00];
	_ =	sdelay $0x6  }
0x1c8: {  	v0 =	vld.idx.msk [tilespmem:v0+s4+$0x0], $0xffff  }
0x1c9: {  	v1 =	vld.idx.msk [tilespmem:v50+s4+$0x0], $0xffff;
	_ =	sdelay $0x2  }
0x1ca: {  	s24 =	sadd.s32 $0x40, s24  }
0x1cb: {  	s16 =	sshll.u32 s24, $0x1;
	v0 =	vshll.u32 v0, $0x7  }
0x1cc: {  	s24 =	sand.u32 $0x70, s24;
	s28 =	sand.u32 $0xFFC00100, s16;
	v0 =	vadd.s32 v0, v1  }
0x1cd: {  	s24 =	sor.u32 s24, s28;
	[tilespmem:$0x32B0] =	vst v0  }
0x1ce: {  	v0 =	vld [tilespmem:s24+$0x2B80]  }
0x1cf: {  	v51 =	vld [tilespmem:s24+$0x2C00];
	_ =	sdelay $0x6  }
0x1d0: {  	v0 =	vld.idx.msk [tilespmem:v0+s4+$0x0], $0xffff  }
0x1d1: {  	v1 =	vld.idx.msk [tilespmem:v51+s4+$0x0], $0xffff;
	_ =	sdelay $0x3  }
0x1d2: {  	v0 =	vshll.u32 v0, $0x7  }
0x1d3: {  	v0 =	vadd.s32 v0, v1  }
0x1d4: {  	s31 =	simm.s32 $0x2B80;
	[tilespmem:$0x32C0] =	vst v0  }
0x1d5: {  	[tilespmem:s31], [sflag:$0x3] =	stream.linear.gather [hbm4b:s15+s4], $0x200, $0x38;
	[tilespmem:$0xFC00] =	vst v63  }
0x1d6: {  	_ =	swait.ge [sflag:s9], $0x2800  }
0x1d7: {  	[sflag:s9] =	ssyncset.done $0x0  }
0x1d8: {  	s24 =	simm.s32 $0x3280;
	[sflag:s9] =	ssyncadd.s32 $0xFFFFD800  }
0x1d9: {  	[tilespmem:s22], [sflag:$0x8] =	stream.indirect.gather [hbm4b:s17+s13], $0x80, s24, s13, $0xb8;
	[tilespmem:$0xFC00] =	vst v63  }
0x1da: {  	_ =	swait.ge [sflag:s2], $0x2800  }
0x1db: {  	[sflag:s2] =	ssyncset.done $0x0  }
0x1dc: {  	s28 =	sadd.s32 $0x1E000, s23;
	s22 =	simm.s32 $0xAC00;
	[sflag:s2] =	ssyncadd.s32 $0xFFFFD800  }
0x1dd: {  	[hbm4b:s28+s4] =	stream.linear.scatter [tilespmem:s22], [sflag:$0xE], $0x2800, $0x38;
	[tilespmem:$0xFC00] =	vst v63  }
0x1de: {  	s16 =	sadd.s32 $0xA000, s30;
	_ =	swait.ge [sflag:s29], $0x200  }
0x1df: {  	s28 =	sand.u32 $0xFFC00000, s16;
	s31 =	rddreg [dreg:$0x6];
	[sflag:s29] =	ssyncset.done $0x0  }
0x1e0: {  	[sflag:s29] =	ssyncadd.s32 $0xFFFFFE00;
	s24 =	sor.u32 s28, s31  }
0x1e1: {  	v52 =	vld [tilespmem:s24+$0x0]  }
0x1e2: {  	v53 =	vld [tilespmem:s24+$0x80];
	_ =	sdelay $0x6  }
0x1e3: {  	v0 =	vld.idx.msk [tilespmem:v52+s4+$0x0], $0xffff  }
0x1e4: {  	v1 =	vld.idx.msk [tilespmem:v53+s4+$0x0], $0xffff  }
0x1e5: {  	s31 =	sadd.s32 $0x5000, s21  }
0x1e6: {  	s24 =	sand.u32 $0x7FE00070, s31  }
0x1e7: {  	s28 =	sadd.s32 $0x10, s24  }
0x1e8: {  	s16 =	sshll.u32 s28, $0x1;
	v0 =	vshll.u32 v0, $0x7  }
0x1e9: {  	s28 =	sand.u32 $0x70, s28;
	s31 =	sand.u32 $0xFFC00100, s16;
	v0 =	vadd.s32 v0, v1  }
0x1ea: {  	s28 =	sor.u32 s28, s31;
	[tilespmem:$0x3300] =	vst v0  }
0x1eb: {  	v0 =	vld [tilespmem:s28+$0x2D80]  }
0x1ec: {  	v54 =	vld [tilespmem:s28+$0x2E00];
	_ =	sdelay $0x6  }
0x1ed: {  	v0 =	vld.idx.msk [tilespmem:v0+s4+$0x0], $0xffff  }
0x1ee: {  	v1 =	vld.idx.msk [tilespmem:v54+s4+$0x0], $0xffff;
	_ =	sdelay $0x2  }
0x1ef: {  	s28 =	sadd.s32 $0x20, s24  }
0x1f0: {  	s16 =	sshll.u32 s28, $0x1;
	v0 =	vshll.u32 v0, $0x7  }
0x1f1: {  	s28 =	sand.u32 $0x70, s28;
	s31 =	sand.u32 $0xFFC00100, s16;
	v0 =	vadd.s32 v0, v1  }
0x1f2: {  	s28 =	sor.u32 s28, s31;
	[tilespmem:$0x3310] =	vst v0  }
0x1f3: {  	v0 =	vld [tilespmem:s28+$0x2D80]  }
0x1f4: {  	v55 =	vld [tilespmem:s28+$0x2E00];
	_ =	sdelay $0x6  }
0x1f5: {  	v0 =	vld.idx.msk [tilespmem:v0+s4+$0x0], $0xffff  }
0x1f6: {  	v1 =	vld.idx.msk [tilespmem:v55+s4+$0x0], $0xffff;
	_ =	sdelay $0x2  }
0x1f7: {  	s28 =	sadd.s32 $0x30, s24  }
0x1f8: {  	s16 =	sshll.u32 s28, $0x1;
	v0 =	vshll.u32 v0, $0x7  }
0x1f9: {  	s28 =	sand.u32 $0x70, s28;
	s31 =	sand.u32 $0xFFC00100, s16;
	v0 =	vadd.s32 v0, v1  }
0x1fa: {  	s28 =	sor.u32 s28, s31;
	[tilespmem:$0x3320] =	vst v0  }
0x1fb: {  	v0 =	vld [tilespmem:s28+$0x2D80]  }
0x1fc: {  	v56 =	vld [tilespmem:s28+$0x2E00];
	_ =	sdelay $0x6  }
0x1fd: {  	v0 =	vld.idx.msk [tilespmem:v0+s4+$0x0], $0xffff  }
0x1fe: {  	v1 =	vld.idx.msk [tilespmem:v56+s4+$0x0], $0xffff;
	_ =	sdelay $0x2  }
0x1ff: {  	s24 =	sadd.s32 $0x40, s24  }
0x200: {  	s16 =	sshll.u32 s24, $0x1;
	v0 =	vshll.u32 v0, $0x7  }
0x201: {  	s24 =	sand.u32 $0x70, s24;
	s28 =	sand.u32 $0xFFC00100, s16;
	v0 =	vadd.s32 v0, v1  }
0x202: {  	s24 =	sor.u32 s24, s28;
	[tilespmem:$0x3330] =	vst v0  }
0x203: {  	v0 =	vld [tilespmem:s24+$0x2D80]  }
0x204: {  	v57 =	vld [tilespmem:s24+$0x2E00];
	_ =	sdelay $0x6  }
0x205: {  	v0 =	vld.idx.msk [tilespmem:v0+s4+$0x0], $0xffff  }
0x206: {  	v1 =	vld.idx.msk [tilespmem:v57+s4+$0x0], $0xffff;
	_ =	sdelay $0x3  }
0x207: {  	v0 =	vshll.u32 v0, $0x7  }
0x208: {  	v0 =	vadd.s32 v0, v1  }
0x209: {  	s31 =	simm.s32 $0x2D80;
	[tilespmem:$0x3340] =	vst v0  }
0x20a: {  	[tilespmem:s31], [sflag:$0x4] =	stream.linear.gather [hbm4b:s20+s4], $0x200, $0x38;
	[tilespmem:$0xFC00] =	vst v63  }
0x20b: {  	_ =	swait.ge [sflag:s5], $0x2800  }
0x20c: {  	[sflag:s5] =	ssyncset.done $0x0  }
0x20d: {  	s24 =	simm.s32 $0x3300;
	[sflag:s5] =	ssyncadd.s32 $0xFFFFD800  }
0x20e: {  	[tilespmem:s22], [sflag:$0x9] =	stream.indirect.gather [hbm4b:s17+s13], $0x80, s24, s13, $0xb8;
	[tilespmem:$0xFC00] =	vst v63  }
0x20f: {  	_ =	swait.ge [sflag:s19], $0x2800  }
0x210: {  	[sflag:s19] =	ssyncset.done $0x0  }
0x211: {  	s16 =	simm.s32 $0xD400;
	s28 =	sadd.s32 $0x28000, s23;
	[sflag:s19] =	ssyncadd.s32 $0xFFFFD800  }
0x212: {  	[hbm4b:s28+s4] =	stream.linear.scatter [tilespmem:s16], [sflag:$0xF], $0x2800, $0x38;
	[tilespmem:$0xFC00] =	vst v63  }
0x213: {  	s21 =	sadd.s32 $0x5A00, s21;
	s31 =	sadd.s32 $0xB400, s30;
	_ =	swait.ge [sflag:s18], $0x200  }
0x214: {  	s22 =	sand.u32 $0x70, s21;
	s24 =	sand.u32 $0xFFC00000, s31;
	[sflag:s18] =	ssyncset.done $0x0  }
0x215: {  	s24 =	sor.u32 s22, s24;
	[sflag:s18] =	ssyncadd.s32 $0xFFFFFE00  }
0x216: {  	v58 =	vld [tilespmem:s24+$0x2F80]  }
0x217: {  	v59 =	vld [tilespmem:s24+$0x3000];
	_ =	sdelay $0x6  }
0x218: {  	v0 =	vld.idx.msk [tilespmem:v58+s4+$0x0], $0xffff  }
0x219: {  	v1 =	vld.idx.msk [tilespmem:v59+s4+$0x0], $0xffff;
	_ =	sdelay $0x1  }
0x21a: {  	s21 =	sand.u32 $0x7FE00070, s21  }
0x21b: {  	s31 =	sadd.s32 $0x10, s21  }
0x21c: {  	s22 =	sshll.u32 s31, $0x1;
	v0 =	vshll.u32 v0, $0x7  }
0x21d: {  	s28 =	sand.u32 $0xFFC00100, s22;
	s24 =	sand.u32 $0x70, s31;
	v0 =	vadd.s32 v0, v1  }
0x21e: {  	s24 =	sor.u32 s24, s28;
	[tilespmem:$0x3380] =	vst v0  }
0x21f: {  	v0 =	vld [tilespmem:s24+$0x2F80]  }
0x220: {  	v60 =	vld [tilespmem:s24+$0x3000];
	_ =	sdelay $0x6  }
0x221: {  	v0 =	vld.idx.msk [tilespmem:v0+s4+$0x0], $0xffff  }
0x222: {  	v1 =	vld.idx.msk [tilespmem:v60+s4+$0x0], $0xffff;
	_ =	sdelay $0x2  }
0x223: {  	s31 =	sadd.s32 $0x20, s21  }
0x224: {  	s22 =	sshll.u32 s31, $0x1;
	v0 =	vshll.u32 v0, $0x7  }
0x225: {  	s28 =	sand.u32 $0xFFC00100, s22;
	s24 =	sand.u32 $0x70, s31;
	v0 =	vadd.s32 v0, v1  }
0x226: {  	s24 =	sor.u32 s24, s28;
	[tilespmem:$0x3390] =	vst v0  }
0x227: {  	v0 =	vld [tilespmem:s24+$0x2F80]  }
0x228: {  	v61 =	vld [tilespmem:s24+$0x3000];
	_ =	sdelay $0x6  }
0x229: {  	v0 =	vld.idx.msk [tilespmem:v0+s4+$0x0], $0xffff  }
0x22a: {  	v1 =	vld.idx.msk [tilespmem:v61+s4+$0x0], $0xffff;
	_ =	sdelay $0x2  }
0x22b: {  	s31 =	sadd.s32 $0x30, s21  }
0x22c: {  	s22 =	sshll.u32 s31, $0x1;
	v0 =	vshll.u32 v0, $0x7  }
0x22d: {  	s28 =	sand.u32 $0xFFC00100, s22;
	s24 =	sand.u32 $0x70, s31;
	v0 =	vadd.s32 v0, v1  }
0x22e: {  	s24 =	sor.u32 s24, s28;
	[tilespmem:$0x33A0] =	vst v0  }
0x22f: {  	v0 =	vld [tilespmem:s24+$0x2F80]  }
0x230: {  	v62 =	vld [tilespmem:s24+$0x3000];
	_ =	sdelay $0x6  }
0x231: {  	v0 =	vld.idx.msk [tilespmem:v0+s4+$0x0], $0xffff  }
0x232: {  	v1 =	vld.idx.msk [tilespmem:v62+s4+$0x0], $0xffff;
	_ =	sdelay $0x2  }
0x233: {  	s21 =	sadd.s32 $0x40, s21  }
0x234: {  	s31 =	sshll.u32 s21, $0x1;
	v0 =	vshll.u32 v0, $0x7  }
0x235: {  	s21 =	sand.u32 $0x70, s21;
	s24 =	sand.u32 $0xFFC00100, s31;
	v0 =	vadd.s32 v0, v1  }
0x236: {  	s21 =	sor.u32 s21, s24;
	[tilespmem:$0x33B0] =	vst v0  }
0x237: {  	v0 =	vld [tilespmem:s21+$0x2F80]  }
0x238: {  	v63 =	vld [tilespmem:s21+$0x3000];
	_ =	sdelay $0x6  }
0x239: {  	v0 =	vld.idx.msk [tilespmem:v0+s4+$0x0], $0xffff  }
0x23a: {  	v1 =	vld.idx.msk [tilespmem:v63+s4+$0x0], $0xffff;
	_ =	sdelay $0x1  }
0x23b: {  	s22 =	rddreg [dreg:$0x7]  }
0x23c: {  	s21 =	sadd.s32 s26, s22  }
0x23d: {  	s21 =	smin.u32 s21, $0x4E100;
	v0 =	vshll.u32 v0, $0x7  }
0x23e: {  	p0 =	sne.s32 s26, $0x44C00;
	s21 =	sshrl.u32 s21, $0x2;
	v0 =	vadd.s32 v0, v1  }
0x23f: {  	s11 =	sadd.s32 $0xC80, s11;
	s28 =	simm.s32 $0x2F80;
	s21 =	sadd.s32 s1, s21;
	[tilespmem:$0x33C0] =	vst v0  }
0x240: {  	[tilespmem:s28], [sflag:$0x5] =	stream.linear.gather [hbm4b:s21+s4], $0x200, $0x38;
	[tilespmem:$0xFC00] =	vst v63  }
.Ltmp0:
0x241: {  	s12 =	sadd.s32 $0xC80, s12;
	s15 =	sadd.s32 $0xC80, s15;
	(pc) =	sbr.rel @p0 .LBB2_2-.Ltmp0, $4  }
0x242: {  	s23 =	sadd.s32 $0x32000, s23;
	s20 =	sadd.s32 $0xC80, s20;
	_ =	swait.ge [sflag:s0], $0x2800  }
0x243: {  	s30 =	smov.u32 s3;
	s31 =	simm.s32 $0x3380;
	[sflag:s0] =	ssyncset.done $0x0  }
0x244: {  	s24 =	smov.u32 s1;
	s26 =	sadd.s32 $0x3200, s26;
	[sflag:s0] =	ssyncadd.s32 $0xFFFFD800  }
0x245: {  	[tilespmem:s16], [sflag:$0xA] =	stream.indirect.gather [hbm4b:s17+s13], $0x80, s31, s13, $0xb8;
	[tilespmem:$0xFC00] =	vst v63  }
0x246: {  	_ =	swait.ge [sflag:s10], $0x2800  }
0x247: {  	s22 =	simm.s32 $0x3400;
	[sflag:s10] =	ssyncset.done $0x0  }
0x248: {  	s21 =	simm.s32 $0x1;
	s1 =	rddreg [dreg:$0x1e];
	[sflag:s10] =	ssyncadd.s32 $0xFFFFD800  }
0x249: {  	[hbm4b:s1+s4] =	stream.linear.scatter [tilespmem:s22], [sflag:$0xB], $0x2800, $0x38;
	[tilespmem:$0xFC00] =	vst v63  }
0x24a: {  	_ =	swait.ge [sflag:s21], $0x200  }
0x24b: {  	[sflag:s21] =	ssyncset.done $0x0  }
0x24c: {  	s20 =	rddreg [dreg:$0x9];
	[sflag:s21] =	ssyncadd.s32 $0xFFFFFE00  }
0x24d: {  	v0 =	vld [tilespmem:s20+$0x2780]  }
0x24e: {  	v1 =	vld [tilespmem:s20+$0x2800];
	_ =	sdelay $0x6  }
0x24f: {  	v0 =	vld.idx.msk [tilespmem:v0+s4+$0x0], $0xffff  }
0x250: {  	v1 =	vld.idx.msk [tilespmem:v1+s4+$0x0], $0xffff;
	_ =	sdelay $0x3  }
0x251: {  	v0 =	vshll.u32 v0, $0x7  }
0x252: {  	s23 =	sld [smem:$0x7E3];
	v0 =	vadd.s32 v0, v1  }
0x253: {  	s21 =	rddreg [dreg:$0xa];
	[tilespmem:$0x3180] =	vst v0  }
0x254: {  	v0 =	vld [tilespmem:s21+$0x2780]  }
0x255: {  	v36 =	vld [tilespmem:s23+$0x80];
	_ =	sdelay $0x6  }
0x256: {  	v0 =	vld.idx.msk [tilespmem:v0+s4+$0x0], $0xffff  }
0x257: {  	v1 =	vld.idx.msk [tilespmem:v36+s4+$0x0], $0xffff;
	_ =	sdelay $0x3  }
0x258: {  	v0 =	vshll.u32 v0, $0x7  }
0x259: {  	s26 =	sld [smem:$0x7E4];
	v0 =	vadd.s32 v0, v1  }
0x25a: {  	s23 =	rddreg [dreg:$0xb];
	[tilespmem:$0x3190] =	vst v0  }
0x25b: {  	v0 =	vld [tilespmem:s23+$0x2780]  }
0x25c: {  	v37 =	vld [tilespmem:s26+$0x80];
	_ =	sdelay $0x6  }
0x25d: {  	v0 =	vld.idx.msk [tilespmem:v0+s4+$0x0], $0xffff  }
0x25e: {  	v1 =	vld.idx.msk [tilespmem:v37+s4+$0x0], $0xffff;
	_ =	sdelay $0x3  }
0x25f: {  	v0 =	vshll.u32 v0, $0x7  }
0x260: {  	s3 =	sld [smem:$0x7E5];
	v0 =	vadd.s32 v0, v1  }
0x261: {  	s26 =	rddreg [dreg:$0xc];
	[tilespmem:$0x31A0] =	vst v0  }
0x262: {  	v0 =	vld [tilespmem:s26+$0x2780]  }
0x263: {  	v38 =	vld [tilespmem:s3+$0x80];
	_ =	sdelay $0x6  }
0x264: {  	v0 =	vld.idx.msk [tilespmem:v0+s4+$0x0], $0xffff  }
0x265: {  	v1 =	vld.idx.msk [tilespmem:v38+s4+$0x0], $0xffff;
	_ =	sdelay $0x3  }
0x266: {  	v0 =	vshll.u32 v0, $0x7  }
0x267: {  	s11 =	sld [smem:$0x7E6];
	v0 =	vadd.s32 v0, v1  }
0x268: {  	s28 =	rddreg [dreg:$0xd];
	[tilespmem:$0x31B0] =	vst v0  }
0x269: {  	v0 =	vld [tilespmem:s28+$0x2780]  }
0x26a: {  	v39 =	vld [tilespmem:s11+$0x80];
	_ =	sdelay $0x6  }
0x26b: {  	v0 =	vld.idx.msk [tilespmem:v0+s4+$0x0], $0xffff  }
0x26c: {  	v1 =	vld.idx.msk [tilespmem:v39+s4+$0x0], $0xffff;
	_ =	sdelay $0x3  }
0x26d: {  	v0 =	vshll.u32 v0, $0x7  }
0x26e: {  	v0 =	vadd.s32 v0, v1  }
0x26f: {  	[tilespmem:$0x31C0] =	vst v0  }
0x270: {  	_ =	swait.ge [sflag:s14], $0x2800  }
0x271: {  	[sflag:s14] =	ssyncset.done $0x0  }
0x272: {  	s12 =	simm.s32 $0x3180;
	[sflag:s14] =	ssyncadd.s32 $0xFFFFD800  }
0x273: {  	[tilespmem:s22], [sflag:$0x6] =	stream.indirect.gather [hbm4b:s17+s13], $0x80, s12, s13, $0xb8;
	[tilespmem:$0xFC00] =	vst v63  }
0x274: {  	_ =	swait.ge [sflag:s6], $0x2800  }
0x275: {  	s16 =	simm.s32 $0x5C00;
	[sflag:s6] =	ssyncset.done $0x0  }
0x276: {  	s3 =	simm.s32 $0x2;
	s15 =	rddreg [dreg:$0x1f];
	[sflag:s6] =	ssyncadd.s32 $0xFFFFD800  }
0x277: {  	[hbm4b:s15+s4] =	stream.linear.scatter [tilespmem:s16], [sflag:$0xC], $0x2800, $0x38;
	[tilespmem:$0xFC00] =	vst v63  }
0x278: {  	_ =	swait.ge [sflag:s3], $0x200  }
0x279: {  	[sflag:s3] =	ssyncset.done $0x0  }
0x27a: {  	[sflag:s3] =	ssyncadd.s32 $0xFFFFFE00  }
0x27b: {  	v40 =	vld [tilespmem:s20+$0x2980]  }
0x27c: {  	v41 =	vld [tilespmem:s20+$0x2A00];
	_ =	sdelay $0x6  }
0x27d: {  	v0 =	vld.idx.msk [tilespmem:v40+s4+$0x0], $0xffff  }
0x27e: {  	v1 =	vld.idx.msk [tilespmem:v41+s4+$0x0], $0xffff;
	_ =	sdelay $0x3  }
0x27f: {  	v0 =	vshll.u32 v0, $0x7  }
0x280: {  	s11 =	sld [smem:$0x7E7];
	v0 =	vadd.s32 v0, v1  }
0x281: {  	[tilespmem:$0x3200] =	vst v0  }
0x282: {  	v0 =	vld [tilespmem:s21+$0x2980]  }
0x283: {  	v42 =	vld [tilespmem:s11+$0x80];
	_ =	sdelay $0x6  }
0x284: {  	v0 =	vld.idx.msk [tilespmem:v0+s4+$0x0], $0xffff  }
0x285: {  	v1 =	vld.idx.msk [tilespmem:v42+s4+$0x0], $0xffff;
	_ =	sdelay $0x3  }
0x286: {  	v0 =	vshll.u32 v0, $0x7  }
0x287: {  	s12 =	sld [smem:$0x7E8];
	v0 =	vadd.s32 v0, v1  }
0x288: {  	[tilespmem:$0x3210] =	vst v0  }
0x289: {  	v0 =	vld [tilespmem:s23+$0x2980]  }
0x28a: {  	v43 =	vld [tilespmem:s12+$0x80];
	_ =	sdelay $0x6  }
0x28b: {  	v0 =	vld.idx.msk [tilespmem:v0+s4+$0x0], $0xffff  }
0x28c: {  	v1 =	vld.idx.msk [tilespmem:v43+s4+$0x0], $0xffff;
	_ =	sdelay $0x3  }
0x28d: {  	v0 =	vshll.u32 v0, $0x7  }
0x28e: {  	s15 =	sld [smem:$0x7E9];
	v0 =	vadd.s32 v0, v1  }
0x28f: {  	[tilespmem:$0x3220] =	vst v0  }
0x290: {  	v0 =	vld [tilespmem:s26+$0x2980]  }
0x291: {  	v44 =	vld [tilespmem:s15+$0x80];
	_ =	sdelay $0x6  }
0x292: {  	v0 =	vld.idx.msk [tilespmem:v0+s4+$0x0], $0xffff  }
0x293: {  	v1 =	vld.idx.msk [tilespmem:v44+s4+$0x0], $0xffff;
	_ =	sdelay $0x3  }
0x294: {  	v0 =	vshll.u32 v0, $0x7  }
0x295: {  	s3 =	sld [smem:$0x7EA];
	v0 =	vadd.s32 v0, v1  }
0x296: {  	[tilespmem:$0x3230] =	vst v0  }
0x297: {  	v0 =	vld [tilespmem:s28+$0x2980]  }
0x298: {  	v45 =	vld [tilespmem:s3+$0x80];
	_ =	sdelay $0x6  }
0x299: {  	v0 =	vld.idx.msk [tilespmem:v0+s4+$0x0], $0xffff  }
0x29a: {  	v1 =	vld.idx.msk [tilespmem:v45+s4+$0x0], $0xffff;
	_ =	sdelay $0x3  }
0x29b: {  	v0 =	vshll.u32 v0, $0x7  }
0x29c: {  	v0 =	vadd.s32 v0, v1  }
0x29d: {  	[tilespmem:$0x3240] =	vst v0  }
0x29e: {  	_ =	swait.ge [sflag:s7], $0x2800  }
0x29f: {  	[sflag:s7] =	ssyncset.done $0x0  }
0x2a0: {  	s11 =	simm.s32 $0x3200;
	[sflag:s7] =	ssyncadd.s32 $0xFFFFD800  }
0x2a1: {  	[tilespmem:s16], [sflag:$0x7] =	stream.indirect.gather [hbm4b:s17+s13], $0x80, s11, s13, $0xb8;
	[tilespmem:$0xFC00] =	vst v63  }
0x2a2: {  	_ =	swait.ge [sflag:s8], $0x2800  }
0x2a3: {  	s12 =	sld [smem:$0x7D7]  }
0x2a4: {  	[sflag:s8] =	ssyncset.done $0x0  }
0x2a5: {  	s3 =	simm.s32 $0x8400;
	[sflag:s8] =	ssyncadd.s32 $0xFFFFD800  }
0x2a6: {  	[hbm4b:s12+s4] =	stream.linear.scatter [tilespmem:s3], [sflag:$0xD], $0x2800, $0x38;
	[tilespmem:$0xFC00] =	vst v63  }
0x2a7: {  	_ =	swait.ge [sflag:s25], $0x200  }
0x2a8: {  	[sflag:s25] =	ssyncset.done $0x0  }
0x2a9: {  	[sflag:s25] =	ssyncadd.s32 $0xFFFFFE00  }
0x2aa: {  	v46 =	vld [tilespmem:s20+$0x2B80]  }
0x2ab: {  	v47 =	vld [tilespmem:s20+$0x2C00];
	_ =	sdelay $0x6  }
0x2ac: {  	v0 =	vld.idx.msk [tilespmem:v46+s4+$0x0], $0xffff  }
0x2ad: {  	v1 =	vld.idx.msk [tilespmem:v47+s4+$0x0], $0xffff;
	_ =	sdelay $0x3  }
0x2ae: {  	v0 =	vshll.u32 v0, $0x7  }
0x2af: {  	s15 =	sld [smem:$0x7EB];
	v0 =	vadd.s32 v0, v1  }
0x2b0: {  	[tilespmem:$0x3280] =	vst v0  }
0x2b1: {  	v0 =	vld [tilespmem:s21+$0x2B80]  }
0x2b2: {  	v48 =	vld [tilespmem:s15+$0x80];
	_ =	sdelay $0x6  }
0x2b3: {  	v0 =	vld.idx.msk [tilespmem:v0+s4+$0x0], $0xffff  }
0x2b4: {  	v1 =	vld.idx.msk [tilespmem:v48+s4+$0x0], $0xffff;
	_ =	sdelay $0x3  }
0x2b5: {  	v0 =	vshll.u32 v0, $0x7  }
0x2b6: {  	s11 =	sld [smem:$0x7EC];
	v0 =	vadd.s32 v0, v1  }
0x2b7: {  	[tilespmem:$0x3290] =	vst v0  }
0x2b8: {  	v0 =	vld [tilespmem:s23+$0x2B80]  }
0x2b9: {  	v49 =	vld [tilespmem:s11+$0x80];
	_ =	sdelay $0x6  }
0x2ba: {  	v0 =	vld.idx.msk [tilespmem:v0+s4+$0x0], $0xffff  }
0x2bb: {  	v1 =	vld.idx.msk [tilespmem:v49+s4+$0x0], $0xffff;
	_ =	sdelay $0x3  }
0x2bc: {  	v0 =	vshll.u32 v0, $0x7  }
0x2bd: {  	s12 =	sld [smem:$0x7ED];
	v0 =	vadd.s32 v0, v1  }
0x2be: {  	[tilespmem:$0x32A0] =	vst v0  }
0x2bf: {  	v0 =	vld [tilespmem:s26+$0x2B80]  }
0x2c0: {  	v50 =	vld [tilespmem:s12+$0x80];
	_ =	sdelay $0x6  }
0x2c1: {  	v0 =	vld.idx.msk [tilespmem:v0+s4+$0x0], $0xffff  }
0x2c2: {  	v1 =	vld.idx.msk [tilespmem:v50+s4+$0x0], $0xffff;
	_ =	sdelay $0x3  }
0x2c3: {  	v0 =	vshll.u32 v0, $0x7  }
0x2c4: {  	s15 =	sld [smem:$0x7EE];
	v0 =	vadd.s32 v0, v1  }
0x2c5: {  	[tilespmem:$0x32B0] =	vst v0  }
0x2c6: {  	v0 =	vld [tilespmem:s28+$0x2B80]  }
0x2c7: {  	v51 =	vld [tilespmem:s15+$0x80];
	_ =	sdelay $0x6  }
0x2c8: {  	v0 =	vld.idx.msk [tilespmem:v0+s4+$0x0], $0xffff  }
0x2c9: {  	v1 =	vld.idx.msk [tilespmem:v51+s4+$0x0], $0xffff;
	_ =	sdelay $0x3  }
0x2ca: {  	v0 =	vshll.u32 v0, $0x7  }
0x2cb: {  	v0 =	vadd.s32 v0, v1  }
0x2cc: {  	[tilespmem:$0x32C0] =	vst v0  }
0x2cd: {  	_ =	swait.ge [sflag:s9], $0x2800  }
0x2ce: {  	[sflag:s9] =	ssyncset.done $0x0  }
0x2cf: {  	s3 =	simm.s32 $0x8400;
	s11 =	simm.s32 $0x3280;
	[sflag:s9] =	ssyncadd.s32 $0xFFFFD800  }
0x2d0: {  	[tilespmem:s3], [sflag:$0x8] =	stream.indirect.gather [hbm4b:s17+s13], $0x80, s11, s13, $0xb8;
	[tilespmem:$0xFC00] =	vst v63  }
0x2d1: {  	_ =	swait.ge [sflag:s2], $0x2800  }
0x2d2: {  	s12 =	sld [smem:$0x7D8]  }
0x2d3: {  	[sflag:s2] =	ssyncset.done $0x0  }
0x2d4: {  	s15 =	simm.s32 $0xAC00;
	[sflag:s2] =	ssyncadd.s32 $0xFFFFD800  }
0x2d5: {  	[hbm4b:s12+s4] =	stream.linear.scatter [tilespmem:s15], [sflag:$0xE], $0x2800, $0x38;
	[tilespmem:$0xFC00] =	vst v63  }
0x2d6: {  	_ =	swait.ge [sflag:s29], $0x200  }
0x2d7: {  	[sflag:s29] =	ssyncset.done $0x0  }
0x2d8: {  	[sflag:s29] =	ssyncadd.s32 $0xFFFFFE00  }
0x2d9: {  	v52 =	vld [tilespmem:s20+$0x2D80]  }
0x2da: {  	v53 =	vld [tilespmem:s20+$0x2E00];
	_ =	sdelay $0x6  }
0x2db: {  	v0 =	vld.idx.msk [tilespmem:v52+s4+$0x0], $0xffff  }
0x2dc: {  	v1 =	vld.idx.msk [tilespmem:v53+s4+$0x0], $0xffff;
	_ =	sdelay $0x3  }
0x2dd: {  	v0 =	vshll.u32 v0, $0x7  }
0x2de: {  	s15 =	sld [smem:$0x7FA];
	v0 =	vadd.s32 v0, v1  }
0x2df: {  	[tilespmem:$0x3300] =	vst v0  }
0x2e0: {  	v0 =	vld [tilespmem:s21+$0x2D80]  }
0x2e1: {  	v54 =	vld [tilespmem:s15+$0x80];
	_ =	sdelay $0x6  }
0x2e2: {  	v0 =	vld.idx.msk [tilespmem:v0+s4+$0x0], $0xffff  }
0x2e3: {  	v1 =	vld.idx.msk [tilespmem:v54+s4+$0x0], $0xffff;
	_ =	sdelay $0x3  }
0x2e4: {  	v0 =	vshll.u32 v0, $0x7  }
0x2e5: {  	s30 =	sld [smem:$0x7FB];
	v0 =	vadd.s32 v0, v1  }
0x2e6: {  	[tilespmem:$0x3310] =	vst v0  }
0x2e7: {  	v0 =	vld [tilespmem:s23+$0x2D80]  }
0x2e8: {  	v55 =	vld [tilespmem:s30+$0x80];
	_ =	sdelay $0x6  }
0x2e9: {  	v0 =	vld.idx.msk [tilespmem:v0+s4+$0x0], $0xffff  }
0x2ea: {  	v1 =	vld.idx.msk [tilespmem:v55+s4+$0x0], $0xffff;
	_ =	sdelay $0x3  }
0x2eb: {  	v0 =	vshll.u32 v0, $0x7  }
0x2ec: {  	s31 =	sld [smem:$0x7FC];
	v0 =	vadd.s32 v0, v1  }
0x2ed: {  	[tilespmem:$0x3320] =	vst v0  }
0x2ee: {  	v0 =	vld [tilespmem:s26+$0x2D80]  }
0x2ef: {  	v56 =	vld [tilespmem:s31+$0x80];
	_ =	sdelay $0x6  }
0x2f0: {  	v0 =	vld.idx.msk [tilespmem:v0+s4+$0x0], $0xffff  }
0x2f1: {  	v1 =	vld.idx.msk [tilespmem:v56+s4+$0x0], $0xffff;
	_ =	sdelay $0x3  }
0x2f2: {  	v0 =	vshll.u32 v0, $0x7  }
0x2f3: {  	s11 =	sld [smem:$0x7FD];
	v0 =	vadd.s32 v0, v1  }
0x2f4: {  	[tilespmem:$0x3330] =	vst v0  }
0x2f5: {  	v0 =	vld [tilespmem:s28+$0x2D80]  }
0x2f6: {  	v57 =	vld [tilespmem:s11+$0x80];
	_ =	sdelay $0x6  }
0x2f7: {  	v0 =	vld.idx.msk [tilespmem:v0+s4+$0x0], $0xffff  }
0x2f8: {  	v1 =	vld.idx.msk [tilespmem:v57+s4+$0x0], $0xffff;
	_ =	sdelay $0x3  }
0x2f9: {  	v0 =	vshll.u32 v0, $0x7  }
0x2fa: {  	v0 =	vadd.s32 v0, v1  }
0x2fb: {  	[tilespmem:$0x3340] =	vst v0  }
0x2fc: {  	_ =	swait.ge [sflag:s5], $0x2800  }
0x2fd: {  	[sflag:s5] =	ssyncset.done $0x0  }
0x2fe: {  	s1 =	simm.s32 $0xAC00;
	s12 =	simm.s32 $0x3300;
	[sflag:s5] =	ssyncadd.s32 $0xFFFFD800  }
0x2ff: {  	[tilespmem:s1], [sflag:$0x9] =	stream.indirect.gather [hbm4b:s17+s13], $0x80, s12, s13, $0xb8;
	[tilespmem:$0xFC00] =	vst v63  }
0x300: {  	_ =	swait.ge [sflag:s19], $0x2800  }
0x301: {  	s11 =	sld [smem:$0x7D9]  }
0x302: {  	[sflag:s19] =	ssyncset.done $0x0  }
0x303: {  	s3 =	simm.s32 $0xD400;
	[sflag:s19] =	ssyncadd.s32 $0xFFFFD800  }
0x304: {  	[hbm4b:s11+s4] =	stream.linear.scatter [tilespmem:s3], [sflag:$0xF], $0x2800, $0x38;
	[tilespmem:$0xFC00] =	vst v63  }
0x305: {  	_ =	swait.ge [sflag:s18], $0x200  }
0x306: {  	s12 =	sld [smem:$0x7F4]  }
0x307: {  	[sflag:s18] =	ssyncset.done $0x0;
	s11 =	sld [smem:$0x7F5]  }
0x308: {  	[sflag:s18] =	ssyncadd.s32 $0xFFFFFE00  }
0x309: {  	v58 =	vld [tilespmem:s12+$0x2F80]  }
0x30a: {  	v59 =	vld [tilespmem:s11+$0x80];
	_ =	sdelay $0x6  }
0x30b: {  	v0 =	vld.idx.msk [tilespmem:v58+s4+$0x0], $0xffff  }
0x30c: {  	v1 =	vld.idx.msk [tilespmem:v59+s4+$0x0], $0xffff;
	_ =	sdelay $0x3  }
0x30d: {  	v0 =	vshll.u32 v0, $0x7  }
0x30e: {  	s11 =	sld [smem:$0x7F6];
	v0 =	vadd.s32 v0, v1  }
0x30f: {  	s12 =	rddreg [dreg:$0xe];
	[tilespmem:$0x3380] =	vst v0  }
0x310: {  	v0 =	vld [tilespmem:s12+$0x2F80]  }
0x311: {  	v60 =	vld [tilespmem:s11+$0x80];
	_ =	sdelay $0x6  }
0x312: {  	v0 =	vld.idx.msk [tilespmem:v0+s4+$0x0], $0xffff  }
0x313: {  	v1 =	vld.idx.msk [tilespmem:v60+s4+$0x0], $0xffff;
	_ =	sdelay $0x3  }
0x314: {  	v0 =	vshll.u32 v0, $0x7  }
0x315: {  	s11 =	sld [smem:$0x7F7];
	v0 =	vadd.s32 v0, v1  }
0x316: {  	s12 =	rddreg [dreg:$0xf];
	[tilespmem:$0x3390] =	vst v0  }
0x317: {  	v0 =	vld [tilespmem:s12+$0x2F80]  }
0x318: {  	v61 =	vld [tilespmem:s11+$0x80];
	_ =	sdelay $0x6  }
0x319: {  	v0 =	vld.idx.msk [tilespmem:v0+s4+$0x0], $0xffff  }
0x31a: {  	v1 =	vld.idx.msk [tilespmem:v61+s4+$0x0], $0xffff;
	_ =	sdelay $0x3  }
0x31b: {  	v0 =	vshll.u32 v0, $0x7  }
0x31c: {  	s11 =	sld [smem:$0x7F8];
	v0 =	vadd.s32 v0, v1  }
0x31d: {  	s12 =	rddreg [dreg:$0x10];
	[tilespmem:$0x33A0] =	vst v0  }
0x31e: {  	v0 =	vld [tilespmem:s12+$0x2F80]  }
0x31f: {  	v62 =	vld [tilespmem:s11+$0x80];
	_ =	sdelay $0x6  }
0x320: {  	v0 =	vld.idx.msk [tilespmem:v0+s4+$0x0], $0xffff  }
0x321: {  	v1 =	vld.idx.msk [tilespmem:v62+s4+$0x0], $0xffff;
	_ =	sdelay $0x3  }
0x322: {  	v0 =	vshll.u32 v0, $0x7  }
0x323: {  	s11 =	sld [smem:$0x7F9];
	v0 =	vadd.s32 v0, v1  }
0x324: {  	s12 =	rddreg [dreg:$0x11];
	[tilespmem:$0x33B0] =	vst v0  }
0x325: {  	v0 =	vld [tilespmem:s12+$0x2F80]  }
0x326: {  	v63 =	vld [tilespmem:s11+$0x80];
	_ =	sdelay $0x6  }
0x327: {  	v0 =	vld.idx.msk [tilespmem:v0+s4+$0x0], $0xffff  }
0x328: {  	v1 =	vld.idx.msk [tilespmem:v63+s4+$0x0], $0xffff;
	_ =	sdelay $0x3  }
0x329: {  	v0 =	vshll.u32 v0, $0x7  }
0x32a: {  	v0 =	vadd.s32 v0, v1  }
0x32b: {  	[tilespmem:$0x33C0] =	vst v0  }
0x32c: {  	_ =	swait.ge [sflag:s0], $0x2800  }
0x32d: {  	[sflag:s0] =	ssyncset.done $0x0  }
0x32e: {  	s12 =	simm.s32 $0x3380;
	[sflag:s0] =	ssyncadd.s32 $0xFFFFD800  }
0x32f: {  	[tilespmem:s3], [sflag:$0xA] =	stream.indirect.gather [hbm4b:s17+s13], $0x80, s12, s13, $0xb8;
	[tilespmem:$0xFC00] =	vst v63  }
0x330: {  	_ =	swait.ge [sflag:s10], $0x2800  }
0x331: {  	s11 =	sld [smem:$0x7DA]  }
0x332: {  	[sflag:s10] =	ssyncset.done $0x0  }
0x333: {  	[sflag:s10] =	ssyncadd.s32 $0xFFFFD800  }
0x334: {  	[hbm4b:s11+s4] =	stream.linear.scatter [tilespmem:s22], [sflag:$0xB], $0x2800, $0x38;
	[tilespmem:$0xFC00] =	vst v63  }
0x335: {  	_ =	swait.ge [sflag:s6], $0x2800  }
0x336: {  	s11 =	sld [smem:$0x7DB]  }
0x337: {  	[sflag:s6] =	ssyncset.done $0x0  }
0x338: {  	[sflag:s6] =	ssyncadd.s32 $0xFFFFD800  }
0x339: {  	[hbm4b:s11+s4] =	stream.linear.scatter [tilespmem:s16], [sflag:$0xC], $0x2800, $0x38;
	[tilespmem:$0xFC00] =	vst v63  }
0x33a: {  	_ =	swait.ge [sflag:s8], $0x2800  }
0x33b: {  	s16 =	sld [smem:$0x7DC]  }
0x33c: {  	[sflag:s8] =	ssyncset.done $0x0  }
0x33d: {  	s11 =	simm.s32 $0x8400;
	[sflag:s8] =	ssyncadd.s32 $0xFFFFD800  }
0x33e: {  	[hbm4b:s16+s4] =	stream.linear.scatter [tilespmem:s11], [sflag:$0xD], $0x2800, $0x38;
	[tilespmem:$0xFC00] =	vst v63  }
0x33f: {  	_ =	swait.ge [sflag:s2], $0x2800  }
0x340: {  	s16 =	sld [smem:$0x7DD]  }
0x341: {  	[sflag:s2] =	ssyncset.done $0x0  }
0x342: {  	s11 =	simm.s32 $0xAC00;
	[sflag:s2] =	ssyncadd.s32 $0xFFFFD800  }
0x343: {  	[hbm4b:s16+s4] =	stream.linear.scatter [tilespmem:s11], [sflag:$0xE], $0x2800, $0x38;
	[tilespmem:$0xFC00] =	vst v63  }
0x344: {  	_ =	swait.ge [sflag:s19], $0x2800  }
0x345: {  	[sflag:s19] =	ssyncset.done $0x0  }
0x346: {  	s16 =	rddreg [dreg:$0x12];
	[sflag:s19] =	ssyncadd.s32 $0xFFFFD800  }
0x347: {  	[hbm4b:s16+s4] =	stream.linear.scatter [tilespmem:s3], [sflag:$0xF], $0x2800, $0x38;
	[tilespmem:$0xFC00] =	vst v63  }
0x348: {  	_ =	swait.ge [sflag:s14], $0x2800  }
0x349: {  	[sflag:s14] =	ssyncset.done $0x0  }
0x34a: {  	[sflag:s14] =	ssyncadd.s32 $0xFFFFD800  }
0x34b: {  	_ =	swait.ge [sflag:s7], $0x2800  }
0x34c: {  	[sflag:s7] =	ssyncset.done $0x0  }
0x34d: {  	[sflag:s7] =	ssyncadd.s32 $0xFFFFD800  }
0x34e: {  	_ =	swait.ge [sflag:s9], $0x2800  }
0x34f: {  	[sflag:s9] =	ssyncset.done $0x0  }
0x350: {  	[sflag:s9] =	ssyncadd.s32 $0xFFFFD800  }
0x351: {  	_ =	swait.ge [sflag:s5], $0x2800  }
0x352: {  	[sflag:s5] =	ssyncset.done $0x0  }
0x353: {  	[sflag:s5] =	ssyncadd.s32 $0xFFFFD800  }
0x354: {  	_ =	swait.ge [sflag:s0], $0x2800  }
0x355: {  	s11 =	sld [smem:$0x7D6]  }
0x356: {  	s16 =	sld [smem:$0x7DE];
	_ =	sdelay $0x1  }
0x357: {  	s3 =	sadd.s32 $0x1, s11  }
0x358: {  	p0 =	sne.s32 s3, s16  }
.Ltmp1:
0x359: {  	_ = 	snop;
	(pc) =	sbr.rel @p0 .LBB2_1-.Ltmp1, $3  }
0x35a: {  	_ =	sdelay $0x1  }
0x35b: {  	[sflag:s0] =	ssyncset.done $0x0  }
0x35c: {  	s12 =	simm.s32 $0x3400;
	s22 =	simm.s32 $0x5C00;
	[sflag:s0] =	ssyncadd.s32 $0xFFFFD800  }
0x35d: {  	_ =	sfence.sel $0x180000  }
0x35e: {  	[bflag:$0x0] =	sbarrier.arrive $0xFFFF  }
0x35f: {  	_ =	strace $0x90000047  }
0x360: {  	s0 =	stileid.u32;
	[bflag:$0x2] =	sbarrier.arrive $0xFFFF  }
0x361: {  	p0 =	sne.s32 s0, $0x0;
	s0 =	rddreg [dreg:$0x4]  }
0x362: {  	s0 =	sadd.s32 @!p0 $0x100000, s0  }
0x363: {  	[sflag:s0] =	ssyncadd.tile.s32 @!p0 $0x1;
	_ =	shalt  }
.Lfunc_end2:
_tile_overlayer_lowered:
.L_overlay_start_2:
0x364: {  	(tag) =	ssettag $0x2  }
0x365: {  	s0 =	rddreg [dreg:$0x0];
	s2 =	stileid.u32  }
0x366: {  	s1 =	rddreg [dreg:$0x1];
	p0 =	sne.s32 s2, $0x0  }
0x367: {  	s3 =	rddreg [dreg:$0x2];
	[bflag:$0x3] =	sbarrier.arrive $0xFFFF;
	s2 =	simm.s32 @!p0 $0x1C10  }
0x368: {  	[timem:s3], [sflag:s2] =	dma.local @!p0 [hbm:s0], s1  }
0x369: {  	s0 =	simm.s32 @!p0 $0x10  }
0x36a: {  	_ =	swait.ge @!p0 [sflag:s0], s1  }
0x36b: {  	s1 =	ssub.s32 @!p0 $0x0, s1;
	[sflag:s0] =	ssyncset.done @!p0 $0x0  }
0x36c: {  	[sflag:s0] =	ssyncadd.s32 @!p0 s1  }
0x36d: {  	[bflag:$0x3] =	sbarrier.arrive $0xFFFF  }
0x36e: {  	_ =	shalt  }

</sc_bundles>
